<compile_context>
chip_gen: v7x
topology: tpu7x:2x2x1
jax: 0.10.2.dev20260603
libtpu: 0.0.44.dev20260713+nightly
codegen_flags: <defaults>
</compile_context>

<pallas_src>
import functools

import jax
import jax.numpy as jnp
from jax import lax
from jax.experimental import pallas as pl
from jax.experimental.pallas import tpu as pltpu
from jax.experimental.pallas import tpu_sc as plsc

B, J, O, D = 1024, 50, 20, 128
NC, NS, L = 2, 16, 16
NW = NC * NS
BPW = B // NW
ROWS_PER_B = J * O
M = 5
NI = J // M
NB = 5
G = 4


def _make_gather_kernel():
    mesh = plsc.VectorSubcoreMesh(core_axis_name="c", subcore_axis_name="s")

    scratch = (
        [pltpu.VMEM((J + 6, 128), jnp.int32)]
        + [pltpu.VMEM((M * BPW,), jnp.int32) for _ in range(NB)]
        + [pltpu.VMEM((M * BPW, D), jnp.float32) for _ in range(NB)]
        + [pltpu.VMEM((BPW, D), jnp.float32)]
        + [pltpu.SemaphoreType.DMA, pltpu.SemaphoreType.DMA,
           pltpu.SemaphoreType.DMA]
    )

    @functools.partial(
        pl.kernel,
        mesh=mesh,
        out_type=jax.ShapeDtypeStruct((J + 1, B, D), jnp.float32),
        scratch_types=scratch,
    )
    def gather_kernel(nodes_hbm, nop_hbm, skip_hbm, out_hbm, nop_v, *rest):
        idx_rings = rest[:NB]
        bufs = rest[NB:2 * NB]
        skip_v = rest[2 * NB]
        gsem, wsem, nsem = rest[2 * NB + 1:2 * NB + 4]

        wid = lax.axis_index("s") * NC + lax.axis_index("c")
        base_b = wid * BPW
        col = base_b % 128
        cb = (base_b // 128) * 128

        nh = [
            pltpu.async_copy(nop_hbm.at[pl.ds(0, 48), pl.ds(cb, 128)],
                             nop_v.at[pl.ds(0, 48)], nsem),
            pltpu.async_copy(nop_hbm.at[pl.ds(48, 2), pl.ds(cb, 128)],
                             nop_v.at[pl.ds(48, 2)], nsem),
        ]
        hsk = pltpu.async_copy(skip_hbm, skip_v.at[pl.ds(0, 1)], wsem)
        for h in nh:
            h.wait()

        lane = lax.broadcasted_iota(jnp.int32, (L,), 0)

        ghandles = {}
        whandles = {}
        for i in range(NI + G):
            if i == G:
                hsk.wait()
                chunks = [skip_v[0, pl.ds(c * L, L)] for c in range(D // L)]

                def _rep(r, carry):
                    for c in range(D // L):
                        skip_v[r, pl.ds(c * L, L)] = chunks[c]
                    return carry

                lax.fori_loop(1, BPW, _rep, 0)
                pltpu.sync_copy(skip_v, out_hbm.at[0, pl.ds(base_b, BPW)])
            if i < NI:
                p = i % NB
                if i >= NB:
                    for m in range(M):
                        whandles[(i - NB, m)].wait()
                for m in range(M):
                    j = i * M + m
                    for c in range(2):
                        k = c * L + lane
                        nop = nop_v[j, pl.ds(col + c * L, L)]
                        idx_rings[p][pl.ds(m * BPW + c * L, L)] = (
                            (base_b + k) * ROWS_PER_B + j * O + nop)
                ghandles[i] = pltpu.async_copy(
                    nodes_hbm.at[idx_rings[p]], bufs[p], gsem)
            if i >= G:
                k = i - G
                ghandles[k].wait()
                for m in range(M):
                    whandles[(k, m)] = pltpu.async_copy(
                        bufs[k % NB].at[pl.ds(m * BPW, BPW)],
                        out_hbm.at[k * M + m + 1, pl.ds(base_b, BPW)], wsem)
        for k in range(NI - NB, NI):
            for m in range(M):
                whandles[(k, m)].wait()

    return gather_kernel


_gather = _make_gather_kernel()


def kernel(nodes, op_scheduled, next_op, skip_token):
    table = nodes.reshape(B * J * O, D)
    nop = next_op.astype(jnp.int32).T
    skip = skip_token.reshape(1, D)
    out_t = _gather(table, nop, skip)
    return out_t.transpose(1, 0, 2)

# --- scband reference (transcript-rebuilt; emitter-appended) ---
"""Pipeline reference for scband-job-shop-action-63694364999987 (READ-ONLY COPY).

The authoritative reference and input builder live on the scoring server;
editing this copy changes nothing except your own understanding.
"""

import jax, jax.numpy as jnp
import numpy as np


def setup_inputs(seed: int = 0) -> dict:
    key = jax.random.key(seed)
    k1, k2, k3 = jax.random.split(key, 3)
    B, J, O, D = 1024, 50, 20, 128
    nodes = jax.random.normal(k1, (B, J * O, D), dtype=jnp.float32)
    op_scheduled = jnp.zeros((B, J, O), dtype=bool)
    next_op = jax.random.randint(k2, (B, J), 0, O)
    # learned parameter: skip token, Uniform(-1/sqrt(D), 1/sqrt(D))
    bound = 1.0 / (D ** 0.5)
    skip_token = jax.random.uniform(k3, (1, 1, D), minval=-bound, maxval=bound, dtype=jnp.float32)
    return {"nodes": nodes, "op_scheduled": op_scheduled, "next_op": next_op, "skip_token": skip_token}


def reference(nodes, op_scheduled, next_op, skip_token):
    # nodes: [B, J*O, D] encoder embeddings; op_scheduled: [B, J, O] (shape carrier);
    # next_op: [B, J] index of next operation per job; skip_token: [1, 1, D] parameter.
    B, J, O = op_scheduled.shape
    D = nodes.shape[-1]
    # rearrange 'b (j o) d -> b j o d'
    ops_emb = nodes.reshape(B, J, O, D)
    # gather_by_index(ops_emb, next_op, dim=2) -> [B, J, D]
    idx = jnp.broadcast_to(next_op[:, :, None, None], (B, J, 1, D))
    job_emb = jnp.take_along_axis(ops_emb, idx, axis=2).squeeze(2)
    # prepend skip token: [B, 1, D] expanded from parameter
    st = jnp.broadcast_to(skip_token, (B, 1, D))
    job_emb_w_skip_token = jnp.concatenate([st, job_emb], axis=1)
    return job_emb_w_skip_token

if __name__ == "__main__":
    import jax
    _d = setup_inputs()
    print(jax.jit(kernel)(*tuple(_d.values())))

</pallas_src>

<mosaic_0001>
#map = affine_map<(d0, d1) -> (0, 0)>
#map1 = affine_map<(d0, d1) -> (0, 0, 0)>
module attributes {stable_mosaic.version = 14 : i64} {
  func.func @gather_kernel(%arg0: i32, %arg1: i32, %arg2: memref<1024000x128xf32, #tpu.memory_space<hbm>>, %arg3: memref<50x1024xi32, #tpu.memory_space<hbm>>, %arg4: memref<1x128xf32, #tpu.memory_space<hbm>>, %arg5: memref<51x1024x128xf32, #tpu.memory_space<hbm>>, %arg6: memref<56x128xi32, #tpu.memory_space<vmem>>, %arg7: memref<160xi32, #tpu.memory_space<vmem>>, %arg8: memref<160xi32, #tpu.memory_space<vmem>>, %arg9: memref<160xi32, #tpu.memory_space<vmem>>, %arg10: memref<160xi32, #tpu.memory_space<vmem>>, %arg11: memref<160xi32, #tpu.memory_space<vmem>>, %arg12: memref<160x128xf32, #tpu.memory_space<vmem>>, %arg13: memref<160x128xf32, #tpu.memory_space<vmem>>, %arg14: memref<160x128xf32, #tpu.memory_space<vmem>>, %arg15: memref<160x128xf32, #tpu.memory_space<vmem>>, %arg16: memref<160x128xf32, #tpu.memory_space<vmem>>, %arg17: memref<32x128xf32, #tpu.memory_space<vmem>>, %arg18: memref<!tpu.dma_semaphore, #tpu.memory_space<semaphore_mem>>, %arg19: memref<!tpu.dma_semaphore, #tpu.memory_space<semaphore_mem>>, %arg20: memref<!tpu.dma_semaphore, #tpu.memory_space<semaphore_mem>>) attributes {dimension_semantics = [#tpu.dimension_semantics<core_parallel>, #tpu.dimension_semantics<subcore_parallel>], iteration_bounds = array<i64: 2, 16>, scalar_prefetch = 0 : i64, scratch_operands = 15 : i64, tpu.core_type = #tpu.core_type<sc_vector_subcore>, window_params = [{transform_indices = #map}, {transform_indices = #map}, {transform_indices = #map}, {transform_indices = #map1}]} {
    %mul3A = arith.constant 2 : i32
    %mul3A_0 = arith.muli %arg1, %mul3A : i32
    %add3A = arith.addi %mul3A_0, %arg0 : i32
    %mul3A_1 = arith.constant 32 : i32
    %mul3A_2 = arith.muli %add3A, %mul3A_1 : i32
    %jit3A = arith.constant 128 : i32
    %eq3A = arith.constant 0 : i32
    %eq3A_3 = arith.cmpi eq, %jit3A, %eq3A : i32
    %jit3A_4 = arith.constant 1 : i32
    %select_n3A = arith.select %eq3A_3, %jit3A_4, %jit3A : i32
    %rem3A = arith.remsi %mul3A_2, %select_n3A : i32
    %ne3A = arith.constant 0 : i32
    %ne3A_5 = arith.cmpi ne, %rem3A, %ne3A : i32
    %lt3A = arith.constant 0 : i32
    %lt3A_6 = arith.cmpi slt, %rem3A, %lt3A : i32
    %lt3A_7 = arith.constant 0 : i32
    %lt3A_8 = arith.cmpi slt, %select_n3A, %lt3A_7 : i32
    %ne3A_9 = arith.xori %lt3A_6, %lt3A_8 : i1
    %and3A = arith.andi %ne3A_9, %ne3A_5 : i1
    %add3A_10 = arith.addi %rem3A, %select_n3A : i32
    %select_n3A_11 = arith.select %and3A, %add3A_10, %rem3A : i32
    %jit3A_12 = arith.constant 128 : i32
    %div3A = arith.divsi %mul3A_2, %jit3A_12 : i32
    %sign3A = arith.constant 0 : i32
    %sign3A_13 = arith.cmpi sgt, %mul3A_2, %sign3A : i32
    %sign3A_14 = arith.extui %sign3A_13 : i1 to i32
    %sign3A_15 = arith.constant 0 : i32
    %sign3A_16 = arith.cmpi slt, %mul3A_2, %sign3A_15 : i32
    %sign3A_17 = arith.extui %sign3A_16 : i1 to i32
    %sign3A_18 = arith.subi %sign3A_14, %sign3A_17 : i32
    %sign3A_19 = arith.constant 0 : i32
    %sign3A_20 = arith.cmpi sgt, %jit3A_12, %sign3A_19 : i32
    %sign3A_21 = arith.extui %sign3A_20 : i1 to i32
    %sign3A_22 = arith.constant 0 : i32
    %sign3A_23 = arith.cmpi slt, %jit3A_12, %sign3A_22 : i32
    %sign3A_24 = arith.extui %sign3A_23 : i1 to i32
    %sign3A_25 = arith.subi %sign3A_21, %sign3A_24 : i32
    %ne3A_26 = arith.cmpi ne, %sign3A_18, %sign3A_25 : i32
    %rem3A_27 = arith.remsi %mul3A_2, %jit3A_12 : i32
    %ne3A_28 = arith.constant 0 : i32
    %ne3A_29 = arith.cmpi ne, %rem3A_27, %ne3A_28 : i32
    %and3A_30 = arith.andi %ne3A_26, %ne3A_29 : i1
    %sub3A = arith.constant 1 : i32
    %sub3A_31 = arith.subi %div3A, %sub3A : i32
    %select_n3A_32 = arith.select %and3A_30, %sub3A_31, %div3A : i32
    %mul3A_33 = arith.constant 128 : i32
    %mul3A_34 = arith.muli %select_n3A_32, %mul3A_33 : i32
    %dma_start3A = arith.constant 0 : i32
    %dma_start3A_35 = arith.constant 0 : i32
    %dma_start3A_36 = tpu.memref_slice %arg6[%dma_start3A, %dma_start3A_35] : memref<56x128xi32, #tpu.memory_space<vmem>> -> memref<48x128xi32, #tpu.memory_space<vmem>>
    %dma_start3A_37 = arith.constant 0 : i32
    %dma_start3A_38 = tpu.memref_slice %arg3[%dma_start3A_37, %mul3A_34] : memref<50x1024xi32, #tpu.memory_space<hbm>> -> memref<48x128xi32, #tpu.memory_space<hbm>>
    %dma_start3A_39 = arith.constant 0 : i32
    %dma_start3A_40 = arith.constant 0 : i32
    %dma_start3A_41 = tpu.memref_slice %arg6[%dma_start3A_39, %dma_start3A_40] : memref<56x128xi32, #tpu.memory_space<vmem>> -> memref<48x128xi32, #tpu.memory_space<vmem>>
    %dma_start3A_42 = arith.constant 0 : i32
    %dma_start3A_43 = tpu.memref_slice %arg3[%dma_start3A_42, %mul3A_34] : memref<50x1024xi32, #tpu.memory_space<hbm>> -> memref<48x128xi32, #tpu.memory_space<hbm>>
    tpu.enqueue_dma source(%dma_start3A_43 : memref<48x128xi32, #tpu.memory_space<hbm>>) target(%dma_start3A_41 : memref<48x128xi32, #tpu.memory_space<vmem>>) target_semaphore(%arg20 : memref<!tpu.dma_semaphore, #tpu.memory_space<semaphore_mem>>)
    %dma_start3A_44 = arith.constant 48 : i32
    %dma_start3A_45 = arith.constant 0 : i32
    %dma_start3A_46 = tpu.memref_slice %arg6[%dma_start3A_44, %dma_start3A_45] : memref<56x128xi32, #tpu.memory_space<vmem>> -> memref<2x128xi32, #tpu.memory_space<vmem>>
    %dma_start3A_47 = arith.constant 48 : i32
    %dma_start3A_48 = tpu.memref_slice %arg3[%dma_start3A_47, %mul3A_34] : memref<50x1024xi32, #tpu.memory_space<hbm>> -> memref<2x128xi32, #tpu.memory_space<hbm>>
    %dma_start3A_49 = arith.constant 48 : i32
    %dma_start3A_50 = arith.constant 0 : i32
    %dma_start3A_51 = tpu.memref_slice %arg6[%dma_start3A_49, %dma_start3A_50] : memref<56x128xi32, #tpu.memory_space<vmem>> -> memref<2x128xi32, #tpu.memory_space<vmem>>
    %dma_start3A_52 = arith.constant 48 : i32
    %dma_start3A_53 = tpu.memref_slice %arg3[%dma_start3A_52, %mul3A_34] : memref<50x1024xi32, #tpu.memory_space<hbm>> -> memref<2x128xi32, #tpu.memory_space<hbm>>
    tpu.enqueue_dma source(%dma_start3A_53 : memref<2x128xi32, #tpu.memory_space<hbm>>) target(%dma_start3A_51 : memref<2x128xi32, #tpu.memory_space<vmem>>) target_semaphore(%arg20 : memref<!tpu.dma_semaphore, #tpu.memory_space<semaphore_mem>>)
    %dma_start3A_54 = arith.constant 0 : i32
    %dma_start3A_55 = arith.constant 0 : i32
    %dma_start3A_56 = tpu.memref_slice %arg17[%dma_start3A_54, %dma_start3A_55] : memref<32x128xf32, #tpu.memory_space<vmem>> -> memref<1x128xf32, #tpu.memory_space<vmem>>
    %dma_start3A_57 = arith.constant 0 : i32
    %dma_start3A_58 = arith.constant 0 : i32
    %dma_start3A_59 = tpu.memref_slice %arg17[%dma_start3A_57, %dma_start3A_58] : memref<32x128xf32, #tpu.memory_space<vmem>> -> memref<1x128xf32, #tpu.memory_space<vmem>>
    tpu.enqueue_dma source(%arg4 : memref<1x128xf32, #tpu.memory_space<hbm>>) target(%dma_start3A_59 : memref<1x128xf32, #tpu.memory_space<vmem>>) target_semaphore(%arg19 : memref<!tpu.dma_semaphore, #tpu.memory_space<semaphore_mem>>)
    %dma_wait3A = arith.constant 0 : i32
    %dma_wait3A_60 = arith.constant 0 : i32
    %dma_wait3A_61 = tpu.memref_slice %arg6[%dma_wait3A, %dma_wait3A_60] : memref<56x128xi32, #tpu.memory_space<vmem>> -> memref<48x128xi32, #tpu.memory_space<vmem>>
    %dma_wait3A_62 = arith.constant 0 : i32
    %dma_wait3A_63 = tpu.memref_slice %arg3[%dma_wait3A_62, %mul3A_34] : memref<50x1024xi32, #tpu.memory_space<hbm>> -> memref<48x128xi32, #tpu.memory_space<hbm>>
    %dma_wait3A_64 = arith.constant 0 : i32
    %dma_wait3A_65 = arith.constant 0 : i32
    %dma_wait3A_66 = tpu.memref_slice %arg6[%dma_wait3A_64, %dma_wait3A_65] : memref<56x128xi32, #tpu.memory_space<vmem>> -> memref<48x128xi32, #tpu.memory_space<vmem>>
    %dma_wait3A_67 = arith.constant 0 : i32
    %dma_wait3A_68 = tpu.memref_slice %arg3[%dma_wait3A_67, %mul3A_34] : memref<50x1024xi32, #tpu.memory_space<hbm>> -> memref<48x128xi32, #tpu.memory_space<hbm>>
    tpu.wait_dma2 semaphore(%arg20 : memref<!tpu.dma_semaphore, #tpu.memory_space<semaphore_mem>>) src(%dma_wait3A_68 : memref<48x128xi32, #tpu.memory_space<hbm>>) dst(%dma_wait3A_66 : memref<48x128xi32, #tpu.memory_space<vmem>>)
    %dma_wait3A_69 = arith.constant 48 : i32
    %dma_wait3A_70 = arith.constant 0 : i32
    %dma_wait3A_71 = tpu.memref_slice %arg6[%dma_wait3A_69, %dma_wait3A_70] : memref<56x128xi32, #tpu.memory_space<vmem>> -> memref<2x128xi32, #tpu.memory_space<vmem>>
    %dma_wait3A_72 = arith.constant 48 : i32
    %dma_wait3A_73 = tpu.memref_slice %arg3[%dma_wait3A_72, %mul3A_34] : memref<50x1024xi32, #tpu.memory_space<hbm>> -> memref<2x128xi32, #tpu.memory_space<hbm>>
    %dma_wait3A_74 = arith.constant 48 : i32
    %dma_wait3A_75 = arith.constant 0 : i32
    %dma_wait3A_76 = tpu.memref_slice %arg6[%dma_wait3A_74, %dma_wait3A_75] : memref<56x128xi32, #tpu.memory_space<vmem>> -> memref<2x128xi32, #tpu.memory_space<vmem>>
    %dma_wait3A_77 = arith.constant 48 : i32
    %dma_wait3A_78 = tpu.memref_slice %arg3[%dma_wait3A_77, %mul3A_34] : memref<50x1024xi32, #tpu.memory_space<hbm>> -> memref<2x128xi32, #tpu.memory_space<hbm>>
    tpu.wait_dma2 semaphore(%arg20 : memref<!tpu.dma_semaphore, #tpu.memory_space<semaphore_mem>>) src(%dma_wait3A_78 : memref<2x128xi32, #tpu.memory_space<hbm>>) dst(%dma_wait3A_76 : memref<2x128xi32, #tpu.memory_space<vmem>>)
    %iota3A = tpu.iota {dimensions = array<i32: 0>} : vector<16xi32>
    %add3A_79 = arith.constant 0 : i32
    %add3A_80 = vector.broadcast %add3A_79 : i32 to vector<16xi32>
    %add3A_81 = arith.addi %add3A_80, %iota3A : vector<16xi32>
    %add3A_82 = arith.constant 0 : i32
    %add3A_83 = arith.addi %select_n3A_11, %add3A_82 : i32
    %get3A = arith.constant 0 : i32
    %get3A_84 = arith.index_cast %get3A : i32 to index
    %get3A_85 = arith.index_cast %add3A_83 : i32 to index
    %get3A_86 = tpu.vector_load %arg6[%get3A_84, %get3A_85] {strides = array<i32>} : memref<56x128xi32, #tpu.memory_space<vmem>>, vector<1x16xi32>,
    %get3A_87 = vector.shape_cast %get3A_86 : vector<1x16xi32> to vector<16xi32>
    %add3A_88 = vector.broadcast %mul3A_2 : i32 to vector<16xi32>
    %add3A_89 = arith.addi %add3A_88, %add3A_81 : vector<16xi32>
    %mul3A_90 = arith.constant 1000 : i32
    %mul3A_91 = vector.broadcast %mul3A_90 : i32 to vector<16xi32>
    %mul3A_92 = arith.muli %add3A_89, %mul3A_91 : vector<16xi32>
    %add3A_93 = arith.constant 0 : i32
    %add3A_94 = vector.broadcast %add3A_93 : i32 to vector<16xi32>
    %add3A_95 = arith.addi %mul3A_92, %add3A_94 : vector<16xi32>
    %add3A_96 = arith.addi %add3A_95, %get3A_87 : vector<16xi32>
    %swap3A = arith.constant 0 : index
    %swap3A_97 = tpu.vector_load %arg7[%swap3A] {strides = array<i32>} : memref<160xi32, #tpu.memory_space<vmem>>, vector<16xi32>,
    %swap3A_98 = vector.shape_cast %swap3A_97 : vector<16xi32> to vector<16xi32>
    %swap3A_99 = vector.shape_cast %add3A_96 : vector<16xi32> to vector<16xi32>
    tpu.vector_store %arg7[%swap3A], %swap3A_99 {strides = array<i32>} : memref<160xi32, #tpu.memory_space<vmem>>, vector<16xi32>,
    %add3A_100 = arith.constant 16 : i32
    %add3A_101 = vector.broadcast %add3A_100 : i32 to vector<16xi32>
    %add3A_102 = arith.addi %add3A_101, %iota3A : vector<16xi32>
    %add3A_103 = arith.constant 16 : i32
    %add3A_104 = arith.addi %select_n3A_11, %add3A_103 : i32
    %get3A_105 = arith.constant 0 : i32
    %get3A_106 = arith.index_cast %get3A_105 : i32 to index
    %get3A_107 = arith.index_cast %add3A_104 : i32 to index
    %get3A_108 = tpu.vector_load %arg6[%get3A_106, %get3A_107] {strides = array<i32>} : memref<56x128xi32, #tpu.memory_space<vmem>>, vector<1x16xi32>,
    %get3A_109 = vector.shape_cast %get3A_108 : vector<1x16xi32> to vector<16xi32>
    %add3A_110 = vector.broadcast %mul3A_2 : i32 to vector<16xi32>
    %add3A_111 = arith.addi %add3A_110, %add3A_102 : vector<16xi32>
    %mul3A_112 = arith.constant 1000 : i32
    %mul3A_113 = vector.broadcast %mul3A_112 : i32 to vector<16xi32>
    %mul3A_114 = arith.muli %add3A_111, %mul3A_113 : vector<16xi32>
    %add3A_115 = arith.constant 0 : i32
    %add3A_116 = vector.broadcast %add3A_115 : i32 to vector<16xi32>
    %add3A_117 = arith.addi %mul3A_114, %add3A_116 : vector<16xi32>
    %add3A_118 = arith.addi %add3A_117, %get3A_109 : vector<16xi32>
    %swap3A_119 = arith.constant 16 : index
    %swap3A_120 = tpu.vector_load %arg7[%swap3A_119] {strides = array<i32>} : memref<160xi32, #tpu.memory_space<vmem>>, vector<16xi32>,
    %swap3A_121 = vector.shape_cast %swap3A_120 : vector<16xi32> to vector<16xi32>
    %swap3A_122 = vector.shape_cast %add3A_118 : vector<16xi32> to vector<16xi32>
    tpu.vector_store %arg7[%swap3A_119], %swap3A_122 {strides = array<i32>} : memref<160xi32, #tpu.memory_space<vmem>>, vector<16xi32>,
    %add3A_123 = arith.constant 0 : i32
    %add3A_124 = vector.broadcast %add3A_123 : i32 to vector<16xi32>
    %add3A_125 = arith.addi %add3A_124, %iota3A : vector<16xi32>
    %add3A_126 = arith.constant 0 : i32
    %add3A_127 = arith.addi %select_n3A_11, %add3A_126 : i32
    %get3A_128 = arith.constant 1 : i32
    %get3A_129 = arith.index_cast %get3A_128 : i32 to index
    %get3A_130 = arith.index_cast %add3A_127 : i32 to index
    %get3A_131 = tpu.vector_load %arg6[%get3A_129, %get3A_130] {strides = array<i32>} : memref<56x128xi32, #tpu.memory_space<vmem>>, vector<1x16xi32>,
    %get3A_132 = vector.shape_cast %get3A_131 : vector<1x16xi32> to vector<16xi32>
    %add3A_133 = vector.broadcast %mul3A_2 : i32 to vector<16xi32>
    %add3A_134 = arith.addi %add3A_133, %add3A_125 : vector<16xi32>
    %mul3A_135 = arith.constant 1000 : i32
    %mul3A_136 = vector.broadcast %mul3A_135 : i32 to vector<16xi32>
    %mul3A_137 = arith.muli %add3A_134, %mul3A_136 : vector<16xi32>
    %add3A_138 = arith.constant 20 : i32
    %add3A_139 = vector.broadcast %add3A_138 : i32 to vector<16xi32>
    %add3A_140 = arith.addi %mul3A_137, %add3A_139 : vector<16xi32>
    %add3A_141 = arith.addi %add3A_140, %get3A_132 : vector<16xi32>
    %swap3A_142 = arith.constant 32 : index
    %swap3A_143 = tpu.vector_load %arg7[%swap3A_142] {strides = array<i32>} : memref<160xi32, #tpu.memory_space<vmem>>, vector<16xi32>,
    %swap3A_144 = vector.shape_cast %swap3A_143 : vector<16xi32> to vector<16xi32>
    %swap3A_145 = vector.shape_cast %add3A_141 : vector<16xi32> to vector<16xi32>
    tpu.vector_store %arg7[%swap3A_142], %swap3A_145 {strides = array<i32>} : memref<160xi32, #tpu.memory_space<vmem>>, vector<16xi32>,
    %add3A_146 = arith.constant 16 : i32
    %add3A_147 = vector.broadcast %add3A_146 : i32 to vector<16xi32>
    %add3A_148 = arith.addi %add3A_147, %iota3A : vector<16xi32>
    %add3A_149 = arith.constant 16 : i32
    %add3A_150 = arith.addi %select_n3A_11, %add3A_149 : i32
    %get3A_151 = arith.constant 1 : i32
    %get3A_152 = arith.index_cast %get3A_151 : i32 to index
    %get3A_153 = arith.index_cast %add3A_150 : i32 to index
    %get3A_154 = tpu.vector_load %arg6[%get3A_152, %get3A_153] {strides = array<i32>} : memref<56x128xi32, #tpu.memory_space<vmem>>, vector<1x16xi32>,
    %get3A_155 = vector.shape_cast %get3A_154 : vector<1x16xi32> to vector<16xi32>
    %add3A_156 = vector.broadcast %mul3A_2 : i32 to vector<16xi32>
    %add3A_157 = arith.addi %add3A_156, %add3A_148 : vector<16xi32>
    %mul3A_158 = arith.constant 1000 : i32
    %mul3A_159 = vector.broadcast %mul3A_158 : i32 to vector<16xi32>
    %mul3A_160 = arith.muli %add3A_157, %mul3A_159 : vector<16xi32>
    %add3A_161 = arith.constant 20 : i32
    %add3A_162 = vector.broadcast %add3A_161 : i32 to vector<16xi32>
    %add3A_163 = arith.addi %mul3A_160, %add3A_162 : vector<16xi32>
    %add3A_164 = arith.addi %add3A_163, %get3A_155 : vector<16xi32>
    %swap3A_165 = arith.constant 48 : index
    %swap3A_166 = tpu.vector_load %arg7[%swap3A_165] {strides = array<i32>} : memref<160xi32, #tpu.memory_space<vmem>>, vector<16xi32>,
    %swap3A_167 = vector.shape_cast %swap3A_166 : vector<16xi32> to vector<16xi32>
    %swap3A_168 = vector.shape_cast %add3A_164 : vector<16xi32> to vector<16xi32>
    tpu.vector_store %arg7[%swap3A_165], %swap3A_168 {strides = array<i32>} : memref<160xi32, #tpu.memory_space<vmem>>, vector<16xi32>,
    %add3A_169 = arith.constant 0 : i32
    %add3A_170 = vector.broadcast %add3A_169 : i32 to vector<16xi32>
    %add3A_171 = arith.addi %add3A_170, %iota3A : vector<16xi32>
    %add3A_172 = arith.constant 0 : i32
    %add3A_173 = arith.addi %select_n3A_11, %add3A_172 : i32
    %get3A_174 = arith.constant 2 : i32
    %get3A_175 = arith.index_cast %get3A_174 : i32 to index
    %get3A_176 = arith.index_cast %add3A_173 : i32 to index
    %get3A_177 = tpu.vector_load %arg6[%get3A_175, %get3A_176] {strides = array<i32>} : memref<56x128xi32, #tpu.memory_space<vmem>>, vector<1x16xi32>,
    %get3A_178 = vector.shape_cast %get3A_177 : vector<1x16xi32> to vector<16xi32>
    %add3A_179 = vector.broadcast %mul3A_2 : i32 to vector<16xi32>
    %add3A_180 = arith.addi %add3A_179, %add3A_171 : vector<16xi32>
    %mul3A_181 = arith.constant 1000 : i32
    %mul3A_182 = vector.broadcast %mul3A_181 : i32 to vector<16xi32>
    %mul3A_183 = arith.muli %add3A_180, %mul3A_182 : vector<16xi32>
    %add3A_184 = arith.constant 40 : i32
    %add3A_185 = vector.broadcast %add3A_184 : i32 to vector<16xi32>
    %add3A_186 = arith.addi %mul3A_183, %add3A_185 : vector<16xi32>
    %add3A_187 = arith.addi %add3A_186, %get3A_178 : vector<16xi32>
    %swap3A_188 = arith.constant 64 : index
    %swap3A_189 = tpu.vector_load %arg7[%swap3A_188] {strides = array<i32>} : memref<160xi32, #tpu.memory_space<vmem>>, vector<16xi32>,
    %swap3A_190 = vector.shape_cast %swap3A_189 : vector<16xi32> to vector<16xi32>
    %swap3A_191 = vector.shape_cast %add3A_187 : vector<16xi32> to vector<16xi32>
    tpu.vector_store %arg7[%swap3A_188], %swap3A_191 {strides = array<i32>} : memref<160xi32, #tpu.memory_space<vmem>>, vector<16xi32>,
    %add3A_192 = arith.constant 16 : i32
    %add3A_193 = vector.broadcast %add3A_192 : i32 to vector<16xi32>
    %add3A_194 = arith.addi %add3A_193, %iota3A : vector<16xi32>
    %add3A_195 = arith.constant 16 : i32
    %add3A_196 = arith.addi %select_n3A_11, %add3A_195 : i32
    %get3A_197 = arith.constant 2 : i32
    %get3A_198 = arith.index_cast %get3A_197 : i32 to index
    %get3A_199 = arith.index_cast %add3A_196 : i32 to index
    %get3A_200 = tpu.vector_load %arg6[%get3A_198, %get3A_199] {strides = array<i32>} : memref<56x128xi32, #tpu.memory_space<vmem>>, vector<1x16xi32>,
    %get3A_201 = vector.shape_cast %get3A_200 : vector<1x16xi32> to vector<16xi32>
    %add3A_202 = vector.broadcast %mul3A_2 : i32 to vector<16xi32>
    %add3A_203 = arith.addi %add3A_202, %add3A_194 : vector<16xi32>
    %mul3A_204 = arith.constant 1000 : i32
    %mul3A_205 = vector.broadcast %mul3A_204 : i32 to vector<16xi32>
    %mul3A_206 = arith.muli %add3A_203, %mul3A_205 : vector<16xi32>
    %add3A_207 = arith.constant 40 : i32
    %add3A_208 = vector.broadcast %add3A_207 : i32 to vector<16xi32>
    %add3A_209 = arith.addi %mul3A_206, %add3A_208 : vector<16xi32>
    %add3A_210 = arith.addi %add3A_209, %get3A_201 : vector<16xi32>
    %swap3A_211 = arith.constant 80 : index
    %swap3A_212 = tpu.vector_load %arg7[%swap3A_211] {strides = array<i32>} : memref<160xi32, #tpu.memory_space<vmem>>, vector<16xi32>,
    %swap3A_213 = vector.shape_cast %swap3A_212 : vector<16xi32> to vector<16xi32>
    %swap3A_214 = vector.shape_cast %add3A_210 : vector<16xi32> to vector<16xi32>
    tpu.vector_store %arg7[%swap3A_211], %swap3A_214 {strides = array<i32>} : memref<160xi32, #tpu.memory_space<vmem>>, vector<16xi32>,
    %add3A_215 = arith.constant 0 : i32
    %add3A_216 = vector.broadcast %add3A_215 : i32 to vector<16xi32>
    %add3A_217 = arith.addi %add3A_216, %iota3A : vector<16xi32>
    %add3A_218 = arith.constant 0 : i32
    %add3A_219 = arith.addi %select_n3A_11, %add3A_218 : i32
    %get3A_220 = arith.constant 3 : i32
    %get3A_221 = arith.index_cast %get3A_220 : i32 to index
    %get3A_222 = arith.index_cast %add3A_219 : i32 to index
    %get3A_223 = tpu.vector_load %arg6[%get3A_221, %get3A_222] {strides = array<i32>} : memref<56x128xi32, #tpu.memory_space<vmem>>, vector<1x16xi32>,
    %get3A_224 = vector.shape_cast %get3A_223 : vector<1x16xi32> to vector<16xi32>
    %add3A_225 = vector.broadcast %mul3A_2 : i32 to vector<16xi32>
    %add3A_226 = arith.addi %add3A_225, %add3A_217 : vector<16xi32>
    %mul3A_227 = arith.constant 1000 : i32
    %mul3A_228 = vector.broadcast %mul3A_227 : i32 to vector<16xi32>
    %mul3A_229 = arith.muli %add3A_226, %mul3A_228 : vector<16xi32>
    %add3A_230 = arith.constant 60 : i32
    %add3A_231 = vector.broadcast %add3A_230 : i32 to vector<16xi32>
    %add3A_232 = arith.addi %mul3A_229, %add3A_231 : vector<16xi32>
    %add3A_233 = arith.addi %add3A_232, %get3A_224 : vector<16xi32>
    %swap3A_234 = arith.constant 96 : index
    %swap3A_235 = tpu.vector_load %arg7[%swap3A_234] {strides = array<i32>} : memref<160xi32, #tpu.memory_space<vmem>>, vector<16xi32>,
    %swap3A_236 = vector.shape_cast %swap3A_235 : vector<16xi32> to vector<16xi32>
    %swap3A_237 = vector.shape_cast %add3A_233 : vector<16xi32> to vector<16xi32>
    tpu.vector_store %arg7[%swap3A_234], %swap3A_237 {strides = array<i32>} : memref<160xi32, #tpu.memory_space<vmem>>, vector<16xi32>,
    %add3A_238 = arith.constant 16 : i32
    %add3A_239 = vector.broadcast %add3A_238 : i32 to vector<16xi32>
    %add3A_240 = arith.addi %add3A_239, %iota3A : vector<16xi32>
    %add3A_241 = arith.constant 16 : i32
    %add3A_242 = arith.addi %select_n3A_11, %add3A_241 : i32
    %get3A_243 = arith.constant 3 : i32
    %get3A_244 = arith.index_cast %get3A_243 : i32 to index
    %get3A_245 = arith.index_cast %add3A_242 : i32 to index
    %get3A_246 = tpu.vector_load %arg6[%get3A_244, %get3A_245] {strides = array<i32>} : memref<56x128xi32, #tpu.memory_space<vmem>>, vector<1x16xi32>,
    %get3A_247 = vector.shape_cast %get3A_246 : vector<1x16xi32> to vector<16xi32>
    %add3A_248 = vector.broadcast %mul3A_2 : i32 to vector<16xi32>
    %add3A_249 = arith.addi %add3A_248, %add3A_240 : vector<16xi32>
    %mul3A_250 = arith.constant 1000 : i32
    %mul3A_251 = vector.broadcast %mul3A_250 : i32 to vector<16xi32>
    %mul3A_252 = arith.muli %add3A_249, %mul3A_251 : vector<16xi32>
    %add3A_253 = arith.constant 60 : i32
    %add3A_254 = vector.broadcast %add3A_253 : i32 to vector<16xi32>
    %add3A_255 = arith.addi %mul3A_252, %add3A_254 : vector<16xi32>
    %add3A_256 = arith.addi %add3A_255, %get3A_247 : vector<16xi32>
    %swap3A_257 = arith.constant 112 : index
    %swap3A_258 = tpu.vector_load %arg7[%swap3A_257] {strides = array<i32>} : memref<160xi32, #tpu.memory_space<vmem>>, vector<16xi32>,
    %swap3A_259 = vector.shape_cast %swap3A_258 : vector<16xi32> to vector<16xi32>
    %swap3A_260 = vector.shape_cast %add3A_256 : vector<16xi32> to vector<16xi32>
    tpu.vector_store %arg7[%swap3A_257], %swap3A_260 {strides = array<i32>} : memref<160xi32, #tpu.memory_space<vmem>>, vector<16xi32>,
    %add3A_261 = arith.constant 0 : i32
    %add3A_262 = vector.broadcast %add3A_261 : i32 to vector<16xi32>
    %add3A_263 = arith.addi %add3A_262, %iota3A : vector<16xi32>
    %add3A_264 = arith.constant 0 : i32
    %add3A_265 = arith.addi %select_n3A_11, %add3A_264 : i32
    %get3A_266 = arith.constant 4 : i32
    %get3A_267 = arith.index_cast %get3A_266 : i32 to index
    %get3A_268 = arith.index_cast %add3A_265 : i32 to index
    %get3A_269 = tpu.vector_load %arg6[%get3A_267, %get3A_268] {strides = array<i32>} : memref<56x128xi32, #tpu.memory_space<vmem>>, vector<1x16xi32>,
    %get3A_270 = vector.shape_cast %get3A_269 : vector<1x16xi32> to vector<16xi32>
    %add3A_271 = vector.broadcast %mul3A_2 : i32 to vector<16xi32>
    %add3A_272 = arith.addi %add3A_271, %add3A_263 : vector<16xi32>
    %mul3A_273 = arith.constant 1000 : i32
    %mul3A_274 = vector.broadcast %mul3A_273 : i32 to vector<16xi32>
    %mul3A_275 = arith.muli %add3A_272, %mul3A_274 : vector<16xi32>
    %add3A_276 = arith.constant 80 : i32
    %add3A_277 = vector.broadcast %add3A_276 : i32 to vector<16xi32>
    %add3A_278 = arith.addi %mul3A_275, %add3A_277 : vector<16xi32>
    %add3A_279 = arith.addi %add3A_278, %get3A_270 : vector<16xi32>
    %swap3A_280 = arith.constant 128 : index
    %swap3A_281 = tpu.vector_load %arg7[%swap3A_280] {strides = array<i32>} : memref<160xi32, #tpu.memory_space<vmem>>, vector<16xi32>,
    %swap3A_282 = vector.shape_cast %swap3A_281 : vector<16xi32> to vector<16xi32>
    %swap3A_283 = vector.shape_cast %add3A_279 : vector<16xi32> to vector<16xi32>
    tpu.vector_store %arg7[%swap3A_280], %swap3A_283 {strides = array<i32>} : memref<160xi32, #tpu.memory_space<vmem>>, vector<16xi32>,
    %add3A_284 = arith.constant 16 : i32
    %add3A_285 = vector.broadcast %add3A_284 : i32 to vector<16xi32>
    %add3A_286 = arith.addi %add3A_285, %iota3A : vector<16xi32>
    %add3A_287 = arith.constant 16 : i32
    %add3A_288 = arith.addi %select_n3A_11, %add3A_287 : i32
    %get3A_289 = arith.constant 4 : i32
    %get3A_290 = arith.index_cast %get3A_289 : i32 to index
    %get3A_291 = arith.index_cast %add3A_288 : i32 to index
    %get3A_292 = tpu.vector_load %arg6[%get3A_290, %get3A_291] {strides = array<i32>} : memref<56x128xi32, #tpu.memory_space<vmem>>, vector<1x16xi32>,
    %get3A_293 = vector.shape_cast %get3A_292 : vector<1x16xi32> to vector<16xi32>
    %add3A_294 = vector.broadcast %mul3A_2 : i32 to vector<16xi32>
    %add3A_295 = arith.addi %add3A_294, %add3A_286 : vector<16xi32>
    %mul3A_296 = arith.constant 1000 : i32
    %mul3A_297 = vector.broadcast %mul3A_296 : i32 to vector<16xi32>
    %mul3A_298 = arith.muli %add3A_295, %mul3A_297 : vector<16xi32>
    %add3A_299 = arith.constant 80 : i32
    %add3A_300 = vector.broadcast %add3A_299 : i32 to vector<16xi32>
    %add3A_301 = arith.addi %mul3A_298, %add3A_300 : vector<16xi32>
    %add3A_302 = arith.addi %add3A_301, %get3A_293 : vector<16xi32>
    %swap3A_303 = arith.constant 144 : index
    %swap3A_304 = tpu.vector_load %arg7[%swap3A_303] {strides = array<i32>} : memref<160xi32, #tpu.memory_space<vmem>>, vector<16xi32>,
    %swap3A_305 = vector.shape_cast %swap3A_304 : vector<16xi32> to vector<16xi32>
    %swap3A_306 = vector.shape_cast %add3A_302 : vector<16xi32> to vector<16xi32>
    tpu.vector_store %arg7[%swap3A_303], %swap3A_306 {strides = array<i32>} : memref<160xi32, #tpu.memory_space<vmem>>, vector<16xi32>,
    %dma_start3A_307 = arith.constant 0 : i32
    %dma_start3A_308 = arith.constant 0 : i32
    %dma_start3A_309 = tpu.memref_slice %arg2[%dma_start3A_307, %dma_start3A_308] : memref<1024000x128xf32, #tpu.memory_space<hbm>> -> memref<1024000x128xf32, #tpu.memory_space<hbm>>
    tpu.enqueue_indirect_dma source(%dma_start3A_309 : memref<1024000x128xf32, #tpu.memory_space<hbm>>) target(%arg12 : memref<160x128xf32, #tpu.memory_space<vmem>>) offsets(%arg7 : memref<160xi32, #tpu.memory_space<vmem>>) semaphore(%arg18 : memref<!tpu.dma_semaphore, #tpu.memory_space<semaphore_mem>>)
    %add3A_310 = arith.constant 0 : i32
    %add3A_311 = vector.broadcast %add3A_310 : i32 to vector<16xi32>
    %add3A_312 = arith.addi %add3A_311, %iota3A : vector<16xi32>
    %add3A_313 = arith.constant 0 : i32
    %add3A_314 = arith.addi %select_n3A_11, %add3A_313 : i32
    %get3A_315 = arith.constant 5 : i32
    %get3A_316 = arith.index_cast %get3A_315 : i32 to index
    %get3A_317 = arith.index_cast %add3A_314 : i32 to index
    %get3A_318 = tpu.vector_load %arg6[%get3A_316, %get3A_317] {strides = array<i32>} : memref<56x128xi32, #tpu.memory_space<vmem>>, vector<1x16xi32>,
    %get3A_319 = vector.shape_cast %get3A_318 : vector<1x16xi32> to vector<16xi32>
    %add3A_320 = vector.broadcast %mul3A_2 : i32 to vector<16xi32>
    %add3A_321 = arith.addi %add3A_320, %add3A_312 : vector<16xi32>
    %mul3A_322 = arith.constant 1000 : i32
    %mul3A_323 = vector.broadcast %mul3A_322 : i32 to vector<16xi32>
    %mul3A_324 = arith.muli %add3A_321, %mul3A_323 : vector<16xi32>
    %add3A_325 = arith.constant 100 : i32
    %add3A_326 = vector.broadcast %add3A_325 : i32 to vector<16xi32>
    %add3A_327 = arith.addi %mul3A_324, %add3A_326 : vector<16xi32>
    %add3A_328 = arith.addi %add3A_327, %get3A_319 : vector<16xi32>
    %swap3A_329 = arith.constant 0 : index
    %swap3A_330 = tpu.vector_load %arg8[%swap3A_329] {strides = array<i32>} : memref<160xi32, #tpu.memory_space<vmem>>, vector<16xi32>,
    %swap3A_331 = vector.shape_cast %swap3A_330 : vector<16xi32> to vector<16xi32>
    %swap3A_332 = vector.shape_cast %add3A_328 : vector<16xi32> to vector<16xi32>
    tpu.vector_store %arg8[%swap3A_329], %swap3A_332 {strides = array<i32>} : memref<160xi32, #tpu.memory_space<vmem>>, vector<16xi32>,
    %add3A_333 = arith.constant 16 : i32
    %add3A_334 = vector.broadcast %add3A_333 : i32 to vector<16xi32>
    %add3A_335 = arith.addi %add3A_334, %iota3A : vector<16xi32>
    %add3A_336 = arith.constant 16 : i32
    %add3A_337 = arith.addi %select_n3A_11, %add3A_336 : i32
    %get3A_338 = arith.constant 5 : i32
    %get3A_339 = arith.index_cast %get3A_338 : i32 to index
    %get3A_340 = arith.index_cast %add3A_337 : i32 to index
    %get3A_341 = tpu.vector_load %arg6[%get3A_339, %get3A_340] {strides = array<i32>} : memref<56x128xi32, #tpu.memory_space<vmem>>, vector<1x16xi32>,
    %get3A_342 = vector.shape_cast %get3A_341 : vector<1x16xi32> to vector<16xi32>
    %add3A_343 = vector.broadcast %mul3A_2 : i32 to vector<16xi32>
    %add3A_344 = arith.addi %add3A_343, %add3A_335 : vector<16xi32>
    %mul3A_345 = arith.constant 1000 : i32
    %mul3A_346 = vector.broadcast %mul3A_345 : i32 to vector<16xi32>
    %mul3A_347 = arith.muli %add3A_344, %mul3A_346 : vector<16xi32>
    %add3A_348 = arith.constant 100 : i32
    %add3A_349 = vector.broadcast %add3A_348 : i32 to vector<16xi32>
    %add3A_350 = arith.addi %mul3A_347, %add3A_349 : vector<16xi32>
    %add3A_351 = arith.addi %add3A_350, %get3A_342 : vector<16xi32>
    %swap3A_352 = arith.constant 16 : index
    %swap3A_353 = tpu.vector_load %arg8[%swap3A_352] {strides = array<i32>} : memref<160xi32, #tpu.memory_space<vmem>>, vector<16xi32>,
    %swap3A_354 = vector.shape_cast %swap3A_353 : vector<16xi32> to vector<16xi32>
    %swap3A_355 = vector.shape_cast %add3A_351 : vector<16xi32> to vector<16xi32>
    tpu.vector_store %arg8[%swap3A_352], %swap3A_355 {strides = array<i32>} : memref<160xi32, #tpu.memory_space<vmem>>, vector<16xi32>,
    %add3A_356 = arith.constant 0 : i32
    %add3A_357 = vector.broadcast %add3A_356 : i32 to vector<16xi32>
    %add3A_358 = arith.addi %add3A_357, %iota3A : vector<16xi32>
    %add3A_359 = arith.constant 0 : i32
    %add3A_360 = arith.addi %select_n3A_11, %add3A_359 : i32
    %get3A_361 = arith.constant 6 : i32
    %get3A_362 = arith.index_cast %get3A_361 : i32 to index
    %get3A_363 = arith.index_cast %add3A_360 : i32 to index
    %get3A_364 = tpu.vector_load %arg6[%get3A_362, %get3A_363] {strides = array<i32>} : memref<56x128xi32, #tpu.memory_space<vmem>>, vector<1x16xi32>,
    %get3A_365 = vector.shape_cast %get3A_364 : vector<1x16xi32> to vector<16xi32>
    %add3A_366 = vector.broadcast %mul3A_2 : i32 to vector<16xi32>
    %add3A_367 = arith.addi %add3A_366, %add3A_358 : vector<16xi32>
    %mul3A_368 = arith.constant 1000 : i32
    %mul3A_369 = vector.broadcast %mul3A_368 : i32 to vector<16xi32>
    %mul3A_370 = arith.muli %add3A_367, %mul3A_369 : vector<16xi32>
    %add3A_371 = arith.constant 120 : i32
    %add3A_372 = vector.broadcast %add3A_371 : i32 to vector<16xi32>
    %add3A_373 = arith.addi %mul3A_370, %add3A_372 : vector<16xi32>
    %add3A_374 = arith.addi %add3A_373, %get3A_365 : vector<16xi32>
    %swap3A_375 = arith.constant 32 : index
    %swap3A_376 = tpu.vector_load %arg8[%swap3A_375] {strides = array<i32>} : memref<160xi32, #tpu.memory_space<vmem>>, vector<16xi32>,
    %swap3A_377 = vector.shape_cast %swap3A_376 : vector<16xi32> to vector<16xi32>
    %swap3A_378 = vector.shape_cast %add3A_374 : vector<16xi32> to vector<16xi32>
    tpu.vector_store %arg8[%swap3A_375], %swap3A_378 {strides = array<i32>} : memref<160xi32, #tpu.memory_space<vmem>>, vector<16xi32>,
    %add3A_379 = arith.constant 16 : i32
    %add3A_380 = vector.broadcast %add3A_379 : i32 to vector<16xi32>
    %add3A_381 = arith.addi %add3A_380, %iota3A : vector<16xi32>
    %add3A_382 = arith.constant 16 : i32
    %add3A_383 = arith.addi %select_n3A_11, %add3A_382 : i32
    %get3A_384 = arith.constant 6 : i32
    %get3A_385 = arith.index_cast %get3A_384 : i32 to index
    %get3A_386 = arith.index_cast %add3A_383 : i32 to index
    %get3A_387 = tpu.vector_load %arg6[%get3A_385, %get3A_386] {strides = array<i32>} : memref<56x128xi32, #tpu.memory_space<vmem>>, vector<1x16xi32>,
    %get3A_388 = vector.shape_cast %get3A_387 : vector<1x16xi32> to vector<16xi32>
    %add3A_389 = vector.broadcast %mul3A_2 : i32 to vector<16xi32>
    %add3A_390 = arith.addi %add3A_389, %add3A_381 : vector<16xi32>
    %mul3A_391 = arith.constant 1000 : i32
    %mul3A_392 = vector.broadcast %mul3A_391 : i32 to vector<16xi32>
    %mul3A_393 = arith.muli %add3A_390, %mul3A_392 : vector<16xi32>
    %add3A_394 = arith.constant 120 : i32
    %add3A_395 = vector.broadcast %add3A_394 : i32 to vector<16xi32>
    %add3A_396 = arith.addi %mul3A_393, %add3A_395 : vector<16xi32>
    %add3A_397 = arith.addi %add3A_396, %get3A_388 : vector<16xi32>
    %swap3A_398 = arith.constant 48 : index
    %swap3A_399 = tpu.vector_load %arg8[%swap3A_398] {strides = array<i32>} : memref<160xi32, #tpu.memory_space<vmem>>, vector<16xi32>,
    %swap3A_400 = vector.shape_cast %swap3A_399 : vector<16xi32> to vector<16xi32>
    %swap3A_401 = vector.shape_cast %add3A_397 : vector<16xi32> to vector<16xi32>
    tpu.vector_store %arg8[%swap3A_398], %swap3A_401 {strides = array<i32>} : memref<160xi32, #tpu.memory_space<vmem>>, vector<16xi32>,
    %add3A_402 = arith.constant 0 : i32
    %add3A_403 = vector.broadcast %add3A_402 : i32 to vector<16xi32>
    %add3A_404 = arith.addi %add3A_403, %iota3A : vector<16xi32>
    %add3A_405 = arith.constant 0 : i32
    %add3A_406 = arith.addi %select_n3A_11, %add3A_405 : i32
    %get3A_407 = arith.constant 7 : i32
    %get3A_408 = arith.index_cast %get3A_407 : i32 to index
    %get3A_409 = arith.index_cast %add3A_406 : i32 to index
    %get3A_410 = tpu.vector_load %arg6[%get3A_408, %get3A_409] {strides = array<i32>} : memref<56x128xi32, #tpu.memory_space<vmem>>, vector<1x16xi32>,
    %get3A_411 = vector.shape_cast %get3A_410 : vector<1x16xi32> to vector<16xi32>
    %add3A_412 = vector.broadcast %mul3A_2 : i32 to vector<16xi32>
    %add3A_413 = arith.addi %add3A_412, %add3A_404 : vector<16xi32>
    %mul3A_414 = arith.constant 1000 : i32
    %mul3A_415 = vector.broadcast %mul3A_414 : i32 to vector<16xi32>
    %mul3A_416 = arith.muli %add3A_413, %mul3A_415 : vector<16xi32>
    %add3A_417 = arith.constant 140 : i32
    %add3A_418 = vector.broadcast %add3A_417 : i32 to vector<16xi32>
    %add3A_419 = arith.addi %mul3A_416, %add3A_418 : vector<16xi32>
    %add3A_420 = arith.addi %add3A_419, %get3A_411 : vector<16xi32>
    %swap3A_421 = arith.constant 64 : index
    %swap3A_422 = tpu.vector_load %arg8[%swap3A_421] {strides = array<i32>} : memref<160xi32, #tpu.memory_space<vmem>>, vector<16xi32>,
    %swap3A_423 = vector.shape_cast %swap3A_422 : vector<16xi32> to vector<16xi32>
    %swap3A_424 = vector.shape_cast %add3A_420 : vector<16xi32> to vector<16xi32>
    tpu.vector_store %arg8[%swap3A_421], %swap3A_424 {strides = array<i32>} : memref<160xi32, #tpu.memory_space<vmem>>, vector<16xi32>,
    %add3A_425 = arith.constant 16 : i32
    %add3A_426 = vector.broadcast %add3A_425 : i32 to vector<16xi32>
    %add3A_427 = arith.addi %add3A_426, %iota3A : vector<16xi32>
    %add3A_428 = arith.constant 16 : i32
    %add3A_429 = arith.addi %select_n3A_11, %add3A_428 : i32
    %get3A_430 = arith.constant 7 : i32
    %get3A_431 = arith.index_cast %get3A_430 : i32 to index
    %get3A_432 = arith.index_cast %add3A_429 : i32 to index
    %get3A_433 = tpu.vector_load %arg6[%get3A_431, %get3A_432] {strides = array<i32>} : memref<56x128xi32, #tpu.memory_space<vmem>>, vector<1x16xi32>,
    %get3A_434 = vector.shape_cast %get3A_433 : vector<1x16xi32> to vector<16xi32>
    %add3A_435 = vector.broadcast %mul3A_2 : i32 to vector<16xi32>
    %add3A_436 = arith.addi %add3A_435, %add3A_427 : vector<16xi32>
    %mul3A_437 = arith.constant 1000 : i32
    %mul3A_438 = vector.broadcast %mul3A_437 : i32 to vector<16xi32>
    %mul3A_439 = arith.muli %add3A_436, %mul3A_438 : vector<16xi32>
    %add3A_440 = arith.constant 140 : i32
    %add3A_441 = vector.broadcast %add3A_440 : i32 to vector<16xi32>
    %add3A_442 = arith.addi %mul3A_439, %add3A_441 : vector<16xi32>
    %add3A_443 = arith.addi %add3A_442, %get3A_434 : vector<16xi32>
    %swap3A_444 = arith.constant 80 : index
    %swap3A_445 = tpu.vector_load %arg8[%swap3A_444] {strides = array<i32>} : memref<160xi32, #tpu.memory_space<vmem>>, vector<16xi32>,
    %swap3A_446 = vector.shape_cast %swap3A_445 : vector<16xi32> to vector<16xi32>
    %swap3A_447 = vector.shape_cast %add3A_443 : vector<16xi32> to vector<16xi32>
    tpu.vector_store %arg8[%swap3A_444], %swap3A_447 {strides = array<i32>} : memref<160xi32, #tpu.memory_space<vmem>>, vector<16xi32>,
    %add3A_448 = arith.constant 0 : i32
    %add3A_449 = vector.broadcast %add3A_448 : i32 to vector<16xi32>
    %add3A_450 = arith.addi %add3A_449, %iota3A : vector<16xi32>
    %add3A_451 = arith.constant 0 : i32
    %add3A_452 = arith.addi %select_n3A_11, %add3A_451 : i32
    %get3A_453 = arith.constant 8 : i32
    %get3A_454 = arith.index_cast %get3A_453 : i32 to index
    %get3A_455 = arith.index_cast %add3A_452 : i32 to index
    %get3A_456 = tpu.vector_load %arg6[%get3A_454, %get3A_455] {strides = array<i32>} : memref<56x128xi32, #tpu.memory_space<vmem>>, vector<1x16xi32>,
    %get3A_457 = vector.shape_cast %get3A_456 : vector<1x16xi32> to vector<16xi32>
    %add3A_458 = vector.broadcast %mul3A_2 : i32 to vector<16xi32>
    %add3A_459 = arith.addi %add3A_458, %add3A_450 : vector<16xi32>
    %mul3A_460 = arith.constant 1000 : i32
    %mul3A_461 = vector.broadcast %mul3A_460 : i32 to vector<16xi32>
    %mul3A_462 = arith.muli %add3A_459, %mul3A_461 : vector<16xi32>
    %add3A_463 = arith.constant 160 : i32
    %add3A_464 = vector.broadcast %add3A_463 : i32 to vector<16xi32>
    %add3A_465 = arith.addi %mul3A_462, %add3A_464 : vector<16xi32>
    %add3A_466 = arith.addi %add3A_465, %get3A_457 : vector<16xi32>
    %swap3A_467 = arith.constant 96 : index
    %swap3A_468 = tpu.vector_load %arg8[%swap3A_467] {strides = array<i32>} : memref<160xi32, #tpu.memory_space<vmem>>, vector<16xi32>,
    %swap3A_469 = vector.shape_cast %swap3A_468 : vector<16xi32> to vector<16xi32>
    %swap3A_470 = vector.shape_cast %add3A_466 : vector<16xi32> to vector<16xi32>
    tpu.vector_store %arg8[%swap3A_467], %swap3A_470 {strides = array<i32>} : memref<160xi32, #tpu.memory_space<vmem>>, vector<16xi32>,
    %add3A_471 = arith.constant 16 : i32
    %add3A_472 = vector.broadcast %add3A_471 : i32 to vector<16xi32>
    %add3A_473 = arith.addi %add3A_472, %iota3A : vector<16xi32>
    %add3A_474 = arith.constant 16 : i32
    %add3A_475 = arith.addi %select_n3A_11, %add3A_474 : i32
    %get3A_476 = arith.constant 8 : i32
    %get3A_477 = arith.index_cast %get3A_476 : i32 to index
    %get3A_478 = arith.index_cast %add3A_475 : i32 to index
    %get3A_479 = tpu.vector_load %arg6[%get3A_477, %get3A_478] {strides = array<i32>} : memref<56x128xi32, #tpu.memory_space<vmem>>, vector<1x16xi32>,
    %get3A_480 = vector.shape_cast %get3A_479 : vector<1x16xi32> to vector<16xi32>
    %add3A_481 = vector.broadcast %mul3A_2 : i32 to vector<16xi32>
    %add3A_482 = arith.addi %add3A_481, %add3A_473 : vector<16xi32>
    %mul3A_483 = arith.constant 1000 : i32
    %mul3A_484 = vector.broadcast %mul3A_483 : i32 to vector<16xi32>
    %mul3A_485 = arith.muli %add3A_482, %mul3A_484 : vector<16xi32>
    %add3A_486 = arith.constant 160 : i32
    %add3A_487 = vector.broadcast %add3A_486 : i32 to vector<16xi32>
    %add3A_488 = arith.addi %mul3A_485, %add3A_487 : vector<16xi32>
    %add3A_489 = arith.addi %add3A_488, %get3A_480 : vector<16xi32>
    %swap3A_490 = arith.constant 112 : index
    %swap3A_491 = tpu.vector_load %arg8[%swap3A_490] {strides = array<i32>} : memref<160xi32, #tpu.memory_space<vmem>>, vector<16xi32>,
    %swap3A_492 = vector.shape_cast %swap3A_491 : vector<16xi32> to vector<16xi32>
    %swap3A_493 = vector.shape_cast %add3A_489 : vector<16xi32> to vector<16xi32>
    tpu.vector_store %arg8[%swap3A_490], %swap3A_493 {strides = array<i32>} : memref<160xi32, #tpu.memory_space<vmem>>, vector<16xi32>,
    %add3A_494 = arith.constant 0 : i32
    %add3A_495 = vector.broadcast %add3A_494 : i32 to vector<16xi32>
    %add3A_496 = arith.addi %add3A_495, %iota3A : vector<16xi32>
    %add3A_497 = arith.constant 0 : i32
    %add3A_498 = arith.addi %select_n3A_11, %add3A_497 : i32
    %get3A_499 = arith.constant 9 : i32
    %get3A_500 = arith.index_cast %get3A_499 : i32 to index
    %get3A_501 = arith.index_cast %add3A_498 : i32 to index
    %get3A_502 = tpu.vector_load %arg6[%get3A_500, %get3A_501] {strides = array<i32>} : memref<56x128xi32, #tpu.memory_space<vmem>>, vector<1x16xi32>,
    %get3A_503 = vector.shape_cast %get3A_502 : vector<1x16xi32> to vector<16xi32>
    %add3A_504 = vector.broadcast %mul3A_2 : i32 to vector<16xi32>
    %add3A_505 = arith.addi %add3A_504, %add3A_496 : vector<16xi32>
    %mul3A_506 = arith.constant 1000 : i32
    %mul3A_507 = vector.broadcast %mul3A_506 : i32 to vector<16xi32>
    %mul3A_508 = arith.muli %add3A_505, %mul3A_507 : vector<16xi32>
    %add3A_509 = arith.constant 180 : i32
    %add3A_510 = vector.broadcast %add3A_509 : i32 to vector<16xi32>
    %add3A_511 = arith.addi %mul3A_508, %add3A_510 : vector<16xi32>
    %add3A_512 = arith.addi %add3A_511, %get3A_503 : vector<16xi32>
    %swap3A_513 = arith.constant 128 : index
    %swap3A_514 = tpu.vector_load %arg8[%swap3A_513] {strides = array<i32>} : memref<160xi32, #tpu.memory_space<vmem>>, vector<16xi32>,
    %swap3A_515 = vector.shape_cast %swap3A_514 : vector<16xi32> to vector<16xi32>
    %swap3A_516 = vector.shape_cast %add3A_512 : vector<16xi32> to vector<16xi32>
    tpu.vector_store %arg8[%swap3A_513], %swap3A_516 {strides = array<i32>} : memref<160xi32, #tpu.memory_space<vmem>>, vector<16xi32>,
    %add3A_517 = arith.constant 16 : i32
    %add3A_518 = vector.broadcast %add3A_517 : i32 to vector<16xi32>
    %add3A_519 = arith.addi %add3A_518, %iota3A : vector<16xi32>
    %add3A_520 = arith.constant 16 : i32
    %add3A_521 = arith.addi %select_n3A_11, %add3A_520 : i32
    %get3A_522 = arith.constant 9 : i32
    %get3A_523 = arith.index_cast %get3A_522 : i32 to index
    %get3A_524 = arith.index_cast %add3A_521 : i32 to index
    %get3A_525 = tpu.vector_load %arg6[%get3A_523, %get3A_524] {strides = array<i32>} : memref<56x128xi32, #tpu.memory_space<vmem>>, vector<1x16xi32>,
    %get3A_526 = vector.shape_cast %get3A_525 : vector<1x16xi32> to vector<16xi32>
    %add3A_527 = vector.broadcast %mul3A_2 : i32 to vector<16xi32>
    %add3A_528 = arith.addi %add3A_527, %add3A_519 : vector<16xi32>
    %mul3A_529 = arith.constant 1000 : i32
    %mul3A_530 = vector.broadcast %mul3A_529 : i32 to vector<16xi32>
    %mul3A_531 = arith.muli %add3A_528, %mul3A_530 : vector<16xi32>
    %add3A_532 = arith.constant 180 : i32
    %add3A_533 = vector.broadcast %add3A_532 : i32 to vector<16xi32>
    %add3A_534 = arith.addi %mul3A_531, %add3A_533 : vector<16xi32>
    %add3A_535 = arith.addi %add3A_534, %get3A_526 : vector<16xi32>
    %swap3A_536 = arith.constant 144 : index
    %swap3A_537 = tpu.vector_load %arg8[%swap3A_536] {strides = array<i32>} : memref<160xi32, #tpu.memory_space<vmem>>, vector<16xi32>,
    %swap3A_538 = vector.shape_cast %swap3A_537 : vector<16xi32> to vector<16xi32>
    %swap3A_539 = vector.shape_cast %add3A_535 : vector<16xi32> to vector<16xi32>
    tpu.vector_store %arg8[%swap3A_536], %swap3A_539 {strides = array<i32>} : memref<160xi32, #tpu.memory_space<vmem>>, vector<16xi32>,
    %dma_start3A_540 = arith.constant 0 : i32
    %dma_start3A_541 = arith.constant 0 : i32
    %dma_start3A_542 = tpu.memref_slice %arg2[%dma_start3A_540, %dma_start3A_541] : memref<1024000x128xf32, #tpu.memory_space<hbm>> -> memref<1024000x128xf32, #tpu.memory_space<hbm>>
    tpu.enqueue_indirect_dma source(%dma_start3A_542 : memref<1024000x128xf32, #tpu.memory_space<hbm>>) target(%arg13 : memref<160x128xf32, #tpu.memory_space<vmem>>) offsets(%arg8 : memref<160xi32, #tpu.memory_space<vmem>>) semaphore(%arg18 : memref<!tpu.dma_semaphore, #tpu.memory_space<semaphore_mem>>)
    %add3A_543 = arith.constant 0 : i32
    %add3A_544 = vector.broadcast %add3A_543 : i32 to vector<16xi32>
    %add3A_545 = arith.addi %add3A_544, %iota3A : vector<16xi32>
    %add3A_546 = arith.constant 0 : i32
    %add3A_547 = arith.addi %select_n3A_11, %add3A_546 : i32
    %get3A_548 = arith.constant 10 : i32
    %get3A_549 = arith.index_cast %get3A_548 : i32 to index
    %get3A_550 = arith.index_cast %add3A_547 : i32 to index
    %get3A_551 = tpu.vector_load %arg6[%get3A_549, %get3A_550] {strides = array<i32>} : memref<56x128xi32, #tpu.memory_space<vmem>>, vector<1x16xi32>,
    %get3A_552 = vector.shape_cast %get3A_551 : vector<1x16xi32> to vector<16xi32>
    %add3A_553 = vector.broadcast %mul3A_2 : i32 to vector<16xi32>
    %add3A_554 = arith.addi %add3A_553, %add3A_545 : vector<16xi32>
    %mul3A_555 = arith.constant 1000 : i32
    %mul3A_556 = vector.broadcast %mul3A_555 : i32 to vector<16xi32>
    %mul3A_557 = arith.muli %add3A_554, %mul3A_556 : vector<16xi32>
    %add3A_558 = arith.constant 200 : i32
    %add3A_559 = vector.broadcast %add3A_558 : i32 to vector<16xi32>
    %add3A_560 = arith.addi %mul3A_557, %add3A_559 : vector<16xi32>
    %add3A_561 = arith.addi %add3A_560, %get3A_552 : vector<16xi32>
    %swap3A_562 = arith.constant 0 : index
    %swap3A_563 = tpu.vector_load %arg9[%swap3A_562] {strides = array<i32>} : memref<160xi32, #tpu.memory_space<vmem>>, vector<16xi32>,
    %swap3A_564 = vector.shape_cast %swap3A_563 : vector<16xi32> to vector<16xi32>
    %swap3A_565 = vector.shape_cast %add3A_561 : vector<16xi32> to vector<16xi32>
    tpu.vector_store %arg9[%swap3A_562], %swap3A_565 {strides = array<i32>} : memref<160xi32, #tpu.memory_space<vmem>>, vector<16xi32>,
    %add3A_566 = arith.constant 16 : i32
    %add3A_567 = vector.broadcast %add3A_566 : i32 to vector<16xi32>
    %add3A_568 = arith.addi %add3A_567, %iota3A : vector<16xi32>
    %add3A_569 = arith.constant 16 : i32
    %add3A_570 = arith.addi %select_n3A_11, %add3A_569 : i32
    %get3A_571 = arith.constant 10 : i32
    %get3A_572 = arith.index_cast %get3A_571 : i32 to index
    %get3A_573 = arith.index_cast %add3A_570 : i32 to index
    %get3A_574 = tpu.vector_load %arg6[%get3A_572, %get3A_573] {strides = array<i32>} : memref<56x128xi32, #tpu.memory_space<vmem>>, vector<1x16xi32>,
    %get3A_575 = vector.shape_cast %get3A_574 : vector<1x16xi32> to vector<16xi32>
    %add3A_576 = vector.broadcast %mul3A_2 : i32 to vector<16xi32>
    %add3A_577 = arith.addi %add3A_576, %add3A_568 : vector<16xi32>
    %mul3A_578 = arith.constant 1000 : i32
    %mul3A_579 = vector.broadcast %mul3A_578 : i32 to vector<16xi32>
    %mul3A_580 = arith.muli %add3A_577, %mul3A_579 : vector<16xi32>
    %add3A_581 = arith.constant 200 : i32
    %add3A_582 = vector.broadcast %add3A_581 : i32 to vector<16xi32>
    %add3A_583 = arith.addi %mul3A_580, %add3A_582 : vector<16xi32>
    %add3A_584 = arith.addi %add3A_583, %get3A_575 : vector<16xi32>
    %swap3A_585 = arith.constant 16 : index
    %swap3A_586 = tpu.vector_load %arg9[%swap3A_585] {strides = array<i32>} : memref<160xi32, #tpu.memory_space<vmem>>, vector<16xi32>,
    %swap3A_587 = vector.shape_cast %swap3A_586 : vector<16xi32> to vector<16xi32>
    %swap3A_588 = vector.shape_cast %add3A_584 : vector<16xi32> to vector<16xi32>
    tpu.vector_store %arg9[%swap3A_585], %swap3A_588 {strides = array<i32>} : memref<160xi32, #tpu.memory_space<vmem>>, vector<16xi32>,
    %add3A_589 = arith.constant 0 : i32
    %add3A_590 = vector.broadcast %add3A_589 : i32 to vector<16xi32>
    %add3A_591 = arith.addi %add3A_590, %iota3A : vector<16xi32>
    %add3A_592 = arith.constant 0 : i32
    %add3A_593 = arith.addi %select_n3A_11, %add3A_592 : i32
    %get3A_594 = arith.constant 11 : i32
    %get3A_595 = arith.index_cast %get3A_594 : i32 to index
    %get3A_596 = arith.index_cast %add3A_593 : i32 to index
    %get3A_597 = tpu.vector_load %arg6[%get3A_595, %get3A_596] {strides = array<i32>} : memref<56x128xi32, #tpu.memory_space<vmem>>, vector<1x16xi32>,
    %get3A_598 = vector.shape_cast %get3A_597 : vector<1x16xi32> to vector<16xi32>
    %add3A_599 = vector.broadcast %mul3A_2 : i32 to vector<16xi32>
    %add3A_600 = arith.addi %add3A_599, %add3A_591 : vector<16xi32>
    %mul3A_601 = arith.constant 1000 : i32
    %mul3A_602 = vector.broadcast %mul3A_601 : i32 to vector<16xi32>
    %mul3A_603 = arith.muli %add3A_600, %mul3A_602 : vector<16xi32>
    %add3A_604 = arith.constant 220 : i32
    %add3A_605 = vector.broadcast %add3A_604 : i32 to vector<16xi32>
    %add3A_606 = arith.addi %mul3A_603, %add3A_605 : vector<16xi32>
    %add3A_607 = arith.addi %add3A_606, %get3A_598 : vector<16xi32>
    %swap3A_608 = arith.constant 32 : index
    %swap3A_609 = tpu.vector_load %arg9[%swap3A_608] {strides = array<i32>} : memref<160xi32, #tpu.memory_space<vmem>>, vector<16xi32>,
    %swap3A_610 = vector.shape_cast %swap3A_609 : vector<16xi32> to vector<16xi32>
    %swap3A_611 = vector.shape_cast %add3A_607 : vector<16xi32> to vector<16xi32>
    tpu.vector_store %arg9[%swap3A_608], %swap3A_611 {strides = array<i32>} : memref<160xi32, #tpu.memory_space<vmem>>, vector<16xi32>,
    %add3A_612 = arith.constant 16 : i32
    %add3A_613 = vector.broadcast %add3A_612 : i32 to vector<16xi32>
    %add3A_614 = arith.addi %add3A_613, %iota3A : vector<16xi32>
    %add3A_615 = arith.constant 16 : i32
    %add3A_616 = arith.addi %select_n3A_11, %add3A_615 : i32
    %get3A_617 = arith.constant 11 : i32
    %get3A_618 = arith.index_cast %get3A_617 : i32 to index
    %get3A_619 = arith.index_cast %add3A_616 : i32 to index
    %get3A_620 = tpu.vector_load %arg6[%get3A_618, %get3A_619] {strides = array<i32>} : memref<56x128xi32, #tpu.memory_space<vmem>>, vector<1x16xi32>,
    %get3A_621 = vector.shape_cast %get3A_620 : vector<1x16xi32> to vector<16xi32>
    %add3A_622 = vector.broadcast %mul3A_2 : i32 to vector<16xi32>
    %add3A_623 = arith.addi %add3A_622, %add3A_614 : vector<16xi32>
    %mul3A_624 = arith.constant 1000 : i32
    %mul3A_625 = vector.broadcast %mul3A_624 : i32 to vector<16xi32>
    %mul3A_626 = arith.muli %add3A_623, %mul3A_625 : vector<16xi32>
    %add3A_627 = arith.constant 220 : i32
    %add3A_628 = vector.broadcast %add3A_627 : i32 to vector<16xi32>
    %add3A_629 = arith.addi %mul3A_626, %add3A_628 : vector<16xi32>
    %add3A_630 = arith.addi %add3A_629, %get3A_621 : vector<16xi32>
    %swap3A_631 = arith.constant 48 : index
    %swap3A_632 = tpu.vector_load %arg9[%swap3A_631] {strides = array<i32>} : memref<160xi32, #tpu.memory_space<vmem>>, vector<16xi32>,
    %swap3A_633 = vector.shape_cast %swap3A_632 : vector<16xi32> to vector<16xi32>
    %swap3A_634 = vector.shape_cast %add3A_630 : vector<16xi32> to vector<16xi32>
    tpu.vector_store %arg9[%swap3A_631], %swap3A_634 {strides = array<i32>} : memref<160xi32, #tpu.memory_space<vmem>>, vector<16xi32>,
    %add3A_635 = arith.constant 0 : i32
    %add3A_636 = vector.broadcast %add3A_635 : i32 to vector<16xi32>
    %add3A_637 = arith.addi %add3A_636, %iota3A : vector<16xi32>
    %add3A_638 = arith.constant 0 : i32
    %add3A_639 = arith.addi %select_n3A_11, %add3A_638 : i32
    %get3A_640 = arith.constant 12 : i32
    %get3A_641 = arith.index_cast %get3A_640 : i32 to index
    %get3A_642 = arith.index_cast %add3A_639 : i32 to index
    %get3A_643 = tpu.vector_load %arg6[%get3A_641, %get3A_642] {strides = array<i32>} : memref<56x128xi32, #tpu.memory_space<vmem>>, vector<1x16xi32>,
    %get3A_644 = vector.shape_cast %get3A_643 : vector<1x16xi32> to vector<16xi32>
    %add3A_645 = vector.broadcast %mul3A_2 : i32 to vector<16xi32>
    %add3A_646 = arith.addi %add3A_645, %add3A_637 : vector<16xi32>
    %mul3A_647 = arith.constant 1000 : i32
    %mul3A_648 = vector.broadcast %mul3A_647 : i32 to vector<16xi32>
    %mul3A_649 = arith.muli %add3A_646, %mul3A_648 : vector<16xi32>
    %add3A_650 = arith.constant 240 : i32
    %add3A_651 = vector.broadcast %add3A_650 : i32 to vector<16xi32>
    %add3A_652 = arith.addi %mul3A_649, %add3A_651 : vector<16xi32>
    %add3A_653 = arith.addi %add3A_652, %get3A_644 : vector<16xi32>
    %swap3A_654 = arith.constant 64 : index
    %swap3A_655 = tpu.vector_load %arg9[%swap3A_654] {strides = array<i32>} : memref<160xi32, #tpu.memory_space<vmem>>, vector<16xi32>,
    %swap3A_656 = vector.shape_cast %swap3A_655 : vector<16xi32> to vector<16xi32>
    %swap3A_657 = vector.shape_cast %add3A_653 : vector<16xi32> to vector<16xi32>
    tpu.vector_store %arg9[%swap3A_654], %swap3A_657 {strides = array<i32>} : memref<160xi32, #tpu.memory_space<vmem>>, vector<16xi32>,
    %add3A_658 = arith.constant 16 : i32
    %add3A_659 = vector.broadcast %add3A_658 : i32 to vector<16xi32>
    %add3A_660 = arith.addi %add3A_659, %iota3A : vector<16xi32>
    %add3A_661 = arith.constant 16 : i32
    %add3A_662 = arith.addi %select_n3A_11, %add3A_661 : i32
    %get3A_663 = arith.constant 12 : i32
    %get3A_664 = arith.index_cast %get3A_663 : i32 to index
    %get3A_665 = arith.index_cast %add3A_662 : i32 to index
    %get3A_666 = tpu.vector_load %arg6[%get3A_664, %get3A_665] {strides = array<i32>} : memref<56x128xi32, #tpu.memory_space<vmem>>, vector<1x16xi32>,
    %get3A_667 = vector.shape_cast %get3A_666 : vector<1x16xi32> to vector<16xi32>
    %add3A_668 = vector.broadcast %mul3A_2 : i32 to vector<16xi32>
    %add3A_669 = arith.addi %add3A_668, %add3A_660 : vector<16xi32>
    %mul3A_670 = arith.constant 1000 : i32
    %mul3A_671 = vector.broadcast %mul3A_670 : i32 to vector<16xi32>
    %mul3A_672 = arith.muli %add3A_669, %mul3A_671 : vector<16xi32>
    %add3A_673 = arith.constant 240 : i32
    %add3A_674 = vector.broadcast %add3A_673 : i32 to vector<16xi32>
    %add3A_675 = arith.addi %mul3A_672, %add3A_674 : vector<16xi32>
    %add3A_676 = arith.addi %add3A_675, %get3A_667 : vector<16xi32>
    %swap3A_677 = arith.constant 80 : index
    %swap3A_678 = tpu.vector_load %arg9[%swap3A_677] {strides = array<i32>} : memref<160xi32, #tpu.memory_space<vmem>>, vector<16xi32>,
    %swap3A_679 = vector.shape_cast %swap3A_678 : vector<16xi32> to vector<16xi32>
    %swap3A_680 = vector.shape_cast %add3A_676 : vector<16xi32> to vector<16xi32>
    tpu.vector_store %arg9[%swap3A_677], %swap3A_680 {strides = array<i32>} : memref<160xi32, #tpu.memory_space<vmem>>, vector<16xi32>,
    %add3A_681 = arith.constant 0 : i32
    %add3A_682 = vector.broadcast %add3A_681 : i32 to vector<16xi32>
    %add3A_683 = arith.addi %add3A_682, %iota3A : vector<16xi32>
    %add3A_684 = arith.constant 0 : i32
    %add3A_685 = arith.addi %select_n3A_11, %add3A_684 : i32
    %get3A_686 = arith.constant 13 : i32
    %get3A_687 = arith.index_cast %get3A_686 : i32 to index
    %get3A_688 = arith.index_cast %add3A_685 : i32 to index
    %get3A_689 = tpu.vector_load %arg6[%get3A_687, %get3A_688] {strides = array<i32>} : memref<56x128xi32, #tpu.memory_space<vmem>>, vector<1x16xi32>,
    %get3A_690 = vector.shape_cast %get3A_689 : vector<1x16xi32> to vector<16xi32>
    %add3A_691 = vector.broadcast %mul3A_2 : i32 to vector<16xi32>
    %add3A_692 = arith.addi %add3A_691, %add3A_683 : vector<16xi32>
    %mul3A_693 = arith.constant 1000 : i32
    %mul3A_694 = vector.broadcast %mul3A_693 : i32 to vector<16xi32>
    %mul3A_695 = arith.muli %add3A_692, %mul3A_694 : vector<16xi32>
    %add3A_696 = arith.constant 260 : i32
    %add3A_697 = vector.broadcast %add3A_696 : i32 to vector<16xi32>
    %add3A_698 = arith.addi %mul3A_695, %add3A_697 : vector<16xi32>
    %add3A_699 = arith.addi %add3A_698, %get3A_690 : vector<16xi32>
    %swap3A_700 = arith.constant 96 : index
    %swap3A_701 = tpu.vector_load %arg9[%swap3A_700] {strides = array<i32>} : memref<160xi32, #tpu.memory_space<vmem>>, vector<16xi32>,
    %swap3A_702 = vector.shape_cast %swap3A_701 : vector<16xi32> to vector<16xi32>
    %swap3A_703 = vector.shape_cast %add3A_699 : vector<16xi32> to vector<16xi32>
    tpu.vector_store %arg9[%swap3A_700], %swap3A_703 {strides = array<i32>} : memref<160xi32, #tpu.memory_space<vmem>>, vector<16xi32>,
    %add3A_704 = arith.constant 16 : i32
    %add3A_705 = vector.broadcast %add3A_704 : i32 to vector<16xi32>
    %add3A_706 = arith.addi %add3A_705, %iota3A : vector<16xi32>
    %add3A_707 = arith.constant 16 : i32
    %add3A_708 = arith.addi %select_n3A_11, %add3A_707 : i32
    %get3A_709 = arith.constant 13 : i32
    %get3A_710 = arith.index_cast %get3A_709 : i32 to index
    %get3A_711 = arith.index_cast %add3A_708 : i32 to index
    %get3A_712 = tpu.vector_load %arg6[%get3A_710, %get3A_711] {strides = array<i32>} : memref<56x128xi32, #tpu.memory_space<vmem>>, vector<1x16xi32>,
    %get3A_713 = vector.shape_cast %get3A_712 : vector<1x16xi32> to vector<16xi32>
    %add3A_714 = vector.broadcast %mul3A_2 : i32 to vector<16xi32>
    %add3A_715 = arith.addi %add3A_714, %add3A_706 : vector<16xi32>
    %mul3A_716 = arith.constant 1000 : i32
    %mul3A_717 = vector.broadcast %mul3A_716 : i32 to vector<16xi32>
    %mul3A_718 = arith.muli %add3A_715, %mul3A_717 : vector<16xi32>
    %add3A_719 = arith.constant 260 : i32
    %add3A_720 = vector.broadcast %add3A_719 : i32 to vector<16xi32>
    %add3A_721 = arith.addi %mul3A_718, %add3A_720 : vector<16xi32>
    %add3A_722 = arith.addi %add3A_721, %get3A_713 : vector<16xi32>
    %swap3A_723 = arith.constant 112 : index
    %swap3A_724 = tpu.vector_load %arg9[%swap3A_723] {strides = array<i32>} : memref<160xi32, #tpu.memory_space<vmem>>, vector<16xi32>,
    %swap3A_725 = vector.shape_cast %swap3A_724 : vector<16xi32> to vector<16xi32>
    %swap3A_726 = vector.shape_cast %add3A_722 : vector<16xi32> to vector<16xi32>
    tpu.vector_store %arg9[%swap3A_723], %swap3A_726 {strides = array<i32>} : memref<160xi32, #tpu.memory_space<vmem>>, vector<16xi32>,
    %add3A_727 = arith.constant 0 : i32
    %add3A_728 = vector.broadcast %add3A_727 : i32 to vector<16xi32>
    %add3A_729 = arith.addi %add3A_728, %iota3A : vector<16xi32>
    %add3A_730 = arith.constant 0 : i32
    %add3A_731 = arith.addi %select_n3A_11, %add3A_730 : i32
    %get3A_732 = arith.constant 14 : i32
    %get3A_733 = arith.index_cast %get3A_732 : i32 to index
    %get3A_734 = arith.index_cast %add3A_731 : i32 to index
    %get3A_735 = tpu.vector_load %arg6[%get3A_733, %get3A_734] {strides = array<i32>} : memref<56x128xi32, #tpu.memory_space<vmem>>, vector<1x16xi32>,
    %get3A_736 = vector.shape_cast %get3A_735 : vector<1x16xi32> to vector<16xi32>
    %add3A_737 = vector.broadcast %mul3A_2 : i32 to vector<16xi32>
    %add3A_738 = arith.addi %add3A_737, %add3A_729 : vector<16xi32>
    %mul3A_739 = arith.constant 1000 : i32
    %mul3A_740 = vector.broadcast %mul3A_739 : i32 to vector<16xi32>
    %mul3A_741 = arith.muli %add3A_738, %mul3A_740 : vector<16xi32>
    %add3A_742 = arith.constant 280 : i32
    %add3A_743 = vector.broadcast %add3A_742 : i32 to vector<16xi32>
    %add3A_744 = arith.addi %mul3A_741, %add3A_743 : vector<16xi32>
    %add3A_745 = arith.addi %add3A_744, %get3A_736 : vector<16xi32>
    %swap3A_746 = arith.constant 128 : index
    %swap3A_747 = tpu.vector_load %arg9[%swap3A_746] {strides = array<i32>} : memref<160xi32, #tpu.memory_space<vmem>>, vector<16xi32>,
    %swap3A_748 = vector.shape_cast %swap3A_747 : vector<16xi32> to vector<16xi32>
    %swap3A_749 = vector.shape_cast %add3A_745 : vector<16xi32> to vector<16xi32>
    tpu.vector_store %arg9[%swap3A_746], %swap3A_749 {strides = array<i32>} : memref<160xi32, #tpu.memory_space<vmem>>, vector<16xi32>,
    %add3A_750 = arith.constant 16 : i32
    %add3A_751 = vector.broadcast %add3A_750 : i32 to vector<16xi32>
    %add3A_752 = arith.addi %add3A_751, %iota3A : vector<16xi32>
    %add3A_753 = arith.constant 16 : i32
    %add3A_754 = arith.addi %select_n3A_11, %add3A_753 : i32
    %get3A_755 = arith.constant 14 : i32
    %get3A_756 = arith.index_cast %get3A_755 : i32 to index
    %get3A_757 = arith.index_cast %add3A_754 : i32 to index
    %get3A_758 = tpu.vector_load %arg6[%get3A_756, %get3A_757] {strides = array<i32>} : memref<56x128xi32, #tpu.memory_space<vmem>>, vector<1x16xi32>,
    %get3A_759 = vector.shape_cast %get3A_758 : vector<1x16xi32> to vector<16xi32>
    %add3A_760 = vector.broadcast %mul3A_2 : i32 to vector<16xi32>
    %add3A_761 = arith.addi %add3A_760, %add3A_752 : vector<16xi32>
    %mul3A_762 = arith.constant 1000 : i32
    %mul3A_763 = vector.broadcast %mul3A_762 : i32 to vector<16xi32>
    %mul3A_764 = arith.muli %add3A_761, %mul3A_763 : vector<16xi32>
    %add3A_765 = arith.constant 280 : i32
    %add3A_766 = vector.broadcast %add3A_765 : i32 to vector<16xi32>
    %add3A_767 = arith.addi %mul3A_764, %add3A_766 : vector<16xi32>
    %add3A_768 = arith.addi %add3A_767, %get3A_759 : vector<16xi32>
    %swap3A_769 = arith.constant 144 : index
    %swap3A_770 = tpu.vector_load %arg9[%swap3A_769] {strides = array<i32>} : memref<160xi32, #tpu.memory_space<vmem>>, vector<16xi32>,
    %swap3A_771 = vector.shape_cast %swap3A_770 : vector<16xi32> to vector<16xi32>
    %swap3A_772 = vector.shape_cast %add3A_768 : vector<16xi32> to vector<16xi32>
    tpu.vector_store %arg9[%swap3A_769], %swap3A_772 {strides = array<i32>} : memref<160xi32, #tpu.memory_space<vmem>>, vector<16xi32>,
    %dma_start3A_773 = arith.constant 0 : i32
    %dma_start3A_774 = arith.constant 0 : i32
    %dma_start3A_775 = tpu.memref_slice %arg2[%dma_start3A_773, %dma_start3A_774] : memref<1024000x128xf32, #tpu.memory_space<hbm>> -> memref<1024000x128xf32, #tpu.memory_space<hbm>>
    tpu.enqueue_indirect_dma source(%dma_start3A_775 : memref<1024000x128xf32, #tpu.memory_space<hbm>>) target(%arg14 : memref<160x128xf32, #tpu.memory_space<vmem>>) offsets(%arg9 : memref<160xi32, #tpu.memory_space<vmem>>) semaphore(%arg18 : memref<!tpu.dma_semaphore, #tpu.memory_space<semaphore_mem>>)
    %add3A_776 = arith.constant 0 : i32
    %add3A_777 = vector.broadcast %add3A_776 : i32 to vector<16xi32>
    %add3A_778 = arith.addi %add3A_777, %iota3A : vector<16xi32>
    %add3A_779 = arith.constant 0 : i32
    %add3A_780 = arith.addi %select_n3A_11, %add3A_779 : i32
    %get3A_781 = arith.constant 15 : i32
    %get3A_782 = arith.index_cast %get3A_781 : i32 to index
    %get3A_783 = arith.index_cast %add3A_780 : i32 to index
    %get3A_784 = tpu.vector_load %arg6[%get3A_782, %get3A_783] {strides = array<i32>} : memref<56x128xi32, #tpu.memory_space<vmem>>, vector<1x16xi32>,
    %get3A_785 = vector.shape_cast %get3A_784 : vector<1x16xi32> to vector<16xi32>
    %add3A_786 = vector.broadcast %mul3A_2 : i32 to vector<16xi32>
    %add3A_787 = arith.addi %add3A_786, %add3A_778 : vector<16xi32>
    %mul3A_788 = arith.constant 1000 : i32
    %mul3A_789 = vector.broadcast %mul3A_788 : i32 to vector<16xi32>
    %mul3A_790 = arith.muli %add3A_787, %mul3A_789 : vector<16xi32>
    %add3A_791 = arith.constant 300 : i32
    %add3A_792 = vector.broadcast %add3A_791 : i32 to vector<16xi32>
    %add3A_793 = arith.addi %mul3A_790, %add3A_792 : vector<16xi32>
    %add3A_794 = arith.addi %add3A_793, %get3A_785 : vector<16xi32>
    %swap3A_795 = arith.constant 0 : index
    %swap3A_796 = tpu.vector_load %arg10[%swap3A_795] {strides = array<i32>} : memref<160xi32, #tpu.memory_space<vmem>>, vector<16xi32>,
    %swap3A_797 = vector.shape_cast %swap3A_796 : vector<16xi32> to vector<16xi32>
    %swap3A_798 = vector.shape_cast %add3A_794 : vector<16xi32> to vector<16xi32>
    tpu.vector_store %arg10[%swap3A_795], %swap3A_798 {strides = array<i32>} : memref<160xi32, #tpu.memory_space<vmem>>, vector<16xi32>,
    %add3A_799 = arith.constant 16 : i32
    %add3A_800 = vector.broadcast %add3A_799 : i32 to vector<16xi32>
    %add3A_801 = arith.addi %add3A_800, %iota3A : vector<16xi32>
    %add3A_802 = arith.constant 16 : i32
    %add3A_803 = arith.addi %select_n3A_11, %add3A_802 : i32
    %get3A_804 = arith.constant 15 : i32
    %get3A_805 = arith.index_cast %get3A_804 : i32 to index
    %get3A_806 = arith.index_cast %add3A_803 : i32 to index
    %get3A_807 = tpu.vector_load %arg6[%get3A_805, %get3A_806] {strides = array<i32>} : memref<56x128xi32, #tpu.memory_space<vmem>>, vector<1x16xi32>,
    %get3A_808 = vector.shape_cast %get3A_807 : vector<1x16xi32> to vector<16xi32>
    %add3A_809 = vector.broadcast %mul3A_2 : i32 to vector<16xi32>
    %add3A_810 = arith.addi %add3A_809, %add3A_801 : vector<16xi32>
    %mul3A_811 = arith.constant 1000 : i32
    %mul3A_812 = vector.broadcast %mul3A_811 : i32 to vector<16xi32>
    %mul3A_813 = arith.muli %add3A_810, %mul3A_812 : vector<16xi32>
    %add3A_814 = arith.constant 300 : i32
    %add3A_815 = vector.broadcast %add3A_814 : i32 to vector<16xi32>
    %add3A_816 = arith.addi %mul3A_813, %add3A_815 : vector<16xi32>
    %add3A_817 = arith.addi %add3A_816, %get3A_808 : vector<16xi32>
    %swap3A_818 = arith.constant 16 : index
    %swap3A_819 = tpu.vector_load %arg10[%swap3A_818] {strides = array<i32>} : memref<160xi32, #tpu.memory_space<vmem>>, vector<16xi32>,
    %swap3A_820 = vector.shape_cast %swap3A_819 : vector<16xi32> to vector<16xi32>
    %swap3A_821 = vector.shape_cast %add3A_817 : vector<16xi32> to vector<16xi32>
    tpu.vector_store %arg10[%swap3A_818], %swap3A_821 {strides = array<i32>} : memref<160xi32, #tpu.memory_space<vmem>>, vector<16xi32>,
    %add3A_822 = arith.constant 0 : i32
    %add3A_823 = vector.broadcast %add3A_822 : i32 to vector<16xi32>
    %add3A_824 = arith.addi %add3A_823, %iota3A : vector<16xi32>
    %add3A_825 = arith.constant 0 : i32
    %add3A_826 = arith.addi %select_n3A_11, %add3A_825 : i32
    %get3A_827 = arith.constant 16 : i32
    %get3A_828 = arith.index_cast %get3A_827 : i32 to index
    %get3A_829 = arith.index_cast %add3A_826 : i32 to index
    %get3A_830 = tpu.vector_load %arg6[%get3A_828, %get3A_829] {strides = array<i32>} : memref<56x128xi32, #tpu.memory_space<vmem>>, vector<1x16xi32>,
    %get3A_831 = vector.shape_cast %get3A_830 : vector<1x16xi32> to vector<16xi32>
    %add3A_832 = vector.broadcast %mul3A_2 : i32 to vector<16xi32>
    %add3A_833 = arith.addi %add3A_832, %add3A_824 : vector<16xi32>
    %mul3A_834 = arith.constant 1000 : i32
    %mul3A_835 = vector.broadcast %mul3A_834 : i32 to vector<16xi32>
    %mul3A_836 = arith.muli %add3A_833, %mul3A_835 : vector<16xi32>
    %add3A_837 = arith.constant 320 : i32
    %add3A_838 = vector.broadcast %add3A_837 : i32 to vector<16xi32>
    %add3A_839 = arith.addi %mul3A_836, %add3A_838 : vector<16xi32>
    %add3A_840 = arith.addi %add3A_839, %get3A_831 : vector<16xi32>
    %swap3A_841 = arith.constant 32 : index
    %swap3A_842 = tpu.vector_load %arg10[%swap3A_841] {strides = array<i32>} : memref<160xi32, #tpu.memory_space<vmem>>, vector<16xi32>,
    %swap3A_843 = vector.shape_cast %swap3A_842 : vector<16xi32> to vector<16xi32>
    %swap3A_844 = vector.shape_cast %add3A_840 : vector<16xi32> to vector<16xi32>
    tpu.vector_store %arg10[%swap3A_841], %swap3A_844 {strides = array<i32>} : memref<160xi32, #tpu.memory_space<vmem>>, vector<16xi32>,
    %add3A_845 = arith.constant 16 : i32
    %add3A_846 = vector.broadcast %add3A_845 : i32 to vector<16xi32>
    %add3A_847 = arith.addi %add3A_846, %iota3A : vector<16xi32>
    %add3A_848 = arith.constant 16 : i32
    %add3A_849 = arith.addi %select_n3A_11, %add3A_848 : i32
    %get3A_850 = arith.constant 16 : i32
    %get3A_851 = arith.index_cast %get3A_850 : i32 to index
    %get3A_852 = arith.index_cast %add3A_849 : i32 to index
    %get3A_853 = tpu.vector_load %arg6[%get3A_851, %get3A_852] {strides = array<i32>} : memref<56x128xi32, #tpu.memory_space<vmem>>, vector<1x16xi32>,
    %get3A_854 = vector.shape_cast %get3A_853 : vector<1x16xi32> to vector<16xi32>
    %add3A_855 = vector.broadcast %mul3A_2 : i32 to vector<16xi32>
    %add3A_856 = arith.addi %add3A_855, %add3A_847 : vector<16xi32>
    %mul3A_857 = arith.constant 1000 : i32
    %mul3A_858 = vector.broadcast %mul3A_857 : i32 to vector<16xi32>
    %mul3A_859 = arith.muli %add3A_856, %mul3A_858 : vector<16xi32>
    %add3A_860 = arith.constant 320 : i32
    %add3A_861 = vector.broadcast %add3A_860 : i32 to vector<16xi32>
    %add3A_862 = arith.addi %mul3A_859, %add3A_861 : vector<16xi32>
    %add3A_863 = arith.addi %add3A_862, %get3A_854 : vector<16xi32>
    %swap3A_864 = arith.constant 48 : index
    %swap3A_865 = tpu.vector_load %arg10[%swap3A_864] {strides = array<i32>} : memref<160xi32, #tpu.memory_space<vmem>>, vector<16xi32>,
    %swap3A_866 = vector.shape_cast %swap3A_865 : vector<16xi32> to vector<16xi32>
    %swap3A_867 = vector.shape_cast %add3A_863 : vector<16xi32> to vector<16xi32>
    tpu.vector_store %arg10[%swap3A_864], %swap3A_867 {strides = array<i32>} : memref<160xi32, #tpu.memory_space<vmem>>, vector<16xi32>,
    %add3A_868 = arith.constant 0 : i32
    %add3A_869 = vector.broadcast %add3A_868 : i32 to vector<16xi32>
    %add3A_870 = arith.addi %add3A_869, %iota3A : vector<16xi32>
    %add3A_871 = arith.constant 0 : i32
    %add3A_872 = arith.addi %select_n3A_11, %add3A_871 : i32
    %get3A_873 = arith.constant 17 : i32
    %get3A_874 = arith.index_cast %get3A_873 : i32 to index
    %get3A_875 = arith.index_cast %add3A_872 : i32 to index
    %get3A_876 = tpu.vector_load %arg6[%get3A_874, %get3A_875] {strides = array<i32>} : memref<56x128xi32, #tpu.memory_space<vmem>>, vector<1x16xi32>,
    %get3A_877 = vector.shape_cast %get3A_876 : vector<1x16xi32> to vector<16xi32>
    %add3A_878 = vector.broadcast %mul3A_2 : i32 to vector<16xi32>
    %add3A_879 = arith.addi %add3A_878, %add3A_870 : vector<16xi32>
    %mul3A_880 = arith.constant 1000 : i32
    %mul3A_881 = vector.broadcast %mul3A_880 : i32 to vector<16xi32>
    %mul3A_882 = arith.muli %add3A_879, %mul3A_881 : vector<16xi32>
    %add3A_883 = arith.constant 340 : i32
    %add3A_884 = vector.broadcast %add3A_883 : i32 to vector<16xi32>
    %add3A_885 = arith.addi %mul3A_882, %add3A_884 : vector<16xi32>
    %add3A_886 = arith.addi %add3A_885, %get3A_877 : vector<16xi32>
    %swap3A_887 = arith.constant 64 : index
    %swap3A_888 = tpu.vector_load %arg10[%swap3A_887] {strides = array<i32>} : memref<160xi32, #tpu.memory_space<vmem>>, vector<16xi32>,
    %swap3A_889 = vector.shape_cast %swap3A_888 : vector<16xi32> to vector<16xi32>
    %swap3A_890 = vector.shape_cast %add3A_886 : vector<16xi32> to vector<16xi32>
    tpu.vector_store %arg10[%swap3A_887], %swap3A_890 {strides = array<i32>} : memref<160xi32, #tpu.memory_space<vmem>>, vector<16xi32>,
    %add3A_891 = arith.constant 16 : i32
    %add3A_892 = vector.broadcast %add3A_891 : i32 to vector<16xi32>
    %add3A_893 = arith.addi %add3A_892, %iota3A : vector<16xi32>
    %add3A_894 = arith.constant 16 : i32
    %add3A_895 = arith.addi %select_n3A_11, %add3A_894 : i32
    %get3A_896 = arith.constant 17 : i32
    %get3A_897 = arith.index_cast %get3A_896 : i32 to index
    %get3A_898 = arith.index_cast %add3A_895 : i32 to index
    %get3A_899 = tpu.vector_load %arg6[%get3A_897, %get3A_898] {strides = array<i32>} : memref<56x128xi32, #tpu.memory_space<vmem>>, vector<1x16xi32>,
    %get3A_900 = vector.shape_cast %get3A_899 : vector<1x16xi32> to vector<16xi32>
    %add3A_901 = vector.broadcast %mul3A_2 : i32 to vector<16xi32>
    %add3A_902 = arith.addi %add3A_901, %add3A_893 : vector<16xi32>
    %mul3A_903 = arith.constant 1000 : i32
    %mul3A_904 = vector.broadcast %mul3A_903 : i32 to vector<16xi32>
    %mul3A_905 = arith.muli %add3A_902, %mul3A_904 : vector<16xi32>
    %add3A_906 = arith.constant 340 : i32
    %add3A_907 = vector.broadcast %add3A_906 : i32 to vector<16xi32>
    %add3A_908 = arith.addi %mul3A_905, %add3A_907 : vector<16xi32>
    %add3A_909 = arith.addi %add3A_908, %get3A_900 : vector<16xi32>
    %swap3A_910 = arith.constant 80 : index
    %swap3A_911 = tpu.vector_load %arg10[%swap3A_910] {strides = array<i32>} : memref<160xi32, #tpu.memory_space<vmem>>, vector<16xi32>,
    %swap3A_912 = vector.shape_cast %swap3A_911 : vector<16xi32> to vector<16xi32>
    %swap3A_913 = vector.shape_cast %add3A_909 : vector<16xi32> to vector<16xi32>
    tpu.vector_store %arg10[%swap3A_910], %swap3A_913 {strides = array<i32>} : memref<160xi32, #tpu.memory_space<vmem>>, vector<16xi32>,
    %add3A_914 = arith.constant 0 : i32
    %add3A_915 = vector.broadcast %add3A_914 : i32 to vector<16xi32>
    %add3A_916 = arith.addi %add3A_915, %iota3A : vector<16xi32>
    %add3A_917 = arith.constant 0 : i32
    %add3A_918 = arith.addi %select_n3A_11, %add3A_917 : i32
    %get3A_919 = arith.constant 18 : i32
    %get3A_920 = arith.index_cast %get3A_919 : i32 to index
    %get3A_921 = arith.index_cast %add3A_918 : i32 to index
    %get3A_922 = tpu.vector_load %arg6[%get3A_920, %get3A_921] {strides = array<i32>} : memref<56x128xi32, #tpu.memory_space<vmem>>, vector<1x16xi32>,
    %get3A_923 = vector.shape_cast %get3A_922 : vector<1x16xi32> to vector<16xi32>
    %add3A_924 = vector.broadcast %mul3A_2 : i32 to vector<16xi32>
    %add3A_925 = arith.addi %add3A_924, %add3A_916 : vector<16xi32>
    %mul3A_926 = arith.constant 1000 : i32
    %mul3A_927 = vector.broadcast %mul3A_926 : i32 to vector<16xi32>
    %mul3A_928 = arith.muli %add3A_925, %mul3A_927 : vector<16xi32>
    %add3A_929 = arith.constant 360 : i32
    %add3A_930 = vector.broadcast %add3A_929 : i32 to vector<16xi32>
    %add3A_931 = arith.addi %mul3A_928, %add3A_930 : vector<16xi32>
    %add3A_932 = arith.addi %add3A_931, %get3A_923 : vector<16xi32>
    %swap3A_933 = arith.constant 96 : index
    %swap3A_934 = tpu.vector_load %arg10[%swap3A_933] {strides = array<i32>} : memref<160xi32, #tpu.memory_space<vmem>>, vector<16xi32>,
    %swap3A_935 = vector.shape_cast %swap3A_934 : vector<16xi32> to vector<16xi32>
    %swap3A_936 = vector.shape_cast %add3A_932 : vector<16xi32> to vector<16xi32>
    tpu.vector_store %arg10[%swap3A_933], %swap3A_936 {strides = array<i32>} : memref<160xi32, #tpu.memory_space<vmem>>, vector<16xi32>,
    %add3A_937 = arith.constant 16 : i32
    %add3A_938 = vector.broadcast %add3A_937 : i32 to vector<16xi32>
    %add3A_939 = arith.addi %add3A_938, %iota3A : vector<16xi32>
    %add3A_940 = arith.constant 16 : i32
    %add3A_941 = arith.addi %select_n3A_11, %add3A_940 : i32
    %get3A_942 = arith.constant 18 : i32
    %get3A_943 = arith.index_cast %get3A_942 : i32 to index
    %get3A_944 = arith.index_cast %add3A_941 : i32 to index
    %get3A_945 = tpu.vector_load %arg6[%get3A_943, %get3A_944] {strides = array<i32>} : memref<56x128xi32, #tpu.memory_space<vmem>>, vector<1x16xi32>,
    %get3A_946 = vector.shape_cast %get3A_945 : vector<1x16xi32> to vector<16xi32>
    %add3A_947 = vector.broadcast %mul3A_2 : i32 to vector<16xi32>
    %add3A_948 = arith.addi %add3A_947, %add3A_939 : vector<16xi32>
    %mul3A_949 = arith.constant 1000 : i32
    %mul3A_950 = vector.broadcast %mul3A_949 : i32 to vector<16xi32>
    %mul3A_951 = arith.muli %add3A_948, %mul3A_950 : vector<16xi32>
    %add3A_952 = arith.constant 360 : i32
    %add3A_953 = vector.broadcast %add3A_952 : i32 to vector<16xi32>
    %add3A_954 = arith.addi %mul3A_951, %add3A_953 : vector<16xi32>
    %add3A_955 = arith.addi %add3A_954, %get3A_946 : vector<16xi32>
    %swap3A_956 = arith.constant 112 : index
    %swap3A_957 = tpu.vector_load %arg10[%swap3A_956] {strides = array<i32>} : memref<160xi32, #tpu.memory_space<vmem>>, vector<16xi32>,
    %swap3A_958 = vector.shape_cast %swap3A_957 : vector<16xi32> to vector<16xi32>
    %swap3A_959 = vector.shape_cast %add3A_955 : vector<16xi32> to vector<16xi32>
    tpu.vector_store %arg10[%swap3A_956], %swap3A_959 {strides = array<i32>} : memref<160xi32, #tpu.memory_space<vmem>>, vector<16xi32>,
    %add3A_960 = arith.constant 0 : i32
    %add3A_961 = vector.broadcast %add3A_960 : i32 to vector<16xi32>
    %add3A_962 = arith.addi %add3A_961, %iota3A : vector<16xi32>
    %add3A_963 = arith.constant 0 : i32
    %add3A_964 = arith.addi %select_n3A_11, %add3A_963 : i32
    %get3A_965 = arith.constant 19 : i32
    %get3A_966 = arith.index_cast %get3A_965 : i32 to index
    %get3A_967 = arith.index_cast %add3A_964 : i32 to index
    %get3A_968 = tpu.vector_load %arg6[%get3A_966, %get3A_967] {strides = array<i32>} : memref<56x128xi32, #tpu.memory_space<vmem>>, vector<1x16xi32>,
    %get3A_969 = vector.shape_cast %get3A_968 : vector<1x16xi32> to vector<16xi32>
    %add3A_970 = vector.broadcast %mul3A_2 : i32 to vector<16xi32>
    %add3A_971 = arith.addi %add3A_970, %add3A_962 : vector<16xi32>
    %mul3A_972 = arith.constant 1000 : i32
    %mul3A_973 = vector.broadcast %mul3A_972 : i32 to vector<16xi32>
    %mul3A_974 = arith.muli %add3A_971, %mul3A_973 : vector<16xi32>
    %add3A_975 = arith.constant 380 : i32
    %add3A_976 = vector.broadcast %add3A_975 : i32 to vector<16xi32>
    %add3A_977 = arith.addi %mul3A_974, %add3A_976 : vector<16xi32>
    %add3A_978 = arith.addi %add3A_977, %get3A_969 : vector<16xi32>
    %swap3A_979 = arith.constant 128 : index
    %swap3A_980 = tpu.vector_load %arg10[%swap3A_979] {strides = array<i32>} : memref<160xi32, #tpu.memory_space<vmem>>, vector<16xi32>,
    %swap3A_981 = vector.shape_cast %swap3A_980 : vector<16xi32> to vector<16xi32>
    %swap3A_982 = vector.shape_cast %add3A_978 : vector<16xi32> to vector<16xi32>
    tpu.vector_store %arg10[%swap3A_979], %swap3A_982 {strides = array<i32>} : memref<160xi32, #tpu.memory_space<vmem>>, vector<16xi32>,
    %add3A_983 = arith.constant 16 : i32
    %add3A_984 = vector.broadcast %add3A_983 : i32 to vector<16xi32>
    %add3A_985 = arith.addi %add3A_984, %iota3A : vector<16xi32>
    %add3A_986 = arith.constant 16 : i32
    %add3A_987 = arith.addi %select_n3A_11, %add3A_986 : i32
    %get3A_988 = arith.constant 19 : i32
    %get3A_989 = arith.index_cast %get3A_988 : i32 to index
    %get3A_990 = arith.index_cast %add3A_987 : i32 to index
    %get3A_991 = tpu.vector_load %arg6[%get3A_989, %get3A_990] {strides = array<i32>} : memref<56x128xi32, #tpu.memory_space<vmem>>, vector<1x16xi32>,
    %get3A_992 = vector.shape_cast %get3A_991 : vector<1x16xi32> to vector<16xi32>
    %add3A_993 = vector.broadcast %mul3A_2 : i32 to vector<16xi32>
    %add3A_994 = arith.addi %add3A_993, %add3A_985 : vector<16xi32>
    %mul3A_995 = arith.constant 1000 : i32
    %mul3A_996 = vector.broadcast %mul3A_995 : i32 to vector<16xi32>
    %mul3A_997 = arith.muli %add3A_994, %mul3A_996 : vector<16xi32>
    %add3A_998 = arith.constant 380 : i32
    %add3A_999 = vector.broadcast %add3A_998 : i32 to vector<16xi32>
    %add3A_1000 = arith.addi %mul3A_997, %add3A_999 : vector<16xi32>
    %add3A_1001 = arith.addi %add3A_1000, %get3A_992 : vector<16xi32>
    %swap3A_1002 = arith.constant 144 : index
    %swap3A_1003 = tpu.vector_load %arg10[%swap3A_1002] {strides = array<i32>} : memref<160xi32, #tpu.memory_space<vmem>>, vector<16xi32>,
    %swap3A_1004 = vector.shape_cast %swap3A_1003 : vector<16xi32> to vector<16xi32>
    %swap3A_1005 = vector.shape_cast %add3A_1001 : vector<16xi32> to vector<16xi32>
    tpu.vector_store %arg10[%swap3A_1002], %swap3A_1005 {strides = array<i32>} : memref<160xi32, #tpu.memory_space<vmem>>, vector<16xi32>,
    %dma_start3A_1006 = arith.constant 0 : i32
    %dma_start3A_1007 = arith.constant 0 : i32
    %dma_start3A_1008 = tpu.memref_slice %arg2[%dma_start3A_1006, %dma_start3A_1007] : memref<1024000x128xf32, #tpu.memory_space<hbm>> -> memref<1024000x128xf32, #tpu.memory_space<hbm>>
    tpu.enqueue_indirect_dma source(%dma_start3A_1008 : memref<1024000x128xf32, #tpu.memory_space<hbm>>) target(%arg15 : memref<160x128xf32, #tpu.memory_space<vmem>>) offsets(%arg10 : memref<160xi32, #tpu.memory_space<vmem>>) semaphore(%arg18 : memref<!tpu.dma_semaphore, #tpu.memory_space<semaphore_mem>>)
    %dma_wait3A_1009 = arith.constant 0 : i32
    %dma_wait3A_1010 = arith.constant 0 : i32
    %dma_wait3A_1011 = tpu.memref_slice %arg17[%dma_wait3A_1009, %dma_wait3A_1010] : memref<32x128xf32, #tpu.memory_space<vmem>> -> memref<1x128xf32, #tpu.memory_space<vmem>>
    %dma_wait3A_1012 = arith.constant 0 : i32
    %dma_wait3A_1013 = arith.constant 0 : i32
    %dma_wait3A_1014 = tpu.memref_slice %arg17[%dma_wait3A_1012, %dma_wait3A_1013] : memref<32x128xf32, #tpu.memory_space<vmem>> -> memref<1x128xf32, #tpu.memory_space<vmem>>
    tpu.wait_dma2 semaphore(%arg19 : memref<!tpu.dma_semaphore, #tpu.memory_space<semaphore_mem>>) src(%arg4 : memref<1x128xf32, #tpu.memory_space<hbm>>) dst(%dma_wait3A_1014 : memref<1x128xf32, #tpu.memory_space<vmem>>)
    %get3A_1015 = arith.constant 0 : i32
    %get3A_1016 = arith.index_cast %get3A_1015 : i32 to index
    %get3A_1017 = arith.constant 0 : index
    %get3A_1018 = tpu.vector_load %arg17[%get3A_1016, %get3A_1017] {strides = array<i32>} : memref<32x128xf32, #tpu.memory_space<vmem>>, vector<1x16xf32>,
    %get3A_1019 = vector.shape_cast %get3A_1018 : vector<1x16xf32> to vector<16xf32>
    %get3A_1020 = arith.constant 0 : i32
    %get3A_1021 = arith.index_cast %get3A_1020 : i32 to index
    %get3A_1022 = arith.constant 16 : index
    %get3A_1023 = tpu.vector_load %arg17[%get3A_1021, %get3A_1022] {strides = array<i32>} : memref<32x128xf32, #tpu.memory_space<vmem>>, vector<1x16xf32>,
    %get3A_1024 = vector.shape_cast %get3A_1023 : vector<1x16xf32> to vector<16xf32>
    %get3A_1025 = arith.constant 0 : i32
    %get3A_1026 = arith.index_cast %get3A_1025 : i32 to index
    %get3A_1027 = arith.constant 32 : index
    %get3A_1028 = tpu.vector_load %arg17[%get3A_1026, %get3A_1027] {strides = array<i32>} : memref<32x128xf32, #tpu.memory_space<vmem>>, vector<1x16xf32>,
    %get3A_1029 = vector.shape_cast %get3A_1028 : vector<1x16xf32> to vector<16xf32>
    %get3A_1030 = arith.constant 0 : i32
    %get3A_1031 = arith.index_cast %get3A_1030 : i32 to index
    %get3A_1032 = arith.constant 48 : index
    %get3A_1033 = tpu.vector_load %arg17[%get3A_1031, %get3A_1032] {strides = array<i32>} : memref<32x128xf32, #tpu.memory_space<vmem>>, vector<1x16xf32>,
    %get3A_1034 = vector.shape_cast %get3A_1033 : vector<1x16xf32> to vector<16xf32>
    %get3A_1035 = arith.constant 0 : i32
    %get3A_1036 = arith.index_cast %get3A_1035 : i32 to index
    %get3A_1037 = arith.constant 64 : index
    %get3A_1038 = tpu.vector_load %arg17[%get3A_1036, %get3A_1037] {strides = array<i32>} : memref<32x128xf32, #tpu.memory_space<vmem>>, vector<1x16xf32>,
    %get3A_1039 = vector.shape_cast %get3A_1038 : vector<1x16xf32> to vector<16xf32>
    %get3A_1040 = arith.constant 0 : i32
    %get3A_1041 = arith.index_cast %get3A_1040 : i32 to index
    %get3A_1042 = arith.constant 80 : index
    %get3A_1043 = tpu.vector_load %arg17[%get3A_1041, %get3A_1042] {strides = array<i32>} : memref<32x128xf32, #tpu.memory_space<vmem>>, vector<1x16xf32>,
    %get3A_1044 = vector.shape_cast %get3A_1043 : vector<1x16xf32> to vector<16xf32>
    %get3A_1045 = arith.constant 0 : i32
    %get3A_1046 = arith.index_cast %get3A_1045 : i32 to index
    %get3A_1047 = arith.constant 96 : index
    %get3A_1048 = tpu.vector_load %arg17[%get3A_1046, %get3A_1047] {strides = array<i32>} : memref<32x128xf32, #tpu.memory_space<vmem>>, vector<1x16xf32>,
    %get3A_1049 = vector.shape_cast %get3A_1048 : vector<1x16xf32> to vector<16xf32>
    %get3A_1050 = arith.constant 0 : i32
    %get3A_1051 = arith.index_cast %get3A_1050 : i32 to index
    %get3A_1052 = arith.constant 112 : index
    %get3A_1053 = tpu.vector_load %arg17[%get3A_1051, %get3A_1052] {strides = array<i32>} : memref<32x128xf32, #tpu.memory_space<vmem>>, vector<1x16xf32>,
    %get3A_1054 = vector.shape_cast %get3A_1053 : vector<1x16xf32> to vector<16xf32>
    %scan3A = arith.constant 0 : i32
    %scan3A_1055 = arith.constant 1 : i32
    %scan3A_1056 = arith.constant 31 : i32
    %scan3A_1057 = arith.addi %scan3A_1055, %scan3A_1056 : i32
    %scan3A_1058 = arith.constant 1 : i32
    scf.for %scan3A_3788 = %scan3A_1055 to %scan3A_1057 step %scan3A_1058  : i32 {
      %swap3A_3789 = arith.index_cast %scan3A_3788 : i32 to index
      %swap3A_3790 = arith.constant 0 : index
      %swap3A_3791 = tpu.vector_load %arg17[%swap3A_3789, %swap3A_3790] {strides = array<i32>} : memref<32x128xf32, #tpu.memory_space<vmem>>, vector<1x16xf32>,
      %swap3A_3792 = vector.shape_cast %swap3A_3791 : vector<1x16xf32> to vector<16xf32>
      %swap3A_3793 = vector.shape_cast %get3A_1019 : vector<16xf32> to vector<1x16xf32>
      tpu.vector_store %arg17[%swap3A_3789, %swap3A_3790], %swap3A_3793 {strides = array<i32>} : memref<32x128xf32, #tpu.memory_space<vmem>>, vector<1x16xf32>,
      %swap3A_3794 = arith.index_cast %scan3A_3788 : i32 to index
      %swap3A_3795 = arith.constant 16 : index
      %swap3A_3796 = tpu.vector_load %arg17[%swap3A_3794, %swap3A_3795] {strides = array<i32>} : memref<32x128xf32, #tpu.memory_space<vmem>>, vector<1x16xf32>,
      %swap3A_3797 = vector.shape_cast %swap3A_3796 : vector<1x16xf32> to vector<16xf32>
      %swap3A_3798 = vector.shape_cast %get3A_1024 : vector<16xf32> to vector<1x16xf32>
      tpu.vector_store %arg17[%swap3A_3794, %swap3A_3795], %swap3A_3798 {strides = array<i32>} : memref<32x128xf32, #tpu.memory_space<vmem>>, vector<1x16xf32>,
      %swap3A_3799 = arith.index_cast %scan3A_3788 : i32 to index
      %swap3A_3800 = arith.constant 32 : index
      %swap3A_3801 = tpu.vector_load %arg17[%swap3A_3799, %swap3A_3800] {strides = array<i32>} : memref<32x128xf32, #tpu.memory_space<vmem>>, vector<1x16xf32>,
      %swap3A_3802 = vector.shape_cast %swap3A_3801 : vector<1x16xf32> to vector<16xf32>
      %swap3A_3803 = vector.shape_cast %get3A_1029 : vector<16xf32> to vector<1x16xf32>
      tpu.vector_store %arg17[%swap3A_3799, %swap3A_3800], %swap3A_3803 {strides = array<i32>} : memref<32x128xf32, #tpu.memory_space<vmem>>, vector<1x16xf32>,
      %swap3A_3804 = arith.index_cast %scan3A_3788 : i32 to index
      %swap3A_3805 = arith.constant 48 : index
      %swap3A_3806 = tpu.vector_load %arg17[%swap3A_3804, %swap3A_3805] {strides = array<i32>} : memref<32x128xf32, #tpu.memory_space<vmem>>, vector<1x16xf32>,
      %swap3A_3807 = vector.shape_cast %swap3A_3806 : vector<1x16xf32> to vector<16xf32>
      %swap3A_3808 = vector.shape_cast %get3A_1034 : vector<16xf32> to vector<1x16xf32>
      tpu.vector_store %arg17[%swap3A_3804, %swap3A_3805], %swap3A_3808 {strides = array<i32>} : memref<32x128xf32, #tpu.memory_space<vmem>>, vector<1x16xf32>,
      %swap3A_3809 = arith.index_cast %scan3A_3788 : i32 to index
      %swap3A_3810 = arith.constant 64 : index
      %swap3A_3811 = tpu.vector_load %arg17[%swap3A_3809, %swap3A_3810] {strides = array<i32>} : memref<32x128xf32, #tpu.memory_space<vmem>>, vector<1x16xf32>,
      %swap3A_3812 = vector.shape_cast %swap3A_3811 : vector<1x16xf32> to vector<16xf32>
      %swap3A_3813 = vector.shape_cast %get3A_1039 : vector<16xf32> to vector<1x16xf32>
      tpu.vector_store %arg17[%swap3A_3809, %swap3A_3810], %swap3A_3813 {strides = array<i32>} : memref<32x128xf32, #tpu.memory_space<vmem>>, vector<1x16xf32>,
      %swap3A_3814 = arith.index_cast %scan3A_3788 : i32 to index
      %swap3A_3815 = arith.constant 80 : index
      %swap3A_3816 = tpu.vector_load %arg17[%swap3A_3814, %swap3A_3815] {strides = array<i32>} : memref<32x128xf32, #tpu.memory_space<vmem>>, vector<1x16xf32>,
      %swap3A_3817 = vector.shape_cast %swap3A_3816 : vector<1x16xf32> to vector<16xf32>
      %swap3A_3818 = vector.shape_cast %get3A_1044 : vector<16xf32> to vector<1x16xf32>
      tpu.vector_store %arg17[%swap3A_3814, %swap3A_3815], %swap3A_3818 {strides = array<i32>} : memref<32x128xf32, #tpu.memory_space<vmem>>, vector<1x16xf32>,
      %swap3A_3819 = arith.index_cast %scan3A_3788 : i32 to index
      %swap3A_3820 = arith.constant 96 : index
      %swap3A_3821 = tpu.vector_load %arg17[%swap3A_3819, %swap3A_3820] {strides = array<i32>} : memref<32x128xf32, #tpu.memory_space<vmem>>, vector<1x16xf32>,
      %swap3A_3822 = vector.shape_cast %swap3A_3821 : vector<1x16xf32> to vector<16xf32>
      %swap3A_3823 = vector.shape_cast %get3A_1049 : vector<16xf32> to vector<1x16xf32>
      tpu.vector_store %arg17[%swap3A_3819, %swap3A_3820], %swap3A_3823 {strides = array<i32>} : memref<32x128xf32, #tpu.memory_space<vmem>>, vector<1x16xf32>,
      %swap3A_3824 = arith.index_cast %scan3A_3788 : i32 to index
      %swap3A_3825 = arith.constant 112 : index
      %swap3A_3826 = tpu.vector_load %arg17[%swap3A_3824, %swap3A_3825] {strides = array<i32>} : memref<32x128xf32, #tpu.memory_space<vmem>>, vector<1x16xf32>,
      %swap3A_3827 = vector.shape_cast %swap3A_3826 : vector<1x16xf32> to vector<16xf32>
      %swap3A_3828 = vector.shape_cast %get3A_1054 : vector<16xf32> to vector<1x16xf32>
      tpu.vector_store %arg17[%swap3A_3824, %swap3A_3825], %swap3A_3828 {strides = array<i32>} : memref<32x128xf32, #tpu.memory_space<vmem>>, vector<1x16xf32>,
    }
    %scan3A_1059 = arith.constant 31 : i32
    %run_scoped3A = arith.constant 0 : i32
    "tpu.region"() ({
      %run_scoped3A_3788 = tpu.sem_alloc : memref<!tpu.dma_semaphore, #tpu.memory_space<semaphore_mem>>
      %dma_start3A_3789 = arith.constant 0 : i32
      %dma_start3A_3790 = tpu.memref_slice %arg5[%run_scoped3A, %mul3A_2, %dma_start3A_3789] : memref<51x1024x128xf32, #tpu.memory_space<hbm>> -> memref<1x32x128xf32, #tpu.memory_space<hbm>>
      %dma_start3A_3791 = tpu.memref_squeeze %dma_start3A_3790 : memref<1x32x128xf32, #tpu.memory_space<hbm>> -> memref<32x128xf32, #tpu.memory_space<hbm>>
      %dma_start3A_3792 = arith.constant 0 : i32
      %dma_start3A_3793 = tpu.memref_slice %arg5[%run_scoped3A, %mul3A_2, %dma_start3A_3792] : memref<51x1024x128xf32, #tpu.memory_space<hbm>> -> memref<1x32x128xf32, #tpu.memory_space<hbm>>
      %dma_start3A_3794 = tpu.memref_squeeze %dma_start3A_3793 : memref<1x32x128xf32, #tpu.memory_space<hbm>> -> memref<32x128xf32, #tpu.memory_space<hbm>>
      tpu.enqueue_dma source(%arg17 : memref<32x128xf32, #tpu.memory_space<vmem>>) target(%dma_start3A_3794 : memref<32x128xf32, #tpu.memory_space<hbm>>) target_semaphore(%run_scoped3A_3788 : memref<!tpu.dma_semaphore, #tpu.memory_space<semaphore_mem>>)
      %dma_wait3A_3795 = arith.constant 0 : i32
      %dma_wait3A_3796 = tpu.memref_slice %arg5[%run_scoped3A, %mul3A_2, %dma_wait3A_3795] : memref<51x1024x128xf32, #tpu.memory_space<hbm>> -> memref<1x32x128xf32, #tpu.memory_space<hbm>>
      %dma_wait3A_3797 = tpu.memref_squeeze %dma_wait3A_3796 : memref<1x32x128xf32, #tpu.memory_space<hbm>> -> memref<32x128xf32, #tpu.memory_space<hbm>>
      %dma_wait3A_3798 = arith.constant 0 : i32
      %dma_wait3A_3799 = tpu.memref_slice %arg5[%run_scoped3A, %mul3A_2, %dma_wait3A_3798] : memref<51x1024x128xf32, #tpu.memory_space<hbm>> -> memref<1x32x128xf32, #tpu.memory_space<hbm>>
      %dma_wait3A_3800 = tpu.memref_squeeze %dma_wait3A_3799 : memref<1x32x128xf32, #tpu.memory_space<hbm>> -> memref<32x128xf32, #tpu.memory_space<hbm>>
      tpu.wait_dma2 semaphore(%run_scoped3A_3788 : memref<!tpu.dma_semaphore, #tpu.memory_space<semaphore_mem>>) src(%arg17 : memref<32x128xf32, #tpu.memory_space<vmem>>) dst(%dma_wait3A_3800 : memref<32x128xf32, #tpu.memory_space<hbm>>)
      tpu.yield
    }) : () -> ()
    %add3A_1060 = arith.constant 0 : i32
    %add3A_1061 = vector.broadcast %add3A_1060 : i32 to vector<16xi32>
    %add3A_1062 = arith.addi %add3A_1061, %iota3A : vector<16xi32>
    %add3A_1063 = arith.constant 0 : i32
    %add3A_1064 = arith.addi %select_n3A_11, %add3A_1063 : i32
    %get3A_1065 = arith.constant 20 : i32
    %get3A_1066 = arith.index_cast %get3A_1065 : i32 to index
    %get3A_1067 = arith.index_cast %add3A_1064 : i32 to index
    %get3A_1068 = tpu.vector_load %arg6[%get3A_1066, %get3A_1067] {strides = array<i32>} : memref<56x128xi32, #tpu.memory_space<vmem>>, vector<1x16xi32>,
    %get3A_1069 = vector.shape_cast %get3A_1068 : vector<1x16xi32> to vector<16xi32>
    %add3A_1070 = vector.broadcast %mul3A_2 : i32 to vector<16xi32>
    %add3A_1071 = arith.addi %add3A_1070, %add3A_1062 : vector<16xi32>
    %mul3A_1072 = arith.constant 1000 : i32
    %mul3A_1073 = vector.broadcast %mul3A_1072 : i32 to vector<16xi32>
    %mul3A_1074 = arith.muli %add3A_1071, %mul3A_1073 : vector<16xi32>
    %add3A_1075 = arith.constant 400 : i32
    %add3A_1076 = vector.broadcast %add3A_1075 : i32 to vector<16xi32>
    %add3A_1077 = arith.addi %mul3A_1074, %add3A_1076 : vector<16xi32>
    %add3A_1078 = arith.addi %add3A_1077, %get3A_1069 : vector<16xi32>
    %swap3A_1079 = arith.constant 0 : index
    %swap3A_1080 = tpu.vector_load %arg11[%swap3A_1079] {strides = array<i32>} : memref<160xi32, #tpu.memory_space<vmem>>, vector<16xi32>,
    %swap3A_1081 = vector.shape_cast %swap3A_1080 : vector<16xi32> to vector<16xi32>
    %swap3A_1082 = vector.shape_cast %add3A_1078 : vector<16xi32> to vector<16xi32>
    tpu.vector_store %arg11[%swap3A_1079], %swap3A_1082 {strides = array<i32>} : memref<160xi32, #tpu.memory_space<vmem>>, vector<16xi32>,
    %add3A_1083 = arith.constant 16 : i32
    %add3A_1084 = vector.broadcast %add3A_1083 : i32 to vector<16xi32>
    %add3A_1085 = arith.addi %add3A_1084, %iota3A : vector<16xi32>
    %add3A_1086 = arith.constant 16 : i32
    %add3A_1087 = arith.addi %select_n3A_11, %add3A_1086 : i32
    %get3A_1088 = arith.constant 20 : i32
    %get3A_1089 = arith.index_cast %get3A_1088 : i32 to index
    %get3A_1090 = arith.index_cast %add3A_1087 : i32 to index
    %get3A_1091 = tpu.vector_load %arg6[%get3A_1089, %get3A_1090] {strides = array<i32>} : memref<56x128xi32, #tpu.memory_space<vmem>>, vector<1x16xi32>,
    %get3A_1092 = vector.shape_cast %get3A_1091 : vector<1x16xi32> to vector<16xi32>
    %add3A_1093 = vector.broadcast %mul3A_2 : i32 to vector<16xi32>
    %add3A_1094 = arith.addi %add3A_1093, %add3A_1085 : vector<16xi32>
    %mul3A_1095 = arith.constant 1000 : i32
    %mul3A_1096 = vector.broadcast %mul3A_1095 : i32 to vector<16xi32>
    %mul3A_1097 = arith.muli %add3A_1094, %mul3A_1096 : vector<16xi32>
    %add3A_1098 = arith.constant 400 : i32
    %add3A_1099 = vector.broadcast %add3A_1098 : i32 to vector<16xi32>
    %add3A_1100 = arith.addi %mul3A_1097, %add3A_1099 : vector<16xi32>
    %add3A_1101 = arith.addi %add3A_1100, %get3A_1092 : vector<16xi32>
    %swap3A_1102 = arith.constant 16 : index
    %swap3A_1103 = tpu.vector_load %arg11[%swap3A_1102] {strides = array<i32>} : memref<160xi32, #tpu.memory_space<vmem>>, vector<16xi32>,
    %swap3A_1104 = vector.shape_cast %swap3A_1103 : vector<16xi32> to vector<16xi32>
    %swap3A_1105 = vector.shape_cast %add3A_1101 : vector<16xi32> to vector<16xi32>
    tpu.vector_store %arg11[%swap3A_1102], %swap3A_1105 {strides = array<i32>} : memref<160xi32, #tpu.memory_space<vmem>>, vector<16xi32>,
    %add3A_1106 = arith.constant 0 : i32
    %add3A_1107 = vector.broadcast %add3A_1106 : i32 to vector<16xi32>
    %add3A_1108 = arith.addi %add3A_1107, %iota3A : vector<16xi32>
    %add3A_1109 = arith.constant 0 : i32
    %add3A_1110 = arith.addi %select_n3A_11, %add3A_1109 : i32
    %get3A_1111 = arith.constant 21 : i32
    %get3A_1112 = arith.index_cast %get3A_1111 : i32 to index
    %get3A_1113 = arith.index_cast %add3A_1110 : i32 to index
    %get3A_1114 = tpu.vector_load %arg6[%get3A_1112, %get3A_1113] {strides = array<i32>} : memref<56x128xi32, #tpu.memory_space<vmem>>, vector<1x16xi32>,
    %get3A_1115 = vector.shape_cast %get3A_1114 : vector<1x16xi32> to vector<16xi32>
    %add3A_1116 = vector.broadcast %mul3A_2 : i32 to vector<16xi32>
    %add3A_1117 = arith.addi %add3A_1116, %add3A_1108 : vector<16xi32>
    %mul3A_1118 = arith.constant 1000 : i32
    %mul3A_1119 = vector.broadcast %mul3A_1118 : i32 to vector<16xi32>
    %mul3A_1120 = arith.muli %add3A_1117, %mul3A_1119 : vector<16xi32>
    %add3A_1121 = arith.constant 420 : i32
    %add3A_1122 = vector.broadcast %add3A_1121 : i32 to vector<16xi32>
    %add3A_1123 = arith.addi %mul3A_1120, %add3A_1122 : vector<16xi32>
    %add3A_1124 = arith.addi %add3A_1123, %get3A_1115 : vector<16xi32>
    %swap3A_1125 = arith.constant 32 : index
    %swap3A_1126 = tpu.vector_load %arg11[%swap3A_1125] {strides = array<i32>} : memref<160xi32, #tpu.memory_space<vmem>>, vector<16xi32>,
    %swap3A_1127 = vector.shape_cast %swap3A_1126 : vector<16xi32> to vector<16xi32>
    %swap3A_1128 = vector.shape_cast %add3A_1124 : vector<16xi32> to vector<16xi32>
    tpu.vector_store %arg11[%swap3A_1125], %swap3A_1128 {strides = array<i32>} : memref<160xi32, #tpu.memory_space<vmem>>, vector<16xi32>,
    %add3A_1129 = arith.constant 16 : i32
    %add3A_1130 = vector.broadcast %add3A_1129 : i32 to vector<16xi32>
    %add3A_1131 = arith.addi %add3A_1130, %iota3A : vector<16xi32>
    %add3A_1132 = arith.constant 16 : i32
    %add3A_1133 = arith.addi %select_n3A_11, %add3A_1132 : i32
    %get3A_1134 = arith.constant 21 : i32
    %get3A_1135 = arith.index_cast %get3A_1134 : i32 to index
    %get3A_1136 = arith.index_cast %add3A_1133 : i32 to index
    %get3A_1137 = tpu.vector_load %arg6[%get3A_1135, %get3A_1136] {strides = array<i32>} : memref<56x128xi32, #tpu.memory_space<vmem>>, vector<1x16xi32>,
    %get3A_1138 = vector.shape_cast %get3A_1137 : vector<1x16xi32> to vector<16xi32>
    %add3A_1139 = vector.broadcast %mul3A_2 : i32 to vector<16xi32>
    %add3A_1140 = arith.addi %add3A_1139, %add3A_1131 : vector<16xi32>
    %mul3A_1141 = arith.constant 1000 : i32
    %mul3A_1142 = vector.broadcast %mul3A_1141 : i32 to vector<16xi32>
    %mul3A_1143 = arith.muli %add3A_1140, %mul3A_1142 : vector<16xi32>
    %add3A_1144 = arith.constant 420 : i32
    %add3A_1145 = vector.broadcast %add3A_1144 : i32 to vector<16xi32>
    %add3A_1146 = arith.addi %mul3A_1143, %add3A_1145 : vector<16xi32>
    %add3A_1147 = arith.addi %add3A_1146, %get3A_1138 : vector<16xi32>
    %swap3A_1148 = arith.constant 48 : index
    %swap3A_1149 = tpu.vector_load %arg11[%swap3A_1148] {strides = array<i32>} : memref<160xi32, #tpu.memory_space<vmem>>, vector<16xi32>,
    %swap3A_1150 = vector.shape_cast %swap3A_1149 : vector<16xi32> to vector<16xi32>
    %swap3A_1151 = vector.shape_cast %add3A_1147 : vector<16xi32> to vector<16xi32>
    tpu.vector_store %arg11[%swap3A_1148], %swap3A_1151 {strides = array<i32>} : memref<160xi32, #tpu.memory_space<vmem>>, vector<16xi32>,
    %add3A_1152 = arith.constant 0 : i32
    %add3A_1153 = vector.broadcast %add3A_1152 : i32 to vector<16xi32>
    %add3A_1154 = arith.addi %add3A_1153, %iota3A : vector<16xi32>
    %add3A_1155 = arith.constant 0 : i32
    %add3A_1156 = arith.addi %select_n3A_11, %add3A_1155 : i32
    %get3A_1157 = arith.constant 22 : i32
    %get3A_1158 = arith.index_cast %get3A_1157 : i32 to index
    %get3A_1159 = arith.index_cast %add3A_1156 : i32 to index
    %get3A_1160 = tpu.vector_load %arg6[%get3A_1158, %get3A_1159] {strides = array<i32>} : memref<56x128xi32, #tpu.memory_space<vmem>>, vector<1x16xi32>,
    %get3A_1161 = vector.shape_cast %get3A_1160 : vector<1x16xi32> to vector<16xi32>
    %add3A_1162 = vector.broadcast %mul3A_2 : i32 to vector<16xi32>
    %add3A_1163 = arith.addi %add3A_1162, %add3A_1154 : vector<16xi32>
    %mul3A_1164 = arith.constant 1000 : i32
    %mul3A_1165 = vector.broadcast %mul3A_1164 : i32 to vector<16xi32>
    %mul3A_1166 = arith.muli %add3A_1163, %mul3A_1165 : vector<16xi32>
    %add3A_1167 = arith.constant 440 : i32
    %add3A_1168 = vector.broadcast %add3A_1167 : i32 to vector<16xi32>
    %add3A_1169 = arith.addi %mul3A_1166, %add3A_1168 : vector<16xi32>
    %add3A_1170 = arith.addi %add3A_1169, %get3A_1161 : vector<16xi32>
    %swap3A_1171 = arith.constant 64 : index
    %swap3A_1172 = tpu.vector_load %arg11[%swap3A_1171] {strides = array<i32>} : memref<160xi32, #tpu.memory_space<vmem>>, vector<16xi32>,
    %swap3A_1173 = vector.shape_cast %swap3A_1172 : vector<16xi32> to vector<16xi32>
    %swap3A_1174 = vector.shape_cast %add3A_1170 : vector<16xi32> to vector<16xi32>
    tpu.vector_store %arg11[%swap3A_1171], %swap3A_1174 {strides = array<i32>} : memref<160xi32, #tpu.memory_space<vmem>>, vector<16xi32>,
    %add3A_1175 = arith.constant 16 : i32
    %add3A_1176 = vector.broadcast %add3A_1175 : i32 to vector<16xi32>
    %add3A_1177 = arith.addi %add3A_1176, %iota3A : vector<16xi32>
    %add3A_1178 = arith.constant 16 : i32
    %add3A_1179 = arith.addi %select_n3A_11, %add3A_1178 : i32
    %get3A_1180 = arith.constant 22 : i32
    %get3A_1181 = arith.index_cast %get3A_1180 : i32 to index
    %get3A_1182 = arith.index_cast %add3A_1179 : i32 to index
    %get3A_1183 = tpu.vector_load %arg6[%get3A_1181, %get3A_1182] {strides = array<i32>} : memref<56x128xi32, #tpu.memory_space<vmem>>, vector<1x16xi32>,
    %get3A_1184 = vector.shape_cast %get3A_1183 : vector<1x16xi32> to vector<16xi32>
    %add3A_1185 = vector.broadcast %mul3A_2 : i32 to vector<16xi32>
    %add3A_1186 = arith.addi %add3A_1185, %add3A_1177 : vector<16xi32>
    %mul3A_1187 = arith.constant 1000 : i32
    %mul3A_1188 = vector.broadcast %mul3A_1187 : i32 to vector<16xi32>
    %mul3A_1189 = arith.muli %add3A_1186, %mul3A_1188 : vector<16xi32>
    %add3A_1190 = arith.constant 440 : i32
    %add3A_1191 = vector.broadcast %add3A_1190 : i32 to vector<16xi32>
    %add3A_1192 = arith.addi %mul3A_1189, %add3A_1191 : vector<16xi32>
    %add3A_1193 = arith.addi %add3A_1192, %get3A_1184 : vector<16xi32>
    %swap3A_1194 = arith.constant 80 : index
    %swap3A_1195 = tpu.vector_load %arg11[%swap3A_1194] {strides = array<i32>} : memref<160xi32, #tpu.memory_space<vmem>>, vector<16xi32>,
    %swap3A_1196 = vector.shape_cast %swap3A_1195 : vector<16xi32> to vector<16xi32>
    %swap3A_1197 = vector.shape_cast %add3A_1193 : vector<16xi32> to vector<16xi32>
    tpu.vector_store %arg11[%swap3A_1194], %swap3A_1197 {strides = array<i32>} : memref<160xi32, #tpu.memory_space<vmem>>, vector<16xi32>,
    %add3A_1198 = arith.constant 0 : i32
    %add3A_1199 = vector.broadcast %add3A_1198 : i32 to vector<16xi32>
    %add3A_1200 = arith.addi %add3A_1199, %iota3A : vector<16xi32>
    %add3A_1201 = arith.constant 0 : i32
    %add3A_1202 = arith.addi %select_n3A_11, %add3A_1201 : i32
    %get3A_1203 = arith.constant 23 : i32
    %get3A_1204 = arith.index_cast %get3A_1203 : i32 to index
    %get3A_1205 = arith.index_cast %add3A_1202 : i32 to index
    %get3A_1206 = tpu.vector_load %arg6[%get3A_1204, %get3A_1205] {strides = array<i32>} : memref<56x128xi32, #tpu.memory_space<vmem>>, vector<1x16xi32>,
    %get3A_1207 = vector.shape_cast %get3A_1206 : vector<1x16xi32> to vector<16xi32>
    %add3A_1208 = vector.broadcast %mul3A_2 : i32 to vector<16xi32>
    %add3A_1209 = arith.addi %add3A_1208, %add3A_1200 : vector<16xi32>
    %mul3A_1210 = arith.constant 1000 : i32
    %mul3A_1211 = vector.broadcast %mul3A_1210 : i32 to vector<16xi32>
    %mul3A_1212 = arith.muli %add3A_1209, %mul3A_1211 : vector<16xi32>
    %add3A_1213 = arith.constant 460 : i32
    %add3A_1214 = vector.broadcast %add3A_1213 : i32 to vector<16xi32>
    %add3A_1215 = arith.addi %mul3A_1212, %add3A_1214 : vector<16xi32>
    %add3A_1216 = arith.addi %add3A_1215, %get3A_1207 : vector<16xi32>
    %swap3A_1217 = arith.constant 96 : index
    %swap3A_1218 = tpu.vector_load %arg11[%swap3A_1217] {strides = array<i32>} : memref<160xi32, #tpu.memory_space<vmem>>, vector<16xi32>,
    %swap3A_1219 = vector.shape_cast %swap3A_1218 : vector<16xi32> to vector<16xi32>
    %swap3A_1220 = vector.shape_cast %add3A_1216 : vector<16xi32> to vector<16xi32>
    tpu.vector_store %arg11[%swap3A_1217], %swap3A_1220 {strides = array<i32>} : memref<160xi32, #tpu.memory_space<vmem>>, vector<16xi32>,
    %add3A_1221 = arith.constant 16 : i32
    %add3A_1222 = vector.broadcast %add3A_1221 : i32 to vector<16xi32>
    %add3A_1223 = arith.addi %add3A_1222, %iota3A : vector<16xi32>
    %add3A_1224 = arith.constant 16 : i32
    %add3A_1225 = arith.addi %select_n3A_11, %add3A_1224 : i32
    %get3A_1226 = arith.constant 23 : i32
    %get3A_1227 = arith.index_cast %get3A_1226 : i32 to index
    %get3A_1228 = arith.index_cast %add3A_1225 : i32 to index
    %get3A_1229 = tpu.vector_load %arg6[%get3A_1227, %get3A_1228] {strides = array<i32>} : memref<56x128xi32, #tpu.memory_space<vmem>>, vector<1x16xi32>,
    %get3A_1230 = vector.shape_cast %get3A_1229 : vector<1x16xi32> to vector<16xi32>
    %add3A_1231 = vector.broadcast %mul3A_2 : i32 to vector<16xi32>
    %add3A_1232 = arith.addi %add3A_1231, %add3A_1223 : vector<16xi32>
    %mul3A_1233 = arith.constant 1000 : i32
    %mul3A_1234 = vector.broadcast %mul3A_1233 : i32 to vector<16xi32>
    %mul3A_1235 = arith.muli %add3A_1232, %mul3A_1234 : vector<16xi32>
    %add3A_1236 = arith.constant 460 : i32
    %add3A_1237 = vector.broadcast %add3A_1236 : i32 to vector<16xi32>
    %add3A_1238 = arith.addi %mul3A_1235, %add3A_1237 : vector<16xi32>
    %add3A_1239 = arith.addi %add3A_1238, %get3A_1230 : vector<16xi32>
    %swap3A_1240 = arith.constant 112 : index
    %swap3A_1241 = tpu.vector_load %arg11[%swap3A_1240] {strides = array<i32>} : memref<160xi32, #tpu.memory_space<vmem>>, vector<16xi32>,
    %swap3A_1242 = vector.shape_cast %swap3A_1241 : vector<16xi32> to vector<16xi32>
    %swap3A_1243 = vector.shape_cast %add3A_1239 : vector<16xi32> to vector<16xi32>
    tpu.vector_store %arg11[%swap3A_1240], %swap3A_1243 {strides = array<i32>} : memref<160xi32, #tpu.memory_space<vmem>>, vector<16xi32>,
    %add3A_1244 = arith.constant 0 : i32
    %add3A_1245 = vector.broadcast %add3A_1244 : i32 to vector<16xi32>
    %add3A_1246 = arith.addi %add3A_1245, %iota3A : vector<16xi32>
    %add3A_1247 = arith.constant 0 : i32
    %add3A_1248 = arith.addi %select_n3A_11, %add3A_1247 : i32
    %get3A_1249 = arith.constant 24 : i32
    %get3A_1250 = arith.index_cast %get3A_1249 : i32 to index
    %get3A_1251 = arith.index_cast %add3A_1248 : i32 to index
    %get3A_1252 = tpu.vector_load %arg6[%get3A_1250, %get3A_1251] {strides = array<i32>} : memref<56x128xi32, #tpu.memory_space<vmem>>, vector<1x16xi32>,
    %get3A_1253 = vector.shape_cast %get3A_1252 : vector<1x16xi32> to vector<16xi32>
    %add3A_1254 = vector.broadcast %mul3A_2 : i32 to vector<16xi32>
    %add3A_1255 = arith.addi %add3A_1254, %add3A_1246 : vector<16xi32>
    %mul3A_1256 = arith.constant 1000 : i32
    %mul3A_1257 = vector.broadcast %mul3A_1256 : i32 to vector<16xi32>
    %mul3A_1258 = arith.muli %add3A_1255, %mul3A_1257 : vector<16xi32>
    %add3A_1259 = arith.constant 480 : i32
    %add3A_1260 = vector.broadcast %add3A_1259 : i32 to vector<16xi32>
    %add3A_1261 = arith.addi %mul3A_1258, %add3A_1260 : vector<16xi32>
    %add3A_1262 = arith.addi %add3A_1261, %get3A_1253 : vector<16xi32>
    %swap3A_1263 = arith.constant 128 : index
    %swap3A_1264 = tpu.vector_load %arg11[%swap3A_1263] {strides = array<i32>} : memref<160xi32, #tpu.memory_space<vmem>>, vector<16xi32>,
    %swap3A_1265 = vector.shape_cast %swap3A_1264 : vector<16xi32> to vector<16xi32>
    %swap3A_1266 = vector.shape_cast %add3A_1262 : vector<16xi32> to vector<16xi32>
    tpu.vector_store %arg11[%swap3A_1263], %swap3A_1266 {strides = array<i32>} : memref<160xi32, #tpu.memory_space<vmem>>, vector<16xi32>,
    %add3A_1267 = arith.constant 16 : i32
    %add3A_1268 = vector.broadcast %add3A_1267 : i32 to vector<16xi32>
    %add3A_1269 = arith.addi %add3A_1268, %iota3A : vector<16xi32>
    %add3A_1270 = arith.constant 16 : i32
    %add3A_1271 = arith.addi %select_n3A_11, %add3A_1270 : i32
    %get3A_1272 = arith.constant 24 : i32
    %get3A_1273 = arith.index_cast %get3A_1272 : i32 to index
    %get3A_1274 = arith.index_cast %add3A_1271 : i32 to index
    %get3A_1275 = tpu.vector_load %arg6[%get3A_1273, %get3A_1274] {strides = array<i32>} : memref<56x128xi32, #tpu.memory_space<vmem>>, vector<1x16xi32>,
    %get3A_1276 = vector.shape_cast %get3A_1275 : vector<1x16xi32> to vector<16xi32>
    %add3A_1277 = vector.broadcast %mul3A_2 : i32 to vector<16xi32>
    %add3A_1278 = arith.addi %add3A_1277, %add3A_1269 : vector<16xi32>
    %mul3A_1279 = arith.constant 1000 : i32
    %mul3A_1280 = vector.broadcast %mul3A_1279 : i32 to vector<16xi32>
    %mul3A_1281 = arith.muli %add3A_1278, %mul3A_1280 : vector<16xi32>
    %add3A_1282 = arith.constant 480 : i32
    %add3A_1283 = vector.broadcast %add3A_1282 : i32 to vector<16xi32>
    %add3A_1284 = arith.addi %mul3A_1281, %add3A_1283 : vector<16xi32>
    %add3A_1285 = arith.addi %add3A_1284, %get3A_1276 : vector<16xi32>
    %swap3A_1286 = arith.constant 144 : index
    %swap3A_1287 = tpu.vector_load %arg11[%swap3A_1286] {strides = array<i32>} : memref<160xi32, #tpu.memory_space<vmem>>, vector<16xi32>,
    %swap3A_1288 = vector.shape_cast %swap3A_1287 : vector<16xi32> to vector<16xi32>
    %swap3A_1289 = vector.shape_cast %add3A_1285 : vector<16xi32> to vector<16xi32>
    tpu.vector_store %arg11[%swap3A_1286], %swap3A_1289 {strides = array<i32>} : memref<160xi32, #tpu.memory_space<vmem>>, vector<16xi32>,
    %dma_start3A_1290 = arith.constant 0 : i32
    %dma_start3A_1291 = arith.constant 0 : i32
    %dma_start3A_1292 = tpu.memref_slice %arg2[%dma_start3A_1290, %dma_start3A_1291] : memref<1024000x128xf32, #tpu.memory_space<hbm>> -> memref<1024000x128xf32, #tpu.memory_space<hbm>>
    tpu.enqueue_indirect_dma source(%dma_start3A_1292 : memref<1024000x128xf32, #tpu.memory_space<hbm>>) target(%arg16 : memref<160x128xf32, #tpu.memory_space<vmem>>) offsets(%arg11 : memref<160xi32, #tpu.memory_space<vmem>>) semaphore(%arg18 : memref<!tpu.dma_semaphore, #tpu.memory_space<semaphore_mem>>)
    %dma_wait3A_1293 = arith.constant 0 : i32
    %dma_wait3A_1294 = arith.constant 0 : i32
    %dma_wait3A_1295 = tpu.memref_slice %arg2[%dma_wait3A_1293, %dma_wait3A_1294] : memref<1024000x128xf32, #tpu.memory_space<hbm>> -> memref<1024000x128xf32, #tpu.memory_space<hbm>>
    tpu.wait_indirect_dma semaphore(%arg18 : memref<!tpu.dma_semaphore, #tpu.memory_space<semaphore_mem>>) src(%dma_wait3A_1295 : memref<1024000x128xf32, #tpu.memory_space<hbm>>) dst(%arg12 : memref<160x128xf32, #tpu.memory_space<vmem>>)
    %dma_start3A_1296 = arith.constant 1 : i32
    %dma_start3A_1297 = arith.constant 0 : i32
    %dma_start3A_1298 = arith.constant 0 : i32
    %dma_start3A_1299 = tpu.memref_slice %arg12[%dma_start3A_1297, %dma_start3A_1298] : memref<160x128xf32, #tpu.memory_space<vmem>> -> memref<32x128xf32, #tpu.memory_space<vmem>>
    %dma_start3A_1300 = arith.constant 0 : i32
    %dma_start3A_1301 = tpu.memref_slice %arg5[%dma_start3A_1296, %mul3A_2, %dma_start3A_1300] : memref<51x1024x128xf32, #tpu.memory_space<hbm>> -> memref<1x32x128xf32, #tpu.memory_space<hbm>>
    %dma_start3A_1302 = tpu.memref_squeeze %dma_start3A_1301 : memref<1x32x128xf32, #tpu.memory_space<hbm>> -> memref<32x128xf32, #tpu.memory_space<hbm>>
    %dma_start3A_1303 = arith.constant 0 : i32
    %dma_start3A_1304 = tpu.memref_slice %arg5[%dma_start3A_1296, %mul3A_2, %dma_start3A_1303] : memref<51x1024x128xf32, #tpu.memory_space<hbm>> -> memref<1x32x128xf32, #tpu.memory_space<hbm>>
    %dma_start3A_1305 = tpu.memref_squeeze %dma_start3A_1304 : memref<1x32x128xf32, #tpu.memory_space<hbm>> -> memref<32x128xf32, #tpu.memory_space<hbm>>
    %dma_start3A_1306 = arith.constant 0 : i32
    %dma_start3A_1307 = arith.constant 0 : i32
    %dma_start3A_1308 = tpu.memref_slice %arg12[%dma_start3A_1306, %dma_start3A_1307] : memref<160x128xf32, #tpu.memory_space<vmem>> -> memref<32x128xf32, #tpu.memory_space<vmem>>
    tpu.enqueue_dma source(%dma_start3A_1308 : memref<32x128xf32, #tpu.memory_space<vmem>>) target(%dma_start3A_1305 : memref<32x128xf32, #tpu.memory_space<hbm>>) target_semaphore(%arg19 : memref<!tpu.dma_semaphore, #tpu.memory_space<semaphore_mem>>)
    %dma_start3A_1309 = arith.constant 2 : i32
    %dma_start3A_1310 = arith.constant 32 : i32
    %dma_start3A_1311 = arith.constant 0 : i32
    %dma_start3A_1312 = tpu.memref_slice %arg12[%dma_start3A_1310, %dma_start3A_1311] : memref<160x128xf32, #tpu.memory_space<vmem>> -> memref<32x128xf32, #tpu.memory_space<vmem>>
    %dma_start3A_1313 = arith.constant 0 : i32
    %dma_start3A_1314 = tpu.memref_slice %arg5[%dma_start3A_1309, %mul3A_2, %dma_start3A_1313] : memref<51x1024x128xf32, #tpu.memory_space<hbm>> -> memref<1x32x128xf32, #tpu.memory_space<hbm>>
    %dma_start3A_1315 = tpu.memref_squeeze %dma_start3A_1314 : memref<1x32x128xf32, #tpu.memory_space<hbm>> -> memref<32x128xf32, #tpu.memory_space<hbm>>
    %dma_start3A_1316 = arith.constant 0 : i32
    %dma_start3A_1317 = tpu.memref_slice %arg5[%dma_start3A_1309, %mul3A_2, %dma_start3A_1316] : memref<51x1024x128xf32, #tpu.memory_space<hbm>> -> memref<1x32x128xf32, #tpu.memory_space<hbm>>
    %dma_start3A_1318 = tpu.memref_squeeze %dma_start3A_1317 : memref<1x32x128xf32, #tpu.memory_space<hbm>> -> memref<32x128xf32, #tpu.memory_space<hbm>>
    %dma_start3A_1319 = arith.constant 32 : i32
    %dma_start3A_1320 = arith.constant 0 : i32
    %dma_start3A_1321 = tpu.memref_slice %arg12[%dma_start3A_1319, %dma_start3A_1320] : memref<160x128xf32, #tpu.memory_space<vmem>> -> memref<32x128xf32, #tpu.memory_space<vmem>>
    tpu.enqueue_dma source(%dma_start3A_1321 : memref<32x128xf32, #tpu.memory_space<vmem>>) target(%dma_start3A_1318 : memref<32x128xf32, #tpu.memory_space<hbm>>) target_semaphore(%arg19 : memref<!tpu.dma_semaphore, #tpu.memory_space<semaphore_mem>>)
    %dma_start3A_1322 = arith.constant 3 : i32
    %dma_start3A_1323 = arith.constant 64 : i32
    %dma_start3A_1324 = arith.constant 0 : i32
    %dma_start3A_1325 = tpu.memref_slice %arg12[%dma_start3A_1323, %dma_start3A_1324] : memref<160x128xf32, #tpu.memory_space<vmem>> -> memref<32x128xf32, #tpu.memory_space<vmem>>
    %dma_start3A_1326 = arith.constant 0 : i32
    %dma_start3A_1327 = tpu.memref_slice %arg5[%dma_start3A_1322, %mul3A_2, %dma_start3A_1326] : memref<51x1024x128xf32, #tpu.memory_space<hbm>> -> memref<1x32x128xf32, #tpu.memory_space<hbm>>
    %dma_start3A_1328 = tpu.memref_squeeze %dma_start3A_1327 : memref<1x32x128xf32, #tpu.memory_space<hbm>> -> memref<32x128xf32, #tpu.memory_space<hbm>>
    %dma_start3A_1329 = arith.constant 0 : i32
    %dma_start3A_1330 = tpu.memref_slice %arg5[%dma_start3A_1322, %mul3A_2, %dma_start3A_1329] : memref<51x1024x128xf32, #tpu.memory_space<hbm>> -> memref<1x32x128xf32, #tpu.memory_space<hbm>>
    %dma_start3A_1331 = tpu.memref_squeeze %dma_start3A_1330 : memref<1x32x128xf32, #tpu.memory_space<hbm>> -> memref<32x128xf32, #tpu.memory_space<hbm>>
    %dma_start3A_1332 = arith.constant 64 : i32
    %dma_start3A_1333 = arith.constant 0 : i32
    %dma_start3A_1334 = tpu.memref_slice %arg12[%dma_start3A_1332, %dma_start3A_1333] : memref<160x128xf32, #tpu.memory_space<vmem>> -> memref<32x128xf32, #tpu.memory_space<vmem>>
    tpu.enqueue_dma source(%dma_start3A_1334 : memref<32x128xf32, #tpu.memory_space<vmem>>) target(%dma_start3A_1331 : memref<32x128xf32, #tpu.memory_space<hbm>>) target_semaphore(%arg19 : memref<!tpu.dma_semaphore, #tpu.memory_space<semaphore_mem>>)
    %dma_start3A_1335 = arith.constant 4 : i32
    %dma_start3A_1336 = arith.constant 96 : i32
    %dma_start3A_1337 = arith.constant 0 : i32
    %dma_start3A_1338 = tpu.memref_slice %arg12[%dma_start3A_1336, %dma_start3A_1337] : memref<160x128xf32, #tpu.memory_space<vmem>> -> memref<32x128xf32, #tpu.memory_space<vmem>>
    %dma_start3A_1339 = arith.constant 0 : i32
    %dma_start3A_1340 = tpu.memref_slice %arg5[%dma_start3A_1335, %mul3A_2, %dma_start3A_1339] : memref<51x1024x128xf32, #tpu.memory_space<hbm>> -> memref<1x32x128xf32, #tpu.memory_space<hbm>>
    %dma_start3A_1341 = tpu.memref_squeeze %dma_start3A_1340 : memref<1x32x128xf32, #tpu.memory_space<hbm>> -> memref<32x128xf32, #tpu.memory_space<hbm>>
    %dma_start3A_1342 = arith.constant 0 : i32
    %dma_start3A_1343 = tpu.memref_slice %arg5[%dma_start3A_1335, %mul3A_2, %dma_start3A_1342] : memref<51x1024x128xf32, #tpu.memory_space<hbm>> -> memref<1x32x128xf32, #tpu.memory_space<hbm>>
    %dma_start3A_1344 = tpu.memref_squeeze %dma_start3A_1343 : memref<1x32x128xf32, #tpu.memory_space<hbm>> -> memref<32x128xf32, #tpu.memory_space<hbm>>
    %dma_start3A_1345 = arith.constant 96 : i32
    %dma_start3A_1346 = arith.constant 0 : i32
    %dma_start3A_1347 = tpu.memref_slice %arg12[%dma_start3A_1345, %dma_start3A_1346] : memref<160x128xf32, #tpu.memory_space<vmem>> -> memref<32x128xf32, #tpu.memory_space<vmem>>
    tpu.enqueue_dma source(%dma_start3A_1347 : memref<32x128xf32, #tpu.memory_space<vmem>>) target(%dma_start3A_1344 : memref<32x128xf32, #tpu.memory_space<hbm>>) target_semaphore(%arg19 : memref<!tpu.dma_semaphore, #tpu.memory_space<semaphore_mem>>)
    %dma_start3A_1348 = arith.constant 5 : i32
    %dma_start3A_1349 = arith.constant 128 : i32
    %dma_start3A_1350 = arith.constant 0 : i32
    %dma_start3A_1351 = tpu.memref_slice %arg12[%dma_start3A_1349, %dma_start3A_1350] : memref<160x128xf32, #tpu.memory_space<vmem>> -> memref<32x128xf32, #tpu.memory_space<vmem>>
    %dma_start3A_1352 = arith.constant 0 : i32
    %dma_start3A_1353 = tpu.memref_slice %arg5[%dma_start3A_1348, %mul3A_2, %dma_start3A_1352] : memref<51x1024x128xf32, #tpu.memory_space<hbm>> -> memref<1x32x128xf32, #tpu.memory_space<hbm>>
    %dma_start3A_1354 = tpu.memref_squeeze %dma_start3A_1353 : memref<1x32x128xf32, #tpu.memory_space<hbm>> -> memref<32x128xf32, #tpu.memory_space<hbm>>
    %dma_start3A_1355 = arith.constant 0 : i32
    %dma_start3A_1356 = tpu.memref_slice %arg5[%dma_start3A_1348, %mul3A_2, %dma_start3A_1355] : memref<51x1024x128xf32, #tpu.memory_space<hbm>> -> memref<1x32x128xf32, #tpu.memory_space<hbm>>
    %dma_start3A_1357 = tpu.memref_squeeze %dma_start3A_1356 : memref<1x32x128xf32, #tpu.memory_space<hbm>> -> memref<32x128xf32, #tpu.memory_space<hbm>>
    %dma_start3A_1358 = arith.constant 128 : i32
    %dma_start3A_1359 = arith.constant 0 : i32
    %dma_start3A_1360 = tpu.memref_slice %arg12[%dma_start3A_1358, %dma_start3A_1359] : memref<160x128xf32, #tpu.memory_space<vmem>> -> memref<32x128xf32, #tpu.memory_space<vmem>>
    tpu.enqueue_dma source(%dma_start3A_1360 : memref<32x128xf32, #tpu.memory_space<vmem>>) target(%dma_start3A_1357 : memref<32x128xf32, #tpu.memory_space<hbm>>) target_semaphore(%arg19 : memref<!tpu.dma_semaphore, #tpu.memory_space<semaphore_mem>>)
    %dma_wait3A_1361 = arith.constant 1 : i32
    %dma_wait3A_1362 = arith.constant 0 : i32
    %dma_wait3A_1363 = arith.constant 0 : i32
    %dma_wait3A_1364 = tpu.memref_slice %arg12[%dma_wait3A_1362, %dma_wait3A_1363] : memref<160x128xf32, #tpu.memory_space<vmem>> -> memref<32x128xf32, #tpu.memory_space<vmem>>
    %dma_wait3A_1365 = arith.constant 0 : i32
    %dma_wait3A_1366 = tpu.memref_slice %arg5[%dma_wait3A_1361, %mul3A_2, %dma_wait3A_1365] : memref<51x1024x128xf32, #tpu.memory_space<hbm>> -> memref<1x32x128xf32, #tpu.memory_space<hbm>>
    %dma_wait3A_1367 = tpu.memref_squeeze %dma_wait3A_1366 : memref<1x32x128xf32, #tpu.memory_space<hbm>> -> memref<32x128xf32, #tpu.memory_space<hbm>>
    %dma_wait3A_1368 = arith.constant 0 : i32
    %dma_wait3A_1369 = tpu.memref_slice %arg5[%dma_wait3A_1361, %mul3A_2, %dma_wait3A_1368] : memref<51x1024x128xf32, #tpu.memory_space<hbm>> -> memref<1x32x128xf32, #tpu.memory_space<hbm>>
    %dma_wait3A_1370 = tpu.memref_squeeze %dma_wait3A_1369 : memref<1x32x128xf32, #tpu.memory_space<hbm>> -> memref<32x128xf32, #tpu.memory_space<hbm>>
    %dma_wait3A_1371 = arith.constant 0 : i32
    %dma_wait3A_1372 = arith.constant 0 : i32
    %dma_wait3A_1373 = tpu.memref_slice %arg12[%dma_wait3A_1371, %dma_wait3A_1372] : memref<160x128xf32, #tpu.memory_space<vmem>> -> memref<32x128xf32, #tpu.memory_space<vmem>>
    tpu.wait_dma2 semaphore(%arg19 : memref<!tpu.dma_semaphore, #tpu.memory_space<semaphore_mem>>) src(%dma_wait3A_1373 : memref<32x128xf32, #tpu.memory_space<vmem>>) dst(%dma_wait3A_1370 : memref<32x128xf32, #tpu.memory_space<hbm>>)
    %dma_wait3A_1374 = arith.constant 2 : i32
    %dma_wait3A_1375 = arith.constant 32 : i32
    %dma_wait3A_1376 = arith.constant 0 : i32
    %dma_wait3A_1377 = tpu.memref_slice %arg12[%dma_wait3A_1375, %dma_wait3A_1376] : memref<160x128xf32, #tpu.memory_space<vmem>> -> memref<32x128xf32, #tpu.memory_space<vmem>>
    %dma_wait3A_1378 = arith.constant 0 : i32
    %dma_wait3A_1379 = tpu.memref_slice %arg5[%dma_wait3A_1374, %mul3A_2, %dma_wait3A_1378] : memref<51x1024x128xf32, #tpu.memory_space<hbm>> -> memref<1x32x128xf32, #tpu.memory_space<hbm>>
    %dma_wait3A_1380 = tpu.memref_squeeze %dma_wait3A_1379 : memref<1x32x128xf32, #tpu.memory_space<hbm>> -> memref<32x128xf32, #tpu.memory_space<hbm>>
    %dma_wait3A_1381 = arith.constant 0 : i32
    %dma_wait3A_1382 = tpu.memref_slice %arg5[%dma_wait3A_1374, %mul3A_2, %dma_wait3A_1381] : memref<51x1024x128xf32, #tpu.memory_space<hbm>> -> memref<1x32x128xf32, #tpu.memory_space<hbm>>
    %dma_wait3A_1383 = tpu.memref_squeeze %dma_wait3A_1382 : memref<1x32x128xf32, #tpu.memory_space<hbm>> -> memref<32x128xf32, #tpu.memory_space<hbm>>
    %dma_wait3A_1384 = arith.constant 32 : i32
    %dma_wait3A_1385 = arith.constant 0 : i32
    %dma_wait3A_1386 = tpu.memref_slice %arg12[%dma_wait3A_1384, %dma_wait3A_1385] : memref<160x128xf32, #tpu.memory_space<vmem>> -> memref<32x128xf32, #tpu.memory_space<vmem>>
    tpu.wait_dma2 semaphore(%arg19 : memref<!tpu.dma_semaphore, #tpu.memory_space<semaphore_mem>>) src(%dma_wait3A_1386 : memref<32x128xf32, #tpu.memory_space<vmem>>) dst(%dma_wait3A_1383 : memref<32x128xf32, #tpu.memory_space<hbm>>)
    %dma_wait3A_1387 = arith.constant 3 : i32
    %dma_wait3A_1388 = arith.constant 64 : i32
    %dma_wait3A_1389 = arith.constant 0 : i32
    %dma_wait3A_1390 = tpu.memref_slice %arg12[%dma_wait3A_1388, %dma_wait3A_1389] : memref<160x128xf32, #tpu.memory_space<vmem>> -> memref<32x128xf32, #tpu.memory_space<vmem>>
    %dma_wait3A_1391 = arith.constant 0 : i32
    %dma_wait3A_1392 = tpu.memref_slice %arg5[%dma_wait3A_1387, %mul3A_2, %dma_wait3A_1391] : memref<51x1024x128xf32, #tpu.memory_space<hbm>> -> memref<1x32x128xf32, #tpu.memory_space<hbm>>
    %dma_wait3A_1393 = tpu.memref_squeeze %dma_wait3A_1392 : memref<1x32x128xf32, #tpu.memory_space<hbm>> -> memref<32x128xf32, #tpu.memory_space<hbm>>
    %dma_wait3A_1394 = arith.constant 0 : i32
    %dma_wait3A_1395 = tpu.memref_slice %arg5[%dma_wait3A_1387, %mul3A_2, %dma_wait3A_1394] : memref<51x1024x128xf32, #tpu.memory_space<hbm>> -> memref<1x32x128xf32, #tpu.memory_space<hbm>>
    %dma_wait3A_1396 = tpu.memref_squeeze %dma_wait3A_1395 : memref<1x32x128xf32, #tpu.memory_space<hbm>> -> memref<32x128xf32, #tpu.memory_space<hbm>>
    %dma_wait3A_1397 = arith.constant 64 : i32
    %dma_wait3A_1398 = arith.constant 0 : i32
    %dma_wait3A_1399 = tpu.memref_slice %arg12[%dma_wait3A_1397, %dma_wait3A_1398] : memref<160x128xf32, #tpu.memory_space<vmem>> -> memref<32x128xf32, #tpu.memory_space<vmem>>
    tpu.wait_dma2 semaphore(%arg19 : memref<!tpu.dma_semaphore, #tpu.memory_space<semaphore_mem>>) src(%dma_wait3A_1399 : memref<32x128xf32, #tpu.memory_space<vmem>>) dst(%dma_wait3A_1396 : memref<32x128xf32, #tpu.memory_space<hbm>>)
    %dma_wait3A_1400 = arith.constant 4 : i32
    %dma_wait3A_1401 = arith.constant 96 : i32
    %dma_wait3A_1402 = arith.constant 0 : i32
    %dma_wait3A_1403 = tpu.memref_slice %arg12[%dma_wait3A_1401, %dma_wait3A_1402] : memref<160x128xf32, #tpu.memory_space<vmem>> -> memref<32x128xf32, #tpu.memory_space<vmem>>
    %dma_wait3A_1404 = arith.constant 0 : i32
    %dma_wait3A_1405 = tpu.memref_slice %arg5[%dma_wait3A_1400, %mul3A_2, %dma_wait3A_1404] : memref<51x1024x128xf32, #tpu.memory_space<hbm>> -> memref<1x32x128xf32, #tpu.memory_space<hbm>>
    %dma_wait3A_1406 = tpu.memref_squeeze %dma_wait3A_1405 : memref<1x32x128xf32, #tpu.memory_space<hbm>> -> memref<32x128xf32, #tpu.memory_space<hbm>>
    %dma_wait3A_1407 = arith.constant 0 : i32
    %dma_wait3A_1408 = tpu.memref_slice %arg5[%dma_wait3A_1400, %mul3A_2, %dma_wait3A_1407] : memref<51x1024x128xf32, #tpu.memory_space<hbm>> -> memref<1x32x128xf32, #tpu.memory_space<hbm>>
    %dma_wait3A_1409 = tpu.memref_squeeze %dma_wait3A_1408 : memref<1x32x128xf32, #tpu.memory_space<hbm>> -> memref<32x128xf32, #tpu.memory_space<hbm>>
    %dma_wait3A_1410 = arith.constant 96 : i32
    %dma_wait3A_1411 = arith.constant 0 : i32
    %dma_wait3A_1412 = tpu.memref_slice %arg12[%dma_wait3A_1410, %dma_wait3A_1411] : memref<160x128xf32, #tpu.memory_space<vmem>> -> memref<32x128xf32, #tpu.memory_space<vmem>>
    tpu.wait_dma2 semaphore(%arg19 : memref<!tpu.dma_semaphore, #tpu.memory_space<semaphore_mem>>) src(%dma_wait3A_1412 : memref<32x128xf32, #tpu.memory_space<vmem>>) dst(%dma_wait3A_1409 : memref<32x128xf32, #tpu.memory_space<hbm>>)
    %dma_wait3A_1413 = arith.constant 5 : i32
    %dma_wait3A_1414 = arith.constant 128 : i32
    %dma_wait3A_1415 = arith.constant 0 : i32
    %dma_wait3A_1416 = tpu.memref_slice %arg12[%dma_wait3A_1414, %dma_wait3A_1415] : memref<160x128xf32, #tpu.memory_space<vmem>> -> memref<32x128xf32, #tpu.memory_space<vmem>>
    %dma_wait3A_1417 = arith.constant 0 : i32
    %dma_wait3A_1418 = tpu.memref_slice %arg5[%dma_wait3A_1413, %mul3A_2, %dma_wait3A_1417] : memref<51x1024x128xf32, #tpu.memory_space<hbm>> -> memref<1x32x128xf32, #tpu.memory_space<hbm>>
    %dma_wait3A_1419 = tpu.memref_squeeze %dma_wait3A_1418 : memref<1x32x128xf32, #tpu.memory_space<hbm>> -> memref<32x128xf32, #tpu.memory_space<hbm>>
    %dma_wait3A_1420 = arith.constant 0 : i32
    %dma_wait3A_1421 = tpu.memref_slice %arg5[%dma_wait3A_1413, %mul3A_2, %dma_wait3A_1420] : memref<51x1024x128xf32, #tpu.memory_space<hbm>> -> memref<1x32x128xf32, #tpu.memory_space<hbm>>
    %dma_wait3A_1422 = tpu.memref_squeeze %dma_wait3A_1421 : memref<1x32x128xf32, #tpu.memory_space<hbm>> -> memref<32x128xf32, #tpu.memory_space<hbm>>
    %dma_wait3A_1423 = arith.constant 128 : i32
    %dma_wait3A_1424 = arith.constant 0 : i32
    %dma_wait3A_1425 = tpu.memref_slice %arg12[%dma_wait3A_1423, %dma_wait3A_1424] : memref<160x128xf32, #tpu.memory_space<vmem>> -> memref<32x128xf32, #tpu.memory_space<vmem>>
    tpu.wait_dma2 semaphore(%arg19 : memref<!tpu.dma_semaphore, #tpu.memory_space<semaphore_mem>>) src(%dma_wait3A_1425 : memref<32x128xf32, #tpu.memory_space<vmem>>) dst(%dma_wait3A_1422 : memref<32x128xf32, #tpu.memory_space<hbm>>)
    %add3A_1426 = arith.constant 0 : i32
    %add3A_1427 = vector.broadcast %add3A_1426 : i32 to vector<16xi32>
    %add3A_1428 = arith.addi %add3A_1427, %iota3A : vector<16xi32>
    %add3A_1429 = arith.constant 0 : i32
    %add3A_1430 = arith.addi %select_n3A_11, %add3A_1429 : i32
    %get3A_1431 = arith.constant 25 : i32
    %get3A_1432 = arith.index_cast %get3A_1431 : i32 to index
    %get3A_1433 = arith.index_cast %add3A_1430 : i32 to index
    %get3A_1434 = tpu.vector_load %arg6[%get3A_1432, %get3A_1433] {strides = array<i32>} : memref<56x128xi32, #tpu.memory_space<vmem>>, vector<1x16xi32>,
    %get3A_1435 = vector.shape_cast %get3A_1434 : vector<1x16xi32> to vector<16xi32>
    %add3A_1436 = vector.broadcast %mul3A_2 : i32 to vector<16xi32>
    %add3A_1437 = arith.addi %add3A_1436, %add3A_1428 : vector<16xi32>
    %mul3A_1438 = arith.constant 1000 : i32
    %mul3A_1439 = vector.broadcast %mul3A_1438 : i32 to vector<16xi32>
    %mul3A_1440 = arith.muli %add3A_1437, %mul3A_1439 : vector<16xi32>
    %add3A_1441 = arith.constant 500 : i32
    %add3A_1442 = vector.broadcast %add3A_1441 : i32 to vector<16xi32>
    %add3A_1443 = arith.addi %mul3A_1440, %add3A_1442 : vector<16xi32>
    %add3A_1444 = arith.addi %add3A_1443, %get3A_1435 : vector<16xi32>
    %swap3A_1445 = arith.constant 0 : index
    %swap3A_1446 = tpu.vector_load %arg7[%swap3A_1445] {strides = array<i32>} : memref<160xi32, #tpu.memory_space<vmem>>, vector<16xi32>,
    %swap3A_1447 = vector.shape_cast %swap3A_1446 : vector<16xi32> to vector<16xi32>
    %swap3A_1448 = vector.shape_cast %add3A_1444 : vector<16xi32> to vector<16xi32>
    tpu.vector_store %arg7[%swap3A_1445], %swap3A_1448 {strides = array<i32>} : memref<160xi32, #tpu.memory_space<vmem>>, vector<16xi32>,
    %add3A_1449 = arith.constant 16 : i32
    %add3A_1450 = vector.broadcast %add3A_1449 : i32 to vector<16xi32>
    %add3A_1451 = arith.addi %add3A_1450, %iota3A : vector<16xi32>
    %add3A_1452 = arith.constant 16 : i32
    %add3A_1453 = arith.addi %select_n3A_11, %add3A_1452 : i32
    %get3A_1454 = arith.constant 25 : i32
    %get3A_1455 = arith.index_cast %get3A_1454 : i32 to index
    %get3A_1456 = arith.index_cast %add3A_1453 : i32 to index
    %get3A_1457 = tpu.vector_load %arg6[%get3A_1455, %get3A_1456] {strides = array<i32>} : memref<56x128xi32, #tpu.memory_space<vmem>>, vector<1x16xi32>,
    %get3A_1458 = vector.shape_cast %get3A_1457 : vector<1x16xi32> to vector<16xi32>
    %add3A_1459 = vector.broadcast %mul3A_2 : i32 to vector<16xi32>
    %add3A_1460 = arith.addi %add3A_1459, %add3A_1451 : vector<16xi32>
    %mul3A_1461 = arith.constant 1000 : i32
    %mul3A_1462 = vector.broadcast %mul3A_1461 : i32 to vector<16xi32>
    %mul3A_1463 = arith.muli %add3A_1460, %mul3A_1462 : vector<16xi32>
    %add3A_1464 = arith.constant 500 : i32
    %add3A_1465 = vector.broadcast %add3A_1464 : i32 to vector<16xi32>
    %add3A_1466 = arith.addi %mul3A_1463, %add3A_1465 : vector<16xi32>
    %add3A_1467 = arith.addi %add3A_1466, %get3A_1458 : vector<16xi32>
    %swap3A_1468 = arith.constant 16 : index
    %swap3A_1469 = tpu.vector_load %arg7[%swap3A_1468] {strides = array<i32>} : memref<160xi32, #tpu.memory_space<vmem>>, vector<16xi32>,
    %swap3A_1470 = vector.shape_cast %swap3A_1469 : vector<16xi32> to vector<16xi32>
    %swap3A_1471 = vector.shape_cast %add3A_1467 : vector<16xi32> to vector<16xi32>
    tpu.vector_store %arg7[%swap3A_1468], %swap3A_1471 {strides = array<i32>} : memref<160xi32, #tpu.memory_space<vmem>>, vector<16xi32>,
    %add3A_1472 = arith.constant 0 : i32
    %add3A_1473 = vector.broadcast %add3A_1472 : i32 to vector<16xi32>
    %add3A_1474 = arith.addi %add3A_1473, %iota3A : vector<16xi32>
    %add3A_1475 = arith.constant 0 : i32
    %add3A_1476 = arith.addi %select_n3A_11, %add3A_1475 : i32
    %get3A_1477 = arith.constant 26 : i32
    %get3A_1478 = arith.index_cast %get3A_1477 : i32 to index
    %get3A_1479 = arith.index_cast %add3A_1476 : i32 to index
    %get3A_1480 = tpu.vector_load %arg6[%get3A_1478, %get3A_1479] {strides = array<i32>} : memref<56x128xi32, #tpu.memory_space<vmem>>, vector<1x16xi32>,
    %get3A_1481 = vector.shape_cast %get3A_1480 : vector<1x16xi32> to vector<16xi32>
    %add3A_1482 = vector.broadcast %mul3A_2 : i32 to vector<16xi32>
    %add3A_1483 = arith.addi %add3A_1482, %add3A_1474 : vector<16xi32>
    %mul3A_1484 = arith.constant 1000 : i32
    %mul3A_1485 = vector.broadcast %mul3A_1484 : i32 to vector<16xi32>
    %mul3A_1486 = arith.muli %add3A_1483, %mul3A_1485 : vector<16xi32>
    %add3A_1487 = arith.constant 520 : i32
    %add3A_1488 = vector.broadcast %add3A_1487 : i32 to vector<16xi32>
    %add3A_1489 = arith.addi %mul3A_1486, %add3A_1488 : vector<16xi32>
    %add3A_1490 = arith.addi %add3A_1489, %get3A_1481 : vector<16xi32>
    %swap3A_1491 = arith.constant 32 : index
    %swap3A_1492 = tpu.vector_load %arg7[%swap3A_1491] {strides = array<i32>} : memref<160xi32, #tpu.memory_space<vmem>>, vector<16xi32>,
    %swap3A_1493 = vector.shape_cast %swap3A_1492 : vector<16xi32> to vector<16xi32>
    %swap3A_1494 = vector.shape_cast %add3A_1490 : vector<16xi32> to vector<16xi32>
    tpu.vector_store %arg7[%swap3A_1491], %swap3A_1494 {strides = array<i32>} : memref<160xi32, #tpu.memory_space<vmem>>, vector<16xi32>,
    %add3A_1495 = arith.constant 16 : i32
    %add3A_1496 = vector.broadcast %add3A_1495 : i32 to vector<16xi32>
    %add3A_1497 = arith.addi %add3A_1496, %iota3A : vector<16xi32>
    %add3A_1498 = arith.constant 16 : i32
    %add3A_1499 = arith.addi %select_n3A_11, %add3A_1498 : i32
    %get3A_1500 = arith.constant 26 : i32
    %get3A_1501 = arith.index_cast %get3A_1500 : i32 to index
    %get3A_1502 = arith.index_cast %add3A_1499 : i32 to index
    %get3A_1503 = tpu.vector_load %arg6[%get3A_1501, %get3A_1502] {strides = array<i32>} : memref<56x128xi32, #tpu.memory_space<vmem>>, vector<1x16xi32>,
    %get3A_1504 = vector.shape_cast %get3A_1503 : vector<1x16xi32> to vector<16xi32>
    %add3A_1505 = vector.broadcast %mul3A_2 : i32 to vector<16xi32>
    %add3A_1506 = arith.addi %add3A_1505, %add3A_1497 : vector<16xi32>
    %mul3A_1507 = arith.constant 1000 : i32
    %mul3A_1508 = vector.broadcast %mul3A_1507 : i32 to vector<16xi32>
    %mul3A_1509 = arith.muli %add3A_1506, %mul3A_1508 : vector<16xi32>
    %add3A_1510 = arith.constant 520 : i32
    %add3A_1511 = vector.broadcast %add3A_1510 : i32 to vector<16xi32>
    %add3A_1512 = arith.addi %mul3A_1509, %add3A_1511 : vector<16xi32>
    %add3A_1513 = arith.addi %add3A_1512, %get3A_1504 : vector<16xi32>
    %swap3A_1514 = arith.constant 48 : index
    %swap3A_1515 = tpu.vector_load %arg7[%swap3A_1514] {strides = array<i32>} : memref<160xi32, #tpu.memory_space<vmem>>, vector<16xi32>,
    %swap3A_1516 = vector.shape_cast %swap3A_1515 : vector<16xi32> to vector<16xi32>
    %swap3A_1517 = vector.shape_cast %add3A_1513 : vector<16xi32> to vector<16xi32>
    tpu.vector_store %arg7[%swap3A_1514], %swap3A_1517 {strides = array<i32>} : memref<160xi32, #tpu.memory_space<vmem>>, vector<16xi32>,
    %add3A_1518 = arith.constant 0 : i32
    %add3A_1519 = vector.broadcast %add3A_1518 : i32 to vector<16xi32>
    %add3A_1520 = arith.addi %add3A_1519, %iota3A : vector<16xi32>
    %add3A_1521 = arith.constant 0 : i32
    %add3A_1522 = arith.addi %select_n3A_11, %add3A_1521 : i32
    %get3A_1523 = arith.constant 27 : i32
    %get3A_1524 = arith.index_cast %get3A_1523 : i32 to index
    %get3A_1525 = arith.index_cast %add3A_1522 : i32 to index
    %get3A_1526 = tpu.vector_load %arg6[%get3A_1524, %get3A_1525] {strides = array<i32>} : memref<56x128xi32, #tpu.memory_space<vmem>>, vector<1x16xi32>,
    %get3A_1527 = vector.shape_cast %get3A_1526 : vector<1x16xi32> to vector<16xi32>
    %add3A_1528 = vector.broadcast %mul3A_2 : i32 to vector<16xi32>
    %add3A_1529 = arith.addi %add3A_1528, %add3A_1520 : vector<16xi32>
    %mul3A_1530 = arith.constant 1000 : i32
    %mul3A_1531 = vector.broadcast %mul3A_1530 : i32 to vector<16xi32>
    %mul3A_1532 = arith.muli %add3A_1529, %mul3A_1531 : vector<16xi32>
    %add3A_1533 = arith.constant 540 : i32
    %add3A_1534 = vector.broadcast %add3A_1533 : i32 to vector<16xi32>
    %add3A_1535 = arith.addi %mul3A_1532, %add3A_1534 : vector<16xi32>
    %add3A_1536 = arith.addi %add3A_1535, %get3A_1527 : vector<16xi32>
    %swap3A_1537 = arith.constant 64 : index
    %swap3A_1538 = tpu.vector_load %arg7[%swap3A_1537] {strides = array<i32>} : memref<160xi32, #tpu.memory_space<vmem>>, vector<16xi32>,
    %swap3A_1539 = vector.shape_cast %swap3A_1538 : vector<16xi32> to vector<16xi32>
    %swap3A_1540 = vector.shape_cast %add3A_1536 : vector<16xi32> to vector<16xi32>
    tpu.vector_store %arg7[%swap3A_1537], %swap3A_1540 {strides = array<i32>} : memref<160xi32, #tpu.memory_space<vmem>>, vector<16xi32>,
    %add3A_1541 = arith.constant 16 : i32
    %add3A_1542 = vector.broadcast %add3A_1541 : i32 to vector<16xi32>
    %add3A_1543 = arith.addi %add3A_1542, %iota3A : vector<16xi32>
    %add3A_1544 = arith.constant 16 : i32
    %add3A_1545 = arith.addi %select_n3A_11, %add3A_1544 : i32
    %get3A_1546 = arith.constant 27 : i32
    %get3A_1547 = arith.index_cast %get3A_1546 : i32 to index
    %get3A_1548 = arith.index_cast %add3A_1545 : i32 to index
    %get3A_1549 = tpu.vector_load %arg6[%get3A_1547, %get3A_1548] {strides = array<i32>} : memref<56x128xi32, #tpu.memory_space<vmem>>, vector<1x16xi32>,
    %get3A_1550 = vector.shape_cast %get3A_1549 : vector<1x16xi32> to vector<16xi32>
    %add3A_1551 = vector.broadcast %mul3A_2 : i32 to vector<16xi32>
    %add3A_1552 = arith.addi %add3A_1551, %add3A_1543 : vector<16xi32>
    %mul3A_1553 = arith.constant 1000 : i32
    %mul3A_1554 = vector.broadcast %mul3A_1553 : i32 to vector<16xi32>
    %mul3A_1555 = arith.muli %add3A_1552, %mul3A_1554 : vector<16xi32>
    %add3A_1556 = arith.constant 540 : i32
    %add3A_1557 = vector.broadcast %add3A_1556 : i32 to vector<16xi32>
    %add3A_1558 = arith.addi %mul3A_1555, %add3A_1557 : vector<16xi32>
    %add3A_1559 = arith.addi %add3A_1558, %get3A_1550 : vector<16xi32>
    %swap3A_1560 = arith.constant 80 : index
    %swap3A_1561 = tpu.vector_load %arg7[%swap3A_1560] {strides = array<i32>} : memref<160xi32, #tpu.memory_space<vmem>>, vector<16xi32>,
    %swap3A_1562 = vector.shape_cast %swap3A_1561 : vector<16xi32> to vector<16xi32>
    %swap3A_1563 = vector.shape_cast %add3A_1559 : vector<16xi32> to vector<16xi32>
    tpu.vector_store %arg7[%swap3A_1560], %swap3A_1563 {strides = array<i32>} : memref<160xi32, #tpu.memory_space<vmem>>, vector<16xi32>,
    %add3A_1564 = arith.constant 0 : i32
    %add3A_1565 = vector.broadcast %add3A_1564 : i32 to vector<16xi32>
    %add3A_1566 = arith.addi %add3A_1565, %iota3A : vector<16xi32>
    %add3A_1567 = arith.constant 0 : i32
    %add3A_1568 = arith.addi %select_n3A_11, %add3A_1567 : i32
    %get3A_1569 = arith.constant 28 : i32
    %get3A_1570 = arith.index_cast %get3A_1569 : i32 to index
    %get3A_1571 = arith.index_cast %add3A_1568 : i32 to index
    %get3A_1572 = tpu.vector_load %arg6[%get3A_1570, %get3A_1571] {strides = array<i32>} : memref<56x128xi32, #tpu.memory_space<vmem>>, vector<1x16xi32>,
    %get3A_1573 = vector.shape_cast %get3A_1572 : vector<1x16xi32> to vector<16xi32>
    %add3A_1574 = vector.broadcast %mul3A_2 : i32 to vector<16xi32>
    %add3A_1575 = arith.addi %add3A_1574, %add3A_1566 : vector<16xi32>
    %mul3A_1576 = arith.constant 1000 : i32
    %mul3A_1577 = vector.broadcast %mul3A_1576 : i32 to vector<16xi32>
    %mul3A_1578 = arith.muli %add3A_1575, %mul3A_1577 : vector<16xi32>
    %add3A_1579 = arith.constant 560 : i32
    %add3A_1580 = vector.broadcast %add3A_1579 : i32 to vector<16xi32>
    %add3A_1581 = arith.addi %mul3A_1578, %add3A_1580 : vector<16xi32>
    %add3A_1582 = arith.addi %add3A_1581, %get3A_1573 : vector<16xi32>
    %swap3A_1583 = arith.constant 96 : index
    %swap3A_1584 = tpu.vector_load %arg7[%swap3A_1583] {strides = array<i32>} : memref<160xi32, #tpu.memory_space<vmem>>, vector<16xi32>,
    %swap3A_1585 = vector.shape_cast %swap3A_1584 : vector<16xi32> to vector<16xi32>
    %swap3A_1586 = vector.shape_cast %add3A_1582 : vector<16xi32> to vector<16xi32>
    tpu.vector_store %arg7[%swap3A_1583], %swap3A_1586 {strides = array<i32>} : memref<160xi32, #tpu.memory_space<vmem>>, vector<16xi32>,
    %add3A_1587 = arith.constant 16 : i32
    %add3A_1588 = vector.broadcast %add3A_1587 : i32 to vector<16xi32>
    %add3A_1589 = arith.addi %add3A_1588, %iota3A : vector<16xi32>
    %add3A_1590 = arith.constant 16 : i32
    %add3A_1591 = arith.addi %select_n3A_11, %add3A_1590 : i32
    %get3A_1592 = arith.constant 28 : i32
    %get3A_1593 = arith.index_cast %get3A_1592 : i32 to index
    %get3A_1594 = arith.index_cast %add3A_1591 : i32 to index
    %get3A_1595 = tpu.vector_load %arg6[%get3A_1593, %get3A_1594] {strides = array<i32>} : memref<56x128xi32, #tpu.memory_space<vmem>>, vector<1x16xi32>,
    %get3A_1596 = vector.shape_cast %get3A_1595 : vector<1x16xi32> to vector<16xi32>
    %add3A_1597 = vector.broadcast %mul3A_2 : i32 to vector<16xi32>
    %add3A_1598 = arith.addi %add3A_1597, %add3A_1589 : vector<16xi32>
    %mul3A_1599 = arith.constant 1000 : i32
    %mul3A_1600 = vector.broadcast %mul3A_1599 : i32 to vector<16xi32>
    %mul3A_1601 = arith.muli %add3A_1598, %mul3A_1600 : vector<16xi32>
    %add3A_1602 = arith.constant 560 : i32
    %add3A_1603 = vector.broadcast %add3A_1602 : i32 to vector<16xi32>
    %add3A_1604 = arith.addi %mul3A_1601, %add3A_1603 : vector<16xi32>
    %add3A_1605 = arith.addi %add3A_1604, %get3A_1596 : vector<16xi32>
    %swap3A_1606 = arith.constant 112 : index
    %swap3A_1607 = tpu.vector_load %arg7[%swap3A_1606] {strides = array<i32>} : memref<160xi32, #tpu.memory_space<vmem>>, vector<16xi32>,
    %swap3A_1608 = vector.shape_cast %swap3A_1607 : vector<16xi32> to vector<16xi32>
    %swap3A_1609 = vector.shape_cast %add3A_1605 : vector<16xi32> to vector<16xi32>
    tpu.vector_store %arg7[%swap3A_1606], %swap3A_1609 {strides = array<i32>} : memref<160xi32, #tpu.memory_space<vmem>>, vector<16xi32>,
    %add3A_1610 = arith.constant 0 : i32
    %add3A_1611 = vector.broadcast %add3A_1610 : i32 to vector<16xi32>
    %add3A_1612 = arith.addi %add3A_1611, %iota3A : vector<16xi32>
    %add3A_1613 = arith.constant 0 : i32
    %add3A_1614 = arith.addi %select_n3A_11, %add3A_1613 : i32
    %get3A_1615 = arith.constant 29 : i32
    %get3A_1616 = arith.index_cast %get3A_1615 : i32 to index
    %get3A_1617 = arith.index_cast %add3A_1614 : i32 to index
    %get3A_1618 = tpu.vector_load %arg6[%get3A_1616, %get3A_1617] {strides = array<i32>} : memref<56x128xi32, #tpu.memory_space<vmem>>, vector<1x16xi32>,
    %get3A_1619 = vector.shape_cast %get3A_1618 : vector<1x16xi32> to vector<16xi32>
    %add3A_1620 = vector.broadcast %mul3A_2 : i32 to vector<16xi32>
    %add3A_1621 = arith.addi %add3A_1620, %add3A_1612 : vector<16xi32>
    %mul3A_1622 = arith.constant 1000 : i32
    %mul3A_1623 = vector.broadcast %mul3A_1622 : i32 to vector<16xi32>
    %mul3A_1624 = arith.muli %add3A_1621, %mul3A_1623 : vector<16xi32>
    %add3A_1625 = arith.constant 580 : i32
    %add3A_1626 = vector.broadcast %add3A_1625 : i32 to vector<16xi32>
    %add3A_1627 = arith.addi %mul3A_1624, %add3A_1626 : vector<16xi32>
    %add3A_1628 = arith.addi %add3A_1627, %get3A_1619 : vector<16xi32>
    %swap3A_1629 = arith.constant 128 : index
    %swap3A_1630 = tpu.vector_load %arg7[%swap3A_1629] {strides = array<i32>} : memref<160xi32, #tpu.memory_space<vmem>>, vector<16xi32>,
    %swap3A_1631 = vector.shape_cast %swap3A_1630 : vector<16xi32> to vector<16xi32>
    %swap3A_1632 = vector.shape_cast %add3A_1628 : vector<16xi32> to vector<16xi32>
    tpu.vector_store %arg7[%swap3A_1629], %swap3A_1632 {strides = array<i32>} : memref<160xi32, #tpu.memory_space<vmem>>, vector<16xi32>,
    %add3A_1633 = arith.constant 16 : i32
    %add3A_1634 = vector.broadcast %add3A_1633 : i32 to vector<16xi32>
    %add3A_1635 = arith.addi %add3A_1634, %iota3A : vector<16xi32>
    %add3A_1636 = arith.constant 16 : i32
    %add3A_1637 = arith.addi %select_n3A_11, %add3A_1636 : i32
    %get3A_1638 = arith.constant 29 : i32
    %get3A_1639 = arith.index_cast %get3A_1638 : i32 to index
    %get3A_1640 = arith.index_cast %add3A_1637 : i32 to index
    %get3A_1641 = tpu.vector_load %arg6[%get3A_1639, %get3A_1640] {strides = array<i32>} : memref<56x128xi32, #tpu.memory_space<vmem>>, vector<1x16xi32>,
    %get3A_1642 = vector.shape_cast %get3A_1641 : vector<1x16xi32> to vector<16xi32>
    %add3A_1643 = vector.broadcast %mul3A_2 : i32 to vector<16xi32>
    %add3A_1644 = arith.addi %add3A_1643, %add3A_1635 : vector<16xi32>
    %mul3A_1645 = arith.constant 1000 : i32
    %mul3A_1646 = vector.broadcast %mul3A_1645 : i32 to vector<16xi32>
    %mul3A_1647 = arith.muli %add3A_1644, %mul3A_1646 : vector<16xi32>
    %add3A_1648 = arith.constant 580 : i32
    %add3A_1649 = vector.broadcast %add3A_1648 : i32 to vector<16xi32>
    %add3A_1650 = arith.addi %mul3A_1647, %add3A_1649 : vector<16xi32>
    %add3A_1651 = arith.addi %add3A_1650, %get3A_1642 : vector<16xi32>
    %swap3A_1652 = arith.constant 144 : index
    %swap3A_1653 = tpu.vector_load %arg7[%swap3A_1652] {strides = array<i32>} : memref<160xi32, #tpu.memory_space<vmem>>, vector<16xi32>,
    %swap3A_1654 = vector.shape_cast %swap3A_1653 : vector<16xi32> to vector<16xi32>
    %swap3A_1655 = vector.shape_cast %add3A_1651 : vector<16xi32> to vector<16xi32>
    tpu.vector_store %arg7[%swap3A_1652], %swap3A_1655 {strides = array<i32>} : memref<160xi32, #tpu.memory_space<vmem>>, vector<16xi32>,
    %dma_start3A_1656 = arith.constant 0 : i32
    %dma_start3A_1657 = arith.constant 0 : i32
    %dma_start3A_1658 = tpu.memref_slice %arg2[%dma_start3A_1656, %dma_start3A_1657] : memref<1024000x128xf32, #tpu.memory_space<hbm>> -> memref<1024000x128xf32, #tpu.memory_space<hbm>>
    tpu.enqueue_indirect_dma source(%dma_start3A_1658 : memref<1024000x128xf32, #tpu.memory_space<hbm>>) target(%arg12 : memref<160x128xf32, #tpu.memory_space<vmem>>) offsets(%arg7 : memref<160xi32, #tpu.memory_space<vmem>>) semaphore(%arg18 : memref<!tpu.dma_semaphore, #tpu.memory_space<semaphore_mem>>)
    %dma_wait3A_1659 = arith.constant 0 : i32
    %dma_wait3A_1660 = arith.constant 0 : i32
    %dma_wait3A_1661 = tpu.memref_slice %arg2[%dma_wait3A_1659, %dma_wait3A_1660] : memref<1024000x128xf32, #tpu.memory_space<hbm>> -> memref<1024000x128xf32, #tpu.memory_space<hbm>>
    tpu.wait_indirect_dma semaphore(%arg18 : memref<!tpu.dma_semaphore, #tpu.memory_space<semaphore_mem>>) src(%dma_wait3A_1661 : memref<1024000x128xf32, #tpu.memory_space<hbm>>) dst(%arg13 : memref<160x128xf32, #tpu.memory_space<vmem>>)
    %dma_start3A_1662 = arith.constant 6 : i32
    %dma_start3A_1663 = arith.constant 0 : i32
    %dma_start3A_1664 = arith.constant 0 : i32
    %dma_start3A_1665 = tpu.memref_slice %arg13[%dma_start3A_1663, %dma_start3A_1664] : memref<160x128xf32, #tpu.memory_space<vmem>> -> memref<32x128xf32, #tpu.memory_space<vmem>>
    %dma_start3A_1666 = arith.constant 0 : i32
    %dma_start3A_1667 = tpu.memref_slice %arg5[%dma_start3A_1662, %mul3A_2, %dma_start3A_1666] : memref<51x1024x128xf32, #tpu.memory_space<hbm>> -> memref<1x32x128xf32, #tpu.memory_space<hbm>>
    %dma_start3A_1668 = tpu.memref_squeeze %dma_start3A_1667 : memref<1x32x128xf32, #tpu.memory_space<hbm>> -> memref<32x128xf32, #tpu.memory_space<hbm>>
    %dma_start3A_1669 = arith.constant 0 : i32
    %dma_start3A_1670 = tpu.memref_slice %arg5[%dma_start3A_1662, %mul3A_2, %dma_start3A_1669] : memref<51x1024x128xf32, #tpu.memory_space<hbm>> -> memref<1x32x128xf32, #tpu.memory_space<hbm>>
    %dma_start3A_1671 = tpu.memref_squeeze %dma_start3A_1670 : memref<1x32x128xf32, #tpu.memory_space<hbm>> -> memref<32x128xf32, #tpu.memory_space<hbm>>
    %dma_start3A_1672 = arith.constant 0 : i32
    %dma_start3A_1673 = arith.constant 0 : i32
    %dma_start3A_1674 = tpu.memref_slice %arg13[%dma_start3A_1672, %dma_start3A_1673] : memref<160x128xf32, #tpu.memory_space<vmem>> -> memref<32x128xf32, #tpu.memory_space<vmem>>
    tpu.enqueue_dma source(%dma_start3A_1674 : memref<32x128xf32, #tpu.memory_space<vmem>>) target(%dma_start3A_1671 : memref<32x128xf32, #tpu.memory_space<hbm>>) target_semaphore(%arg19 : memref<!tpu.dma_semaphore, #tpu.memory_space<semaphore_mem>>)
    %dma_start3A_1675 = arith.constant 7 : i32
    %dma_start3A_1676 = arith.constant 32 : i32
    %dma_start3A_1677 = arith.constant 0 : i32
    %dma_start3A_1678 = tpu.memref_slice %arg13[%dma_start3A_1676, %dma_start3A_1677] : memref<160x128xf32, #tpu.memory_space<vmem>> -> memref<32x128xf32, #tpu.memory_space<vmem>>
    %dma_start3A_1679 = arith.constant 0 : i32
    %dma_start3A_1680 = tpu.memref_slice %arg5[%dma_start3A_1675, %mul3A_2, %dma_start3A_1679] : memref<51x1024x128xf32, #tpu.memory_space<hbm>> -> memref<1x32x128xf32, #tpu.memory_space<hbm>>
    %dma_start3A_1681 = tpu.memref_squeeze %dma_start3A_1680 : memref<1x32x128xf32, #tpu.memory_space<hbm>> -> memref<32x128xf32, #tpu.memory_space<hbm>>
    %dma_start3A_1682 = arith.constant 0 : i32
    %dma_start3A_1683 = tpu.memref_slice %arg5[%dma_start3A_1675, %mul3A_2, %dma_start3A_1682] : memref<51x1024x128xf32, #tpu.memory_space<hbm>> -> memref<1x32x128xf32, #tpu.memory_space<hbm>>
    %dma_start3A_1684 = tpu.memref_squeeze %dma_start3A_1683 : memref<1x32x128xf32, #tpu.memory_space<hbm>> -> memref<32x128xf32, #tpu.memory_space<hbm>>
    %dma_start3A_1685 = arith.constant 32 : i32
    %dma_start3A_1686 = arith.constant 0 : i32
    %dma_start3A_1687 = tpu.memref_slice %arg13[%dma_start3A_1685, %dma_start3A_1686] : memref<160x128xf32, #tpu.memory_space<vmem>> -> memref<32x128xf32, #tpu.memory_space<vmem>>
    tpu.enqueue_dma source(%dma_start3A_1687 : memref<32x128xf32, #tpu.memory_space<vmem>>) target(%dma_start3A_1684 : memref<32x128xf32, #tpu.memory_space<hbm>>) target_semaphore(%arg19 : memref<!tpu.dma_semaphore, #tpu.memory_space<semaphore_mem>>)
    %dma_start3A_1688 = arith.constant 8 : i32
    %dma_start3A_1689 = arith.constant 64 : i32
    %dma_start3A_1690 = arith.constant 0 : i32
    %dma_start3A_1691 = tpu.memref_slice %arg13[%dma_start3A_1689, %dma_start3A_1690] : memref<160x128xf32, #tpu.memory_space<vmem>> -> memref<32x128xf32, #tpu.memory_space<vmem>>
    %dma_start3A_1692 = arith.constant 0 : i32
    %dma_start3A_1693 = tpu.memref_slice %arg5[%dma_start3A_1688, %mul3A_2, %dma_start3A_1692] : memref<51x1024x128xf32, #tpu.memory_space<hbm>> -> memref<1x32x128xf32, #tpu.memory_space<hbm>>
    %dma_start3A_1694 = tpu.memref_squeeze %dma_start3A_1693 : memref<1x32x128xf32, #tpu.memory_space<hbm>> -> memref<32x128xf32, #tpu.memory_space<hbm>>
    %dma_start3A_1695 = arith.constant 0 : i32
    %dma_start3A_1696 = tpu.memref_slice %arg5[%dma_start3A_1688, %mul3A_2, %dma_start3A_1695] : memref<51x1024x128xf32, #tpu.memory_space<hbm>> -> memref<1x32x128xf32, #tpu.memory_space<hbm>>
    %dma_start3A_1697 = tpu.memref_squeeze %dma_start3A_1696 : memref<1x32x128xf32, #tpu.memory_space<hbm>> -> memref<32x128xf32, #tpu.memory_space<hbm>>
    %dma_start3A_1698 = arith.constant 64 : i32
    %dma_start3A_1699 = arith.constant 0 : i32
    %dma_start3A_1700 = tpu.memref_slice %arg13[%dma_start3A_1698, %dma_start3A_1699] : memref<160x128xf32, #tpu.memory_space<vmem>> -> memref<32x128xf32, #tpu.memory_space<vmem>>
    tpu.enqueue_dma source(%dma_start3A_1700 : memref<32x128xf32, #tpu.memory_space<vmem>>) target(%dma_start3A_1697 : memref<32x128xf32, #tpu.memory_space<hbm>>) target_semaphore(%arg19 : memref<!tpu.dma_semaphore, #tpu.memory_space<semaphore_mem>>)
    %dma_start3A_1701 = arith.constant 9 : i32
    %dma_start3A_1702 = arith.constant 96 : i32
    %dma_start3A_1703 = arith.constant 0 : i32
    %dma_start3A_1704 = tpu.memref_slice %arg13[%dma_start3A_1702, %dma_start3A_1703] : memref<160x128xf32, #tpu.memory_space<vmem>> -> memref<32x128xf32, #tpu.memory_space<vmem>>
    %dma_start3A_1705 = arith.constant 0 : i32
    %dma_start3A_1706 = tpu.memref_slice %arg5[%dma_start3A_1701, %mul3A_2, %dma_start3A_1705] : memref<51x1024x128xf32, #tpu.memory_space<hbm>> -> memref<1x32x128xf32, #tpu.memory_space<hbm>>
    %dma_start3A_1707 = tpu.memref_squeeze %dma_start3A_1706 : memref<1x32x128xf32, #tpu.memory_space<hbm>> -> memref<32x128xf32, #tpu.memory_space<hbm>>
    %dma_start3A_1708 = arith.constant 0 : i32
    %dma_start3A_1709 = tpu.memref_slice %arg5[%dma_start3A_1701, %mul3A_2, %dma_start3A_1708] : memref<51x1024x128xf32, #tpu.memory_space<hbm>> -> memref<1x32x128xf32, #tpu.memory_space<hbm>>
    %dma_start3A_1710 = tpu.memref_squeeze %dma_start3A_1709 : memref<1x32x128xf32, #tpu.memory_space<hbm>> -> memref<32x128xf32, #tpu.memory_space<hbm>>
    %dma_start3A_1711 = arith.constant 96 : i32
    %dma_start3A_1712 = arith.constant 0 : i32
    %dma_start3A_1713 = tpu.memref_slice %arg13[%dma_start3A_1711, %dma_start3A_1712] : memref<160x128xf32, #tpu.memory_space<vmem>> -> memref<32x128xf32, #tpu.memory_space<vmem>>
    tpu.enqueue_dma source(%dma_start3A_1713 : memref<32x128xf32, #tpu.memory_space<vmem>>) target(%dma_start3A_1710 : memref<32x128xf32, #tpu.memory_space<hbm>>) target_semaphore(%arg19 : memref<!tpu.dma_semaphore, #tpu.memory_space<semaphore_mem>>)
    %dma_start3A_1714 = arith.constant 10 : i32
    %dma_start3A_1715 = arith.constant 128 : i32
    %dma_start3A_1716 = arith.constant 0 : i32
    %dma_start3A_1717 = tpu.memref_slice %arg13[%dma_start3A_1715, %dma_start3A_1716] : memref<160x128xf32, #tpu.memory_space<vmem>> -> memref<32x128xf32, #tpu.memory_space<vmem>>
    %dma_start3A_1718 = arith.constant 0 : i32
    %dma_start3A_1719 = tpu.memref_slice %arg5[%dma_start3A_1714, %mul3A_2, %dma_start3A_1718] : memref<51x1024x128xf32, #tpu.memory_space<hbm>> -> memref<1x32x128xf32, #tpu.memory_space<hbm>>
    %dma_start3A_1720 = tpu.memref_squeeze %dma_start3A_1719 : memref<1x32x128xf32, #tpu.memory_space<hbm>> -> memref<32x128xf32, #tpu.memory_space<hbm>>
    %dma_start3A_1721 = arith.constant 0 : i32
    %dma_start3A_1722 = tpu.memref_slice %arg5[%dma_start3A_1714, %mul3A_2, %dma_start3A_1721] : memref<51x1024x128xf32, #tpu.memory_space<hbm>> -> memref<1x32x128xf32, #tpu.memory_space<hbm>>
    %dma_start3A_1723 = tpu.memref_squeeze %dma_start3A_1722 : memref<1x32x128xf32, #tpu.memory_space<hbm>> -> memref<32x128xf32, #tpu.memory_space<hbm>>
    %dma_start3A_1724 = arith.constant 128 : i32
    %dma_start3A_1725 = arith.constant 0 : i32
    %dma_start3A_1726 = tpu.memref_slice %arg13[%dma_start3A_1724, %dma_start3A_1725] : memref<160x128xf32, #tpu.memory_space<vmem>> -> memref<32x128xf32, #tpu.memory_space<vmem>>
    tpu.enqueue_dma source(%dma_start3A_1726 : memref<32x128xf32, #tpu.memory_space<vmem>>) target(%dma_start3A_1723 : memref<32x128xf32, #tpu.memory_space<hbm>>) target_semaphore(%arg19 : memref<!tpu.dma_semaphore, #tpu.memory_space<semaphore_mem>>)
    %dma_wait3A_1727 = arith.constant 6 : i32
    %dma_wait3A_1728 = arith.constant 0 : i32
    %dma_wait3A_1729 = arith.constant 0 : i32
    %dma_wait3A_1730 = tpu.memref_slice %arg13[%dma_wait3A_1728, %dma_wait3A_1729] : memref<160x128xf32, #tpu.memory_space<vmem>> -> memref<32x128xf32, #tpu.memory_space<vmem>>
    %dma_wait3A_1731 = arith.constant 0 : i32
    %dma_wait3A_1732 = tpu.memref_slice %arg5[%dma_wait3A_1727, %mul3A_2, %dma_wait3A_1731] : memref<51x1024x128xf32, #tpu.memory_space<hbm>> -> memref<1x32x128xf32, #tpu.memory_space<hbm>>
    %dma_wait3A_1733 = tpu.memref_squeeze %dma_wait3A_1732 : memref<1x32x128xf32, #tpu.memory_space<hbm>> -> memref<32x128xf32, #tpu.memory_space<hbm>>
    %dma_wait3A_1734 = arith.constant 0 : i32
    %dma_wait3A_1735 = tpu.memref_slice %arg5[%dma_wait3A_1727, %mul3A_2, %dma_wait3A_1734] : memref<51x1024x128xf32, #tpu.memory_space<hbm>> -> memref<1x32x128xf32, #tpu.memory_space<hbm>>
    %dma_wait3A_1736 = tpu.memref_squeeze %dma_wait3A_1735 : memref<1x32x128xf32, #tpu.memory_space<hbm>> -> memref<32x128xf32, #tpu.memory_space<hbm>>
    %dma_wait3A_1737 = arith.constant 0 : i32
    %dma_wait3A_1738 = arith.constant 0 : i32
    %dma_wait3A_1739 = tpu.memref_slice %arg13[%dma_wait3A_1737, %dma_wait3A_1738] : memref<160x128xf32, #tpu.memory_space<vmem>> -> memref<32x128xf32, #tpu.memory_space<vmem>>
    tpu.wait_dma2 semaphore(%arg19 : memref<!tpu.dma_semaphore, #tpu.memory_space<semaphore_mem>>) src(%dma_wait3A_1739 : memref<32x128xf32, #tpu.memory_space<vmem>>) dst(%dma_wait3A_1736 : memref<32x128xf32, #tpu.memory_space<hbm>>)
    %dma_wait3A_1740 = arith.constant 7 : i32
    %dma_wait3A_1741 = arith.constant 32 : i32
    %dma_wait3A_1742 = arith.constant 0 : i32
    %dma_wait3A_1743 = tpu.memref_slice %arg13[%dma_wait3A_1741, %dma_wait3A_1742] : memref<160x128xf32, #tpu.memory_space<vmem>> -> memref<32x128xf32, #tpu.memory_space<vmem>>
    %dma_wait3A_1744 = arith.constant 0 : i32
    %dma_wait3A_1745 = tpu.memref_slice %arg5[%dma_wait3A_1740, %mul3A_2, %dma_wait3A_1744] : memref<51x1024x128xf32, #tpu.memory_space<hbm>> -> memref<1x32x128xf32, #tpu.memory_space<hbm>>
    %dma_wait3A_1746 = tpu.memref_squeeze %dma_wait3A_1745 : memref<1x32x128xf32, #tpu.memory_space<hbm>> -> memref<32x128xf32, #tpu.memory_space<hbm>>
    %dma_wait3A_1747 = arith.constant 0 : i32
    %dma_wait3A_1748 = tpu.memref_slice %arg5[%dma_wait3A_1740, %mul3A_2, %dma_wait3A_1747] : memref<51x1024x128xf32, #tpu.memory_space<hbm>> -> memref<1x32x128xf32, #tpu.memory_space<hbm>>
    %dma_wait3A_1749 = tpu.memref_squeeze %dma_wait3A_1748 : memref<1x32x128xf32, #tpu.memory_space<hbm>> -> memref<32x128xf32, #tpu.memory_space<hbm>>
    %dma_wait3A_1750 = arith.constant 32 : i32
    %dma_wait3A_1751 = arith.constant 0 : i32
    %dma_wait3A_1752 = tpu.memref_slice %arg13[%dma_wait3A_1750, %dma_wait3A_1751] : memref<160x128xf32, #tpu.memory_space<vmem>> -> memref<32x128xf32, #tpu.memory_space<vmem>>
    tpu.wait_dma2 semaphore(%arg19 : memref<!tpu.dma_semaphore, #tpu.memory_space<semaphore_mem>>) src(%dma_wait3A_1752 : memref<32x128xf32, #tpu.memory_space<vmem>>) dst(%dma_wait3A_1749 : memref<32x128xf32, #tpu.memory_space<hbm>>)
    %dma_wait3A_1753 = arith.constant 8 : i32
    %dma_wait3A_1754 = arith.constant 64 : i32
    %dma_wait3A_1755 = arith.constant 0 : i32
    %dma_wait3A_1756 = tpu.memref_slice %arg13[%dma_wait3A_1754, %dma_wait3A_1755] : memref<160x128xf32, #tpu.memory_space<vmem>> -> memref<32x128xf32, #tpu.memory_space<vmem>>
    %dma_wait3A_1757 = arith.constant 0 : i32
    %dma_wait3A_1758 = tpu.memref_slice %arg5[%dma_wait3A_1753, %mul3A_2, %dma_wait3A_1757] : memref<51x1024x128xf32, #tpu.memory_space<hbm>> -> memref<1x32x128xf32, #tpu.memory_space<hbm>>
    %dma_wait3A_1759 = tpu.memref_squeeze %dma_wait3A_1758 : memref<1x32x128xf32, #tpu.memory_space<hbm>> -> memref<32x128xf32, #tpu.memory_space<hbm>>
    %dma_wait3A_1760 = arith.constant 0 : i32
    %dma_wait3A_1761 = tpu.memref_slice %arg5[%dma_wait3A_1753, %mul3A_2, %dma_wait3A_1760] : memref<51x1024x128xf32, #tpu.memory_space<hbm>> -> memref<1x32x128xf32, #tpu.memory_space<hbm>>
    %dma_wait3A_1762 = tpu.memref_squeeze %dma_wait3A_1761 : memref<1x32x128xf32, #tpu.memory_space<hbm>> -> memref<32x128xf32, #tpu.memory_space<hbm>>
    %dma_wait3A_1763 = arith.constant 64 : i32
    %dma_wait3A_1764 = arith.constant 0 : i32
    %dma_wait3A_1765 = tpu.memref_slice %arg13[%dma_wait3A_1763, %dma_wait3A_1764] : memref<160x128xf32, #tpu.memory_space<vmem>> -> memref<32x128xf32, #tpu.memory_space<vmem>>
    tpu.wait_dma2 semaphore(%arg19 : memref<!tpu.dma_semaphore, #tpu.memory_space<semaphore_mem>>) src(%dma_wait3A_1765 : memref<32x128xf32, #tpu.memory_space<vmem>>) dst(%dma_wait3A_1762 : memref<32x128xf32, #tpu.memory_space<hbm>>)
    %dma_wait3A_1766 = arith.constant 9 : i32
    %dma_wait3A_1767 = arith.constant 96 : i32
    %dma_wait3A_1768 = arith.constant 0 : i32
    %dma_wait3A_1769 = tpu.memref_slice %arg13[%dma_wait3A_1767, %dma_wait3A_1768] : memref<160x128xf32, #tpu.memory_space<vmem>> -> memref<32x128xf32, #tpu.memory_space<vmem>>
    %dma_wait3A_1770 = arith.constant 0 : i32
    %dma_wait3A_1771 = tpu.memref_slice %arg5[%dma_wait3A_1766, %mul3A_2, %dma_wait3A_1770] : memref<51x1024x128xf32, #tpu.memory_space<hbm>> -> memref<1x32x128xf32, #tpu.memory_space<hbm>>
    %dma_wait3A_1772 = tpu.memref_squeeze %dma_wait3A_1771 : memref<1x32x128xf32, #tpu.memory_space<hbm>> -> memref<32x128xf32, #tpu.memory_space<hbm>>
    %dma_wait3A_1773 = arith.constant 0 : i32
    %dma_wait3A_1774 = tpu.memref_slice %arg5[%dma_wait3A_1766, %mul3A_2, %dma_wait3A_1773] : memref<51x1024x128xf32, #tpu.memory_space<hbm>> -> memref<1x32x128xf32, #tpu.memory_space<hbm>>
    %dma_wait3A_1775 = tpu.memref_squeeze %dma_wait3A_1774 : memref<1x32x128xf32, #tpu.memory_space<hbm>> -> memref<32x128xf32, #tpu.memory_space<hbm>>
    %dma_wait3A_1776 = arith.constant 96 : i32
    %dma_wait3A_1777 = arith.constant 0 : i32
    %dma_wait3A_1778 = tpu.memref_slice %arg13[%dma_wait3A_1776, %dma_wait3A_1777] : memref<160x128xf32, #tpu.memory_space<vmem>> -> memref<32x128xf32, #tpu.memory_space<vmem>>
    tpu.wait_dma2 semaphore(%arg19 : memref<!tpu.dma_semaphore, #tpu.memory_space<semaphore_mem>>) src(%dma_wait3A_1778 : memref<32x128xf32, #tpu.memory_space<vmem>>) dst(%dma_wait3A_1775 : memref<32x128xf32, #tpu.memory_space<hbm>>)
    %dma_wait3A_1779 = arith.constant 10 : i32
    %dma_wait3A_1780 = arith.constant 128 : i32
    %dma_wait3A_1781 = arith.constant 0 : i32
    %dma_wait3A_1782 = tpu.memref_slice %arg13[%dma_wait3A_1780, %dma_wait3A_1781] : memref<160x128xf32, #tpu.memory_space<vmem>> -> memref<32x128xf32, #tpu.memory_space<vmem>>
    %dma_wait3A_1783 = arith.constant 0 : i32
    %dma_wait3A_1784 = tpu.memref_slice %arg5[%dma_wait3A_1779, %mul3A_2, %dma_wait3A_1783] : memref<51x1024x128xf32, #tpu.memory_space<hbm>> -> memref<1x32x128xf32, #tpu.memory_space<hbm>>
    %dma_wait3A_1785 = tpu.memref_squeeze %dma_wait3A_1784 : memref<1x32x128xf32, #tpu.memory_space<hbm>> -> memref<32x128xf32, #tpu.memory_space<hbm>>
    %dma_wait3A_1786 = arith.constant 0 : i32
    %dma_wait3A_1787 = tpu.memref_slice %arg5[%dma_wait3A_1779, %mul3A_2, %dma_wait3A_1786] : memref<51x1024x128xf32, #tpu.memory_space<hbm>> -> memref<1x32x128xf32, #tpu.memory_space<hbm>>
    %dma_wait3A_1788 = tpu.memref_squeeze %dma_wait3A_1787 : memref<1x32x128xf32, #tpu.memory_space<hbm>> -> memref<32x128xf32, #tpu.memory_space<hbm>>
    %dma_wait3A_1789 = arith.constant 128 : i32
    %dma_wait3A_1790 = arith.constant 0 : i32
    %dma_wait3A_1791 = tpu.memref_slice %arg13[%dma_wait3A_1789, %dma_wait3A_1790] : memref<160x128xf32, #tpu.memory_space<vmem>> -> memref<32x128xf32, #tpu.memory_space<vmem>>
    tpu.wait_dma2 semaphore(%arg19 : memref<!tpu.dma_semaphore, #tpu.memory_space<semaphore_mem>>) src(%dma_wait3A_1791 : memref<32x128xf32, #tpu.memory_space<vmem>>) dst(%dma_wait3A_1788 : memref<32x128xf32, #tpu.memory_space<hbm>>)
    %add3A_1792 = arith.constant 0 : i32
    %add3A_1793 = vector.broadcast %add3A_1792 : i32 to vector<16xi32>
    %add3A_1794 = arith.addi %add3A_1793, %iota3A : vector<16xi32>
    %add3A_1795 = arith.constant 0 : i32
    %add3A_1796 = arith.addi %select_n3A_11, %add3A_1795 : i32
    %get3A_1797 = arith.constant 30 : i32
    %get3A_1798 = arith.index_cast %get3A_1797 : i32 to index
    %get3A_1799 = arith.index_cast %add3A_1796 : i32 to index
    %get3A_1800 = tpu.vector_load %arg6[%get3A_1798, %get3A_1799] {strides = array<i32>} : memref<56x128xi32, #tpu.memory_space<vmem>>, vector<1x16xi32>,
    %get3A_1801 = vector.shape_cast %get3A_1800 : vector<1x16xi32> to vector<16xi32>
    %add3A_1802 = vector.broadcast %mul3A_2 : i32 to vector<16xi32>
    %add3A_1803 = arith.addi %add3A_1802, %add3A_1794 : vector<16xi32>
    %mul3A_1804 = arith.constant 1000 : i32
    %mul3A_1805 = vector.broadcast %mul3A_1804 : i32 to vector<16xi32>
    %mul3A_1806 = arith.muli %add3A_1803, %mul3A_1805 : vector<16xi32>
    %add3A_1807 = arith.constant 600 : i32
    %add3A_1808 = vector.broadcast %add3A_1807 : i32 to vector<16xi32>
    %add3A_1809 = arith.addi %mul3A_1806, %add3A_1808 : vector<16xi32>
    %add3A_1810 = arith.addi %add3A_1809, %get3A_1801 : vector<16xi32>
    %swap3A_1811 = arith.constant 0 : index
    %swap3A_1812 = tpu.vector_load %arg8[%swap3A_1811] {strides = array<i32>} : memref<160xi32, #tpu.memory_space<vmem>>, vector<16xi32>,
    %swap3A_1813 = vector.shape_cast %swap3A_1812 : vector<16xi32> to vector<16xi32>
    %swap3A_1814 = vector.shape_cast %add3A_1810 : vector<16xi32> to vector<16xi32>
    tpu.vector_store %arg8[%swap3A_1811], %swap3A_1814 {strides = array<i32>} : memref<160xi32, #tpu.memory_space<vmem>>, vector<16xi32>,
    %add3A_1815 = arith.constant 16 : i32
    %add3A_1816 = vector.broadcast %add3A_1815 : i32 to vector<16xi32>
    %add3A_1817 = arith.addi %add3A_1816, %iota3A : vector<16xi32>
    %add3A_1818 = arith.constant 16 : i32
    %add3A_1819 = arith.addi %select_n3A_11, %add3A_1818 : i32
    %get3A_1820 = arith.constant 30 : i32
    %get3A_1821 = arith.index_cast %get3A_1820 : i32 to index
    %get3A_1822 = arith.index_cast %add3A_1819 : i32 to index
    %get3A_1823 = tpu.vector_load %arg6[%get3A_1821, %get3A_1822] {strides = array<i32>} : memref<56x128xi32, #tpu.memory_space<vmem>>, vector<1x16xi32>,
    %get3A_1824 = vector.shape_cast %get3A_1823 : vector<1x16xi32> to vector<16xi32>
    %add3A_1825 = vector.broadcast %mul3A_2 : i32 to vector<16xi32>
    %add3A_1826 = arith.addi %add3A_1825, %add3A_1817 : vector<16xi32>
    %mul3A_1827 = arith.constant 1000 : i32
    %mul3A_1828 = vector.broadcast %mul3A_1827 : i32 to vector<16xi32>
    %mul3A_1829 = arith.muli %add3A_1826, %mul3A_1828 : vector<16xi32>
    %add3A_1830 = arith.constant 600 : i32
    %add3A_1831 = vector.broadcast %add3A_1830 : i32 to vector<16xi32>
    %add3A_1832 = arith.addi %mul3A_1829, %add3A_1831 : vector<16xi32>
    %add3A_1833 = arith.addi %add3A_1832, %get3A_1824 : vector<16xi32>
    %swap3A_1834 = arith.constant 16 : index
    %swap3A_1835 = tpu.vector_load %arg8[%swap3A_1834] {strides = array<i32>} : memref<160xi32, #tpu.memory_space<vmem>>, vector<16xi32>,
    %swap3A_1836 = vector.shape_cast %swap3A_1835 : vector<16xi32> to vector<16xi32>
    %swap3A_1837 = vector.shape_cast %add3A_1833 : vector<16xi32> to vector<16xi32>
    tpu.vector_store %arg8[%swap3A_1834], %swap3A_1837 {strides = array<i32>} : memref<160xi32, #tpu.memory_space<vmem>>, vector<16xi32>,
    %add3A_1838 = arith.constant 0 : i32
    %add3A_1839 = vector.broadcast %add3A_1838 : i32 to vector<16xi32>
    %add3A_1840 = arith.addi %add3A_1839, %iota3A : vector<16xi32>
    %add3A_1841 = arith.constant 0 : i32
    %add3A_1842 = arith.addi %select_n3A_11, %add3A_1841 : i32
    %get3A_1843 = arith.constant 31 : i32
    %get3A_1844 = arith.index_cast %get3A_1843 : i32 to index
    %get3A_1845 = arith.index_cast %add3A_1842 : i32 to index
    %get3A_1846 = tpu.vector_load %arg6[%get3A_1844, %get3A_1845] {strides = array<i32>} : memref<56x128xi32, #tpu.memory_space<vmem>>, vector<1x16xi32>,
    %get3A_1847 = vector.shape_cast %get3A_1846 : vector<1x16xi32> to vector<16xi32>
    %add3A_1848 = vector.broadcast %mul3A_2 : i32 to vector<16xi32>
    %add3A_1849 = arith.addi %add3A_1848, %add3A_1840 : vector<16xi32>
    %mul3A_1850 = arith.constant 1000 : i32
    %mul3A_1851 = vector.broadcast %mul3A_1850 : i32 to vector<16xi32>
    %mul3A_1852 = arith.muli %add3A_1849, %mul3A_1851 : vector<16xi32>
    %add3A_1853 = arith.constant 620 : i32
    %add3A_1854 = vector.broadcast %add3A_1853 : i32 to vector<16xi32>
    %add3A_1855 = arith.addi %mul3A_1852, %add3A_1854 : vector<16xi32>
    %add3A_1856 = arith.addi %add3A_1855, %get3A_1847 : vector<16xi32>
    %swap3A_1857 = arith.constant 32 : index
    %swap3A_1858 = tpu.vector_load %arg8[%swap3A_1857] {strides = array<i32>} : memref<160xi32, #tpu.memory_space<vmem>>, vector<16xi32>,
    %swap3A_1859 = vector.shape_cast %swap3A_1858 : vector<16xi32> to vector<16xi32>
    %swap3A_1860 = vector.shape_cast %add3A_1856 : vector<16xi32> to vector<16xi32>
    tpu.vector_store %arg8[%swap3A_1857], %swap3A_1860 {strides = array<i32>} : memref<160xi32, #tpu.memory_space<vmem>>, vector<16xi32>,
    %add3A_1861 = arith.constant 16 : i32
    %add3A_1862 = vector.broadcast %add3A_1861 : i32 to vector<16xi32>
    %add3A_1863 = arith.addi %add3A_1862, %iota3A : vector<16xi32>
    %add3A_1864 = arith.constant 16 : i32
    %add3A_1865 = arith.addi %select_n3A_11, %add3A_1864 : i32
    %get3A_1866 = arith.constant 31 : i32
    %get3A_1867 = arith.index_cast %get3A_1866 : i32 to index
    %get3A_1868 = arith.index_cast %add3A_1865 : i32 to index
    %get3A_1869 = tpu.vector_load %arg6[%get3A_1867, %get3A_1868] {strides = array<i32>} : memref<56x128xi32, #tpu.memory_space<vmem>>, vector<1x16xi32>,
    %get3A_1870 = vector.shape_cast %get3A_1869 : vector<1x16xi32> to vector<16xi32>
    %add3A_1871 = vector.broadcast %mul3A_2 : i32 to vector<16xi32>
    %add3A_1872 = arith.addi %add3A_1871, %add3A_1863 : vector<16xi32>
    %mul3A_1873 = arith.constant 1000 : i32
    %mul3A_1874 = vector.broadcast %mul3A_1873 : i32 to vector<16xi32>
    %mul3A_1875 = arith.muli %add3A_1872, %mul3A_1874 : vector<16xi32>
    %add3A_1876 = arith.constant 620 : i32
    %add3A_1877 = vector.broadcast %add3A_1876 : i32 to vector<16xi32>
    %add3A_1878 = arith.addi %mul3A_1875, %add3A_1877 : vector<16xi32>
    %add3A_1879 = arith.addi %add3A_1878, %get3A_1870 : vector<16xi32>
    %swap3A_1880 = arith.constant 48 : index
    %swap3A_1881 = tpu.vector_load %arg8[%swap3A_1880] {strides = array<i32>} : memref<160xi32, #tpu.memory_space<vmem>>, vector<16xi32>,
    %swap3A_1882 = vector.shape_cast %swap3A_1881 : vector<16xi32> to vector<16xi32>
    %swap3A_1883 = vector.shape_cast %add3A_1879 : vector<16xi32> to vector<16xi32>
    tpu.vector_store %arg8[%swap3A_1880], %swap3A_1883 {strides = array<i32>} : memref<160xi32, #tpu.memory_space<vmem>>, vector<16xi32>,
    %add3A_1884 = arith.constant 0 : i32
    %add3A_1885 = vector.broadcast %add3A_1884 : i32 to vector<16xi32>
    %add3A_1886 = arith.addi %add3A_1885, %iota3A : vector<16xi32>
    %add3A_1887 = arith.constant 0 : i32
    %add3A_1888 = arith.addi %select_n3A_11, %add3A_1887 : i32
    %get3A_1889 = arith.constant 32 : i32
    %get3A_1890 = arith.index_cast %get3A_1889 : i32 to index
    %get3A_1891 = arith.index_cast %add3A_1888 : i32 to index
    %get3A_1892 = tpu.vector_load %arg6[%get3A_1890, %get3A_1891] {strides = array<i32>} : memref<56x128xi32, #tpu.memory_space<vmem>>, vector<1x16xi32>,
    %get3A_1893 = vector.shape_cast %get3A_1892 : vector<1x16xi32> to vector<16xi32>
    %add3A_1894 = vector.broadcast %mul3A_2 : i32 to vector<16xi32>
    %add3A_1895 = arith.addi %add3A_1894, %add3A_1886 : vector<16xi32>
    %mul3A_1896 = arith.constant 1000 : i32
    %mul3A_1897 = vector.broadcast %mul3A_1896 : i32 to vector<16xi32>
    %mul3A_1898 = arith.muli %add3A_1895, %mul3A_1897 : vector<16xi32>
    %add3A_1899 = arith.constant 640 : i32
    %add3A_1900 = vector.broadcast %add3A_1899 : i32 to vector<16xi32>
    %add3A_1901 = arith.addi %mul3A_1898, %add3A_1900 : vector<16xi32>
    %add3A_1902 = arith.addi %add3A_1901, %get3A_1893 : vector<16xi32>
    %swap3A_1903 = arith.constant 64 : index
    %swap3A_1904 = tpu.vector_load %arg8[%swap3A_1903] {strides = array<i32>} : memref<160xi32, #tpu.memory_space<vmem>>, vector<16xi32>,
    %swap3A_1905 = vector.shape_cast %swap3A_1904 : vector<16xi32> to vector<16xi32>
    %swap3A_1906 = vector.shape_cast %add3A_1902 : vector<16xi32> to vector<16xi32>
    tpu.vector_store %arg8[%swap3A_1903], %swap3A_1906 {strides = array<i32>} : memref<160xi32, #tpu.memory_space<vmem>>, vector<16xi32>,
    %add3A_1907 = arith.constant 16 : i32
    %add3A_1908 = vector.broadcast %add3A_1907 : i32 to vector<16xi32>
    %add3A_1909 = arith.addi %add3A_1908, %iota3A : vector<16xi32>
    %add3A_1910 = arith.constant 16 : i32
    %add3A_1911 = arith.addi %select_n3A_11, %add3A_1910 : i32
    %get3A_1912 = arith.constant 32 : i32
    %get3A_1913 = arith.index_cast %get3A_1912 : i32 to index
    %get3A_1914 = arith.index_cast %add3A_1911 : i32 to index
    %get3A_1915 = tpu.vector_load %arg6[%get3A_1913, %get3A_1914] {strides = array<i32>} : memref<56x128xi32, #tpu.memory_space<vmem>>, vector<1x16xi32>,
    %get3A_1916 = vector.shape_cast %get3A_1915 : vector<1x16xi32> to vector<16xi32>
    %add3A_1917 = vector.broadcast %mul3A_2 : i32 to vector<16xi32>
    %add3A_1918 = arith.addi %add3A_1917, %add3A_1909 : vector<16xi32>
    %mul3A_1919 = arith.constant 1000 : i32
    %mul3A_1920 = vector.broadcast %mul3A_1919 : i32 to vector<16xi32>
    %mul3A_1921 = arith.muli %add3A_1918, %mul3A_1920 : vector<16xi32>
    %add3A_1922 = arith.constant 640 : i32
    %add3A_1923 = vector.broadcast %add3A_1922 : i32 to vector<16xi32>
    %add3A_1924 = arith.addi %mul3A_1921, %add3A_1923 : vector<16xi32>
    %add3A_1925 = arith.addi %add3A_1924, %get3A_1916 : vector<16xi32>
    %swap3A_1926 = arith.constant 80 : index
    %swap3A_1927 = tpu.vector_load %arg8[%swap3A_1926] {strides = array<i32>} : memref<160xi32, #tpu.memory_space<vmem>>, vector<16xi32>,
    %swap3A_1928 = vector.shape_cast %swap3A_1927 : vector<16xi32> to vector<16xi32>
    %swap3A_1929 = vector.shape_cast %add3A_1925 : vector<16xi32> to vector<16xi32>
    tpu.vector_store %arg8[%swap3A_1926], %swap3A_1929 {strides = array<i32>} : memref<160xi32, #tpu.memory_space<vmem>>, vector<16xi32>,
    %add3A_1930 = arith.constant 0 : i32
    %add3A_1931 = vector.broadcast %add3A_1930 : i32 to vector<16xi32>
    %add3A_1932 = arith.addi %add3A_1931, %iota3A : vector<16xi32>
    %add3A_1933 = arith.constant 0 : i32
    %add3A_1934 = arith.addi %select_n3A_11, %add3A_1933 : i32
    %get3A_1935 = arith.constant 33 : i32
    %get3A_1936 = arith.index_cast %get3A_1935 : i32 to index
    %get3A_1937 = arith.index_cast %add3A_1934 : i32 to index
    %get3A_1938 = tpu.vector_load %arg6[%get3A_1936, %get3A_1937] {strides = array<i32>} : memref<56x128xi32, #tpu.memory_space<vmem>>, vector<1x16xi32>,
    %get3A_1939 = vector.shape_cast %get3A_1938 : vector<1x16xi32> to vector<16xi32>
    %add3A_1940 = vector.broadcast %mul3A_2 : i32 to vector<16xi32>
    %add3A_1941 = arith.addi %add3A_1940, %add3A_1932 : vector<16xi32>
    %mul3A_1942 = arith.constant 1000 : i32
    %mul3A_1943 = vector.broadcast %mul3A_1942 : i32 to vector<16xi32>
    %mul3A_1944 = arith.muli %add3A_1941, %mul3A_1943 : vector<16xi32>
    %add3A_1945 = arith.constant 660 : i32
    %add3A_1946 = vector.broadcast %add3A_1945 : i32 to vector<16xi32>
    %add3A_1947 = arith.addi %mul3A_1944, %add3A_1946 : vector<16xi32>
    %add3A_1948 = arith.addi %add3A_1947, %get3A_1939 : vector<16xi32>
    %swap3A_1949 = arith.constant 96 : index
    %swap3A_1950 = tpu.vector_load %arg8[%swap3A_1949] {strides = array<i32>} : memref<160xi32, #tpu.memory_space<vmem>>, vector<16xi32>,
    %swap3A_1951 = vector.shape_cast %swap3A_1950 : vector<16xi32> to vector<16xi32>
    %swap3A_1952 = vector.shape_cast %add3A_1948 : vector<16xi32> to vector<16xi32>
    tpu.vector_store %arg8[%swap3A_1949], %swap3A_1952 {strides = array<i32>} : memref<160xi32, #tpu.memory_space<vmem>>, vector<16xi32>,
    %add3A_1953 = arith.constant 16 : i32
    %add3A_1954 = vector.broadcast %add3A_1953 : i32 to vector<16xi32>
    %add3A_1955 = arith.addi %add3A_1954, %iota3A : vector<16xi32>
    %add3A_1956 = arith.constant 16 : i32
    %add3A_1957 = arith.addi %select_n3A_11, %add3A_1956 : i32
    %get3A_1958 = arith.constant 33 : i32
    %get3A_1959 = arith.index_cast %get3A_1958 : i32 to index
    %get3A_1960 = arith.index_cast %add3A_1957 : i32 to index
    %get3A_1961 = tpu.vector_load %arg6[%get3A_1959, %get3A_1960] {strides = array<i32>} : memref<56x128xi32, #tpu.memory_space<vmem>>, vector<1x16xi32>,
    %get3A_1962 = vector.shape_cast %get3A_1961 : vector<1x16xi32> to vector<16xi32>
    %add3A_1963 = vector.broadcast %mul3A_2 : i32 to vector<16xi32>
    %add3A_1964 = arith.addi %add3A_1963, %add3A_1955 : vector<16xi32>
    %mul3A_1965 = arith.constant 1000 : i32
    %mul3A_1966 = vector.broadcast %mul3A_1965 : i32 to vector<16xi32>
    %mul3A_1967 = arith.muli %add3A_1964, %mul3A_1966 : vector<16xi32>
    %add3A_1968 = arith.constant 660 : i32
    %add3A_1969 = vector.broadcast %add3A_1968 : i32 to vector<16xi32>
    %add3A_1970 = arith.addi %mul3A_1967, %add3A_1969 : vector<16xi32>
    %add3A_1971 = arith.addi %add3A_1970, %get3A_1962 : vector<16xi32>
    %swap3A_1972 = arith.constant 112 : index
    %swap3A_1973 = tpu.vector_load %arg8[%swap3A_1972] {strides = array<i32>} : memref<160xi32, #tpu.memory_space<vmem>>, vector<16xi32>,
    %swap3A_1974 = vector.shape_cast %swap3A_1973 : vector<16xi32> to vector<16xi32>
    %swap3A_1975 = vector.shape_cast %add3A_1971 : vector<16xi32> to vector<16xi32>
    tpu.vector_store %arg8[%swap3A_1972], %swap3A_1975 {strides = array<i32>} : memref<160xi32, #tpu.memory_space<vmem>>, vector<16xi32>,
    %add3A_1976 = arith.constant 0 : i32
    %add3A_1977 = vector.broadcast %add3A_1976 : i32 to vector<16xi32>
    %add3A_1978 = arith.addi %add3A_1977, %iota3A : vector<16xi32>
    %add3A_1979 = arith.constant 0 : i32
    %add3A_1980 = arith.addi %select_n3A_11, %add3A_1979 : i32
    %get3A_1981 = arith.constant 34 : i32
    %get3A_1982 = arith.index_cast %get3A_1981 : i32 to index
    %get3A_1983 = arith.index_cast %add3A_1980 : i32 to index
    %get3A_1984 = tpu.vector_load %arg6[%get3A_1982, %get3A_1983] {strides = array<i32>} : memref<56x128xi32, #tpu.memory_space<vmem>>, vector<1x16xi32>,
    %get3A_1985 = vector.shape_cast %get3A_1984 : vector<1x16xi32> to vector<16xi32>
    %add3A_1986 = vector.broadcast %mul3A_2 : i32 to vector<16xi32>
    %add3A_1987 = arith.addi %add3A_1986, %add3A_1978 : vector<16xi32>
    %mul3A_1988 = arith.constant 1000 : i32
    %mul3A_1989 = vector.broadcast %mul3A_1988 : i32 to vector<16xi32>
    %mul3A_1990 = arith.muli %add3A_1987, %mul3A_1989 : vector<16xi32>
    %add3A_1991 = arith.constant 680 : i32
    %add3A_1992 = vector.broadcast %add3A_1991 : i32 to vector<16xi32>
    %add3A_1993 = arith.addi %mul3A_1990, %add3A_1992 : vector<16xi32>
    %add3A_1994 = arith.addi %add3A_1993, %get3A_1985 : vector<16xi32>
    %swap3A_1995 = arith.constant 128 : index
    %swap3A_1996 = tpu.vector_load %arg8[%swap3A_1995] {strides = array<i32>} : memref<160xi32, #tpu.memory_space<vmem>>, vector<16xi32>,
    %swap3A_1997 = vector.shape_cast %swap3A_1996 : vector<16xi32> to vector<16xi32>
    %swap3A_1998 = vector.shape_cast %add3A_1994 : vector<16xi32> to vector<16xi32>
    tpu.vector_store %arg8[%swap3A_1995], %swap3A_1998 {strides = array<i32>} : memref<160xi32, #tpu.memory_space<vmem>>, vector<16xi32>,
    %add3A_1999 = arith.constant 16 : i32
    %add3A_2000 = vector.broadcast %add3A_1999 : i32 to vector<16xi32>
    %add3A_2001 = arith.addi %add3A_2000, %iota3A : vector<16xi32>
    %add3A_2002 = arith.constant 16 : i32
    %add3A_2003 = arith.addi %select_n3A_11, %add3A_2002 : i32
    %get3A_2004 = arith.constant 34 : i32
    %get3A_2005 = arith.index_cast %get3A_2004 : i32 to index
    %get3A_2006 = arith.index_cast %add3A_2003 : i32 to index
    %get3A_2007 = tpu.vector_load %arg6[%get3A_2005, %get3A_2006] {strides = array<i32>} : memref<56x128xi32, #tpu.memory_space<vmem>>, vector<1x16xi32>,
    %get3A_2008 = vector.shape_cast %get3A_2007 : vector<1x16xi32> to vector<16xi32>
    %add3A_2009 = vector.broadcast %mul3A_2 : i32 to vector<16xi32>
    %add3A_2010 = arith.addi %add3A_2009, %add3A_2001 : vector<16xi32>
    %mul3A_2011 = arith.constant 1000 : i32
    %mul3A_2012 = vector.broadcast %mul3A_2011 : i32 to vector<16xi32>
    %mul3A_2013 = arith.muli %add3A_2010, %mul3A_2012 : vector<16xi32>
    %add3A_2014 = arith.constant 680 : i32
    %add3A_2015 = vector.broadcast %add3A_2014 : i32 to vector<16xi32>
    %add3A_2016 = arith.addi %mul3A_2013, %add3A_2015 : vector<16xi32>
    %add3A_2017 = arith.addi %add3A_2016, %get3A_2008 : vector<16xi32>
    %swap3A_2018 = arith.constant 144 : index
    %swap3A_2019 = tpu.vector_load %arg8[%swap3A_2018] {strides = array<i32>} : memref<160xi32, #tpu.memory_space<vmem>>, vector<16xi32>,
    %swap3A_2020 = vector.shape_cast %swap3A_2019 : vector<16xi32> to vector<16xi32>
    %swap3A_2021 = vector.shape_cast %add3A_2017 : vector<16xi32> to vector<16xi32>
    tpu.vector_store %arg8[%swap3A_2018], %swap3A_2021 {strides = array<i32>} : memref<160xi32, #tpu.memory_space<vmem>>, vector<16xi32>,
    %dma_start3A_2022 = arith.constant 0 : i32
    %dma_start3A_2023 = arith.constant 0 : i32
    %dma_start3A_2024 = tpu.memref_slice %arg2[%dma_start3A_2022, %dma_start3A_2023] : memref<1024000x128xf32, #tpu.memory_space<hbm>> -> memref<1024000x128xf32, #tpu.memory_space<hbm>>
    tpu.enqueue_indirect_dma source(%dma_start3A_2024 : memref<1024000x128xf32, #tpu.memory_space<hbm>>) target(%arg13 : memref<160x128xf32, #tpu.memory_space<vmem>>) offsets(%arg8 : memref<160xi32, #tpu.memory_space<vmem>>) semaphore(%arg18 : memref<!tpu.dma_semaphore, #tpu.memory_space<semaphore_mem>>)
    %dma_wait3A_2025 = arith.constant 0 : i32
    %dma_wait3A_2026 = arith.constant 0 : i32
    %dma_wait3A_2027 = tpu.memref_slice %arg2[%dma_wait3A_2025, %dma_wait3A_2026] : memref<1024000x128xf32, #tpu.memory_space<hbm>> -> memref<1024000x128xf32, #tpu.memory_space<hbm>>
    tpu.wait_indirect_dma semaphore(%arg18 : memref<!tpu.dma_semaphore, #tpu.memory_space<semaphore_mem>>) src(%dma_wait3A_2027 : memref<1024000x128xf32, #tpu.memory_space<hbm>>) dst(%arg14 : memref<160x128xf32, #tpu.memory_space<vmem>>)
    %dma_start3A_2028 = arith.constant 11 : i32
    %dma_start3A_2029 = arith.constant 0 : i32
    %dma_start3A_2030 = arith.constant 0 : i32
    %dma_start3A_2031 = tpu.memref_slice %arg14[%dma_start3A_2029, %dma_start3A_2030] : memref<160x128xf32, #tpu.memory_space<vmem>> -> memref<32x128xf32, #tpu.memory_space<vmem>>
    %dma_start3A_2032 = arith.constant 0 : i32
    %dma_start3A_2033 = tpu.memref_slice %arg5[%dma_start3A_2028, %mul3A_2, %dma_start3A_2032] : memref<51x1024x128xf32, #tpu.memory_space<hbm>> -> memref<1x32x128xf32, #tpu.memory_space<hbm>>
    %dma_start3A_2034 = tpu.memref_squeeze %dma_start3A_2033 : memref<1x32x128xf32, #tpu.memory_space<hbm>> -> memref<32x128xf32, #tpu.memory_space<hbm>>
    %dma_start3A_2035 = arith.constant 0 : i32
    %dma_start3A_2036 = tpu.memref_slice %arg5[%dma_start3A_2028, %mul3A_2, %dma_start3A_2035] : memref<51x1024x128xf32, #tpu.memory_space<hbm>> -> memref<1x32x128xf32, #tpu.memory_space<hbm>>
    %dma_start3A_2037 = tpu.memref_squeeze %dma_start3A_2036 : memref<1x32x128xf32, #tpu.memory_space<hbm>> -> memref<32x128xf32, #tpu.memory_space<hbm>>
    %dma_start3A_2038 = arith.constant 0 : i32
    %dma_start3A_2039 = arith.constant 0 : i32
    %dma_start3A_2040 = tpu.memref_slice %arg14[%dma_start3A_2038, %dma_start3A_2039] : memref<160x128xf32, #tpu.memory_space<vmem>> -> memref<32x128xf32, #tpu.memory_space<vmem>>
    tpu.enqueue_dma source(%dma_start3A_2040 : memref<32x128xf32, #tpu.memory_space<vmem>>) target(%dma_start3A_2037 : memref<32x128xf32, #tpu.memory_space<hbm>>) target_semaphore(%arg19 : memref<!tpu.dma_semaphore, #tpu.memory_space<semaphore_mem>>)
    %dma_start3A_2041 = arith.constant 12 : i32
    %dma_start3A_2042 = arith.constant 32 : i32
    %dma_start3A_2043 = arith.constant 0 : i32
    %dma_start3A_2044 = tpu.memref_slice %arg14[%dma_start3A_2042, %dma_start3A_2043] : memref<160x128xf32, #tpu.memory_space<vmem>> -> memref<32x128xf32, #tpu.memory_space<vmem>>
    %dma_start3A_2045 = arith.constant 0 : i32
    %dma_start3A_2046 = tpu.memref_slice %arg5[%dma_start3A_2041, %mul3A_2, %dma_start3A_2045] : memref<51x1024x128xf32, #tpu.memory_space<hbm>> -> memref<1x32x128xf32, #tpu.memory_space<hbm>>
    %dma_start3A_2047 = tpu.memref_squeeze %dma_start3A_2046 : memref<1x32x128xf32, #tpu.memory_space<hbm>> -> memref<32x128xf32, #tpu.memory_space<hbm>>
    %dma_start3A_2048 = arith.constant 0 : i32
    %dma_start3A_2049 = tpu.memref_slice %arg5[%dma_start3A_2041, %mul3A_2, %dma_start3A_2048] : memref<51x1024x128xf32, #tpu.memory_space<hbm>> -> memref<1x32x128xf32, #tpu.memory_space<hbm>>
    %dma_start3A_2050 = tpu.memref_squeeze %dma_start3A_2049 : memref<1x32x128xf32, #tpu.memory_space<hbm>> -> memref<32x128xf32, #tpu.memory_space<hbm>>
    %dma_start3A_2051 = arith.constant 32 : i32
    %dma_start3A_2052 = arith.constant 0 : i32
    %dma_start3A_2053 = tpu.memref_slice %arg14[%dma_start3A_2051, %dma_start3A_2052] : memref<160x128xf32, #tpu.memory_space<vmem>> -> memref<32x128xf32, #tpu.memory_space<vmem>>
    tpu.enqueue_dma source(%dma_start3A_2053 : memref<32x128xf32, #tpu.memory_space<vmem>>) target(%dma_start3A_2050 : memref<32x128xf32, #tpu.memory_space<hbm>>) target_semaphore(%arg19 : memref<!tpu.dma_semaphore, #tpu.memory_space<semaphore_mem>>)
    %dma_start3A_2054 = arith.constant 13 : i32
    %dma_start3A_2055 = arith.constant 64 : i32
    %dma_start3A_2056 = arith.constant 0 : i32
    %dma_start3A_2057 = tpu.memref_slice %arg14[%dma_start3A_2055, %dma_start3A_2056] : memref<160x128xf32, #tpu.memory_space<vmem>> -> memref<32x128xf32, #tpu.memory_space<vmem>>
    %dma_start3A_2058 = arith.constant 0 : i32
    %dma_start3A_2059 = tpu.memref_slice %arg5[%dma_start3A_2054, %mul3A_2, %dma_start3A_2058] : memref<51x1024x128xf32, #tpu.memory_space<hbm>> -> memref<1x32x128xf32, #tpu.memory_space<hbm>>
    %dma_start3A_2060 = tpu.memref_squeeze %dma_start3A_2059 : memref<1x32x128xf32, #tpu.memory_space<hbm>> -> memref<32x128xf32, #tpu.memory_space<hbm>>
    %dma_start3A_2061 = arith.constant 0 : i32
    %dma_start3A_2062 = tpu.memref_slice %arg5[%dma_start3A_2054, %mul3A_2, %dma_start3A_2061] : memref<51x1024x128xf32, #tpu.memory_space<hbm>> -> memref<1x32x128xf32, #tpu.memory_space<hbm>>
    %dma_start3A_2063 = tpu.memref_squeeze %dma_start3A_2062 : memref<1x32x128xf32, #tpu.memory_space<hbm>> -> memref<32x128xf32, #tpu.memory_space<hbm>>
    %dma_start3A_2064 = arith.constant 64 : i32
    %dma_start3A_2065 = arith.constant 0 : i32
    %dma_start3A_2066 = tpu.memref_slice %arg14[%dma_start3A_2064, %dma_start3A_2065] : memref<160x128xf32, #tpu.memory_space<vmem>> -> memref<32x128xf32, #tpu.memory_space<vmem>>
    tpu.enqueue_dma source(%dma_start3A_2066 : memref<32x128xf32, #tpu.memory_space<vmem>>) target(%dma_start3A_2063 : memref<32x128xf32, #tpu.memory_space<hbm>>) target_semaphore(%arg19 : memref<!tpu.dma_semaphore, #tpu.memory_space<semaphore_mem>>)
    %dma_start3A_2067 = arith.constant 14 : i32
    %dma_start3A_2068 = arith.constant 96 : i32
    %dma_start3A_2069 = arith.constant 0 : i32
    %dma_start3A_2070 = tpu.memref_slice %arg14[%dma_start3A_2068, %dma_start3A_2069] : memref<160x128xf32, #tpu.memory_space<vmem>> -> memref<32x128xf32, #tpu.memory_space<vmem>>
    %dma_start3A_2071 = arith.constant 0 : i32
    %dma_start3A_2072 = tpu.memref_slice %arg5[%dma_start3A_2067, %mul3A_2, %dma_start3A_2071] : memref<51x1024x128xf32, #tpu.memory_space<hbm>> -> memref<1x32x128xf32, #tpu.memory_space<hbm>>
    %dma_start3A_2073 = tpu.memref_squeeze %dma_start3A_2072 : memref<1x32x128xf32, #tpu.memory_space<hbm>> -> memref<32x128xf32, #tpu.memory_space<hbm>>
    %dma_start3A_2074 = arith.constant 0 : i32
    %dma_start3A_2075 = tpu.memref_slice %arg5[%dma_start3A_2067, %mul3A_2, %dma_start3A_2074] : memref<51x1024x128xf32, #tpu.memory_space<hbm>> -> memref<1x32x128xf32, #tpu.memory_space<hbm>>
    %dma_start3A_2076 = tpu.memref_squeeze %dma_start3A_2075 : memref<1x32x128xf32, #tpu.memory_space<hbm>> -> memref<32x128xf32, #tpu.memory_space<hbm>>
    %dma_start3A_2077 = arith.constant 96 : i32
    %dma_start3A_2078 = arith.constant 0 : i32
    %dma_start3A_2079 = tpu.memref_slice %arg14[%dma_start3A_2077, %dma_start3A_2078] : memref<160x128xf32, #tpu.memory_space<vmem>> -> memref<32x128xf32, #tpu.memory_space<vmem>>
    tpu.enqueue_dma source(%dma_start3A_2079 : memref<32x128xf32, #tpu.memory_space<vmem>>) target(%dma_start3A_2076 : memref<32x128xf32, #tpu.memory_space<hbm>>) target_semaphore(%arg19 : memref<!tpu.dma_semaphore, #tpu.memory_space<semaphore_mem>>)
    %dma_start3A_2080 = arith.constant 15 : i32
    %dma_start3A_2081 = arith.constant 128 : i32
    %dma_start3A_2082 = arith.constant 0 : i32
    %dma_start3A_2083 = tpu.memref_slice %arg14[%dma_start3A_2081, %dma_start3A_2082] : memref<160x128xf32, #tpu.memory_space<vmem>> -> memref<32x128xf32, #tpu.memory_space<vmem>>
    %dma_start3A_2084 = arith.constant 0 : i32
    %dma_start3A_2085 = tpu.memref_slice %arg5[%dma_start3A_2080, %mul3A_2, %dma_start3A_2084] : memref<51x1024x128xf32, #tpu.memory_space<hbm>> -> memref<1x32x128xf32, #tpu.memory_space<hbm>>
    %dma_start3A_2086 = tpu.memref_squeeze %dma_start3A_2085 : memref<1x32x128xf32, #tpu.memory_space<hbm>> -> memref<32x128xf32, #tpu.memory_space<hbm>>
    %dma_start3A_2087 = arith.constant 0 : i32
    %dma_start3A_2088 = tpu.memref_slice %arg5[%dma_start3A_2080, %mul3A_2, %dma_start3A_2087] : memref<51x1024x128xf32, #tpu.memory_space<hbm>> -> memref<1x32x128xf32, #tpu.memory_space<hbm>>
    %dma_start3A_2089 = tpu.memref_squeeze %dma_start3A_2088 : memref<1x32x128xf32, #tpu.memory_space<hbm>> -> memref<32x128xf32, #tpu.memory_space<hbm>>
    %dma_start3A_2090 = arith.constant 128 : i32
    %dma_start3A_2091 = arith.constant 0 : i32
    %dma_start3A_2092 = tpu.memref_slice %arg14[%dma_start3A_2090, %dma_start3A_2091] : memref<160x128xf32, #tpu.memory_space<vmem>> -> memref<32x128xf32, #tpu.memory_space<vmem>>
    tpu.enqueue_dma source(%dma_start3A_2092 : memref<32x128xf32, #tpu.memory_space<vmem>>) target(%dma_start3A_2089 : memref<32x128xf32, #tpu.memory_space<hbm>>) target_semaphore(%arg19 : memref<!tpu.dma_semaphore, #tpu.memory_space<semaphore_mem>>)
    %dma_wait3A_2093 = arith.constant 11 : i32
    %dma_wait3A_2094 = arith.constant 0 : i32
    %dma_wait3A_2095 = arith.constant 0 : i32
    %dma_wait3A_2096 = tpu.memref_slice %arg14[%dma_wait3A_2094, %dma_wait3A_2095] : memref<160x128xf32, #tpu.memory_space<vmem>> -> memref<32x128xf32, #tpu.memory_space<vmem>>
    %dma_wait3A_2097 = arith.constant 0 : i32
    %dma_wait3A_2098 = tpu.memref_slice %arg5[%dma_wait3A_2093, %mul3A_2, %dma_wait3A_2097] : memref<51x1024x128xf32, #tpu.memory_space<hbm>> -> memref<1x32x128xf32, #tpu.memory_space<hbm>>
    %dma_wait3A_2099 = tpu.memref_squeeze %dma_wait3A_2098 : memref<1x32x128xf32, #tpu.memory_space<hbm>> -> memref<32x128xf32, #tpu.memory_space<hbm>>
    %dma_wait3A_2100 = arith.constant 0 : i32
    %dma_wait3A_2101 = tpu.memref_slice %arg5[%dma_wait3A_2093, %mul3A_2, %dma_wait3A_2100] : memref<51x1024x128xf32, #tpu.memory_space<hbm>> -> memref<1x32x128xf32, #tpu.memory_space<hbm>>
    %dma_wait3A_2102 = tpu.memref_squeeze %dma_wait3A_2101 : memref<1x32x128xf32, #tpu.memory_space<hbm>> -> memref<32x128xf32, #tpu.memory_space<hbm>>
    %dma_wait3A_2103 = arith.constant 0 : i32
    %dma_wait3A_2104 = arith.constant 0 : i32
    %dma_wait3A_2105 = tpu.memref_slice %arg14[%dma_wait3A_2103, %dma_wait3A_2104] : memref<160x128xf32, #tpu.memory_space<vmem>> -> memref<32x128xf32, #tpu.memory_space<vmem>>
    tpu.wait_dma2 semaphore(%arg19 : memref<!tpu.dma_semaphore, #tpu.memory_space<semaphore_mem>>) src(%dma_wait3A_2105 : memref<32x128xf32, #tpu.memory_space<vmem>>) dst(%dma_wait3A_2102 : memref<32x128xf32, #tpu.memory_space<hbm>>)
    %dma_wait3A_2106 = arith.constant 12 : i32
    %dma_wait3A_2107 = arith.constant 32 : i32
    %dma_wait3A_2108 = arith.constant 0 : i32
    %dma_wait3A_2109 = tpu.memref_slice %arg14[%dma_wait3A_2107, %dma_wait3A_2108] : memref<160x128xf32, #tpu.memory_space<vmem>> -> memref<32x128xf32, #tpu.memory_space<vmem>>
    %dma_wait3A_2110 = arith.constant 0 : i32
    %dma_wait3A_2111 = tpu.memref_slice %arg5[%dma_wait3A_2106, %mul3A_2, %dma_wait3A_2110] : memref<51x1024x128xf32, #tpu.memory_space<hbm>> -> memref<1x32x128xf32, #tpu.memory_space<hbm>>
    %dma_wait3A_2112 = tpu.memref_squeeze %dma_wait3A_2111 : memref<1x32x128xf32, #tpu.memory_space<hbm>> -> memref<32x128xf32, #tpu.memory_space<hbm>>
    %dma_wait3A_2113 = arith.constant 0 : i32
    %dma_wait3A_2114 = tpu.memref_slice %arg5[%dma_wait3A_2106, %mul3A_2, %dma_wait3A_2113] : memref<51x1024x128xf32, #tpu.memory_space<hbm>> -> memref<1x32x128xf32, #tpu.memory_space<hbm>>
    %dma_wait3A_2115 = tpu.memref_squeeze %dma_wait3A_2114 : memref<1x32x128xf32, #tpu.memory_space<hbm>> -> memref<32x128xf32, #tpu.memory_space<hbm>>
    %dma_wait3A_2116 = arith.constant 32 : i32
    %dma_wait3A_2117 = arith.constant 0 : i32
    %dma_wait3A_2118 = tpu.memref_slice %arg14[%dma_wait3A_2116, %dma_wait3A_2117] : memref<160x128xf32, #tpu.memory_space<vmem>> -> memref<32x128xf32, #tpu.memory_space<vmem>>
    tpu.wait_dma2 semaphore(%arg19 : memref<!tpu.dma_semaphore, #tpu.memory_space<semaphore_mem>>) src(%dma_wait3A_2118 : memref<32x128xf32, #tpu.memory_space<vmem>>) dst(%dma_wait3A_2115 : memref<32x128xf32, #tpu.memory_space<hbm>>)
    %dma_wait3A_2119 = arith.constant 13 : i32
    %dma_wait3A_2120 = arith.constant 64 : i32
    %dma_wait3A_2121 = arith.constant 0 : i32
    %dma_wait3A_2122 = tpu.memref_slice %arg14[%dma_wait3A_2120, %dma_wait3A_2121] : memref<160x128xf32, #tpu.memory_space<vmem>> -> memref<32x128xf32, #tpu.memory_space<vmem>>
    %dma_wait3A_2123 = arith.constant 0 : i32
    %dma_wait3A_2124 = tpu.memref_slice %arg5[%dma_wait3A_2119, %mul3A_2, %dma_wait3A_2123] : memref<51x1024x128xf32, #tpu.memory_space<hbm>> -> memref<1x32x128xf32, #tpu.memory_space<hbm>>
    %dma_wait3A_2125 = tpu.memref_squeeze %dma_wait3A_2124 : memref<1x32x128xf32, #tpu.memory_space<hbm>> -> memref<32x128xf32, #tpu.memory_space<hbm>>
    %dma_wait3A_2126 = arith.constant 0 : i32
    %dma_wait3A_2127 = tpu.memref_slice %arg5[%dma_wait3A_2119, %mul3A_2, %dma_wait3A_2126] : memref<51x1024x128xf32, #tpu.memory_space<hbm>> -> memref<1x32x128xf32, #tpu.memory_space<hbm>>
    %dma_wait3A_2128 = tpu.memref_squeeze %dma_wait3A_2127 : memref<1x32x128xf32, #tpu.memory_space<hbm>> -> memref<32x128xf32, #tpu.memory_space<hbm>>
    %dma_wait3A_2129 = arith.constant 64 : i32
    %dma_wait3A_2130 = arith.constant 0 : i32
    %dma_wait3A_2131 = tpu.memref_slice %arg14[%dma_wait3A_2129, %dma_wait3A_2130] : memref<160x128xf32, #tpu.memory_space<vmem>> -> memref<32x128xf32, #tpu.memory_space<vmem>>
    tpu.wait_dma2 semaphore(%arg19 : memref<!tpu.dma_semaphore, #tpu.memory_space<semaphore_mem>>) src(%dma_wait3A_2131 : memref<32x128xf32, #tpu.memory_space<vmem>>) dst(%dma_wait3A_2128 : memref<32x128xf32, #tpu.memory_space<hbm>>)
    %dma_wait3A_2132 = arith.constant 14 : i32
    %dma_wait3A_2133 = arith.constant 96 : i32
    %dma_wait3A_2134 = arith.constant 0 : i32
    %dma_wait3A_2135 = tpu.memref_slice %arg14[%dma_wait3A_2133, %dma_wait3A_2134] : memref<160x128xf32, #tpu.memory_space<vmem>> -> memref<32x128xf32, #tpu.memory_space<vmem>>
    %dma_wait3A_2136 = arith.constant 0 : i32
    %dma_wait3A_2137 = tpu.memref_slice %arg5[%dma_wait3A_2132, %mul3A_2, %dma_wait3A_2136] : memref<51x1024x128xf32, #tpu.memory_space<hbm>> -> memref<1x32x128xf32, #tpu.memory_space<hbm>>
    %dma_wait3A_2138 = tpu.memref_squeeze %dma_wait3A_2137 : memref<1x32x128xf32, #tpu.memory_space<hbm>> -> memref<32x128xf32, #tpu.memory_space<hbm>>
    %dma_wait3A_2139 = arith.constant 0 : i32
    %dma_wait3A_2140 = tpu.memref_slice %arg5[%dma_wait3A_2132, %mul3A_2, %dma_wait3A_2139] : memref<51x1024x128xf32, #tpu.memory_space<hbm>> -> memref<1x32x128xf32, #tpu.memory_space<hbm>>
    %dma_wait3A_2141 = tpu.memref_squeeze %dma_wait3A_2140 : memref<1x32x128xf32, #tpu.memory_space<hbm>> -> memref<32x128xf32, #tpu.memory_space<hbm>>
    %dma_wait3A_2142 = arith.constant 96 : i32
    %dma_wait3A_2143 = arith.constant 0 : i32
    %dma_wait3A_2144 = tpu.memref_slice %arg14[%dma_wait3A_2142, %dma_wait3A_2143] : memref<160x128xf32, #tpu.memory_space<vmem>> -> memref<32x128xf32, #tpu.memory_space<vmem>>
    tpu.wait_dma2 semaphore(%arg19 : memref<!tpu.dma_semaphore, #tpu.memory_space<semaphore_mem>>) src(%dma_wait3A_2144 : memref<32x128xf32, #tpu.memory_space<vmem>>) dst(%dma_wait3A_2141 : memref<32x128xf32, #tpu.memory_space<hbm>>)
    %dma_wait3A_2145 = arith.constant 15 : i32
    %dma_wait3A_2146 = arith.constant 128 : i32
    %dma_wait3A_2147 = arith.constant 0 : i32
    %dma_wait3A_2148 = tpu.memref_slice %arg14[%dma_wait3A_2146, %dma_wait3A_2147] : memref<160x128xf32, #tpu.memory_space<vmem>> -> memref<32x128xf32, #tpu.memory_space<vmem>>
    %dma_wait3A_2149 = arith.constant 0 : i32
    %dma_wait3A_2150 = tpu.memref_slice %arg5[%dma_wait3A_2145, %mul3A_2, %dma_wait3A_2149] : memref<51x1024x128xf32, #tpu.memory_space<hbm>> -> memref<1x32x128xf32, #tpu.memory_space<hbm>>
    %dma_wait3A_2151 = tpu.memref_squeeze %dma_wait3A_2150 : memref<1x32x128xf32, #tpu.memory_space<hbm>> -> memref<32x128xf32, #tpu.memory_space<hbm>>
    %dma_wait3A_2152 = arith.constant 0 : i32
    %dma_wait3A_2153 = tpu.memref_slice %arg5[%dma_wait3A_2145, %mul3A_2, %dma_wait3A_2152] : memref<51x1024x128xf32, #tpu.memory_space<hbm>> -> memref<1x32x128xf32, #tpu.memory_space<hbm>>
    %dma_wait3A_2154 = tpu.memref_squeeze %dma_wait3A_2153 : memref<1x32x128xf32, #tpu.memory_space<hbm>> -> memref<32x128xf32, #tpu.memory_space<hbm>>
    %dma_wait3A_2155 = arith.constant 128 : i32
    %dma_wait3A_2156 = arith.constant 0 : i32
    %dma_wait3A_2157 = tpu.memref_slice %arg14[%dma_wait3A_2155, %dma_wait3A_2156] : memref<160x128xf32, #tpu.memory_space<vmem>> -> memref<32x128xf32, #tpu.memory_space<vmem>>
    tpu.wait_dma2 semaphore(%arg19 : memref<!tpu.dma_semaphore, #tpu.memory_space<semaphore_mem>>) src(%dma_wait3A_2157 : memref<32x128xf32, #tpu.memory_space<vmem>>) dst(%dma_wait3A_2154 : memref<32x128xf32, #tpu.memory_space<hbm>>)
    %add3A_2158 = arith.constant 0 : i32
    %add3A_2159 = vector.broadcast %add3A_2158 : i32 to vector<16xi32>
    %add3A_2160 = arith.addi %add3A_2159, %iota3A : vector<16xi32>
    %add3A_2161 = arith.constant 0 : i32
    %add3A_2162 = arith.addi %select_n3A_11, %add3A_2161 : i32
    %get3A_2163 = arith.constant 35 : i32
    %get3A_2164 = arith.index_cast %get3A_2163 : i32 to index
    %get3A_2165 = arith.index_cast %add3A_2162 : i32 to index
    %get3A_2166 = tpu.vector_load %arg6[%get3A_2164, %get3A_2165] {strides = array<i32>} : memref<56x128xi32, #tpu.memory_space<vmem>>, vector<1x16xi32>,
    %get3A_2167 = vector.shape_cast %get3A_2166 : vector<1x16xi32> to vector<16xi32>
    %add3A_2168 = vector.broadcast %mul3A_2 : i32 to vector<16xi32>
    %add3A_2169 = arith.addi %add3A_2168, %add3A_2160 : vector<16xi32>
    %mul3A_2170 = arith.constant 1000 : i32
    %mul3A_2171 = vector.broadcast %mul3A_2170 : i32 to vector<16xi32>
    %mul3A_2172 = arith.muli %add3A_2169, %mul3A_2171 : vector<16xi32>
    %add3A_2173 = arith.constant 700 : i32
    %add3A_2174 = vector.broadcast %add3A_2173 : i32 to vector<16xi32>
    %add3A_2175 = arith.addi %mul3A_2172, %add3A_2174 : vector<16xi32>
    %add3A_2176 = arith.addi %add3A_2175, %get3A_2167 : vector<16xi32>
    %swap3A_2177 = arith.constant 0 : index
    %swap3A_2178 = tpu.vector_load %arg9[%swap3A_2177] {strides = array<i32>} : memref<160xi32, #tpu.memory_space<vmem>>, vector<16xi32>,
    %swap3A_2179 = vector.shape_cast %swap3A_2178 : vector<16xi32> to vector<16xi32>
    %swap3A_2180 = vector.shape_cast %add3A_2176 : vector<16xi32> to vector<16xi32>
    tpu.vector_store %arg9[%swap3A_2177], %swap3A_2180 {strides = array<i32>} : memref<160xi32, #tpu.memory_space<vmem>>, vector<16xi32>,
    %add3A_2181 = arith.constant 16 : i32
    %add3A_2182 = vector.broadcast %add3A_2181 : i32 to vector<16xi32>
    %add3A_2183 = arith.addi %add3A_2182, %iota3A : vector<16xi32>
    %add3A_2184 = arith.constant 16 : i32
    %add3A_2185 = arith.addi %select_n3A_11, %add3A_2184 : i32
    %get3A_2186 = arith.constant 35 : i32
    %get3A_2187 = arith.index_cast %get3A_2186 : i32 to index
    %get3A_2188 = arith.index_cast %add3A_2185 : i32 to index
    %get3A_2189 = tpu.vector_load %arg6[%get3A_2187, %get3A_2188] {strides = array<i32>} : memref<56x128xi32, #tpu.memory_space<vmem>>, vector<1x16xi32>,
    %get3A_2190 = vector.shape_cast %get3A_2189 : vector<1x16xi32> to vector<16xi32>
    %add3A_2191 = vector.broadcast %mul3A_2 : i32 to vector<16xi32>
    %add3A_2192 = arith.addi %add3A_2191, %add3A_2183 : vector<16xi32>
    %mul3A_2193 = arith.constant 1000 : i32
    %mul3A_2194 = vector.broadcast %mul3A_2193 : i32 to vector<16xi32>
    %mul3A_2195 = arith.muli %add3A_2192, %mul3A_2194 : vector<16xi32>
    %add3A_2196 = arith.constant 700 : i32
    %add3A_2197 = vector.broadcast %add3A_2196 : i32 to vector<16xi32>
    %add3A_2198 = arith.addi %mul3A_2195, %add3A_2197 : vector<16xi32>
    %add3A_2199 = arith.addi %add3A_2198, %get3A_2190 : vector<16xi32>
    %swap3A_2200 = arith.constant 16 : index
    %swap3A_2201 = tpu.vector_load %arg9[%swap3A_2200] {strides = array<i32>} : memref<160xi32, #tpu.memory_space<vmem>>, vector<16xi32>,
    %swap3A_2202 = vector.shape_cast %swap3A_2201 : vector<16xi32> to vector<16xi32>
    %swap3A_2203 = vector.shape_cast %add3A_2199 : vector<16xi32> to vector<16xi32>
    tpu.vector_store %arg9[%swap3A_2200], %swap3A_2203 {strides = array<i32>} : memref<160xi32, #tpu.memory_space<vmem>>, vector<16xi32>,
    %add3A_2204 = arith.constant 0 : i32
    %add3A_2205 = vector.broadcast %add3A_2204 : i32 to vector<16xi32>
    %add3A_2206 = arith.addi %add3A_2205, %iota3A : vector<16xi32>
    %add3A_2207 = arith.constant 0 : i32
    %add3A_2208 = arith.addi %select_n3A_11, %add3A_2207 : i32
    %get3A_2209 = arith.constant 36 : i32
    %get3A_2210 = arith.index_cast %get3A_2209 : i32 to index
    %get3A_2211 = arith.index_cast %add3A_2208 : i32 to index
    %get3A_2212 = tpu.vector_load %arg6[%get3A_2210, %get3A_2211] {strides = array<i32>} : memref<56x128xi32, #tpu.memory_space<vmem>>, vector<1x16xi32>,
    %get3A_2213 = vector.shape_cast %get3A_2212 : vector<1x16xi32> to vector<16xi32>
    %add3A_2214 = vector.broadcast %mul3A_2 : i32 to vector<16xi32>
    %add3A_2215 = arith.addi %add3A_2214, %add3A_2206 : vector<16xi32>
    %mul3A_2216 = arith.constant 1000 : i32
    %mul3A_2217 = vector.broadcast %mul3A_2216 : i32 to vector<16xi32>
    %mul3A_2218 = arith.muli %add3A_2215, %mul3A_2217 : vector<16xi32>
    %add3A_2219 = arith.constant 720 : i32
    %add3A_2220 = vector.broadcast %add3A_2219 : i32 to vector<16xi32>
    %add3A_2221 = arith.addi %mul3A_2218, %add3A_2220 : vector<16xi32>
    %add3A_2222 = arith.addi %add3A_2221, %get3A_2213 : vector<16xi32>
    %swap3A_2223 = arith.constant 32 : index
    %swap3A_2224 = tpu.vector_load %arg9[%swap3A_2223] {strides = array<i32>} : memref<160xi32, #tpu.memory_space<vmem>>, vector<16xi32>,
    %swap3A_2225 = vector.shape_cast %swap3A_2224 : vector<16xi32> to vector<16xi32>
    %swap3A_2226 = vector.shape_cast %add3A_2222 : vector<16xi32> to vector<16xi32>
    tpu.vector_store %arg9[%swap3A_2223], %swap3A_2226 {strides = array<i32>} : memref<160xi32, #tpu.memory_space<vmem>>, vector<16xi32>,
    %add3A_2227 = arith.constant 16 : i32
    %add3A_2228 = vector.broadcast %add3A_2227 : i32 to vector<16xi32>
    %add3A_2229 = arith.addi %add3A_2228, %iota3A : vector<16xi32>
    %add3A_2230 = arith.constant 16 : i32
    %add3A_2231 = arith.addi %select_n3A_11, %add3A_2230 : i32
    %get3A_2232 = arith.constant 36 : i32
    %get3A_2233 = arith.index_cast %get3A_2232 : i32 to index
    %get3A_2234 = arith.index_cast %add3A_2231 : i32 to index
    %get3A_2235 = tpu.vector_load %arg6[%get3A_2233, %get3A_2234] {strides = array<i32>} : memref<56x128xi32, #tpu.memory_space<vmem>>, vector<1x16xi32>,
    %get3A_2236 = vector.shape_cast %get3A_2235 : vector<1x16xi32> to vector<16xi32>
    %add3A_2237 = vector.broadcast %mul3A_2 : i32 to vector<16xi32>
    %add3A_2238 = arith.addi %add3A_2237, %add3A_2229 : vector<16xi32>
    %mul3A_2239 = arith.constant 1000 : i32
    %mul3A_2240 = vector.broadcast %mul3A_2239 : i32 to vector<16xi32>
    %mul3A_2241 = arith.muli %add3A_2238, %mul3A_2240 : vector<16xi32>
    %add3A_2242 = arith.constant 720 : i32
    %add3A_2243 = vector.broadcast %add3A_2242 : i32 to vector<16xi32>
    %add3A_2244 = arith.addi %mul3A_2241, %add3A_2243 : vector<16xi32>
    %add3A_2245 = arith.addi %add3A_2244, %get3A_2236 : vector<16xi32>
    %swap3A_2246 = arith.constant 48 : index
    %swap3A_2247 = tpu.vector_load %arg9[%swap3A_2246] {strides = array<i32>} : memref<160xi32, #tpu.memory_space<vmem>>, vector<16xi32>,
    %swap3A_2248 = vector.shape_cast %swap3A_2247 : vector<16xi32> to vector<16xi32>
    %swap3A_2249 = vector.shape_cast %add3A_2245 : vector<16xi32> to vector<16xi32>
    tpu.vector_store %arg9[%swap3A_2246], %swap3A_2249 {strides = array<i32>} : memref<160xi32, #tpu.memory_space<vmem>>, vector<16xi32>,
    %add3A_2250 = arith.constant 0 : i32
    %add3A_2251 = vector.broadcast %add3A_2250 : i32 to vector<16xi32>
    %add3A_2252 = arith.addi %add3A_2251, %iota3A : vector<16xi32>
    %add3A_2253 = arith.constant 0 : i32
    %add3A_2254 = arith.addi %select_n3A_11, %add3A_2253 : i32
    %get3A_2255 = arith.constant 37 : i32
    %get3A_2256 = arith.index_cast %get3A_2255 : i32 to index
    %get3A_2257 = arith.index_cast %add3A_2254 : i32 to index
    %get3A_2258 = tpu.vector_load %arg6[%get3A_2256, %get3A_2257] {strides = array<i32>} : memref<56x128xi32, #tpu.memory_space<vmem>>, vector<1x16xi32>,
    %get3A_2259 = vector.shape_cast %get3A_2258 : vector<1x16xi32> to vector<16xi32>
    %add3A_2260 = vector.broadcast %mul3A_2 : i32 to vector<16xi32>
    %add3A_2261 = arith.addi %add3A_2260, %add3A_2252 : vector<16xi32>
    %mul3A_2262 = arith.constant 1000 : i32
    %mul3A_2263 = vector.broadcast %mul3A_2262 : i32 to vector<16xi32>
    %mul3A_2264 = arith.muli %add3A_2261, %mul3A_2263 : vector<16xi32>
    %add3A_2265 = arith.constant 740 : i32
    %add3A_2266 = vector.broadcast %add3A_2265 : i32 to vector<16xi32>
    %add3A_2267 = arith.addi %mul3A_2264, %add3A_2266 : vector<16xi32>
    %add3A_2268 = arith.addi %add3A_2267, %get3A_2259 : vector<16xi32>
    %swap3A_2269 = arith.constant 64 : index
    %swap3A_2270 = tpu.vector_load %arg9[%swap3A_2269] {strides = array<i32>} : memref<160xi32, #tpu.memory_space<vmem>>, vector<16xi32>,
    %swap3A_2271 = vector.shape_cast %swap3A_2270 : vector<16xi32> to vector<16xi32>
    %swap3A_2272 = vector.shape_cast %add3A_2268 : vector<16xi32> to vector<16xi32>
    tpu.vector_store %arg9[%swap3A_2269], %swap3A_2272 {strides = array<i32>} : memref<160xi32, #tpu.memory_space<vmem>>, vector<16xi32>,
    %add3A_2273 = arith.constant 16 : i32
    %add3A_2274 = vector.broadcast %add3A_2273 : i32 to vector<16xi32>
    %add3A_2275 = arith.addi %add3A_2274, %iota3A : vector<16xi32>
    %add3A_2276 = arith.constant 16 : i32
    %add3A_2277 = arith.addi %select_n3A_11, %add3A_2276 : i32
    %get3A_2278 = arith.constant 37 : i32
    %get3A_2279 = arith.index_cast %get3A_2278 : i32 to index
    %get3A_2280 = arith.index_cast %add3A_2277 : i32 to index
    %get3A_2281 = tpu.vector_load %arg6[%get3A_2279, %get3A_2280] {strides = array<i32>} : memref<56x128xi32, #tpu.memory_space<vmem>>, vector<1x16xi32>,
    %get3A_2282 = vector.shape_cast %get3A_2281 : vector<1x16xi32> to vector<16xi32>
    %add3A_2283 = vector.broadcast %mul3A_2 : i32 to vector<16xi32>
    %add3A_2284 = arith.addi %add3A_2283, %add3A_2275 : vector<16xi32>
    %mul3A_2285 = arith.constant 1000 : i32
    %mul3A_2286 = vector.broadcast %mul3A_2285 : i32 to vector<16xi32>
    %mul3A_2287 = arith.muli %add3A_2284, %mul3A_2286 : vector<16xi32>
    %add3A_2288 = arith.constant 740 : i32
    %add3A_2289 = vector.broadcast %add3A_2288 : i32 to vector<16xi32>
    %add3A_2290 = arith.addi %mul3A_2287, %add3A_2289 : vector<16xi32>
    %add3A_2291 = arith.addi %add3A_2290, %get3A_2282 : vector<16xi32>
    %swap3A_2292 = arith.constant 80 : index
    %swap3A_2293 = tpu.vector_load %arg9[%swap3A_2292] {strides = array<i32>} : memref<160xi32, #tpu.memory_space<vmem>>, vector<16xi32>,
    %swap3A_2294 = vector.shape_cast %swap3A_2293 : vector<16xi32> to vector<16xi32>
    %swap3A_2295 = vector.shape_cast %add3A_2291 : vector<16xi32> to vector<16xi32>
    tpu.vector_store %arg9[%swap3A_2292], %swap3A_2295 {strides = array<i32>} : memref<160xi32, #tpu.memory_space<vmem>>, vector<16xi32>,
    %add3A_2296 = arith.constant 0 : i32
    %add3A_2297 = vector.broadcast %add3A_2296 : i32 to vector<16xi32>
    %add3A_2298 = arith.addi %add3A_2297, %iota3A : vector<16xi32>
    %add3A_2299 = arith.constant 0 : i32
    %add3A_2300 = arith.addi %select_n3A_11, %add3A_2299 : i32
    %get3A_2301 = arith.constant 38 : i32
    %get3A_2302 = arith.index_cast %get3A_2301 : i32 to index
    %get3A_2303 = arith.index_cast %add3A_2300 : i32 to index
    %get3A_2304 = tpu.vector_load %arg6[%get3A_2302, %get3A_2303] {strides = array<i32>} : memref<56x128xi32, #tpu.memory_space<vmem>>, vector<1x16xi32>,
    %get3A_2305 = vector.shape_cast %get3A_2304 : vector<1x16xi32> to vector<16xi32>
    %add3A_2306 = vector.broadcast %mul3A_2 : i32 to vector<16xi32>
    %add3A_2307 = arith.addi %add3A_2306, %add3A_2298 : vector<16xi32>
    %mul3A_2308 = arith.constant 1000 : i32
    %mul3A_2309 = vector.broadcast %mul3A_2308 : i32 to vector<16xi32>
    %mul3A_2310 = arith.muli %add3A_2307, %mul3A_2309 : vector<16xi32>
    %add3A_2311 = arith.constant 760 : i32
    %add3A_2312 = vector.broadcast %add3A_2311 : i32 to vector<16xi32>
    %add3A_2313 = arith.addi %mul3A_2310, %add3A_2312 : vector<16xi32>
    %add3A_2314 = arith.addi %add3A_2313, %get3A_2305 : vector<16xi32>
    %swap3A_2315 = arith.constant 96 : index
    %swap3A_2316 = tpu.vector_load %arg9[%swap3A_2315] {strides = array<i32>} : memref<160xi32, #tpu.memory_space<vmem>>, vector<16xi32>,
    %swap3A_2317 = vector.shape_cast %swap3A_2316 : vector<16xi32> to vector<16xi32>
    %swap3A_2318 = vector.shape_cast %add3A_2314 : vector<16xi32> to vector<16xi32>
    tpu.vector_store %arg9[%swap3A_2315], %swap3A_2318 {strides = array<i32>} : memref<160xi32, #tpu.memory_space<vmem>>, vector<16xi32>,
    %add3A_2319 = arith.constant 16 : i32
    %add3A_2320 = vector.broadcast %add3A_2319 : i32 to vector<16xi32>
    %add3A_2321 = arith.addi %add3A_2320, %iota3A : vector<16xi32>
    %add3A_2322 = arith.constant 16 : i32
    %add3A_2323 = arith.addi %select_n3A_11, %add3A_2322 : i32
    %get3A_2324 = arith.constant 38 : i32
    %get3A_2325 = arith.index_cast %get3A_2324 : i32 to index
    %get3A_2326 = arith.index_cast %add3A_2323 : i32 to index
    %get3A_2327 = tpu.vector_load %arg6[%get3A_2325, %get3A_2326] {strides = array<i32>} : memref<56x128xi32, #tpu.memory_space<vmem>>, vector<1x16xi32>,
    %get3A_2328 = vector.shape_cast %get3A_2327 : vector<1x16xi32> to vector<16xi32>
    %add3A_2329 = vector.broadcast %mul3A_2 : i32 to vector<16xi32>
    %add3A_2330 = arith.addi %add3A_2329, %add3A_2321 : vector<16xi32>
    %mul3A_2331 = arith.constant 1000 : i32
    %mul3A_2332 = vector.broadcast %mul3A_2331 : i32 to vector<16xi32>
    %mul3A_2333 = arith.muli %add3A_2330, %mul3A_2332 : vector<16xi32>
    %add3A_2334 = arith.constant 760 : i32
    %add3A_2335 = vector.broadcast %add3A_2334 : i32 to vector<16xi32>
    %add3A_2336 = arith.addi %mul3A_2333, %add3A_2335 : vector<16xi32>
    %add3A_2337 = arith.addi %add3A_2336, %get3A_2328 : vector<16xi32>
    %swap3A_2338 = arith.constant 112 : index
    %swap3A_2339 = tpu.vector_load %arg9[%swap3A_2338] {strides = array<i32>} : memref<160xi32, #tpu.memory_space<vmem>>, vector<16xi32>,
    %swap3A_2340 = vector.shape_cast %swap3A_2339 : vector<16xi32> to vector<16xi32>
    %swap3A_2341 = vector.shape_cast %add3A_2337 : vector<16xi32> to vector<16xi32>
    tpu.vector_store %arg9[%swap3A_2338], %swap3A_2341 {strides = array<i32>} : memref<160xi32, #tpu.memory_space<vmem>>, vector<16xi32>,
    %add3A_2342 = arith.constant 0 : i32
    %add3A_2343 = vector.broadcast %add3A_2342 : i32 to vector<16xi32>
    %add3A_2344 = arith.addi %add3A_2343, %iota3A : vector<16xi32>
    %add3A_2345 = arith.constant 0 : i32
    %add3A_2346 = arith.addi %select_n3A_11, %add3A_2345 : i32
    %get3A_2347 = arith.constant 39 : i32
    %get3A_2348 = arith.index_cast %get3A_2347 : i32 to index
    %get3A_2349 = arith.index_cast %add3A_2346 : i32 to index
    %get3A_2350 = tpu.vector_load %arg6[%get3A_2348, %get3A_2349] {strides = array<i32>} : memref<56x128xi32, #tpu.memory_space<vmem>>, vector<1x16xi32>,
    %get3A_2351 = vector.shape_cast %get3A_2350 : vector<1x16xi32> to vector<16xi32>
    %add3A_2352 = vector.broadcast %mul3A_2 : i32 to vector<16xi32>
    %add3A_2353 = arith.addi %add3A_2352, %add3A_2344 : vector<16xi32>
    %mul3A_2354 = arith.constant 1000 : i32
    %mul3A_2355 = vector.broadcast %mul3A_2354 : i32 to vector<16xi32>
    %mul3A_2356 = arith.muli %add3A_2353, %mul3A_2355 : vector<16xi32>
    %add3A_2357 = arith.constant 780 : i32
    %add3A_2358 = vector.broadcast %add3A_2357 : i32 to vector<16xi32>
    %add3A_2359 = arith.addi %mul3A_2356, %add3A_2358 : vector<16xi32>
    %add3A_2360 = arith.addi %add3A_2359, %get3A_2351 : vector<16xi32>
    %swap3A_2361 = arith.constant 128 : index
    %swap3A_2362 = tpu.vector_load %arg9[%swap3A_2361] {strides = array<i32>} : memref<160xi32, #tpu.memory_space<vmem>>, vector<16xi32>,
    %swap3A_2363 = vector.shape_cast %swap3A_2362 : vector<16xi32> to vector<16xi32>
    %swap3A_2364 = vector.shape_cast %add3A_2360 : vector<16xi32> to vector<16xi32>
    tpu.vector_store %arg9[%swap3A_2361], %swap3A_2364 {strides = array<i32>} : memref<160xi32, #tpu.memory_space<vmem>>, vector<16xi32>,
    %add3A_2365 = arith.constant 16 : i32
    %add3A_2366 = vector.broadcast %add3A_2365 : i32 to vector<16xi32>
    %add3A_2367 = arith.addi %add3A_2366, %iota3A : vector<16xi32>
    %add3A_2368 = arith.constant 16 : i32
    %add3A_2369 = arith.addi %select_n3A_11, %add3A_2368 : i32
    %get3A_2370 = arith.constant 39 : i32
    %get3A_2371 = arith.index_cast %get3A_2370 : i32 to index
    %get3A_2372 = arith.index_cast %add3A_2369 : i32 to index
    %get3A_2373 = tpu.vector_load %arg6[%get3A_2371, %get3A_2372] {strides = array<i32>} : memref<56x128xi32, #tpu.memory_space<vmem>>, vector<1x16xi32>,
    %get3A_2374 = vector.shape_cast %get3A_2373 : vector<1x16xi32> to vector<16xi32>
    %add3A_2375 = vector.broadcast %mul3A_2 : i32 to vector<16xi32>
    %add3A_2376 = arith.addi %add3A_2375, %add3A_2367 : vector<16xi32>
    %mul3A_2377 = arith.constant 1000 : i32
    %mul3A_2378 = vector.broadcast %mul3A_2377 : i32 to vector<16xi32>
    %mul3A_2379 = arith.muli %add3A_2376, %mul3A_2378 : vector<16xi32>
    %add3A_2380 = arith.constant 780 : i32
    %add3A_2381 = vector.broadcast %add3A_2380 : i32 to vector<16xi32>
    %add3A_2382 = arith.addi %mul3A_2379, %add3A_2381 : vector<16xi32>
    %add3A_2383 = arith.addi %add3A_2382, %get3A_2374 : vector<16xi32>
    %swap3A_2384 = arith.constant 144 : index
    %swap3A_2385 = tpu.vector_load %arg9[%swap3A_2384] {strides = array<i32>} : memref<160xi32, #tpu.memory_space<vmem>>, vector<16xi32>,
    %swap3A_2386 = vector.shape_cast %swap3A_2385 : vector<16xi32> to vector<16xi32>
    %swap3A_2387 = vector.shape_cast %add3A_2383 : vector<16xi32> to vector<16xi32>
    tpu.vector_store %arg9[%swap3A_2384], %swap3A_2387 {strides = array<i32>} : memref<160xi32, #tpu.memory_space<vmem>>, vector<16xi32>,
    %dma_start3A_2388 = arith.constant 0 : i32
    %dma_start3A_2389 = arith.constant 0 : i32
    %dma_start3A_2390 = tpu.memref_slice %arg2[%dma_start3A_2388, %dma_start3A_2389] : memref<1024000x128xf32, #tpu.memory_space<hbm>> -> memref<1024000x128xf32, #tpu.memory_space<hbm>>
    tpu.enqueue_indirect_dma source(%dma_start3A_2390 : memref<1024000x128xf32, #tpu.memory_space<hbm>>) target(%arg14 : memref<160x128xf32, #tpu.memory_space<vmem>>) offsets(%arg9 : memref<160xi32, #tpu.memory_space<vmem>>) semaphore(%arg18 : memref<!tpu.dma_semaphore, #tpu.memory_space<semaphore_mem>>)
    %dma_wait3A_2391 = arith.constant 0 : i32
    %dma_wait3A_2392 = arith.constant 0 : i32
    %dma_wait3A_2393 = tpu.memref_slice %arg2[%dma_wait3A_2391, %dma_wait3A_2392] : memref<1024000x128xf32, #tpu.memory_space<hbm>> -> memref<1024000x128xf32, #tpu.memory_space<hbm>>
    tpu.wait_indirect_dma semaphore(%arg18 : memref<!tpu.dma_semaphore, #tpu.memory_space<semaphore_mem>>) src(%dma_wait3A_2393 : memref<1024000x128xf32, #tpu.memory_space<hbm>>) dst(%arg15 : memref<160x128xf32, #tpu.memory_space<vmem>>)
    %dma_start3A_2394 = arith.constant 16 : i32
    %dma_start3A_2395 = arith.constant 0 : i32
    %dma_start3A_2396 = arith.constant 0 : i32
    %dma_start3A_2397 = tpu.memref_slice %arg15[%dma_start3A_2395, %dma_start3A_2396] : memref<160x128xf32, #tpu.memory_space<vmem>> -> memref<32x128xf32, #tpu.memory_space<vmem>>
    %dma_start3A_2398 = arith.constant 0 : i32
    %dma_start3A_2399 = tpu.memref_slice %arg5[%dma_start3A_2394, %mul3A_2, %dma_start3A_2398] : memref<51x1024x128xf32, #tpu.memory_space<hbm>> -> memref<1x32x128xf32, #tpu.memory_space<hbm>>
    %dma_start3A_2400 = tpu.memref_squeeze %dma_start3A_2399 : memref<1x32x128xf32, #tpu.memory_space<hbm>> -> memref<32x128xf32, #tpu.memory_space<hbm>>
    %dma_start3A_2401 = arith.constant 0 : i32
    %dma_start3A_2402 = tpu.memref_slice %arg5[%dma_start3A_2394, %mul3A_2, %dma_start3A_2401] : memref<51x1024x128xf32, #tpu.memory_space<hbm>> -> memref<1x32x128xf32, #tpu.memory_space<hbm>>
    %dma_start3A_2403 = tpu.memref_squeeze %dma_start3A_2402 : memref<1x32x128xf32, #tpu.memory_space<hbm>> -> memref<32x128xf32, #tpu.memory_space<hbm>>
    %dma_start3A_2404 = arith.constant 0 : i32
    %dma_start3A_2405 = arith.constant 0 : i32
    %dma_start3A_2406 = tpu.memref_slice %arg15[%dma_start3A_2404, %dma_start3A_2405] : memref<160x128xf32, #tpu.memory_space<vmem>> -> memref<32x128xf32, #tpu.memory_space<vmem>>
    tpu.enqueue_dma source(%dma_start3A_2406 : memref<32x128xf32, #tpu.memory_space<vmem>>) target(%dma_start3A_2403 : memref<32x128xf32, #tpu.memory_space<hbm>>) target_semaphore(%arg19 : memref<!tpu.dma_semaphore, #tpu.memory_space<semaphore_mem>>)
    %dma_start3A_2407 = arith.constant 17 : i32
    %dma_start3A_2408 = arith.constant 32 : i32
    %dma_start3A_2409 = arith.constant 0 : i32
    %dma_start3A_2410 = tpu.memref_slice %arg15[%dma_start3A_2408, %dma_start3A_2409] : memref<160x128xf32, #tpu.memory_space<vmem>> -> memref<32x128xf32, #tpu.memory_space<vmem>>
    %dma_start3A_2411 = arith.constant 0 : i32
    %dma_start3A_2412 = tpu.memref_slice %arg5[%dma_start3A_2407, %mul3A_2, %dma_start3A_2411] : memref<51x1024x128xf32, #tpu.memory_space<hbm>> -> memref<1x32x128xf32, #tpu.memory_space<hbm>>
    %dma_start3A_2413 = tpu.memref_squeeze %dma_start3A_2412 : memref<1x32x128xf32, #tpu.memory_space<hbm>> -> memref<32x128xf32, #tpu.memory_space<hbm>>
    %dma_start3A_2414 = arith.constant 0 : i32
    %dma_start3A_2415 = tpu.memref_slice %arg5[%dma_start3A_2407, %mul3A_2, %dma_start3A_2414] : memref<51x1024x128xf32, #tpu.memory_space<hbm>> -> memref<1x32x128xf32, #tpu.memory_space<hbm>>
    %dma_start3A_2416 = tpu.memref_squeeze %dma_start3A_2415 : memref<1x32x128xf32, #tpu.memory_space<hbm>> -> memref<32x128xf32, #tpu.memory_space<hbm>>
    %dma_start3A_2417 = arith.constant 32 : i32
    %dma_start3A_2418 = arith.constant 0 : i32
    %dma_start3A_2419 = tpu.memref_slice %arg15[%dma_start3A_2417, %dma_start3A_2418] : memref<160x128xf32, #tpu.memory_space<vmem>> -> memref<32x128xf32, #tpu.memory_space<vmem>>
    tpu.enqueue_dma source(%dma_start3A_2419 : memref<32x128xf32, #tpu.memory_space<vmem>>) target(%dma_start3A_2416 : memref<32x128xf32, #tpu.memory_space<hbm>>) target_semaphore(%arg19 : memref<!tpu.dma_semaphore, #tpu.memory_space<semaphore_mem>>)
    %dma_start3A_2420 = arith.constant 18 : i32
    %dma_start3A_2421 = arith.constant 64 : i32
    %dma_start3A_2422 = arith.constant 0 : i32
    %dma_start3A_2423 = tpu.memref_slice %arg15[%dma_start3A_2421, %dma_start3A_2422] : memref<160x128xf32, #tpu.memory_space<vmem>> -> memref<32x128xf32, #tpu.memory_space<vmem>>
    %dma_start3A_2424 = arith.constant 0 : i32
    %dma_start3A_2425 = tpu.memref_slice %arg5[%dma_start3A_2420, %mul3A_2, %dma_start3A_2424] : memref<51x1024x128xf32, #tpu.memory_space<hbm>> -> memref<1x32x128xf32, #tpu.memory_space<hbm>>
    %dma_start3A_2426 = tpu.memref_squeeze %dma_start3A_2425 : memref<1x32x128xf32, #tpu.memory_space<hbm>> -> memref<32x128xf32, #tpu.memory_space<hbm>>
    %dma_start3A_2427 = arith.constant 0 : i32
    %dma_start3A_2428 = tpu.memref_slice %arg5[%dma_start3A_2420, %mul3A_2, %dma_start3A_2427] : memref<51x1024x128xf32, #tpu.memory_space<hbm>> -> memref<1x32x128xf32, #tpu.memory_space<hbm>>
    %dma_start3A_2429 = tpu.memref_squeeze %dma_start3A_2428 : memref<1x32x128xf32, #tpu.memory_space<hbm>> -> memref<32x128xf32, #tpu.memory_space<hbm>>
    %dma_start3A_2430 = arith.constant 64 : i32
    %dma_start3A_2431 = arith.constant 0 : i32
    %dma_start3A_2432 = tpu.memref_slice %arg15[%dma_start3A_2430, %dma_start3A_2431] : memref<160x128xf32, #tpu.memory_space<vmem>> -> memref<32x128xf32, #tpu.memory_space<vmem>>
    tpu.enqueue_dma source(%dma_start3A_2432 : memref<32x128xf32, #tpu.memory_space<vmem>>) target(%dma_start3A_2429 : memref<32x128xf32, #tpu.memory_space<hbm>>) target_semaphore(%arg19 : memref<!tpu.dma_semaphore, #tpu.memory_space<semaphore_mem>>)
    %dma_start3A_2433 = arith.constant 19 : i32
    %dma_start3A_2434 = arith.constant 96 : i32
    %dma_start3A_2435 = arith.constant 0 : i32
    %dma_start3A_2436 = tpu.memref_slice %arg15[%dma_start3A_2434, %dma_start3A_2435] : memref<160x128xf32, #tpu.memory_space<vmem>> -> memref<32x128xf32, #tpu.memory_space<vmem>>
    %dma_start3A_2437 = arith.constant 0 : i32
    %dma_start3A_2438 = tpu.memref_slice %arg5[%dma_start3A_2433, %mul3A_2, %dma_start3A_2437] : memref<51x1024x128xf32, #tpu.memory_space<hbm>> -> memref<1x32x128xf32, #tpu.memory_space<hbm>>
    %dma_start3A_2439 = tpu.memref_squeeze %dma_start3A_2438 : memref<1x32x128xf32, #tpu.memory_space<hbm>> -> memref<32x128xf32, #tpu.memory_space<hbm>>
    %dma_start3A_2440 = arith.constant 0 : i32
    %dma_start3A_2441 = tpu.memref_slice %arg5[%dma_start3A_2433, %mul3A_2, %dma_start3A_2440] : memref<51x1024x128xf32, #tpu.memory_space<hbm>> -> memref<1x32x128xf32, #tpu.memory_space<hbm>>
    %dma_start3A_2442 = tpu.memref_squeeze %dma_start3A_2441 : memref<1x32x128xf32, #tpu.memory_space<hbm>> -> memref<32x128xf32, #tpu.memory_space<hbm>>
    %dma_start3A_2443 = arith.constant 96 : i32
    %dma_start3A_2444 = arith.constant 0 : i32
    %dma_start3A_2445 = tpu.memref_slice %arg15[%dma_start3A_2443, %dma_start3A_2444] : memref<160x128xf32, #tpu.memory_space<vmem>> -> memref<32x128xf32, #tpu.memory_space<vmem>>
    tpu.enqueue_dma source(%dma_start3A_2445 : memref<32x128xf32, #tpu.memory_space<vmem>>) target(%dma_start3A_2442 : memref<32x128xf32, #tpu.memory_space<hbm>>) target_semaphore(%arg19 : memref<!tpu.dma_semaphore, #tpu.memory_space<semaphore_mem>>)
    %dma_start3A_2446 = arith.constant 20 : i32
    %dma_start3A_2447 = arith.constant 128 : i32
    %dma_start3A_2448 = arith.constant 0 : i32
    %dma_start3A_2449 = tpu.memref_slice %arg15[%dma_start3A_2447, %dma_start3A_2448] : memref<160x128xf32, #tpu.memory_space<vmem>> -> memref<32x128xf32, #tpu.memory_space<vmem>>
    %dma_start3A_2450 = arith.constant 0 : i32
    %dma_start3A_2451 = tpu.memref_slice %arg5[%dma_start3A_2446, %mul3A_2, %dma_start3A_2450] : memref<51x1024x128xf32, #tpu.memory_space<hbm>> -> memref<1x32x128xf32, #tpu.memory_space<hbm>>
    %dma_start3A_2452 = tpu.memref_squeeze %dma_start3A_2451 : memref<1x32x128xf32, #tpu.memory_space<hbm>> -> memref<32x128xf32, #tpu.memory_space<hbm>>
    %dma_start3A_2453 = arith.constant 0 : i32
    %dma_start3A_2454 = tpu.memref_slice %arg5[%dma_start3A_2446, %mul3A_2, %dma_start3A_2453] : memref<51x1024x128xf32, #tpu.memory_space<hbm>> -> memref<1x32x128xf32, #tpu.memory_space<hbm>>
    %dma_start3A_2455 = tpu.memref_squeeze %dma_start3A_2454 : memref<1x32x128xf32, #tpu.memory_space<hbm>> -> memref<32x128xf32, #tpu.memory_space<hbm>>
    %dma_start3A_2456 = arith.constant 128 : i32
    %dma_start3A_2457 = arith.constant 0 : i32
    %dma_start3A_2458 = tpu.memref_slice %arg15[%dma_start3A_2456, %dma_start3A_2457] : memref<160x128xf32, #tpu.memory_space<vmem>> -> memref<32x128xf32, #tpu.memory_space<vmem>>
    tpu.enqueue_dma source(%dma_start3A_2458 : memref<32x128xf32, #tpu.memory_space<vmem>>) target(%dma_start3A_2455 : memref<32x128xf32, #tpu.memory_space<hbm>>) target_semaphore(%arg19 : memref<!tpu.dma_semaphore, #tpu.memory_space<semaphore_mem>>)
    %dma_wait3A_2459 = arith.constant 16 : i32
    %dma_wait3A_2460 = arith.constant 0 : i32
    %dma_wait3A_2461 = arith.constant 0 : i32
    %dma_wait3A_2462 = tpu.memref_slice %arg15[%dma_wait3A_2460, %dma_wait3A_2461] : memref<160x128xf32, #tpu.memory_space<vmem>> -> memref<32x128xf32, #tpu.memory_space<vmem>>
    %dma_wait3A_2463 = arith.constant 0 : i32
    %dma_wait3A_2464 = tpu.memref_slice %arg5[%dma_wait3A_2459, %mul3A_2, %dma_wait3A_2463] : memref<51x1024x128xf32, #tpu.memory_space<hbm>> -> memref<1x32x128xf32, #tpu.memory_space<hbm>>
    %dma_wait3A_2465 = tpu.memref_squeeze %dma_wait3A_2464 : memref<1x32x128xf32, #tpu.memory_space<hbm>> -> memref<32x128xf32, #tpu.memory_space<hbm>>
    %dma_wait3A_2466 = arith.constant 0 : i32
    %dma_wait3A_2467 = tpu.memref_slice %arg5[%dma_wait3A_2459, %mul3A_2, %dma_wait3A_2466] : memref<51x1024x128xf32, #tpu.memory_space<hbm>> -> memref<1x32x128xf32, #tpu.memory_space<hbm>>
    %dma_wait3A_2468 = tpu.memref_squeeze %dma_wait3A_2467 : memref<1x32x128xf32, #tpu.memory_space<hbm>> -> memref<32x128xf32, #tpu.memory_space<hbm>>
    %dma_wait3A_2469 = arith.constant 0 : i32
    %dma_wait3A_2470 = arith.constant 0 : i32
    %dma_wait3A_2471 = tpu.memref_slice %arg15[%dma_wait3A_2469, %dma_wait3A_2470] : memref<160x128xf32, #tpu.memory_space<vmem>> -> memref<32x128xf32, #tpu.memory_space<vmem>>
    tpu.wait_dma2 semaphore(%arg19 : memref<!tpu.dma_semaphore, #tpu.memory_space<semaphore_mem>>) src(%dma_wait3A_2471 : memref<32x128xf32, #tpu.memory_space<vmem>>) dst(%dma_wait3A_2468 : memref<32x128xf32, #tpu.memory_space<hbm>>)
    %dma_wait3A_2472 = arith.constant 17 : i32
    %dma_wait3A_2473 = arith.constant 32 : i32
    %dma_wait3A_2474 = arith.constant 0 : i32
    %dma_wait3A_2475 = tpu.memref_slice %arg15[%dma_wait3A_2473, %dma_wait3A_2474] : memref<160x128xf32, #tpu.memory_space<vmem>> -> memref<32x128xf32, #tpu.memory_space<vmem>>
    %dma_wait3A_2476 = arith.constant 0 : i32
    %dma_wait3A_2477 = tpu.memref_slice %arg5[%dma_wait3A_2472, %mul3A_2, %dma_wait3A_2476] : memref<51x1024x128xf32, #tpu.memory_space<hbm>> -> memref<1x32x128xf32, #tpu.memory_space<hbm>>
    %dma_wait3A_2478 = tpu.memref_squeeze %dma_wait3A_2477 : memref<1x32x128xf32, #tpu.memory_space<hbm>> -> memref<32x128xf32, #tpu.memory_space<hbm>>
    %dma_wait3A_2479 = arith.constant 0 : i32
    %dma_wait3A_2480 = tpu.memref_slice %arg5[%dma_wait3A_2472, %mul3A_2, %dma_wait3A_2479] : memref<51x1024x128xf32, #tpu.memory_space<hbm>> -> memref<1x32x128xf32, #tpu.memory_space<hbm>>
    %dma_wait3A_2481 = tpu.memref_squeeze %dma_wait3A_2480 : memref<1x32x128xf32, #tpu.memory_space<hbm>> -> memref<32x128xf32, #tpu.memory_space<hbm>>
    %dma_wait3A_2482 = arith.constant 32 : i32
    %dma_wait3A_2483 = arith.constant 0 : i32
    %dma_wait3A_2484 = tpu.memref_slice %arg15[%dma_wait3A_2482, %dma_wait3A_2483] : memref<160x128xf32, #tpu.memory_space<vmem>> -> memref<32x128xf32, #tpu.memory_space<vmem>>
    tpu.wait_dma2 semaphore(%arg19 : memref<!tpu.dma_semaphore, #tpu.memory_space<semaphore_mem>>) src(%dma_wait3A_2484 : memref<32x128xf32, #tpu.memory_space<vmem>>) dst(%dma_wait3A_2481 : memref<32x128xf32, #tpu.memory_space<hbm>>)
    %dma_wait3A_2485 = arith.constant 18 : i32
    %dma_wait3A_2486 = arith.constant 64 : i32
    %dma_wait3A_2487 = arith.constant 0 : i32
    %dma_wait3A_2488 = tpu.memref_slice %arg15[%dma_wait3A_2486, %dma_wait3A_2487] : memref<160x128xf32, #tpu.memory_space<vmem>> -> memref<32x128xf32, #tpu.memory_space<vmem>>
    %dma_wait3A_2489 = arith.constant 0 : i32
    %dma_wait3A_2490 = tpu.memref_slice %arg5[%dma_wait3A_2485, %mul3A_2, %dma_wait3A_2489] : memref<51x1024x128xf32, #tpu.memory_space<hbm>> -> memref<1x32x128xf32, #tpu.memory_space<hbm>>
    %dma_wait3A_2491 = tpu.memref_squeeze %dma_wait3A_2490 : memref<1x32x128xf32, #tpu.memory_space<hbm>> -> memref<32x128xf32, #tpu.memory_space<hbm>>
    %dma_wait3A_2492 = arith.constant 0 : i32
    %dma_wait3A_2493 = tpu.memref_slice %arg5[%dma_wait3A_2485, %mul3A_2, %dma_wait3A_2492] : memref<51x1024x128xf32, #tpu.memory_space<hbm>> -> memref<1x32x128xf32, #tpu.memory_space<hbm>>
    %dma_wait3A_2494 = tpu.memref_squeeze %dma_wait3A_2493 : memref<1x32x128xf32, #tpu.memory_space<hbm>> -> memref<32x128xf32, #tpu.memory_space<hbm>>
    %dma_wait3A_2495 = arith.constant 64 : i32
    %dma_wait3A_2496 = arith.constant 0 : i32
    %dma_wait3A_2497 = tpu.memref_slice %arg15[%dma_wait3A_2495, %dma_wait3A_2496] : memref<160x128xf32, #tpu.memory_space<vmem>> -> memref<32x128xf32, #tpu.memory_space<vmem>>
    tpu.wait_dma2 semaphore(%arg19 : memref<!tpu.dma_semaphore, #tpu.memory_space<semaphore_mem>>) src(%dma_wait3A_2497 : memref<32x128xf32, #tpu.memory_space<vmem>>) dst(%dma_wait3A_2494 : memref<32x128xf32, #tpu.memory_space<hbm>>)
    %dma_wait3A_2498 = arith.constant 19 : i32
    %dma_wait3A_2499 = arith.constant 96 : i32
    %dma_wait3A_2500 = arith.constant 0 : i32
    %dma_wait3A_2501 = tpu.memref_slice %arg15[%dma_wait3A_2499, %dma_wait3A_2500] : memref<160x128xf32, #tpu.memory_space<vmem>> -> memref<32x128xf32, #tpu.memory_space<vmem>>
    %dma_wait3A_2502 = arith.constant 0 : i32
    %dma_wait3A_2503 = tpu.memref_slice %arg5[%dma_wait3A_2498, %mul3A_2, %dma_wait3A_2502] : memref<51x1024x128xf32, #tpu.memory_space<hbm>> -> memref<1x32x128xf32, #tpu.memory_space<hbm>>
    %dma_wait3A_2504 = tpu.memref_squeeze %dma_wait3A_2503 : memref<1x32x128xf32, #tpu.memory_space<hbm>> -> memref<32x128xf32, #tpu.memory_space<hbm>>
    %dma_wait3A_2505 = arith.constant 0 : i32
    %dma_wait3A_2506 = tpu.memref_slice %arg5[%dma_wait3A_2498, %mul3A_2, %dma_wait3A_2505] : memref<51x1024x128xf32, #tpu.memory_space<hbm>> -> memref<1x32x128xf32, #tpu.memory_space<hbm>>
    %dma_wait3A_2507 = tpu.memref_squeeze %dma_wait3A_2506 : memref<1x32x128xf32, #tpu.memory_space<hbm>> -> memref<32x128xf32, #tpu.memory_space<hbm>>
    %dma_wait3A_2508 = arith.constant 96 : i32
    %dma_wait3A_2509 = arith.constant 0 : i32
    %dma_wait3A_2510 = tpu.memref_slice %arg15[%dma_wait3A_2508, %dma_wait3A_2509] : memref<160x128xf32, #tpu.memory_space<vmem>> -> memref<32x128xf32, #tpu.memory_space<vmem>>
    tpu.wait_dma2 semaphore(%arg19 : memref<!tpu.dma_semaphore, #tpu.memory_space<semaphore_mem>>) src(%dma_wait3A_2510 : memref<32x128xf32, #tpu.memory_space<vmem>>) dst(%dma_wait3A_2507 : memref<32x128xf32, #tpu.memory_space<hbm>>)
    %dma_wait3A_2511 = arith.constant 20 : i32
    %dma_wait3A_2512 = arith.constant 128 : i32
    %dma_wait3A_2513 = arith.constant 0 : i32
    %dma_wait3A_2514 = tpu.memref_slice %arg15[%dma_wait3A_2512, %dma_wait3A_2513] : memref<160x128xf32, #tpu.memory_space<vmem>> -> memref<32x128xf32, #tpu.memory_space<vmem>>
    %dma_wait3A_2515 = arith.constant 0 : i32
    %dma_wait3A_2516 = tpu.memref_slice %arg5[%dma_wait3A_2511, %mul3A_2, %dma_wait3A_2515] : memref<51x1024x128xf32, #tpu.memory_space<hbm>> -> memref<1x32x128xf32, #tpu.memory_space<hbm>>
    %dma_wait3A_2517 = tpu.memref_squeeze %dma_wait3A_2516 : memref<1x32x128xf32, #tpu.memory_space<hbm>> -> memref<32x128xf32, #tpu.memory_space<hbm>>
    %dma_wait3A_2518 = arith.constant 0 : i32
    %dma_wait3A_2519 = tpu.memref_slice %arg5[%dma_wait3A_2511, %mul3A_2, %dma_wait3A_2518] : memref<51x1024x128xf32, #tpu.memory_space<hbm>> -> memref<1x32x128xf32, #tpu.memory_space<hbm>>
    %dma_wait3A_2520 = tpu.memref_squeeze %dma_wait3A_2519 : memref<1x32x128xf32, #tpu.memory_space<hbm>> -> memref<32x128xf32, #tpu.memory_space<hbm>>
    %dma_wait3A_2521 = arith.constant 128 : i32
    %dma_wait3A_2522 = arith.constant 0 : i32
    %dma_wait3A_2523 = tpu.memref_slice %arg15[%dma_wait3A_2521, %dma_wait3A_2522] : memref<160x128xf32, #tpu.memory_space<vmem>> -> memref<32x128xf32, #tpu.memory_space<vmem>>
    tpu.wait_dma2 semaphore(%arg19 : memref<!tpu.dma_semaphore, #tpu.memory_space<semaphore_mem>>) src(%dma_wait3A_2523 : memref<32x128xf32, #tpu.memory_space<vmem>>) dst(%dma_wait3A_2520 : memref<32x128xf32, #tpu.memory_space<hbm>>)
    %add3A_2524 = arith.constant 0 : i32
    %add3A_2525 = vector.broadcast %add3A_2524 : i32 to vector<16xi32>
    %add3A_2526 = arith.addi %add3A_2525, %iota3A : vector<16xi32>
    %add3A_2527 = arith.constant 0 : i32
    %add3A_2528 = arith.addi %select_n3A_11, %add3A_2527 : i32
    %get3A_2529 = arith.constant 40 : i32
    %get3A_2530 = arith.index_cast %get3A_2529 : i32 to index
    %get3A_2531 = arith.index_cast %add3A_2528 : i32 to index
    %get3A_2532 = tpu.vector_load %arg6[%get3A_2530, %get3A_2531] {strides = array<i32>} : memref<56x128xi32, #tpu.memory_space<vmem>>, vector<1x16xi32>,
    %get3A_2533 = vector.shape_cast %get3A_2532 : vector<1x16xi32> to vector<16xi32>
    %add3A_2534 = vector.broadcast %mul3A_2 : i32 to vector<16xi32>
    %add3A_2535 = arith.addi %add3A_2534, %add3A_2526 : vector<16xi32>
    %mul3A_2536 = arith.constant 1000 : i32
    %mul3A_2537 = vector.broadcast %mul3A_2536 : i32 to vector<16xi32>
    %mul3A_2538 = arith.muli %add3A_2535, %mul3A_2537 : vector<16xi32>
    %add3A_2539 = arith.constant 800 : i32
    %add3A_2540 = vector.broadcast %add3A_2539 : i32 to vector<16xi32>
    %add3A_2541 = arith.addi %mul3A_2538, %add3A_2540 : vector<16xi32>
    %add3A_2542 = arith.addi %add3A_2541, %get3A_2533 : vector<16xi32>
    %swap3A_2543 = arith.constant 0 : index
    %swap3A_2544 = tpu.vector_load %arg10[%swap3A_2543] {strides = array<i32>} : memref<160xi32, #tpu.memory_space<vmem>>, vector<16xi32>,
    %swap3A_2545 = vector.shape_cast %swap3A_2544 : vector<16xi32> to vector<16xi32>
    %swap3A_2546 = vector.shape_cast %add3A_2542 : vector<16xi32> to vector<16xi32>
    tpu.vector_store %arg10[%swap3A_2543], %swap3A_2546 {strides = array<i32>} : memref<160xi32, #tpu.memory_space<vmem>>, vector<16xi32>,
    %add3A_2547 = arith.constant 16 : i32
    %add3A_2548 = vector.broadcast %add3A_2547 : i32 to vector<16xi32>
    %add3A_2549 = arith.addi %add3A_2548, %iota3A : vector<16xi32>
    %add3A_2550 = arith.constant 16 : i32
    %add3A_2551 = arith.addi %select_n3A_11, %add3A_2550 : i32
    %get3A_2552 = arith.constant 40 : i32
    %get3A_2553 = arith.index_cast %get3A_2552 : i32 to index
    %get3A_2554 = arith.index_cast %add3A_2551 : i32 to index
    %get3A_2555 = tpu.vector_load %arg6[%get3A_2553, %get3A_2554] {strides = array<i32>} : memref<56x128xi32, #tpu.memory_space<vmem>>, vector<1x16xi32>,
    %get3A_2556 = vector.shape_cast %get3A_2555 : vector<1x16xi32> to vector<16xi32>
    %add3A_2557 = vector.broadcast %mul3A_2 : i32 to vector<16xi32>
    %add3A_2558 = arith.addi %add3A_2557, %add3A_2549 : vector<16xi32>
    %mul3A_2559 = arith.constant 1000 : i32
    %mul3A_2560 = vector.broadcast %mul3A_2559 : i32 to vector<16xi32>
    %mul3A_2561 = arith.muli %add3A_2558, %mul3A_2560 : vector<16xi32>
    %add3A_2562 = arith.constant 800 : i32
    %add3A_2563 = vector.broadcast %add3A_2562 : i32 to vector<16xi32>
    %add3A_2564 = arith.addi %mul3A_2561, %add3A_2563 : vector<16xi32>
    %add3A_2565 = arith.addi %add3A_2564, %get3A_2556 : vector<16xi32>
    %swap3A_2566 = arith.constant 16 : index
    %swap3A_2567 = tpu.vector_load %arg10[%swap3A_2566] {strides = array<i32>} : memref<160xi32, #tpu.memory_space<vmem>>, vector<16xi32>,
    %swap3A_2568 = vector.shape_cast %swap3A_2567 : vector<16xi32> to vector<16xi32>
    %swap3A_2569 = vector.shape_cast %add3A_2565 : vector<16xi32> to vector<16xi32>
    tpu.vector_store %arg10[%swap3A_2566], %swap3A_2569 {strides = array<i32>} : memref<160xi32, #tpu.memory_space<vmem>>, vector<16xi32>,
    %add3A_2570 = arith.constant 0 : i32
    %add3A_2571 = vector.broadcast %add3A_2570 : i32 to vector<16xi32>
    %add3A_2572 = arith.addi %add3A_2571, %iota3A : vector<16xi32>
    %add3A_2573 = arith.constant 0 : i32
    %add3A_2574 = arith.addi %select_n3A_11, %add3A_2573 : i32
    %get3A_2575 = arith.constant 41 : i32
    %get3A_2576 = arith.index_cast %get3A_2575 : i32 to index
    %get3A_2577 = arith.index_cast %add3A_2574 : i32 to index
    %get3A_2578 = tpu.vector_load %arg6[%get3A_2576, %get3A_2577] {strides = array<i32>} : memref<56x128xi32, #tpu.memory_space<vmem>>, vector<1x16xi32>,
    %get3A_2579 = vector.shape_cast %get3A_2578 : vector<1x16xi32> to vector<16xi32>
    %add3A_2580 = vector.broadcast %mul3A_2 : i32 to vector<16xi32>
    %add3A_2581 = arith.addi %add3A_2580, %add3A_2572 : vector<16xi32>
    %mul3A_2582 = arith.constant 1000 : i32
    %mul3A_2583 = vector.broadcast %mul3A_2582 : i32 to vector<16xi32>
    %mul3A_2584 = arith.muli %add3A_2581, %mul3A_2583 : vector<16xi32>
    %add3A_2585 = arith.constant 820 : i32
    %add3A_2586 = vector.broadcast %add3A_2585 : i32 to vector<16xi32>
    %add3A_2587 = arith.addi %mul3A_2584, %add3A_2586 : vector<16xi32>
    %add3A_2588 = arith.addi %add3A_2587, %get3A_2579 : vector<16xi32>
    %swap3A_2589 = arith.constant 32 : index
    %swap3A_2590 = tpu.vector_load %arg10[%swap3A_2589] {strides = array<i32>} : memref<160xi32, #tpu.memory_space<vmem>>, vector<16xi32>,
    %swap3A_2591 = vector.shape_cast %swap3A_2590 : vector<16xi32> to vector<16xi32>
    %swap3A_2592 = vector.shape_cast %add3A_2588 : vector<16xi32> to vector<16xi32>
    tpu.vector_store %arg10[%swap3A_2589], %swap3A_2592 {strides = array<i32>} : memref<160xi32, #tpu.memory_space<vmem>>, vector<16xi32>,
    %add3A_2593 = arith.constant 16 : i32
    %add3A_2594 = vector.broadcast %add3A_2593 : i32 to vector<16xi32>
    %add3A_2595 = arith.addi %add3A_2594, %iota3A : vector<16xi32>
    %add3A_2596 = arith.constant 16 : i32
    %add3A_2597 = arith.addi %select_n3A_11, %add3A_2596 : i32
    %get3A_2598 = arith.constant 41 : i32
    %get3A_2599 = arith.index_cast %get3A_2598 : i32 to index
    %get3A_2600 = arith.index_cast %add3A_2597 : i32 to index
    %get3A_2601 = tpu.vector_load %arg6[%get3A_2599, %get3A_2600] {strides = array<i32>} : memref<56x128xi32, #tpu.memory_space<vmem>>, vector<1x16xi32>,
    %get3A_2602 = vector.shape_cast %get3A_2601 : vector<1x16xi32> to vector<16xi32>
    %add3A_2603 = vector.broadcast %mul3A_2 : i32 to vector<16xi32>
    %add3A_2604 = arith.addi %add3A_2603, %add3A_2595 : vector<16xi32>
    %mul3A_2605 = arith.constant 1000 : i32
    %mul3A_2606 = vector.broadcast %mul3A_2605 : i32 to vector<16xi32>
    %mul3A_2607 = arith.muli %add3A_2604, %mul3A_2606 : vector<16xi32>
    %add3A_2608 = arith.constant 820 : i32
    %add3A_2609 = vector.broadcast %add3A_2608 : i32 to vector<16xi32>
    %add3A_2610 = arith.addi %mul3A_2607, %add3A_2609 : vector<16xi32>
    %add3A_2611 = arith.addi %add3A_2610, %get3A_2602 : vector<16xi32>
    %swap3A_2612 = arith.constant 48 : index
    %swap3A_2613 = tpu.vector_load %arg10[%swap3A_2612] {strides = array<i32>} : memref<160xi32, #tpu.memory_space<vmem>>, vector<16xi32>,
    %swap3A_2614 = vector.shape_cast %swap3A_2613 : vector<16xi32> to vector<16xi32>
    %swap3A_2615 = vector.shape_cast %add3A_2611 : vector<16xi32> to vector<16xi32>
    tpu.vector_store %arg10[%swap3A_2612], %swap3A_2615 {strides = array<i32>} : memref<160xi32, #tpu.memory_space<vmem>>, vector<16xi32>,
    %add3A_2616 = arith.constant 0 : i32
    %add3A_2617 = vector.broadcast %add3A_2616 : i32 to vector<16xi32>
    %add3A_2618 = arith.addi %add3A_2617, %iota3A : vector<16xi32>
    %add3A_2619 = arith.constant 0 : i32
    %add3A_2620 = arith.addi %select_n3A_11, %add3A_2619 : i32
    %get3A_2621 = arith.constant 42 : i32
    %get3A_2622 = arith.index_cast %get3A_2621 : i32 to index
    %get3A_2623 = arith.index_cast %add3A_2620 : i32 to index
    %get3A_2624 = tpu.vector_load %arg6[%get3A_2622, %get3A_2623] {strides = array<i32>} : memref<56x128xi32, #tpu.memory_space<vmem>>, vector<1x16xi32>,
    %get3A_2625 = vector.shape_cast %get3A_2624 : vector<1x16xi32> to vector<16xi32>
    %add3A_2626 = vector.broadcast %mul3A_2 : i32 to vector<16xi32>
    %add3A_2627 = arith.addi %add3A_2626, %add3A_2618 : vector<16xi32>
    %mul3A_2628 = arith.constant 1000 : i32
    %mul3A_2629 = vector.broadcast %mul3A_2628 : i32 to vector<16xi32>
    %mul3A_2630 = arith.muli %add3A_2627, %mul3A_2629 : vector<16xi32>
    %add3A_2631 = arith.constant 840 : i32
    %add3A_2632 = vector.broadcast %add3A_2631 : i32 to vector<16xi32>
    %add3A_2633 = arith.addi %mul3A_2630, %add3A_2632 : vector<16xi32>
    %add3A_2634 = arith.addi %add3A_2633, %get3A_2625 : vector<16xi32>
    %swap3A_2635 = arith.constant 64 : index
    %swap3A_2636 = tpu.vector_load %arg10[%swap3A_2635] {strides = array<i32>} : memref<160xi32, #tpu.memory_space<vmem>>, vector<16xi32>,
    %swap3A_2637 = vector.shape_cast %swap3A_2636 : vector<16xi32> to vector<16xi32>
    %swap3A_2638 = vector.shape_cast %add3A_2634 : vector<16xi32> to vector<16xi32>
    tpu.vector_store %arg10[%swap3A_2635], %swap3A_2638 {strides = array<i32>} : memref<160xi32, #tpu.memory_space<vmem>>, vector<16xi32>,
    %add3A_2639 = arith.constant 16 : i32
    %add3A_2640 = vector.broadcast %add3A_2639 : i32 to vector<16xi32>
    %add3A_2641 = arith.addi %add3A_2640, %iota3A : vector<16xi32>
    %add3A_2642 = arith.constant 16 : i32
    %add3A_2643 = arith.addi %select_n3A_11, %add3A_2642 : i32
    %get3A_2644 = arith.constant 42 : i32
    %get3A_2645 = arith.index_cast %get3A_2644 : i32 to index
    %get3A_2646 = arith.index_cast %add3A_2643 : i32 to index
    %get3A_2647 = tpu.vector_load %arg6[%get3A_2645, %get3A_2646] {strides = array<i32>} : memref<56x128xi32, #tpu.memory_space<vmem>>, vector<1x16xi32>,
    %get3A_2648 = vector.shape_cast %get3A_2647 : vector<1x16xi32> to vector<16xi32>
    %add3A_2649 = vector.broadcast %mul3A_2 : i32 to vector<16xi32>
    %add3A_2650 = arith.addi %add3A_2649, %add3A_2641 : vector<16xi32>
    %mul3A_2651 = arith.constant 1000 : i32
    %mul3A_2652 = vector.broadcast %mul3A_2651 : i32 to vector<16xi32>
    %mul3A_2653 = arith.muli %add3A_2650, %mul3A_2652 : vector<16xi32>
    %add3A_2654 = arith.constant 840 : i32
    %add3A_2655 = vector.broadcast %add3A_2654 : i32 to vector<16xi32>
    %add3A_2656 = arith.addi %mul3A_2653, %add3A_2655 : vector<16xi32>
    %add3A_2657 = arith.addi %add3A_2656, %get3A_2648 : vector<16xi32>
    %swap3A_2658 = arith.constant 80 : index
    %swap3A_2659 = tpu.vector_load %arg10[%swap3A_2658] {strides = array<i32>} : memref<160xi32, #tpu.memory_space<vmem>>, vector<16xi32>,
    %swap3A_2660 = vector.shape_cast %swap3A_2659 : vector<16xi32> to vector<16xi32>
    %swap3A_2661 = vector.shape_cast %add3A_2657 : vector<16xi32> to vector<16xi32>
    tpu.vector_store %arg10[%swap3A_2658], %swap3A_2661 {strides = array<i32>} : memref<160xi32, #tpu.memory_space<vmem>>, vector<16xi32>,
    %add3A_2662 = arith.constant 0 : i32
    %add3A_2663 = vector.broadcast %add3A_2662 : i32 to vector<16xi32>
    %add3A_2664 = arith.addi %add3A_2663, %iota3A : vector<16xi32>
    %add3A_2665 = arith.constant 0 : i32
    %add3A_2666 = arith.addi %select_n3A_11, %add3A_2665 : i32
    %get3A_2667 = arith.constant 43 : i32
    %get3A_2668 = arith.index_cast %get3A_2667 : i32 to index
    %get3A_2669 = arith.index_cast %add3A_2666 : i32 to index
    %get3A_2670 = tpu.vector_load %arg6[%get3A_2668, %get3A_2669] {strides = array<i32>} : memref<56x128xi32, #tpu.memory_space<vmem>>, vector<1x16xi32>,
    %get3A_2671 = vector.shape_cast %get3A_2670 : vector<1x16xi32> to vector<16xi32>
    %add3A_2672 = vector.broadcast %mul3A_2 : i32 to vector<16xi32>
    %add3A_2673 = arith.addi %add3A_2672, %add3A_2664 : vector<16xi32>
    %mul3A_2674 = arith.constant 1000 : i32
    %mul3A_2675 = vector.broadcast %mul3A_2674 : i32 to vector<16xi32>
    %mul3A_2676 = arith.muli %add3A_2673, %mul3A_2675 : vector<16xi32>
    %add3A_2677 = arith.constant 860 : i32
    %add3A_2678 = vector.broadcast %add3A_2677 : i32 to vector<16xi32>
    %add3A_2679 = arith.addi %mul3A_2676, %add3A_2678 : vector<16xi32>
    %add3A_2680 = arith.addi %add3A_2679, %get3A_2671 : vector<16xi32>
    %swap3A_2681 = arith.constant 96 : index
    %swap3A_2682 = tpu.vector_load %arg10[%swap3A_2681] {strides = array<i32>} : memref<160xi32, #tpu.memory_space<vmem>>, vector<16xi32>,
    %swap3A_2683 = vector.shape_cast %swap3A_2682 : vector<16xi32> to vector<16xi32>
    %swap3A_2684 = vector.shape_cast %add3A_2680 : vector<16xi32> to vector<16xi32>
    tpu.vector_store %arg10[%swap3A_2681], %swap3A_2684 {strides = array<i32>} : memref<160xi32, #tpu.memory_space<vmem>>, vector<16xi32>,
    %add3A_2685 = arith.constant 16 : i32
    %add3A_2686 = vector.broadcast %add3A_2685 : i32 to vector<16xi32>
    %add3A_2687 = arith.addi %add3A_2686, %iota3A : vector<16xi32>
    %add3A_2688 = arith.constant 16 : i32
    %add3A_2689 = arith.addi %select_n3A_11, %add3A_2688 : i32
    %get3A_2690 = arith.constant 43 : i32
    %get3A_2691 = arith.index_cast %get3A_2690 : i32 to index
    %get3A_2692 = arith.index_cast %add3A_2689 : i32 to index
    %get3A_2693 = tpu.vector_load %arg6[%get3A_2691, %get3A_2692] {strides = array<i32>} : memref<56x128xi32, #tpu.memory_space<vmem>>, vector<1x16xi32>,
    %get3A_2694 = vector.shape_cast %get3A_2693 : vector<1x16xi32> to vector<16xi32>
    %add3A_2695 = vector.broadcast %mul3A_2 : i32 to vector<16xi32>
    %add3A_2696 = arith.addi %add3A_2695, %add3A_2687 : vector<16xi32>
    %mul3A_2697 = arith.constant 1000 : i32
    %mul3A_2698 = vector.broadcast %mul3A_2697 : i32 to vector<16xi32>
    %mul3A_2699 = arith.muli %add3A_2696, %mul3A_2698 : vector<16xi32>
    %add3A_2700 = arith.constant 860 : i32
    %add3A_2701 = vector.broadcast %add3A_2700 : i32 to vector<16xi32>
    %add3A_2702 = arith.addi %mul3A_2699, %add3A_2701 : vector<16xi32>
    %add3A_2703 = arith.addi %add3A_2702, %get3A_2694 : vector<16xi32>
    %swap3A_2704 = arith.constant 112 : index
    %swap3A_2705 = tpu.vector_load %arg10[%swap3A_2704] {strides = array<i32>} : memref<160xi32, #tpu.memory_space<vmem>>, vector<16xi32>,
    %swap3A_2706 = vector.shape_cast %swap3A_2705 : vector<16xi32> to vector<16xi32>
    %swap3A_2707 = vector.shape_cast %add3A_2703 : vector<16xi32> to vector<16xi32>
    tpu.vector_store %arg10[%swap3A_2704], %swap3A_2707 {strides = array<i32>} : memref<160xi32, #tpu.memory_space<vmem>>, vector<16xi32>,
    %add3A_2708 = arith.constant 0 : i32
    %add3A_2709 = vector.broadcast %add3A_2708 : i32 to vector<16xi32>
    %add3A_2710 = arith.addi %add3A_2709, %iota3A : vector<16xi32>
    %add3A_2711 = arith.constant 0 : i32
    %add3A_2712 = arith.addi %select_n3A_11, %add3A_2711 : i32
    %get3A_2713 = arith.constant 44 : i32
    %get3A_2714 = arith.index_cast %get3A_2713 : i32 to index
    %get3A_2715 = arith.index_cast %add3A_2712 : i32 to index
    %get3A_2716 = tpu.vector_load %arg6[%get3A_2714, %get3A_2715] {strides = array<i32>} : memref<56x128xi32, #tpu.memory_space<vmem>>, vector<1x16xi32>,
    %get3A_2717 = vector.shape_cast %get3A_2716 : vector<1x16xi32> to vector<16xi32>
    %add3A_2718 = vector.broadcast %mul3A_2 : i32 to vector<16xi32>
    %add3A_2719 = arith.addi %add3A_2718, %add3A_2710 : vector<16xi32>
    %mul3A_2720 = arith.constant 1000 : i32
    %mul3A_2721 = vector.broadcast %mul3A_2720 : i32 to vector<16xi32>
    %mul3A_2722 = arith.muli %add3A_2719, %mul3A_2721 : vector<16xi32>
    %add3A_2723 = arith.constant 880 : i32
    %add3A_2724 = vector.broadcast %add3A_2723 : i32 to vector<16xi32>
    %add3A_2725 = arith.addi %mul3A_2722, %add3A_2724 : vector<16xi32>
    %add3A_2726 = arith.addi %add3A_2725, %get3A_2717 : vector<16xi32>
    %swap3A_2727 = arith.constant 128 : index
    %swap3A_2728 = tpu.vector_load %arg10[%swap3A_2727] {strides = array<i32>} : memref<160xi32, #tpu.memory_space<vmem>>, vector<16xi32>,
    %swap3A_2729 = vector.shape_cast %swap3A_2728 : vector<16xi32> to vector<16xi32>
    %swap3A_2730 = vector.shape_cast %add3A_2726 : vector<16xi32> to vector<16xi32>
    tpu.vector_store %arg10[%swap3A_2727], %swap3A_2730 {strides = array<i32>} : memref<160xi32, #tpu.memory_space<vmem>>, vector<16xi32>,
    %add3A_2731 = arith.constant 16 : i32
    %add3A_2732 = vector.broadcast %add3A_2731 : i32 to vector<16xi32>
    %add3A_2733 = arith.addi %add3A_2732, %iota3A : vector<16xi32>
    %add3A_2734 = arith.constant 16 : i32
    %add3A_2735 = arith.addi %select_n3A_11, %add3A_2734 : i32
    %get3A_2736 = arith.constant 44 : i32
    %get3A_2737 = arith.index_cast %get3A_2736 : i32 to index
    %get3A_2738 = arith.index_cast %add3A_2735 : i32 to index
    %get3A_2739 = tpu.vector_load %arg6[%get3A_2737, %get3A_2738] {strides = array<i32>} : memref<56x128xi32, #tpu.memory_space<vmem>>, vector<1x16xi32>,
    %get3A_2740 = vector.shape_cast %get3A_2739 : vector<1x16xi32> to vector<16xi32>
    %add3A_2741 = vector.broadcast %mul3A_2 : i32 to vector<16xi32>
    %add3A_2742 = arith.addi %add3A_2741, %add3A_2733 : vector<16xi32>
    %mul3A_2743 = arith.constant 1000 : i32
    %mul3A_2744 = vector.broadcast %mul3A_2743 : i32 to vector<16xi32>
    %mul3A_2745 = arith.muli %add3A_2742, %mul3A_2744 : vector<16xi32>
    %add3A_2746 = arith.constant 880 : i32
    %add3A_2747 = vector.broadcast %add3A_2746 : i32 to vector<16xi32>
    %add3A_2748 = arith.addi %mul3A_2745, %add3A_2747 : vector<16xi32>
    %add3A_2749 = arith.addi %add3A_2748, %get3A_2740 : vector<16xi32>
    %swap3A_2750 = arith.constant 144 : index
    %swap3A_2751 = tpu.vector_load %arg10[%swap3A_2750] {strides = array<i32>} : memref<160xi32, #tpu.memory_space<vmem>>, vector<16xi32>,
    %swap3A_2752 = vector.shape_cast %swap3A_2751 : vector<16xi32> to vector<16xi32>
    %swap3A_2753 = vector.shape_cast %add3A_2749 : vector<16xi32> to vector<16xi32>
    tpu.vector_store %arg10[%swap3A_2750], %swap3A_2753 {strides = array<i32>} : memref<160xi32, #tpu.memory_space<vmem>>, vector<16xi32>,
    %dma_start3A_2754 = arith.constant 0 : i32
    %dma_start3A_2755 = arith.constant 0 : i32
    %dma_start3A_2756 = tpu.memref_slice %arg2[%dma_start3A_2754, %dma_start3A_2755] : memref<1024000x128xf32, #tpu.memory_space<hbm>> -> memref<1024000x128xf32, #tpu.memory_space<hbm>>
    tpu.enqueue_indirect_dma source(%dma_start3A_2756 : memref<1024000x128xf32, #tpu.memory_space<hbm>>) target(%arg15 : memref<160x128xf32, #tpu.memory_space<vmem>>) offsets(%arg10 : memref<160xi32, #tpu.memory_space<vmem>>) semaphore(%arg18 : memref<!tpu.dma_semaphore, #tpu.memory_space<semaphore_mem>>)
    %dma_wait3A_2757 = arith.constant 0 : i32
    %dma_wait3A_2758 = arith.constant 0 : i32
    %dma_wait3A_2759 = tpu.memref_slice %arg2[%dma_wait3A_2757, %dma_wait3A_2758] : memref<1024000x128xf32, #tpu.memory_space<hbm>> -> memref<1024000x128xf32, #tpu.memory_space<hbm>>
    tpu.wait_indirect_dma semaphore(%arg18 : memref<!tpu.dma_semaphore, #tpu.memory_space<semaphore_mem>>) src(%dma_wait3A_2759 : memref<1024000x128xf32, #tpu.memory_space<hbm>>) dst(%arg16 : memref<160x128xf32, #tpu.memory_space<vmem>>)
    %dma_start3A_2760 = arith.constant 21 : i32
    %dma_start3A_2761 = arith.constant 0 : i32
    %dma_start3A_2762 = arith.constant 0 : i32
    %dma_start3A_2763 = tpu.memref_slice %arg16[%dma_start3A_2761, %dma_start3A_2762] : memref<160x128xf32, #tpu.memory_space<vmem>> -> memref<32x128xf32, #tpu.memory_space<vmem>>
    %dma_start3A_2764 = arith.constant 0 : i32
    %dma_start3A_2765 = tpu.memref_slice %arg5[%dma_start3A_2760, %mul3A_2, %dma_start3A_2764] : memref<51x1024x128xf32, #tpu.memory_space<hbm>> -> memref<1x32x128xf32, #tpu.memory_space<hbm>>
    %dma_start3A_2766 = tpu.memref_squeeze %dma_start3A_2765 : memref<1x32x128xf32, #tpu.memory_space<hbm>> -> memref<32x128xf32, #tpu.memory_space<hbm>>
    %dma_start3A_2767 = arith.constant 0 : i32
    %dma_start3A_2768 = tpu.memref_slice %arg5[%dma_start3A_2760, %mul3A_2, %dma_start3A_2767] : memref<51x1024x128xf32, #tpu.memory_space<hbm>> -> memref<1x32x128xf32, #tpu.memory_space<hbm>>
    %dma_start3A_2769 = tpu.memref_squeeze %dma_start3A_2768 : memref<1x32x128xf32, #tpu.memory_space<hbm>> -> memref<32x128xf32, #tpu.memory_space<hbm>>
    %dma_start3A_2770 = arith.constant 0 : i32
    %dma_start3A_2771 = arith.constant 0 : i32
    %dma_start3A_2772 = tpu.memref_slice %arg16[%dma_start3A_2770, %dma_start3A_2771] : memref<160x128xf32, #tpu.memory_space<vmem>> -> memref<32x128xf32, #tpu.memory_space<vmem>>
    tpu.enqueue_dma source(%dma_start3A_2772 : memref<32x128xf32, #tpu.memory_space<vmem>>) target(%dma_start3A_2769 : memref<32x128xf32, #tpu.memory_space<hbm>>) target_semaphore(%arg19 : memref<!tpu.dma_semaphore, #tpu.memory_space<semaphore_mem>>)
    %dma_start3A_2773 = arith.constant 22 : i32
    %dma_start3A_2774 = arith.constant 32 : i32
    %dma_start3A_2775 = arith.constant 0 : i32
    %dma_start3A_2776 = tpu.memref_slice %arg16[%dma_start3A_2774, %dma_start3A_2775] : memref<160x128xf32, #tpu.memory_space<vmem>> -> memref<32x128xf32, #tpu.memory_space<vmem>>
    %dma_start3A_2777 = arith.constant 0 : i32
    %dma_start3A_2778 = tpu.memref_slice %arg5[%dma_start3A_2773, %mul3A_2, %dma_start3A_2777] : memref<51x1024x128xf32, #tpu.memory_space<hbm>> -> memref<1x32x128xf32, #tpu.memory_space<hbm>>
    %dma_start3A_2779 = tpu.memref_squeeze %dma_start3A_2778 : memref<1x32x128xf32, #tpu.memory_space<hbm>> -> memref<32x128xf32, #tpu.memory_space<hbm>>
    %dma_start3A_2780 = arith.constant 0 : i32
    %dma_start3A_2781 = tpu.memref_slice %arg5[%dma_start3A_2773, %mul3A_2, %dma_start3A_2780] : memref<51x1024x128xf32, #tpu.memory_space<hbm>> -> memref<1x32x128xf32, #tpu.memory_space<hbm>>
    %dma_start3A_2782 = tpu.memref_squeeze %dma_start3A_2781 : memref<1x32x128xf32, #tpu.memory_space<hbm>> -> memref<32x128xf32, #tpu.memory_space<hbm>>
    %dma_start3A_2783 = arith.constant 32 : i32
    %dma_start3A_2784 = arith.constant 0 : i32
    %dma_start3A_2785 = tpu.memref_slice %arg16[%dma_start3A_2783, %dma_start3A_2784] : memref<160x128xf32, #tpu.memory_space<vmem>> -> memref<32x128xf32, #tpu.memory_space<vmem>>
    tpu.enqueue_dma source(%dma_start3A_2785 : memref<32x128xf32, #tpu.memory_space<vmem>>) target(%dma_start3A_2782 : memref<32x128xf32, #tpu.memory_space<hbm>>) target_semaphore(%arg19 : memref<!tpu.dma_semaphore, #tpu.memory_space<semaphore_mem>>)
    %dma_start3A_2786 = arith.constant 23 : i32
    %dma_start3A_2787 = arith.constant 64 : i32
    %dma_start3A_2788 = arith.constant 0 : i32
    %dma_start3A_2789 = tpu.memref_slice %arg16[%dma_start3A_2787, %dma_start3A_2788] : memref<160x128xf32, #tpu.memory_space<vmem>> -> memref<32x128xf32, #tpu.memory_space<vmem>>
    %dma_start3A_2790 = arith.constant 0 : i32
    %dma_start3A_2791 = tpu.memref_slice %arg5[%dma_start3A_2786, %mul3A_2, %dma_start3A_2790] : memref<51x1024x128xf32, #tpu.memory_space<hbm>> -> memref<1x32x128xf32, #tpu.memory_space<hbm>>
    %dma_start3A_2792 = tpu.memref_squeeze %dma_start3A_2791 : memref<1x32x128xf32, #tpu.memory_space<hbm>> -> memref<32x128xf32, #tpu.memory_space<hbm>>
    %dma_start3A_2793 = arith.constant 0 : i32
    %dma_start3A_2794 = tpu.memref_slice %arg5[%dma_start3A_2786, %mul3A_2, %dma_start3A_2793] : memref<51x1024x128xf32, #tpu.memory_space<hbm>> -> memref<1x32x128xf32, #tpu.memory_space<hbm>>
    %dma_start3A_2795 = tpu.memref_squeeze %dma_start3A_2794 : memref<1x32x128xf32, #tpu.memory_space<hbm>> -> memref<32x128xf32, #tpu.memory_space<hbm>>
    %dma_start3A_2796 = arith.constant 64 : i32
    %dma_start3A_2797 = arith.constant 0 : i32
    %dma_start3A_2798 = tpu.memref_slice %arg16[%dma_start3A_2796, %dma_start3A_2797] : memref<160x128xf32, #tpu.memory_space<vmem>> -> memref<32x128xf32, #tpu.memory_space<vmem>>
    tpu.enqueue_dma source(%dma_start3A_2798 : memref<32x128xf32, #tpu.memory_space<vmem>>) target(%dma_start3A_2795 : memref<32x128xf32, #tpu.memory_space<hbm>>) target_semaphore(%arg19 : memref<!tpu.dma_semaphore, #tpu.memory_space<semaphore_mem>>)
    %dma_start3A_2799 = arith.constant 24 : i32
    %dma_start3A_2800 = arith.constant 96 : i32
    %dma_start3A_2801 = arith.constant 0 : i32
    %dma_start3A_2802 = tpu.memref_slice %arg16[%dma_start3A_2800, %dma_start3A_2801] : memref<160x128xf32, #tpu.memory_space<vmem>> -> memref<32x128xf32, #tpu.memory_space<vmem>>
    %dma_start3A_2803 = arith.constant 0 : i32
    %dma_start3A_2804 = tpu.memref_slice %arg5[%dma_start3A_2799, %mul3A_2, %dma_start3A_2803] : memref<51x1024x128xf32, #tpu.memory_space<hbm>> -> memref<1x32x128xf32, #tpu.memory_space<hbm>>
    %dma_start3A_2805 = tpu.memref_squeeze %dma_start3A_2804 : memref<1x32x128xf32, #tpu.memory_space<hbm>> -> memref<32x128xf32, #tpu.memory_space<hbm>>
    %dma_start3A_2806 = arith.constant 0 : i32
    %dma_start3A_2807 = tpu.memref_slice %arg5[%dma_start3A_2799, %mul3A_2, %dma_start3A_2806] : memref<51x1024x128xf32, #tpu.memory_space<hbm>> -> memref<1x32x128xf32, #tpu.memory_space<hbm>>
    %dma_start3A_2808 = tpu.memref_squeeze %dma_start3A_2807 : memref<1x32x128xf32, #tpu.memory_space<hbm>> -> memref<32x128xf32, #tpu.memory_space<hbm>>
    %dma_start3A_2809 = arith.constant 96 : i32
    %dma_start3A_2810 = arith.constant 0 : i32
    %dma_start3A_2811 = tpu.memref_slice %arg16[%dma_start3A_2809, %dma_start3A_2810] : memref<160x128xf32, #tpu.memory_space<vmem>> -> memref<32x128xf32, #tpu.memory_space<vmem>>
    tpu.enqueue_dma source(%dma_start3A_2811 : memref<32x128xf32, #tpu.memory_space<vmem>>) target(%dma_start3A_2808 : memref<32x128xf32, #tpu.memory_space<hbm>>) target_semaphore(%arg19 : memref<!tpu.dma_semaphore, #tpu.memory_space<semaphore_mem>>)
    %dma_start3A_2812 = arith.constant 25 : i32
    %dma_start3A_2813 = arith.constant 128 : i32
    %dma_start3A_2814 = arith.constant 0 : i32
    %dma_start3A_2815 = tpu.memref_slice %arg16[%dma_start3A_2813, %dma_start3A_2814] : memref<160x128xf32, #tpu.memory_space<vmem>> -> memref<32x128xf32, #tpu.memory_space<vmem>>
    %dma_start3A_2816 = arith.constant 0 : i32
    %dma_start3A_2817 = tpu.memref_slice %arg5[%dma_start3A_2812, %mul3A_2, %dma_start3A_2816] : memref<51x1024x128xf32, #tpu.memory_space<hbm>> -> memref<1x32x128xf32, #tpu.memory_space<hbm>>
    %dma_start3A_2818 = tpu.memref_squeeze %dma_start3A_2817 : memref<1x32x128xf32, #tpu.memory_space<hbm>> -> memref<32x128xf32, #tpu.memory_space<hbm>>
    %dma_start3A_2819 = arith.constant 0 : i32
    %dma_start3A_2820 = tpu.memref_slice %arg5[%dma_start3A_2812, %mul3A_2, %dma_start3A_2819] : memref<51x1024x128xf32, #tpu.memory_space<hbm>> -> memref<1x32x128xf32, #tpu.memory_space<hbm>>
    %dma_start3A_2821 = tpu.memref_squeeze %dma_start3A_2820 : memref<1x32x128xf32, #tpu.memory_space<hbm>> -> memref<32x128xf32, #tpu.memory_space<hbm>>
    %dma_start3A_2822 = arith.constant 128 : i32
    %dma_start3A_2823 = arith.constant 0 : i32
    %dma_start3A_2824 = tpu.memref_slice %arg16[%dma_start3A_2822, %dma_start3A_2823] : memref<160x128xf32, #tpu.memory_space<vmem>> -> memref<32x128xf32, #tpu.memory_space<vmem>>
    tpu.enqueue_dma source(%dma_start3A_2824 : memref<32x128xf32, #tpu.memory_space<vmem>>) target(%dma_start3A_2821 : memref<32x128xf32, #tpu.memory_space<hbm>>) target_semaphore(%arg19 : memref<!tpu.dma_semaphore, #tpu.memory_space<semaphore_mem>>)
    %dma_wait3A_2825 = arith.constant 21 : i32
    %dma_wait3A_2826 = arith.constant 0 : i32
    %dma_wait3A_2827 = arith.constant 0 : i32
    %dma_wait3A_2828 = tpu.memref_slice %arg16[%dma_wait3A_2826, %dma_wait3A_2827] : memref<160x128xf32, #tpu.memory_space<vmem>> -> memref<32x128xf32, #tpu.memory_space<vmem>>
    %dma_wait3A_2829 = arith.constant 0 : i32
    %dma_wait3A_2830 = tpu.memref_slice %arg5[%dma_wait3A_2825, %mul3A_2, %dma_wait3A_2829] : memref<51x1024x128xf32, #tpu.memory_space<hbm>> -> memref<1x32x128xf32, #tpu.memory_space<hbm>>
    %dma_wait3A_2831 = tpu.memref_squeeze %dma_wait3A_2830 : memref<1x32x128xf32, #tpu.memory_space<hbm>> -> memref<32x128xf32, #tpu.memory_space<hbm>>
    %dma_wait3A_2832 = arith.constant 0 : i32
    %dma_wait3A_2833 = tpu.memref_slice %arg5[%dma_wait3A_2825, %mul3A_2, %dma_wait3A_2832] : memref<51x1024x128xf32, #tpu.memory_space<hbm>> -> memref<1x32x128xf32, #tpu.memory_space<hbm>>
    %dma_wait3A_2834 = tpu.memref_squeeze %dma_wait3A_2833 : memref<1x32x128xf32, #tpu.memory_space<hbm>> -> memref<32x128xf32, #tpu.memory_space<hbm>>
    %dma_wait3A_2835 = arith.constant 0 : i32
    %dma_wait3A_2836 = arith.constant 0 : i32
    %dma_wait3A_2837 = tpu.memref_slice %arg16[%dma_wait3A_2835, %dma_wait3A_2836] : memref<160x128xf32, #tpu.memory_space<vmem>> -> memref<32x128xf32, #tpu.memory_space<vmem>>
    tpu.wait_dma2 semaphore(%arg19 : memref<!tpu.dma_semaphore, #tpu.memory_space<semaphore_mem>>) src(%dma_wait3A_2837 : memref<32x128xf32, #tpu.memory_space<vmem>>) dst(%dma_wait3A_2834 : memref<32x128xf32, #tpu.memory_space<hbm>>)
    %dma_wait3A_2838 = arith.constant 22 : i32
    %dma_wait3A_2839 = arith.constant 32 : i32
    %dma_wait3A_2840 = arith.constant 0 : i32
    %dma_wait3A_2841 = tpu.memref_slice %arg16[%dma_wait3A_2839, %dma_wait3A_2840] : memref<160x128xf32, #tpu.memory_space<vmem>> -> memref<32x128xf32, #tpu.memory_space<vmem>>
    %dma_wait3A_2842 = arith.constant 0 : i32
    %dma_wait3A_2843 = tpu.memref_slice %arg5[%dma_wait3A_2838, %mul3A_2, %dma_wait3A_2842] : memref<51x1024x128xf32, #tpu.memory_space<hbm>> -> memref<1x32x128xf32, #tpu.memory_space<hbm>>
    %dma_wait3A_2844 = tpu.memref_squeeze %dma_wait3A_2843 : memref<1x32x128xf32, #tpu.memory_space<hbm>> -> memref<32x128xf32, #tpu.memory_space<hbm>>
    %dma_wait3A_2845 = arith.constant 0 : i32
    %dma_wait3A_2846 = tpu.memref_slice %arg5[%dma_wait3A_2838, %mul3A_2, %dma_wait3A_2845] : memref<51x1024x128xf32, #tpu.memory_space<hbm>> -> memref<1x32x128xf32, #tpu.memory_space<hbm>>
    %dma_wait3A_2847 = tpu.memref_squeeze %dma_wait3A_2846 : memref<1x32x128xf32, #tpu.memory_space<hbm>> -> memref<32x128xf32, #tpu.memory_space<hbm>>
    %dma_wait3A_2848 = arith.constant 32 : i32
    %dma_wait3A_2849 = arith.constant 0 : i32
    %dma_wait3A_2850 = tpu.memref_slice %arg16[%dma_wait3A_2848, %dma_wait3A_2849] : memref<160x128xf32, #tpu.memory_space<vmem>> -> memref<32x128xf32, #tpu.memory_space<vmem>>
    tpu.wait_dma2 semaphore(%arg19 : memref<!tpu.dma_semaphore, #tpu.memory_space<semaphore_mem>>) src(%dma_wait3A_2850 : memref<32x128xf32, #tpu.memory_space<vmem>>) dst(%dma_wait3A_2847 : memref<32x128xf32, #tpu.memory_space<hbm>>)
    %dma_wait3A_2851 = arith.constant 23 : i32
    %dma_wait3A_2852 = arith.constant 64 : i32
    %dma_wait3A_2853 = arith.constant 0 : i32
    %dma_wait3A_2854 = tpu.memref_slice %arg16[%dma_wait3A_2852, %dma_wait3A_2853] : memref<160x128xf32, #tpu.memory_space<vmem>> -> memref<32x128xf32, #tpu.memory_space<vmem>>
    %dma_wait3A_2855 = arith.constant 0 : i32
    %dma_wait3A_2856 = tpu.memref_slice %arg5[%dma_wait3A_2851, %mul3A_2, %dma_wait3A_2855] : memref<51x1024x128xf32, #tpu.memory_space<hbm>> -> memref<1x32x128xf32, #tpu.memory_space<hbm>>
    %dma_wait3A_2857 = tpu.memref_squeeze %dma_wait3A_2856 : memref<1x32x128xf32, #tpu.memory_space<hbm>> -> memref<32x128xf32, #tpu.memory_space<hbm>>
    %dma_wait3A_2858 = arith.constant 0 : i32
    %dma_wait3A_2859 = tpu.memref_slice %arg5[%dma_wait3A_2851, %mul3A_2, %dma_wait3A_2858] : memref<51x1024x128xf32, #tpu.memory_space<hbm>> -> memref<1x32x128xf32, #tpu.memory_space<hbm>>
    %dma_wait3A_2860 = tpu.memref_squeeze %dma_wait3A_2859 : memref<1x32x128xf32, #tpu.memory_space<hbm>> -> memref<32x128xf32, #tpu.memory_space<hbm>>
    %dma_wait3A_2861 = arith.constant 64 : i32
    %dma_wait3A_2862 = arith.constant 0 : i32
    %dma_wait3A_2863 = tpu.memref_slice %arg16[%dma_wait3A_2861, %dma_wait3A_2862] : memref<160x128xf32, #tpu.memory_space<vmem>> -> memref<32x128xf32, #tpu.memory_space<vmem>>
    tpu.wait_dma2 semaphore(%arg19 : memref<!tpu.dma_semaphore, #tpu.memory_space<semaphore_mem>>) src(%dma_wait3A_2863 : memref<32x128xf32, #tpu.memory_space<vmem>>) dst(%dma_wait3A_2860 : memref<32x128xf32, #tpu.memory_space<hbm>>)
    %dma_wait3A_2864 = arith.constant 24 : i32
    %dma_wait3A_2865 = arith.constant 96 : i32
    %dma_wait3A_2866 = arith.constant 0 : i32
    %dma_wait3A_2867 = tpu.memref_slice %arg16[%dma_wait3A_2865, %dma_wait3A_2866] : memref<160x128xf32, #tpu.memory_space<vmem>> -> memref<32x128xf32, #tpu.memory_space<vmem>>
    %dma_wait3A_2868 = arith.constant 0 : i32
    %dma_wait3A_2869 = tpu.memref_slice %arg5[%dma_wait3A_2864, %mul3A_2, %dma_wait3A_2868] : memref<51x1024x128xf32, #tpu.memory_space<hbm>> -> memref<1x32x128xf32, #tpu.memory_space<hbm>>
    %dma_wait3A_2870 = tpu.memref_squeeze %dma_wait3A_2869 : memref<1x32x128xf32, #tpu.memory_space<hbm>> -> memref<32x128xf32, #tpu.memory_space<hbm>>
    %dma_wait3A_2871 = arith.constant 0 : i32
    %dma_wait3A_2872 = tpu.memref_slice %arg5[%dma_wait3A_2864, %mul3A_2, %dma_wait3A_2871] : memref<51x1024x128xf32, #tpu.memory_space<hbm>> -> memref<1x32x128xf32, #tpu.memory_space<hbm>>
    %dma_wait3A_2873 = tpu.memref_squeeze %dma_wait3A_2872 : memref<1x32x128xf32, #tpu.memory_space<hbm>> -> memref<32x128xf32, #tpu.memory_space<hbm>>
    %dma_wait3A_2874 = arith.constant 96 : i32
    %dma_wait3A_2875 = arith.constant 0 : i32
    %dma_wait3A_2876 = tpu.memref_slice %arg16[%dma_wait3A_2874, %dma_wait3A_2875] : memref<160x128xf32, #tpu.memory_space<vmem>> -> memref<32x128xf32, #tpu.memory_space<vmem>>
    tpu.wait_dma2 semaphore(%arg19 : memref<!tpu.dma_semaphore, #tpu.memory_space<semaphore_mem>>) src(%dma_wait3A_2876 : memref<32x128xf32, #tpu.memory_space<vmem>>) dst(%dma_wait3A_2873 : memref<32x128xf32, #tpu.memory_space<hbm>>)
    %dma_wait3A_2877 = arith.constant 25 : i32
    %dma_wait3A_2878 = arith.constant 128 : i32
    %dma_wait3A_2879 = arith.constant 0 : i32
    %dma_wait3A_2880 = tpu.memref_slice %arg16[%dma_wait3A_2878, %dma_wait3A_2879] : memref<160x128xf32, #tpu.memory_space<vmem>> -> memref<32x128xf32, #tpu.memory_space<vmem>>
    %dma_wait3A_2881 = arith.constant 0 : i32
    %dma_wait3A_2882 = tpu.memref_slice %arg5[%dma_wait3A_2877, %mul3A_2, %dma_wait3A_2881] : memref<51x1024x128xf32, #tpu.memory_space<hbm>> -> memref<1x32x128xf32, #tpu.memory_space<hbm>>
    %dma_wait3A_2883 = tpu.memref_squeeze %dma_wait3A_2882 : memref<1x32x128xf32, #tpu.memory_space<hbm>> -> memref<32x128xf32, #tpu.memory_space<hbm>>
    %dma_wait3A_2884 = arith.constant 0 : i32
    %dma_wait3A_2885 = tpu.memref_slice %arg5[%dma_wait3A_2877, %mul3A_2, %dma_wait3A_2884] : memref<51x1024x128xf32, #tpu.memory_space<hbm>> -> memref<1x32x128xf32, #tpu.memory_space<hbm>>
    %dma_wait3A_2886 = tpu.memref_squeeze %dma_wait3A_2885 : memref<1x32x128xf32, #tpu.memory_space<hbm>> -> memref<32x128xf32, #tpu.memory_space<hbm>>
    %dma_wait3A_2887 = arith.constant 128 : i32
    %dma_wait3A_2888 = arith.constant 0 : i32
    %dma_wait3A_2889 = tpu.memref_slice %arg16[%dma_wait3A_2887, %dma_wait3A_2888] : memref<160x128xf32, #tpu.memory_space<vmem>> -> memref<32x128xf32, #tpu.memory_space<vmem>>
    tpu.wait_dma2 semaphore(%arg19 : memref<!tpu.dma_semaphore, #tpu.memory_space<semaphore_mem>>) src(%dma_wait3A_2889 : memref<32x128xf32, #tpu.memory_space<vmem>>) dst(%dma_wait3A_2886 : memref<32x128xf32, #tpu.memory_space<hbm>>)
    %add3A_2890 = arith.constant 0 : i32
    %add3A_2891 = vector.broadcast %add3A_2890 : i32 to vector<16xi32>
    %add3A_2892 = arith.addi %add3A_2891, %iota3A : vector<16xi32>
    %add3A_2893 = arith.constant 0 : i32
    %add3A_2894 = arith.addi %select_n3A_11, %add3A_2893 : i32
    %get3A_2895 = arith.constant 45 : i32
    %get3A_2896 = arith.index_cast %get3A_2895 : i32 to index
    %get3A_2897 = arith.index_cast %add3A_2894 : i32 to index
    %get3A_2898 = tpu.vector_load %arg6[%get3A_2896, %get3A_2897] {strides = array<i32>} : memref<56x128xi32, #tpu.memory_space<vmem>>, vector<1x16xi32>,
    %get3A_2899 = vector.shape_cast %get3A_2898 : vector<1x16xi32> to vector<16xi32>
    %add3A_2900 = vector.broadcast %mul3A_2 : i32 to vector<16xi32>
    %add3A_2901 = arith.addi %add3A_2900, %add3A_2892 : vector<16xi32>
    %mul3A_2902 = arith.constant 1000 : i32
    %mul3A_2903 = vector.broadcast %mul3A_2902 : i32 to vector<16xi32>
    %mul3A_2904 = arith.muli %add3A_2901, %mul3A_2903 : vector<16xi32>
    %add3A_2905 = arith.constant 900 : i32
    %add3A_2906 = vector.broadcast %add3A_2905 : i32 to vector<16xi32>
    %add3A_2907 = arith.addi %mul3A_2904, %add3A_2906 : vector<16xi32>
    %add3A_2908 = arith.addi %add3A_2907, %get3A_2899 : vector<16xi32>
    %swap3A_2909 = arith.constant 0 : index
    %swap3A_2910 = tpu.vector_load %arg11[%swap3A_2909] {strides = array<i32>} : memref<160xi32, #tpu.memory_space<vmem>>, vector<16xi32>,
    %swap3A_2911 = vector.shape_cast %swap3A_2910 : vector<16xi32> to vector<16xi32>
    %swap3A_2912 = vector.shape_cast %add3A_2908 : vector<16xi32> to vector<16xi32>
    tpu.vector_store %arg11[%swap3A_2909], %swap3A_2912 {strides = array<i32>} : memref<160xi32, #tpu.memory_space<vmem>>, vector<16xi32>,
    %add3A_2913 = arith.constant 16 : i32
    %add3A_2914 = vector.broadcast %add3A_2913 : i32 to vector<16xi32>
    %add3A_2915 = arith.addi %add3A_2914, %iota3A : vector<16xi32>
    %add3A_2916 = arith.constant 16 : i32
    %add3A_2917 = arith.addi %select_n3A_11, %add3A_2916 : i32
    %get3A_2918 = arith.constant 45 : i32
    %get3A_2919 = arith.index_cast %get3A_2918 : i32 to index
    %get3A_2920 = arith.index_cast %add3A_2917 : i32 to index
    %get3A_2921 = tpu.vector_load %arg6[%get3A_2919, %get3A_2920] {strides = array<i32>} : memref<56x128xi32, #tpu.memory_space<vmem>>, vector<1x16xi32>,
    %get3A_2922 = vector.shape_cast %get3A_2921 : vector<1x16xi32> to vector<16xi32>
    %add3A_2923 = vector.broadcast %mul3A_2 : i32 to vector<16xi32>
    %add3A_2924 = arith.addi %add3A_2923, %add3A_2915 : vector<16xi32>
    %mul3A_2925 = arith.constant 1000 : i32
    %mul3A_2926 = vector.broadcast %mul3A_2925 : i32 to vector<16xi32>
    %mul3A_2927 = arith.muli %add3A_2924, %mul3A_2926 : vector<16xi32>
    %add3A_2928 = arith.constant 900 : i32
    %add3A_2929 = vector.broadcast %add3A_2928 : i32 to vector<16xi32>
    %add3A_2930 = arith.addi %mul3A_2927, %add3A_2929 : vector<16xi32>
    %add3A_2931 = arith.addi %add3A_2930, %get3A_2922 : vector<16xi32>
    %swap3A_2932 = arith.constant 16 : index
    %swap3A_2933 = tpu.vector_load %arg11[%swap3A_2932] {strides = array<i32>} : memref<160xi32, #tpu.memory_space<vmem>>, vector<16xi32>,
    %swap3A_2934 = vector.shape_cast %swap3A_2933 : vector<16xi32> to vector<16xi32>
    %swap3A_2935 = vector.shape_cast %add3A_2931 : vector<16xi32> to vector<16xi32>
    tpu.vector_store %arg11[%swap3A_2932], %swap3A_2935 {strides = array<i32>} : memref<160xi32, #tpu.memory_space<vmem>>, vector<16xi32>,
    %add3A_2936 = arith.constant 0 : i32
    %add3A_2937 = vector.broadcast %add3A_2936 : i32 to vector<16xi32>
    %add3A_2938 = arith.addi %add3A_2937, %iota3A : vector<16xi32>
    %add3A_2939 = arith.constant 0 : i32
    %add3A_2940 = arith.addi %select_n3A_11, %add3A_2939 : i32
    %get3A_2941 = arith.constant 46 : i32
    %get3A_2942 = arith.index_cast %get3A_2941 : i32 to index
    %get3A_2943 = arith.index_cast %add3A_2940 : i32 to index
    %get3A_2944 = tpu.vector_load %arg6[%get3A_2942, %get3A_2943] {strides = array<i32>} : memref<56x128xi32, #tpu.memory_space<vmem>>, vector<1x16xi32>,
    %get3A_2945 = vector.shape_cast %get3A_2944 : vector<1x16xi32> to vector<16xi32>
    %add3A_2946 = vector.broadcast %mul3A_2 : i32 to vector<16xi32>
    %add3A_2947 = arith.addi %add3A_2946, %add3A_2938 : vector<16xi32>
    %mul3A_2948 = arith.constant 1000 : i32
    %mul3A_2949 = vector.broadcast %mul3A_2948 : i32 to vector<16xi32>
    %mul3A_2950 = arith.muli %add3A_2947, %mul3A_2949 : vector<16xi32>
    %add3A_2951 = arith.constant 920 : i32
    %add3A_2952 = vector.broadcast %add3A_2951 : i32 to vector<16xi32>
    %add3A_2953 = arith.addi %mul3A_2950, %add3A_2952 : vector<16xi32>
    %add3A_2954 = arith.addi %add3A_2953, %get3A_2945 : vector<16xi32>
    %swap3A_2955 = arith.constant 32 : index
    %swap3A_2956 = tpu.vector_load %arg11[%swap3A_2955] {strides = array<i32>} : memref<160xi32, #tpu.memory_space<vmem>>, vector<16xi32>,
    %swap3A_2957 = vector.shape_cast %swap3A_2956 : vector<16xi32> to vector<16xi32>
    %swap3A_2958 = vector.shape_cast %add3A_2954 : vector<16xi32> to vector<16xi32>
    tpu.vector_store %arg11[%swap3A_2955], %swap3A_2958 {strides = array<i32>} : memref<160xi32, #tpu.memory_space<vmem>>, vector<16xi32>,
    %add3A_2959 = arith.constant 16 : i32
    %add3A_2960 = vector.broadcast %add3A_2959 : i32 to vector<16xi32>
    %add3A_2961 = arith.addi %add3A_2960, %iota3A : vector<16xi32>
    %add3A_2962 = arith.constant 16 : i32
    %add3A_2963 = arith.addi %select_n3A_11, %add3A_2962 : i32
    %get3A_2964 = arith.constant 46 : i32
    %get3A_2965 = arith.index_cast %get3A_2964 : i32 to index
    %get3A_2966 = arith.index_cast %add3A_2963 : i32 to index
    %get3A_2967 = tpu.vector_load %arg6[%get3A_2965, %get3A_2966] {strides = array<i32>} : memref<56x128xi32, #tpu.memory_space<vmem>>, vector<1x16xi32>,
    %get3A_2968 = vector.shape_cast %get3A_2967 : vector<1x16xi32> to vector<16xi32>
    %add3A_2969 = vector.broadcast %mul3A_2 : i32 to vector<16xi32>
    %add3A_2970 = arith.addi %add3A_2969, %add3A_2961 : vector<16xi32>
    %mul3A_2971 = arith.constant 1000 : i32
    %mul3A_2972 = vector.broadcast %mul3A_2971 : i32 to vector<16xi32>
    %mul3A_2973 = arith.muli %add3A_2970, %mul3A_2972 : vector<16xi32>
    %add3A_2974 = arith.constant 920 : i32
    %add3A_2975 = vector.broadcast %add3A_2974 : i32 to vector<16xi32>
    %add3A_2976 = arith.addi %mul3A_2973, %add3A_2975 : vector<16xi32>
    %add3A_2977 = arith.addi %add3A_2976, %get3A_2968 : vector<16xi32>
    %swap3A_2978 = arith.constant 48 : index
    %swap3A_2979 = tpu.vector_load %arg11[%swap3A_2978] {strides = array<i32>} : memref<160xi32, #tpu.memory_space<vmem>>, vector<16xi32>,
    %swap3A_2980 = vector.shape_cast %swap3A_2979 : vector<16xi32> to vector<16xi32>
    %swap3A_2981 = vector.shape_cast %add3A_2977 : vector<16xi32> to vector<16xi32>
    tpu.vector_store %arg11[%swap3A_2978], %swap3A_2981 {strides = array<i32>} : memref<160xi32, #tpu.memory_space<vmem>>, vector<16xi32>,
    %add3A_2982 = arith.constant 0 : i32
    %add3A_2983 = vector.broadcast %add3A_2982 : i32 to vector<16xi32>
    %add3A_2984 = arith.addi %add3A_2983, %iota3A : vector<16xi32>
    %add3A_2985 = arith.constant 0 : i32
    %add3A_2986 = arith.addi %select_n3A_11, %add3A_2985 : i32
    %get3A_2987 = arith.constant 47 : i32
    %get3A_2988 = arith.index_cast %get3A_2987 : i32 to index
    %get3A_2989 = arith.index_cast %add3A_2986 : i32 to index
    %get3A_2990 = tpu.vector_load %arg6[%get3A_2988, %get3A_2989] {strides = array<i32>} : memref<56x128xi32, #tpu.memory_space<vmem>>, vector<1x16xi32>,
    %get3A_2991 = vector.shape_cast %get3A_2990 : vector<1x16xi32> to vector<16xi32>
    %add3A_2992 = vector.broadcast %mul3A_2 : i32 to vector<16xi32>
    %add3A_2993 = arith.addi %add3A_2992, %add3A_2984 : vector<16xi32>
    %mul3A_2994 = arith.constant 1000 : i32
    %mul3A_2995 = vector.broadcast %mul3A_2994 : i32 to vector<16xi32>
    %mul3A_2996 = arith.muli %add3A_2993, %mul3A_2995 : vector<16xi32>
    %add3A_2997 = arith.constant 940 : i32
    %add3A_2998 = vector.broadcast %add3A_2997 : i32 to vector<16xi32>
    %add3A_2999 = arith.addi %mul3A_2996, %add3A_2998 : vector<16xi32>
    %add3A_3000 = arith.addi %add3A_2999, %get3A_2991 : vector<16xi32>
    %swap3A_3001 = arith.constant 64 : index
    %swap3A_3002 = tpu.vector_load %arg11[%swap3A_3001] {strides = array<i32>} : memref<160xi32, #tpu.memory_space<vmem>>, vector<16xi32>,
    %swap3A_3003 = vector.shape_cast %swap3A_3002 : vector<16xi32> to vector<16xi32>
    %swap3A_3004 = vector.shape_cast %add3A_3000 : vector<16xi32> to vector<16xi32>
    tpu.vector_store %arg11[%swap3A_3001], %swap3A_3004 {strides = array<i32>} : memref<160xi32, #tpu.memory_space<vmem>>, vector<16xi32>,
    %add3A_3005 = arith.constant 16 : i32
    %add3A_3006 = vector.broadcast %add3A_3005 : i32 to vector<16xi32>
    %add3A_3007 = arith.addi %add3A_3006, %iota3A : vector<16xi32>
    %add3A_3008 = arith.constant 16 : i32
    %add3A_3009 = arith.addi %select_n3A_11, %add3A_3008 : i32
    %get3A_3010 = arith.constant 47 : i32
    %get3A_3011 = arith.index_cast %get3A_3010 : i32 to index
    %get3A_3012 = arith.index_cast %add3A_3009 : i32 to index
    %get3A_3013 = tpu.vector_load %arg6[%get3A_3011, %get3A_3012] {strides = array<i32>} : memref<56x128xi32, #tpu.memory_space<vmem>>, vector<1x16xi32>,
    %get3A_3014 = vector.shape_cast %get3A_3013 : vector<1x16xi32> to vector<16xi32>
    %add3A_3015 = vector.broadcast %mul3A_2 : i32 to vector<16xi32>
    %add3A_3016 = arith.addi %add3A_3015, %add3A_3007 : vector<16xi32>
    %mul3A_3017 = arith.constant 1000 : i32
    %mul3A_3018 = vector.broadcast %mul3A_3017 : i32 to vector<16xi32>
    %mul3A_3019 = arith.muli %add3A_3016, %mul3A_3018 : vector<16xi32>
    %add3A_3020 = arith.constant 940 : i32
    %add3A_3021 = vector.broadcast %add3A_3020 : i32 to vector<16xi32>
    %add3A_3022 = arith.addi %mul3A_3019, %add3A_3021 : vector<16xi32>
    %add3A_3023 = arith.addi %add3A_3022, %get3A_3014 : vector<16xi32>
    %swap3A_3024 = arith.constant 80 : index
    %swap3A_3025 = tpu.vector_load %arg11[%swap3A_3024] {strides = array<i32>} : memref<160xi32, #tpu.memory_space<vmem>>, vector<16xi32>,
    %swap3A_3026 = vector.shape_cast %swap3A_3025 : vector<16xi32> to vector<16xi32>
    %swap3A_3027 = vector.shape_cast %add3A_3023 : vector<16xi32> to vector<16xi32>
    tpu.vector_store %arg11[%swap3A_3024], %swap3A_3027 {strides = array<i32>} : memref<160xi32, #tpu.memory_space<vmem>>, vector<16xi32>,
    %add3A_3028 = arith.constant 0 : i32
    %add3A_3029 = vector.broadcast %add3A_3028 : i32 to vector<16xi32>
    %add3A_3030 = arith.addi %add3A_3029, %iota3A : vector<16xi32>
    %add3A_3031 = arith.constant 0 : i32
    %add3A_3032 = arith.addi %select_n3A_11, %add3A_3031 : i32
    %get3A_3033 = arith.constant 48 : i32
    %get3A_3034 = arith.index_cast %get3A_3033 : i32 to index
    %get3A_3035 = arith.index_cast %add3A_3032 : i32 to index
    %get3A_3036 = tpu.vector_load %arg6[%get3A_3034, %get3A_3035] {strides = array<i32>} : memref<56x128xi32, #tpu.memory_space<vmem>>, vector<1x16xi32>,
    %get3A_3037 = vector.shape_cast %get3A_3036 : vector<1x16xi32> to vector<16xi32>
    %add3A_3038 = vector.broadcast %mul3A_2 : i32 to vector<16xi32>
    %add3A_3039 = arith.addi %add3A_3038, %add3A_3030 : vector<16xi32>
    %mul3A_3040 = arith.constant 1000 : i32
    %mul3A_3041 = vector.broadcast %mul3A_3040 : i32 to vector<16xi32>
    %mul3A_3042 = arith.muli %add3A_3039, %mul3A_3041 : vector<16xi32>
    %add3A_3043 = arith.constant 960 : i32
    %add3A_3044 = vector.broadcast %add3A_3043 : i32 to vector<16xi32>
    %add3A_3045 = arith.addi %mul3A_3042, %add3A_3044 : vector<16xi32>
    %add3A_3046 = arith.addi %add3A_3045, %get3A_3037 : vector<16xi32>
    %swap3A_3047 = arith.constant 96 : index
    %swap3A_3048 = tpu.vector_load %arg11[%swap3A_3047] {strides = array<i32>} : memref<160xi32, #tpu.memory_space<vmem>>, vector<16xi32>,
    %swap3A_3049 = vector.shape_cast %swap3A_3048 : vector<16xi32> to vector<16xi32>
    %swap3A_3050 = vector.shape_cast %add3A_3046 : vector<16xi32> to vector<16xi32>
    tpu.vector_store %arg11[%swap3A_3047], %swap3A_3050 {strides = array<i32>} : memref<160xi32, #tpu.memory_space<vmem>>, vector<16xi32>,
    %add3A_3051 = arith.constant 16 : i32
    %add3A_3052 = vector.broadcast %add3A_3051 : i32 to vector<16xi32>
    %add3A_3053 = arith.addi %add3A_3052, %iota3A : vector<16xi32>
    %add3A_3054 = arith.constant 16 : i32
    %add3A_3055 = arith.addi %select_n3A_11, %add3A_3054 : i32
    %get3A_3056 = arith.constant 48 : i32
    %get3A_3057 = arith.index_cast %get3A_3056 : i32 to index
    %get3A_3058 = arith.index_cast %add3A_3055 : i32 to index
    %get3A_3059 = tpu.vector_load %arg6[%get3A_3057, %get3A_3058] {strides = array<i32>} : memref<56x128xi32, #tpu.memory_space<vmem>>, vector<1x16xi32>,
    %get3A_3060 = vector.shape_cast %get3A_3059 : vector<1x16xi32> to vector<16xi32>
    %add3A_3061 = vector.broadcast %mul3A_2 : i32 to vector<16xi32>
    %add3A_3062 = arith.addi %add3A_3061, %add3A_3053 : vector<16xi32>
    %mul3A_3063 = arith.constant 1000 : i32
    %mul3A_3064 = vector.broadcast %mul3A_3063 : i32 to vector<16xi32>
    %mul3A_3065 = arith.muli %add3A_3062, %mul3A_3064 : vector<16xi32>
    %add3A_3066 = arith.constant 960 : i32
    %add3A_3067 = vector.broadcast %add3A_3066 : i32 to vector<16xi32>
    %add3A_3068 = arith.addi %mul3A_3065, %add3A_3067 : vector<16xi32>
    %add3A_3069 = arith.addi %add3A_3068, %get3A_3060 : vector<16xi32>
    %swap3A_3070 = arith.constant 112 : index
    %swap3A_3071 = tpu.vector_load %arg11[%swap3A_3070] {strides = array<i32>} : memref<160xi32, #tpu.memory_space<vmem>>, vector<16xi32>,
    %swap3A_3072 = vector.shape_cast %swap3A_3071 : vector<16xi32> to vector<16xi32>
    %swap3A_3073 = vector.shape_cast %add3A_3069 : vector<16xi32> to vector<16xi32>
    tpu.vector_store %arg11[%swap3A_3070], %swap3A_3073 {strides = array<i32>} : memref<160xi32, #tpu.memory_space<vmem>>, vector<16xi32>,
    %add3A_3074 = arith.constant 0 : i32
    %add3A_3075 = vector.broadcast %add3A_3074 : i32 to vector<16xi32>
    %add3A_3076 = arith.addi %add3A_3075, %iota3A : vector<16xi32>
    %add3A_3077 = arith.constant 0 : i32
    %add3A_3078 = arith.addi %select_n3A_11, %add3A_3077 : i32
    %get3A_3079 = arith.constant 49 : i32
    %get3A_3080 = arith.index_cast %get3A_3079 : i32 to index
    %get3A_3081 = arith.index_cast %add3A_3078 : i32 to index
    %get3A_3082 = tpu.vector_load %arg6[%get3A_3080, %get3A_3081] {strides = array<i32>} : memref<56x128xi32, #tpu.memory_space<vmem>>, vector<1x16xi32>,
    %get3A_3083 = vector.shape_cast %get3A_3082 : vector<1x16xi32> to vector<16xi32>
    %add3A_3084 = vector.broadcast %mul3A_2 : i32 to vector<16xi32>
    %add3A_3085 = arith.addi %add3A_3084, %add3A_3076 : vector<16xi32>
    %mul3A_3086 = arith.constant 1000 : i32
    %mul3A_3087 = vector.broadcast %mul3A_3086 : i32 to vector<16xi32>
    %mul3A_3088 = arith.muli %add3A_3085, %mul3A_3087 : vector<16xi32>
    %add3A_3089 = arith.constant 980 : i32
    %add3A_3090 = vector.broadcast %add3A_3089 : i32 to vector<16xi32>
    %add3A_3091 = arith.addi %mul3A_3088, %add3A_3090 : vector<16xi32>
    %add3A_3092 = arith.addi %add3A_3091, %get3A_3083 : vector<16xi32>
    %swap3A_3093 = arith.constant 128 : index
    %swap3A_3094 = tpu.vector_load %arg11[%swap3A_3093] {strides = array<i32>} : memref<160xi32, #tpu.memory_space<vmem>>, vector<16xi32>,
    %swap3A_3095 = vector.shape_cast %swap3A_3094 : vector<16xi32> to vector<16xi32>
    %swap3A_3096 = vector.shape_cast %add3A_3092 : vector<16xi32> to vector<16xi32>
    tpu.vector_store %arg11[%swap3A_3093], %swap3A_3096 {strides = array<i32>} : memref<160xi32, #tpu.memory_space<vmem>>, vector<16xi32>,
    %add3A_3097 = arith.constant 16 : i32
    %add3A_3098 = vector.broadcast %add3A_3097 : i32 to vector<16xi32>
    %add3A_3099 = arith.addi %add3A_3098, %iota3A : vector<16xi32>
    %add3A_3100 = arith.constant 16 : i32
    %add3A_3101 = arith.addi %select_n3A_11, %add3A_3100 : i32
    %get3A_3102 = arith.constant 49 : i32
    %get3A_3103 = arith.index_cast %get3A_3102 : i32 to index
    %get3A_3104 = arith.index_cast %add3A_3101 : i32 to index
    %get3A_3105 = tpu.vector_load %arg6[%get3A_3103, %get3A_3104] {strides = array<i32>} : memref<56x128xi32, #tpu.memory_space<vmem>>, vector<1x16xi32>,
    %get3A_3106 = vector.shape_cast %get3A_3105 : vector<1x16xi32> to vector<16xi32>
    %add3A_3107 = vector.broadcast %mul3A_2 : i32 to vector<16xi32>
    %add3A_3108 = arith.addi %add3A_3107, %add3A_3099 : vector<16xi32>
    %mul3A_3109 = arith.constant 1000 : i32
    %mul3A_3110 = vector.broadcast %mul3A_3109 : i32 to vector<16xi32>
    %mul3A_3111 = arith.muli %add3A_3108, %mul3A_3110 : vector<16xi32>
    %add3A_3112 = arith.constant 980 : i32
    %add3A_3113 = vector.broadcast %add3A_3112 : i32 to vector<16xi32>
    %add3A_3114 = arith.addi %mul3A_3111, %add3A_3113 : vector<16xi32>
    %add3A_3115 = arith.addi %add3A_3114, %get3A_3106 : vector<16xi32>
    %swap3A_3116 = arith.constant 144 : index
    %swap3A_3117 = tpu.vector_load %arg11[%swap3A_3116] {strides = array<i32>} : memref<160xi32, #tpu.memory_space<vmem>>, vector<16xi32>,
    %swap3A_3118 = vector.shape_cast %swap3A_3117 : vector<16xi32> to vector<16xi32>
    %swap3A_3119 = vector.shape_cast %add3A_3115 : vector<16xi32> to vector<16xi32>
    tpu.vector_store %arg11[%swap3A_3116], %swap3A_3119 {strides = array<i32>} : memref<160xi32, #tpu.memory_space<vmem>>, vector<16xi32>,
    %dma_start3A_3120 = arith.constant 0 : i32
    %dma_start3A_3121 = arith.constant 0 : i32
    %dma_start3A_3122 = tpu.memref_slice %arg2[%dma_start3A_3120, %dma_start3A_3121] : memref<1024000x128xf32, #tpu.memory_space<hbm>> -> memref<1024000x128xf32, #tpu.memory_space<hbm>>
    tpu.enqueue_indirect_dma source(%dma_start3A_3122 : memref<1024000x128xf32, #tpu.memory_space<hbm>>) target(%arg16 : memref<160x128xf32, #tpu.memory_space<vmem>>) offsets(%arg11 : memref<160xi32, #tpu.memory_space<vmem>>) semaphore(%arg18 : memref<!tpu.dma_semaphore, #tpu.memory_space<semaphore_mem>>)
    %dma_wait3A_3123 = arith.constant 0 : i32
    %dma_wait3A_3124 = arith.constant 0 : i32
    %dma_wait3A_3125 = tpu.memref_slice %arg2[%dma_wait3A_3123, %dma_wait3A_3124] : memref<1024000x128xf32, #tpu.memory_space<hbm>> -> memref<1024000x128xf32, #tpu.memory_space<hbm>>
    tpu.wait_indirect_dma semaphore(%arg18 : memref<!tpu.dma_semaphore, #tpu.memory_space<semaphore_mem>>) src(%dma_wait3A_3125 : memref<1024000x128xf32, #tpu.memory_space<hbm>>) dst(%arg12 : memref<160x128xf32, #tpu.memory_space<vmem>>)
    %dma_start3A_3126 = arith.constant 26 : i32
    %dma_start3A_3127 = arith.constant 0 : i32
    %dma_start3A_3128 = arith.constant 0 : i32
    %dma_start3A_3129 = tpu.memref_slice %arg12[%dma_start3A_3127, %dma_start3A_3128] : memref<160x128xf32, #tpu.memory_space<vmem>> -> memref<32x128xf32, #tpu.memory_space<vmem>>
    %dma_start3A_3130 = arith.constant 0 : i32
    %dma_start3A_3131 = tpu.memref_slice %arg5[%dma_start3A_3126, %mul3A_2, %dma_start3A_3130] : memref<51x1024x128xf32, #tpu.memory_space<hbm>> -> memref<1x32x128xf32, #tpu.memory_space<hbm>>
    %dma_start3A_3132 = tpu.memref_squeeze %dma_start3A_3131 : memref<1x32x128xf32, #tpu.memory_space<hbm>> -> memref<32x128xf32, #tpu.memory_space<hbm>>
    %dma_start3A_3133 = arith.constant 0 : i32
    %dma_start3A_3134 = tpu.memref_slice %arg5[%dma_start3A_3126, %mul3A_2, %dma_start3A_3133] : memref<51x1024x128xf32, #tpu.memory_space<hbm>> -> memref<1x32x128xf32, #tpu.memory_space<hbm>>
    %dma_start3A_3135 = tpu.memref_squeeze %dma_start3A_3134 : memref<1x32x128xf32, #tpu.memory_space<hbm>> -> memref<32x128xf32, #tpu.memory_space<hbm>>
    %dma_start3A_3136 = arith.constant 0 : i32
    %dma_start3A_3137 = arith.constant 0 : i32
    %dma_start3A_3138 = tpu.memref_slice %arg12[%dma_start3A_3136, %dma_start3A_3137] : memref<160x128xf32, #tpu.memory_space<vmem>> -> memref<32x128xf32, #tpu.memory_space<vmem>>
    tpu.enqueue_dma source(%dma_start3A_3138 : memref<32x128xf32, #tpu.memory_space<vmem>>) target(%dma_start3A_3135 : memref<32x128xf32, #tpu.memory_space<hbm>>) target_semaphore(%arg19 : memref<!tpu.dma_semaphore, #tpu.memory_space<semaphore_mem>>)
    %dma_start3A_3139 = arith.constant 27 : i32
    %dma_start3A_3140 = arith.constant 32 : i32
    %dma_start3A_3141 = arith.constant 0 : i32
    %dma_start3A_3142 = tpu.memref_slice %arg12[%dma_start3A_3140, %dma_start3A_3141] : memref<160x128xf32, #tpu.memory_space<vmem>> -> memref<32x128xf32, #tpu.memory_space<vmem>>
    %dma_start3A_3143 = arith.constant 0 : i32
    %dma_start3A_3144 = tpu.memref_slice %arg5[%dma_start3A_3139, %mul3A_2, %dma_start3A_3143] : memref<51x1024x128xf32, #tpu.memory_space<hbm>> -> memref<1x32x128xf32, #tpu.memory_space<hbm>>
    %dma_start3A_3145 = tpu.memref_squeeze %dma_start3A_3144 : memref<1x32x128xf32, #tpu.memory_space<hbm>> -> memref<32x128xf32, #tpu.memory_space<hbm>>
    %dma_start3A_3146 = arith.constant 0 : i32
    %dma_start3A_3147 = tpu.memref_slice %arg5[%dma_start3A_3139, %mul3A_2, %dma_start3A_3146] : memref<51x1024x128xf32, #tpu.memory_space<hbm>> -> memref<1x32x128xf32, #tpu.memory_space<hbm>>
    %dma_start3A_3148 = tpu.memref_squeeze %dma_start3A_3147 : memref<1x32x128xf32, #tpu.memory_space<hbm>> -> memref<32x128xf32, #tpu.memory_space<hbm>>
    %dma_start3A_3149 = arith.constant 32 : i32
    %dma_start3A_3150 = arith.constant 0 : i32
    %dma_start3A_3151 = tpu.memref_slice %arg12[%dma_start3A_3149, %dma_start3A_3150] : memref<160x128xf32, #tpu.memory_space<vmem>> -> memref<32x128xf32, #tpu.memory_space<vmem>>
    tpu.enqueue_dma source(%dma_start3A_3151 : memref<32x128xf32, #tpu.memory_space<vmem>>) target(%dma_start3A_3148 : memref<32x128xf32, #tpu.memory_space<hbm>>) target_semaphore(%arg19 : memref<!tpu.dma_semaphore, #tpu.memory_space<semaphore_mem>>)
    %dma_start3A_3152 = arith.constant 28 : i32
    %dma_start3A_3153 = arith.constant 64 : i32
    %dma_start3A_3154 = arith.constant 0 : i32
    %dma_start3A_3155 = tpu.memref_slice %arg12[%dma_start3A_3153, %dma_start3A_3154] : memref<160x128xf32, #tpu.memory_space<vmem>> -> memref<32x128xf32, #tpu.memory_space<vmem>>
    %dma_start3A_3156 = arith.constant 0 : i32
    %dma_start3A_3157 = tpu.memref_slice %arg5[%dma_start3A_3152, %mul3A_2, %dma_start3A_3156] : memref<51x1024x128xf32, #tpu.memory_space<hbm>> -> memref<1x32x128xf32, #tpu.memory_space<hbm>>
    %dma_start3A_3158 = tpu.memref_squeeze %dma_start3A_3157 : memref<1x32x128xf32, #tpu.memory_space<hbm>> -> memref<32x128xf32, #tpu.memory_space<hbm>>
    %dma_start3A_3159 = arith.constant 0 : i32
    %dma_start3A_3160 = tpu.memref_slice %arg5[%dma_start3A_3152, %mul3A_2, %dma_start3A_3159] : memref<51x1024x128xf32, #tpu.memory_space<hbm>> -> memref<1x32x128xf32, #tpu.memory_space<hbm>>
    %dma_start3A_3161 = tpu.memref_squeeze %dma_start3A_3160 : memref<1x32x128xf32, #tpu.memory_space<hbm>> -> memref<32x128xf32, #tpu.memory_space<hbm>>
    %dma_start3A_3162 = arith.constant 64 : i32
    %dma_start3A_3163 = arith.constant 0 : i32
    %dma_start3A_3164 = tpu.memref_slice %arg12[%dma_start3A_3162, %dma_start3A_3163] : memref<160x128xf32, #tpu.memory_space<vmem>> -> memref<32x128xf32, #tpu.memory_space<vmem>>
    tpu.enqueue_dma source(%dma_start3A_3164 : memref<32x128xf32, #tpu.memory_space<vmem>>) target(%dma_start3A_3161 : memref<32x128xf32, #tpu.memory_space<hbm>>) target_semaphore(%arg19 : memref<!tpu.dma_semaphore, #tpu.memory_space<semaphore_mem>>)
    %dma_start3A_3165 = arith.constant 29 : i32
    %dma_start3A_3166 = arith.constant 96 : i32
    %dma_start3A_3167 = arith.constant 0 : i32
    %dma_start3A_3168 = tpu.memref_slice %arg12[%dma_start3A_3166, %dma_start3A_3167] : memref<160x128xf32, #tpu.memory_space<vmem>> -> memref<32x128xf32, #tpu.memory_space<vmem>>
    %dma_start3A_3169 = arith.constant 0 : i32
    %dma_start3A_3170 = tpu.memref_slice %arg5[%dma_start3A_3165, %mul3A_2, %dma_start3A_3169] : memref<51x1024x128xf32, #tpu.memory_space<hbm>> -> memref<1x32x128xf32, #tpu.memory_space<hbm>>
    %dma_start3A_3171 = tpu.memref_squeeze %dma_start3A_3170 : memref<1x32x128xf32, #tpu.memory_space<hbm>> -> memref<32x128xf32, #tpu.memory_space<hbm>>
    %dma_start3A_3172 = arith.constant 0 : i32
    %dma_start3A_3173 = tpu.memref_slice %arg5[%dma_start3A_3165, %mul3A_2, %dma_start3A_3172] : memref<51x1024x128xf32, #tpu.memory_space<hbm>> -> memref<1x32x128xf32, #tpu.memory_space<hbm>>
    %dma_start3A_3174 = tpu.memref_squeeze %dma_start3A_3173 : memref<1x32x128xf32, #tpu.memory_space<hbm>> -> memref<32x128xf32, #tpu.memory_space<hbm>>
    %dma_start3A_3175 = arith.constant 96 : i32
    %dma_start3A_3176 = arith.constant 0 : i32
    %dma_start3A_3177 = tpu.memref_slice %arg12[%dma_start3A_3175, %dma_start3A_3176] : memref<160x128xf32, #tpu.memory_space<vmem>> -> memref<32x128xf32, #tpu.memory_space<vmem>>
    tpu.enqueue_dma source(%dma_start3A_3177 : memref<32x128xf32, #tpu.memory_space<vmem>>) target(%dma_start3A_3174 : memref<32x128xf32, #tpu.memory_space<hbm>>) target_semaphore(%arg19 : memref<!tpu.dma_semaphore, #tpu.memory_space<semaphore_mem>>)
    %dma_start3A_3178 = arith.constant 30 : i32
    %dma_start3A_3179 = arith.constant 128 : i32
    %dma_start3A_3180 = arith.constant 0 : i32
    %dma_start3A_3181 = tpu.memref_slice %arg12[%dma_start3A_3179, %dma_start3A_3180] : memref<160x128xf32, #tpu.memory_space<vmem>> -> memref<32x128xf32, #tpu.memory_space<vmem>>
    %dma_start3A_3182 = arith.constant 0 : i32
    %dma_start3A_3183 = tpu.memref_slice %arg5[%dma_start3A_3178, %mul3A_2, %dma_start3A_3182] : memref<51x1024x128xf32, #tpu.memory_space<hbm>> -> memref<1x32x128xf32, #tpu.memory_space<hbm>>
    %dma_start3A_3184 = tpu.memref_squeeze %dma_start3A_3183 : memref<1x32x128xf32, #tpu.memory_space<hbm>> -> memref<32x128xf32, #tpu.memory_space<hbm>>
    %dma_start3A_3185 = arith.constant 0 : i32
    %dma_start3A_3186 = tpu.memref_slice %arg5[%dma_start3A_3178, %mul3A_2, %dma_start3A_3185] : memref<51x1024x128xf32, #tpu.memory_space<hbm>> -> memref<1x32x128xf32, #tpu.memory_space<hbm>>
    %dma_start3A_3187 = tpu.memref_squeeze %dma_start3A_3186 : memref<1x32x128xf32, #tpu.memory_space<hbm>> -> memref<32x128xf32, #tpu.memory_space<hbm>>
    %dma_start3A_3188 = arith.constant 128 : i32
    %dma_start3A_3189 = arith.constant 0 : i32
    %dma_start3A_3190 = tpu.memref_slice %arg12[%dma_start3A_3188, %dma_start3A_3189] : memref<160x128xf32, #tpu.memory_space<vmem>> -> memref<32x128xf32, #tpu.memory_space<vmem>>
    tpu.enqueue_dma source(%dma_start3A_3190 : memref<32x128xf32, #tpu.memory_space<vmem>>) target(%dma_start3A_3187 : memref<32x128xf32, #tpu.memory_space<hbm>>) target_semaphore(%arg19 : memref<!tpu.dma_semaphore, #tpu.memory_space<semaphore_mem>>)
    %dma_wait3A_3191 = arith.constant 0 : i32
    %dma_wait3A_3192 = arith.constant 0 : i32
    %dma_wait3A_3193 = tpu.memref_slice %arg2[%dma_wait3A_3191, %dma_wait3A_3192] : memref<1024000x128xf32, #tpu.memory_space<hbm>> -> memref<1024000x128xf32, #tpu.memory_space<hbm>>
    tpu.wait_indirect_dma semaphore(%arg18 : memref<!tpu.dma_semaphore, #tpu.memory_space<semaphore_mem>>) src(%dma_wait3A_3193 : memref<1024000x128xf32, #tpu.memory_space<hbm>>) dst(%arg13 : memref<160x128xf32, #tpu.memory_space<vmem>>)
    %dma_start3A_3194 = arith.constant 31 : i32
    %dma_start3A_3195 = arith.constant 0 : i32
    %dma_start3A_3196 = arith.constant 0 : i32
    %dma_start3A_3197 = tpu.memref_slice %arg13[%dma_start3A_3195, %dma_start3A_3196] : memref<160x128xf32, #tpu.memory_space<vmem>> -> memref<32x128xf32, #tpu.memory_space<vmem>>
    %dma_start3A_3198 = arith.constant 0 : i32
    %dma_start3A_3199 = tpu.memref_slice %arg5[%dma_start3A_3194, %mul3A_2, %dma_start3A_3198] : memref<51x1024x128xf32, #tpu.memory_space<hbm>> -> memref<1x32x128xf32, #tpu.memory_space<hbm>>
    %dma_start3A_3200 = tpu.memref_squeeze %dma_start3A_3199 : memref<1x32x128xf32, #tpu.memory_space<hbm>> -> memref<32x128xf32, #tpu.memory_space<hbm>>
    %dma_start3A_3201 = arith.constant 0 : i32
    %dma_start3A_3202 = tpu.memref_slice %arg5[%dma_start3A_3194, %mul3A_2, %dma_start3A_3201] : memref<51x1024x128xf32, #tpu.memory_space<hbm>> -> memref<1x32x128xf32, #tpu.memory_space<hbm>>
    %dma_start3A_3203 = tpu.memref_squeeze %dma_start3A_3202 : memref<1x32x128xf32, #tpu.memory_space<hbm>> -> memref<32x128xf32, #tpu.memory_space<hbm>>
    %dma_start3A_3204 = arith.constant 0 : i32
    %dma_start3A_3205 = arith.constant 0 : i32
    %dma_start3A_3206 = tpu.memref_slice %arg13[%dma_start3A_3204, %dma_start3A_3205] : memref<160x128xf32, #tpu.memory_space<vmem>> -> memref<32x128xf32, #tpu.memory_space<vmem>>
    tpu.enqueue_dma source(%dma_start3A_3206 : memref<32x128xf32, #tpu.memory_space<vmem>>) target(%dma_start3A_3203 : memref<32x128xf32, #tpu.memory_space<hbm>>) target_semaphore(%arg19 : memref<!tpu.dma_semaphore, #tpu.memory_space<semaphore_mem>>)
    %dma_start3A_3207 = arith.constant 32 : i32
    %dma_start3A_3208 = arith.constant 32 : i32
    %dma_start3A_3209 = arith.constant 0 : i32
    %dma_start3A_3210 = tpu.memref_slice %arg13[%dma_start3A_3208, %dma_start3A_3209] : memref<160x128xf32, #tpu.memory_space<vmem>> -> memref<32x128xf32, #tpu.memory_space<vmem>>
    %dma_start3A_3211 = arith.constant 0 : i32
    %dma_start3A_3212 = tpu.memref_slice %arg5[%dma_start3A_3207, %mul3A_2, %dma_start3A_3211] : memref<51x1024x128xf32, #tpu.memory_space<hbm>> -> memref<1x32x128xf32, #tpu.memory_space<hbm>>
    %dma_start3A_3213 = tpu.memref_squeeze %dma_start3A_3212 : memref<1x32x128xf32, #tpu.memory_space<hbm>> -> memref<32x128xf32, #tpu.memory_space<hbm>>
    %dma_start3A_3214 = arith.constant 0 : i32
    %dma_start3A_3215 = tpu.memref_slice %arg5[%dma_start3A_3207, %mul3A_2, %dma_start3A_3214] : memref<51x1024x128xf32, #tpu.memory_space<hbm>> -> memref<1x32x128xf32, #tpu.memory_space<hbm>>
    %dma_start3A_3216 = tpu.memref_squeeze %dma_start3A_3215 : memref<1x32x128xf32, #tpu.memory_space<hbm>> -> memref<32x128xf32, #tpu.memory_space<hbm>>
    %dma_start3A_3217 = arith.constant 32 : i32
    %dma_start3A_3218 = arith.constant 0 : i32
    %dma_start3A_3219 = tpu.memref_slice %arg13[%dma_start3A_3217, %dma_start3A_3218] : memref<160x128xf32, #tpu.memory_space<vmem>> -> memref<32x128xf32, #tpu.memory_space<vmem>>
    tpu.enqueue_dma source(%dma_start3A_3219 : memref<32x128xf32, #tpu.memory_space<vmem>>) target(%dma_start3A_3216 : memref<32x128xf32, #tpu.memory_space<hbm>>) target_semaphore(%arg19 : memref<!tpu.dma_semaphore, #tpu.memory_space<semaphore_mem>>)
    %dma_start3A_3220 = arith.constant 33 : i32
    %dma_start3A_3221 = arith.constant 64 : i32
    %dma_start3A_3222 = arith.constant 0 : i32
    %dma_start3A_3223 = tpu.memref_slice %arg13[%dma_start3A_3221, %dma_start3A_3222] : memref<160x128xf32, #tpu.memory_space<vmem>> -> memref<32x128xf32, #tpu.memory_space<vmem>>
    %dma_start3A_3224 = arith.constant 0 : i32
    %dma_start3A_3225 = tpu.memref_slice %arg5[%dma_start3A_3220, %mul3A_2, %dma_start3A_3224] : memref<51x1024x128xf32, #tpu.memory_space<hbm>> -> memref<1x32x128xf32, #tpu.memory_space<hbm>>
    %dma_start3A_3226 = tpu.memref_squeeze %dma_start3A_3225 : memref<1x32x128xf32, #tpu.memory_space<hbm>> -> memref<32x128xf32, #tpu.memory_space<hbm>>
    %dma_start3A_3227 = arith.constant 0 : i32
    %dma_start3A_3228 = tpu.memref_slice %arg5[%dma_start3A_3220, %mul3A_2, %dma_start3A_3227] : memref<51x1024x128xf32, #tpu.memory_space<hbm>> -> memref<1x32x128xf32, #tpu.memory_space<hbm>>
    %dma_start3A_3229 = tpu.memref_squeeze %dma_start3A_3228 : memref<1x32x128xf32, #tpu.memory_space<hbm>> -> memref<32x128xf32, #tpu.memory_space<hbm>>
    %dma_start3A_3230 = arith.constant 64 : i32
    %dma_start3A_3231 = arith.constant 0 : i32
    %dma_start3A_3232 = tpu.memref_slice %arg13[%dma_start3A_3230, %dma_start3A_3231] : memref<160x128xf32, #tpu.memory_space<vmem>> -> memref<32x128xf32, #tpu.memory_space<vmem>>
    tpu.enqueue_dma source(%dma_start3A_3232 : memref<32x128xf32, #tpu.memory_space<vmem>>) target(%dma_start3A_3229 : memref<32x128xf32, #tpu.memory_space<hbm>>) target_semaphore(%arg19 : memref<!tpu.dma_semaphore, #tpu.memory_space<semaphore_mem>>)
    %dma_start3A_3233 = arith.constant 34 : i32
    %dma_start3A_3234 = arith.constant 96 : i32
    %dma_start3A_3235 = arith.constant 0 : i32
    %dma_start3A_3236 = tpu.memref_slice %arg13[%dma_start3A_3234, %dma_start3A_3235] : memref<160x128xf32, #tpu.memory_space<vmem>> -> memref<32x128xf32, #tpu.memory_space<vmem>>
    %dma_start3A_3237 = arith.constant 0 : i32
    %dma_start3A_3238 = tpu.memref_slice %arg5[%dma_start3A_3233, %mul3A_2, %dma_start3A_3237] : memref<51x1024x128xf32, #tpu.memory_space<hbm>> -> memref<1x32x128xf32, #tpu.memory_space<hbm>>
    %dma_start3A_3239 = tpu.memref_squeeze %dma_start3A_3238 : memref<1x32x128xf32, #tpu.memory_space<hbm>> -> memref<32x128xf32, #tpu.memory_space<hbm>>
    %dma_start3A_3240 = arith.constant 0 : i32
    %dma_start3A_3241 = tpu.memref_slice %arg5[%dma_start3A_3233, %mul3A_2, %dma_start3A_3240] : memref<51x1024x128xf32, #tpu.memory_space<hbm>> -> memref<1x32x128xf32, #tpu.memory_space<hbm>>
    %dma_start3A_3242 = tpu.memref_squeeze %dma_start3A_3241 : memref<1x32x128xf32, #tpu.memory_space<hbm>> -> memref<32x128xf32, #tpu.memory_space<hbm>>
    %dma_start3A_3243 = arith.constant 96 : i32
    %dma_start3A_3244 = arith.constant 0 : i32
    %dma_start3A_3245 = tpu.memref_slice %arg13[%dma_start3A_3243, %dma_start3A_3244] : memref<160x128xf32, #tpu.memory_space<vmem>> -> memref<32x128xf32, #tpu.memory_space<vmem>>
    tpu.enqueue_dma source(%dma_start3A_3245 : memref<32x128xf32, #tpu.memory_space<vmem>>) target(%dma_start3A_3242 : memref<32x128xf32, #tpu.memory_space<hbm>>) target_semaphore(%arg19 : memref<!tpu.dma_semaphore, #tpu.memory_space<semaphore_mem>>)
    %dma_start3A_3246 = arith.constant 35 : i32
    %dma_start3A_3247 = arith.constant 128 : i32
    %dma_start3A_3248 = arith.constant 0 : i32
    %dma_start3A_3249 = tpu.memref_slice %arg13[%dma_start3A_3247, %dma_start3A_3248] : memref<160x128xf32, #tpu.memory_space<vmem>> -> memref<32x128xf32, #tpu.memory_space<vmem>>
    %dma_start3A_3250 = arith.constant 0 : i32
    %dma_start3A_3251 = tpu.memref_slice %arg5[%dma_start3A_3246, %mul3A_2, %dma_start3A_3250] : memref<51x1024x128xf32, #tpu.memory_space<hbm>> -> memref<1x32x128xf32, #tpu.memory_space<hbm>>
    %dma_start3A_3252 = tpu.memref_squeeze %dma_start3A_3251 : memref<1x32x128xf32, #tpu.memory_space<hbm>> -> memref<32x128xf32, #tpu.memory_space<hbm>>
    %dma_start3A_3253 = arith.constant 0 : i32
    %dma_start3A_3254 = tpu.memref_slice %arg5[%dma_start3A_3246, %mul3A_2, %dma_start3A_3253] : memref<51x1024x128xf32, #tpu.memory_space<hbm>> -> memref<1x32x128xf32, #tpu.memory_space<hbm>>
    %dma_start3A_3255 = tpu.memref_squeeze %dma_start3A_3254 : memref<1x32x128xf32, #tpu.memory_space<hbm>> -> memref<32x128xf32, #tpu.memory_space<hbm>>
    %dma_start3A_3256 = arith.constant 128 : i32
    %dma_start3A_3257 = arith.constant 0 : i32
    %dma_start3A_3258 = tpu.memref_slice %arg13[%dma_start3A_3256, %dma_start3A_3257] : memref<160x128xf32, #tpu.memory_space<vmem>> -> memref<32x128xf32, #tpu.memory_space<vmem>>
    tpu.enqueue_dma source(%dma_start3A_3258 : memref<32x128xf32, #tpu.memory_space<vmem>>) target(%dma_start3A_3255 : memref<32x128xf32, #tpu.memory_space<hbm>>) target_semaphore(%arg19 : memref<!tpu.dma_semaphore, #tpu.memory_space<semaphore_mem>>)
    %dma_wait3A_3259 = arith.constant 0 : i32
    %dma_wait3A_3260 = arith.constant 0 : i32
    %dma_wait3A_3261 = tpu.memref_slice %arg2[%dma_wait3A_3259, %dma_wait3A_3260] : memref<1024000x128xf32, #tpu.memory_space<hbm>> -> memref<1024000x128xf32, #tpu.memory_space<hbm>>
    tpu.wait_indirect_dma semaphore(%arg18 : memref<!tpu.dma_semaphore, #tpu.memory_space<semaphore_mem>>) src(%dma_wait3A_3261 : memref<1024000x128xf32, #tpu.memory_space<hbm>>) dst(%arg14 : memref<160x128xf32, #tpu.memory_space<vmem>>)
    %dma_start3A_3262 = arith.constant 36 : i32
    %dma_start3A_3263 = arith.constant 0 : i32
    %dma_start3A_3264 = arith.constant 0 : i32
    %dma_start3A_3265 = tpu.memref_slice %arg14[%dma_start3A_3263, %dma_start3A_3264] : memref<160x128xf32, #tpu.memory_space<vmem>> -> memref<32x128xf32, #tpu.memory_space<vmem>>
    %dma_start3A_3266 = arith.constant 0 : i32
    %dma_start3A_3267 = tpu.memref_slice %arg5[%dma_start3A_3262, %mul3A_2, %dma_start3A_3266] : memref<51x1024x128xf32, #tpu.memory_space<hbm>> -> memref<1x32x128xf32, #tpu.memory_space<hbm>>
    %dma_start3A_3268 = tpu.memref_squeeze %dma_start3A_3267 : memref<1x32x128xf32, #tpu.memory_space<hbm>> -> memref<32x128xf32, #tpu.memory_space<hbm>>
    %dma_start3A_3269 = arith.constant 0 : i32
    %dma_start3A_3270 = tpu.memref_slice %arg5[%dma_start3A_3262, %mul3A_2, %dma_start3A_3269] : memref<51x1024x128xf32, #tpu.memory_space<hbm>> -> memref<1x32x128xf32, #tpu.memory_space<hbm>>
    %dma_start3A_3271 = tpu.memref_squeeze %dma_start3A_3270 : memref<1x32x128xf32, #tpu.memory_space<hbm>> -> memref<32x128xf32, #tpu.memory_space<hbm>>
    %dma_start3A_3272 = arith.constant 0 : i32
    %dma_start3A_3273 = arith.constant 0 : i32
    %dma_start3A_3274 = tpu.memref_slice %arg14[%dma_start3A_3272, %dma_start3A_3273] : memref<160x128xf32, #tpu.memory_space<vmem>> -> memref<32x128xf32, #tpu.memory_space<vmem>>
    tpu.enqueue_dma source(%dma_start3A_3274 : memref<32x128xf32, #tpu.memory_space<vmem>>) target(%dma_start3A_3271 : memref<32x128xf32, #tpu.memory_space<hbm>>) target_semaphore(%arg19 : memref<!tpu.dma_semaphore, #tpu.memory_space<semaphore_mem>>)
    %dma_start3A_3275 = arith.constant 37 : i32
    %dma_start3A_3276 = arith.constant 32 : i32
    %dma_start3A_3277 = arith.constant 0 : i32
    %dma_start3A_3278 = tpu.memref_slice %arg14[%dma_start3A_3276, %dma_start3A_3277] : memref<160x128xf32, #tpu.memory_space<vmem>> -> memref<32x128xf32, #tpu.memory_space<vmem>>
    %dma_start3A_3279 = arith.constant 0 : i32
    %dma_start3A_3280 = tpu.memref_slice %arg5[%dma_start3A_3275, %mul3A_2, %dma_start3A_3279] : memref<51x1024x128xf32, #tpu.memory_space<hbm>> -> memref<1x32x128xf32, #tpu.memory_space<hbm>>
    %dma_start3A_3281 = tpu.memref_squeeze %dma_start3A_3280 : memref<1x32x128xf32, #tpu.memory_space<hbm>> -> memref<32x128xf32, #tpu.memory_space<hbm>>
    %dma_start3A_3282 = arith.constant 0 : i32
    %dma_start3A_3283 = tpu.memref_slice %arg5[%dma_start3A_3275, %mul3A_2, %dma_start3A_3282] : memref<51x1024x128xf32, #tpu.memory_space<hbm>> -> memref<1x32x128xf32, #tpu.memory_space<hbm>>
    %dma_start3A_3284 = tpu.memref_squeeze %dma_start3A_3283 : memref<1x32x128xf32, #tpu.memory_space<hbm>> -> memref<32x128xf32, #tpu.memory_space<hbm>>
    %dma_start3A_3285 = arith.constant 32 : i32
    %dma_start3A_3286 = arith.constant 0 : i32
    %dma_start3A_3287 = tpu.memref_slice %arg14[%dma_start3A_3285, %dma_start3A_3286] : memref<160x128xf32, #tpu.memory_space<vmem>> -> memref<32x128xf32, #tpu.memory_space<vmem>>
    tpu.enqueue_dma source(%dma_start3A_3287 : memref<32x128xf32, #tpu.memory_space<vmem>>) target(%dma_start3A_3284 : memref<32x128xf32, #tpu.memory_space<hbm>>) target_semaphore(%arg19 : memref<!tpu.dma_semaphore, #tpu.memory_space<semaphore_mem>>)
    %dma_start3A_3288 = arith.constant 38 : i32
    %dma_start3A_3289 = arith.constant 64 : i32
    %dma_start3A_3290 = arith.constant 0 : i32
    %dma_start3A_3291 = tpu.memref_slice %arg14[%dma_start3A_3289, %dma_start3A_3290] : memref<160x128xf32, #tpu.memory_space<vmem>> -> memref<32x128xf32, #tpu.memory_space<vmem>>
    %dma_start3A_3292 = arith.constant 0 : i32
    %dma_start3A_3293 = tpu.memref_slice %arg5[%dma_start3A_3288, %mul3A_2, %dma_start3A_3292] : memref<51x1024x128xf32, #tpu.memory_space<hbm>> -> memref<1x32x128xf32, #tpu.memory_space<hbm>>
    %dma_start3A_3294 = tpu.memref_squeeze %dma_start3A_3293 : memref<1x32x128xf32, #tpu.memory_space<hbm>> -> memref<32x128xf32, #tpu.memory_space<hbm>>
    %dma_start3A_3295 = arith.constant 0 : i32
    %dma_start3A_3296 = tpu.memref_slice %arg5[%dma_start3A_3288, %mul3A_2, %dma_start3A_3295] : memref<51x1024x128xf32, #tpu.memory_space<hbm>> -> memref<1x32x128xf32, #tpu.memory_space<hbm>>
    %dma_start3A_3297 = tpu.memref_squeeze %dma_start3A_3296 : memref<1x32x128xf32, #tpu.memory_space<hbm>> -> memref<32x128xf32, #tpu.memory_space<hbm>>
    %dma_start3A_3298 = arith.constant 64 : i32
    %dma_start3A_3299 = arith.constant 0 : i32
    %dma_start3A_3300 = tpu.memref_slice %arg14[%dma_start3A_3298, %dma_start3A_3299] : memref<160x128xf32, #tpu.memory_space<vmem>> -> memref<32x128xf32, #tpu.memory_space<vmem>>
    tpu.enqueue_dma source(%dma_start3A_3300 : memref<32x128xf32, #tpu.memory_space<vmem>>) target(%dma_start3A_3297 : memref<32x128xf32, #tpu.memory_space<hbm>>) target_semaphore(%arg19 : memref<!tpu.dma_semaphore, #tpu.memory_space<semaphore_mem>>)
    %dma_start3A_3301 = arith.constant 39 : i32
    %dma_start3A_3302 = arith.constant 96 : i32
    %dma_start3A_3303 = arith.constant 0 : i32
    %dma_start3A_3304 = tpu.memref_slice %arg14[%dma_start3A_3302, %dma_start3A_3303] : memref<160x128xf32, #tpu.memory_space<vmem>> -> memref<32x128xf32, #tpu.memory_space<vmem>>
    %dma_start3A_3305 = arith.constant 0 : i32
    %dma_start3A_3306 = tpu.memref_slice %arg5[%dma_start3A_3301, %mul3A_2, %dma_start3A_3305] : memref<51x1024x128xf32, #tpu.memory_space<hbm>> -> memref<1x32x128xf32, #tpu.memory_space<hbm>>
    %dma_start3A_3307 = tpu.memref_squeeze %dma_start3A_3306 : memref<1x32x128xf32, #tpu.memory_space<hbm>> -> memref<32x128xf32, #tpu.memory_space<hbm>>
    %dma_start3A_3308 = arith.constant 0 : i32
    %dma_start3A_3309 = tpu.memref_slice %arg5[%dma_start3A_3301, %mul3A_2, %dma_start3A_3308] : memref<51x1024x128xf32, #tpu.memory_space<hbm>> -> memref<1x32x128xf32, #tpu.memory_space<hbm>>
    %dma_start3A_3310 = tpu.memref_squeeze %dma_start3A_3309 : memref<1x32x128xf32, #tpu.memory_space<hbm>> -> memref<32x128xf32, #tpu.memory_space<hbm>>
    %dma_start3A_3311 = arith.constant 96 : i32
    %dma_start3A_3312 = arith.constant 0 : i32
    %dma_start3A_3313 = tpu.memref_slice %arg14[%dma_start3A_3311, %dma_start3A_3312] : memref<160x128xf32, #tpu.memory_space<vmem>> -> memref<32x128xf32, #tpu.memory_space<vmem>>
    tpu.enqueue_dma source(%dma_start3A_3313 : memref<32x128xf32, #tpu.memory_space<vmem>>) target(%dma_start3A_3310 : memref<32x128xf32, #tpu.memory_space<hbm>>) target_semaphore(%arg19 : memref<!tpu.dma_semaphore, #tpu.memory_space<semaphore_mem>>)
    %dma_start3A_3314 = arith.constant 40 : i32
    %dma_start3A_3315 = arith.constant 128 : i32
    %dma_start3A_3316 = arith.constant 0 : i32
    %dma_start3A_3317 = tpu.memref_slice %arg14[%dma_start3A_3315, %dma_start3A_3316] : memref<160x128xf32, #tpu.memory_space<vmem>> -> memref<32x128xf32, #tpu.memory_space<vmem>>
    %dma_start3A_3318 = arith.constant 0 : i32
    %dma_start3A_3319 = tpu.memref_slice %arg5[%dma_start3A_3314, %mul3A_2, %dma_start3A_3318] : memref<51x1024x128xf32, #tpu.memory_space<hbm>> -> memref<1x32x128xf32, #tpu.memory_space<hbm>>
    %dma_start3A_3320 = tpu.memref_squeeze %dma_start3A_3319 : memref<1x32x128xf32, #tpu.memory_space<hbm>> -> memref<32x128xf32, #tpu.memory_space<hbm>>
    %dma_start3A_3321 = arith.constant 0 : i32
    %dma_start3A_3322 = tpu.memref_slice %arg5[%dma_start3A_3314, %mul3A_2, %dma_start3A_3321] : memref<51x1024x128xf32, #tpu.memory_space<hbm>> -> memref<1x32x128xf32, #tpu.memory_space<hbm>>
    %dma_start3A_3323 = tpu.memref_squeeze %dma_start3A_3322 : memref<1x32x128xf32, #tpu.memory_space<hbm>> -> memref<32x128xf32, #tpu.memory_space<hbm>>
    %dma_start3A_3324 = arith.constant 128 : i32
    %dma_start3A_3325 = arith.constant 0 : i32
    %dma_start3A_3326 = tpu.memref_slice %arg14[%dma_start3A_3324, %dma_start3A_3325] : memref<160x128xf32, #tpu.memory_space<vmem>> -> memref<32x128xf32, #tpu.memory_space<vmem>>
    tpu.enqueue_dma source(%dma_start3A_3326 : memref<32x128xf32, #tpu.memory_space<vmem>>) target(%dma_start3A_3323 : memref<32x128xf32, #tpu.memory_space<hbm>>) target_semaphore(%arg19 : memref<!tpu.dma_semaphore, #tpu.memory_space<semaphore_mem>>)
    %dma_wait3A_3327 = arith.constant 0 : i32
    %dma_wait3A_3328 = arith.constant 0 : i32
    %dma_wait3A_3329 = tpu.memref_slice %arg2[%dma_wait3A_3327, %dma_wait3A_3328] : memref<1024000x128xf32, #tpu.memory_space<hbm>> -> memref<1024000x128xf32, #tpu.memory_space<hbm>>
    tpu.wait_indirect_dma semaphore(%arg18 : memref<!tpu.dma_semaphore, #tpu.memory_space<semaphore_mem>>) src(%dma_wait3A_3329 : memref<1024000x128xf32, #tpu.memory_space<hbm>>) dst(%arg15 : memref<160x128xf32, #tpu.memory_space<vmem>>)
    %dma_start3A_3330 = arith.constant 41 : i32
    %dma_start3A_3331 = arith.constant 0 : i32
    %dma_start3A_3332 = arith.constant 0 : i32
    %dma_start3A_3333 = tpu.memref_slice %arg15[%dma_start3A_3331, %dma_start3A_3332] : memref<160x128xf32, #tpu.memory_space<vmem>> -> memref<32x128xf32, #tpu.memory_space<vmem>>
    %dma_start3A_3334 = arith.constant 0 : i32
    %dma_start3A_3335 = tpu.memref_slice %arg5[%dma_start3A_3330, %mul3A_2, %dma_start3A_3334] : memref<51x1024x128xf32, #tpu.memory_space<hbm>> -> memref<1x32x128xf32, #tpu.memory_space<hbm>>
    %dma_start3A_3336 = tpu.memref_squeeze %dma_start3A_3335 : memref<1x32x128xf32, #tpu.memory_space<hbm>> -> memref<32x128xf32, #tpu.memory_space<hbm>>
    %dma_start3A_3337 = arith.constant 0 : i32
    %dma_start3A_3338 = tpu.memref_slice %arg5[%dma_start3A_3330, %mul3A_2, %dma_start3A_3337] : memref<51x1024x128xf32, #tpu.memory_space<hbm>> -> memref<1x32x128xf32, #tpu.memory_space<hbm>>
    %dma_start3A_3339 = tpu.memref_squeeze %dma_start3A_3338 : memref<1x32x128xf32, #tpu.memory_space<hbm>> -> memref<32x128xf32, #tpu.memory_space<hbm>>
    %dma_start3A_3340 = arith.constant 0 : i32
    %dma_start3A_3341 = arith.constant 0 : i32
    %dma_start3A_3342 = tpu.memref_slice %arg15[%dma_start3A_3340, %dma_start3A_3341] : memref<160x128xf32, #tpu.memory_space<vmem>> -> memref<32x128xf32, #tpu.memory_space<vmem>>
    tpu.enqueue_dma source(%dma_start3A_3342 : memref<32x128xf32, #tpu.memory_space<vmem>>) target(%dma_start3A_3339 : memref<32x128xf32, #tpu.memory_space<hbm>>) target_semaphore(%arg19 : memref<!tpu.dma_semaphore, #tpu.memory_space<semaphore_mem>>)
    %dma_start3A_3343 = arith.constant 42 : i32
    %dma_start3A_3344 = arith.constant 32 : i32
    %dma_start3A_3345 = arith.constant 0 : i32
    %dma_start3A_3346 = tpu.memref_slice %arg15[%dma_start3A_3344, %dma_start3A_3345] : memref<160x128xf32, #tpu.memory_space<vmem>> -> memref<32x128xf32, #tpu.memory_space<vmem>>
    %dma_start3A_3347 = arith.constant 0 : i32
    %dma_start3A_3348 = tpu.memref_slice %arg5[%dma_start3A_3343, %mul3A_2, %dma_start3A_3347] : memref<51x1024x128xf32, #tpu.memory_space<hbm>> -> memref<1x32x128xf32, #tpu.memory_space<hbm>>
    %dma_start3A_3349 = tpu.memref_squeeze %dma_start3A_3348 : memref<1x32x128xf32, #tpu.memory_space<hbm>> -> memref<32x128xf32, #tpu.memory_space<hbm>>
    %dma_start3A_3350 = arith.constant 0 : i32
    %dma_start3A_3351 = tpu.memref_slice %arg5[%dma_start3A_3343, %mul3A_2, %dma_start3A_3350] : memref<51x1024x128xf32, #tpu.memory_space<hbm>> -> memref<1x32x128xf32, #tpu.memory_space<hbm>>
    %dma_start3A_3352 = tpu.memref_squeeze %dma_start3A_3351 : memref<1x32x128xf32, #tpu.memory_space<hbm>> -> memref<32x128xf32, #tpu.memory_space<hbm>>
    %dma_start3A_3353 = arith.constant 32 : i32
    %dma_start3A_3354 = arith.constant 0 : i32
    %dma_start3A_3355 = tpu.memref_slice %arg15[%dma_start3A_3353, %dma_start3A_3354] : memref<160x128xf32, #tpu.memory_space<vmem>> -> memref<32x128xf32, #tpu.memory_space<vmem>>
    tpu.enqueue_dma source(%dma_start3A_3355 : memref<32x128xf32, #tpu.memory_space<vmem>>) target(%dma_start3A_3352 : memref<32x128xf32, #tpu.memory_space<hbm>>) target_semaphore(%arg19 : memref<!tpu.dma_semaphore, #tpu.memory_space<semaphore_mem>>)
    %dma_start3A_3356 = arith.constant 43 : i32
    %dma_start3A_3357 = arith.constant 64 : i32
    %dma_start3A_3358 = arith.constant 0 : i32
    %dma_start3A_3359 = tpu.memref_slice %arg15[%dma_start3A_3357, %dma_start3A_3358] : memref<160x128xf32, #tpu.memory_space<vmem>> -> memref<32x128xf32, #tpu.memory_space<vmem>>
    %dma_start3A_3360 = arith.constant 0 : i32
    %dma_start3A_3361 = tpu.memref_slice %arg5[%dma_start3A_3356, %mul3A_2, %dma_start3A_3360] : memref<51x1024x128xf32, #tpu.memory_space<hbm>> -> memref<1x32x128xf32, #tpu.memory_space<hbm>>
    %dma_start3A_3362 = tpu.memref_squeeze %dma_start3A_3361 : memref<1x32x128xf32, #tpu.memory_space<hbm>> -> memref<32x128xf32, #tpu.memory_space<hbm>>
    %dma_start3A_3363 = arith.constant 0 : i32
    %dma_start3A_3364 = tpu.memref_slice %arg5[%dma_start3A_3356, %mul3A_2, %dma_start3A_3363] : memref<51x1024x128xf32, #tpu.memory_space<hbm>> -> memref<1x32x128xf32, #tpu.memory_space<hbm>>
    %dma_start3A_3365 = tpu.memref_squeeze %dma_start3A_3364 : memref<1x32x128xf32, #tpu.memory_space<hbm>> -> memref<32x128xf32, #tpu.memory_space<hbm>>
    %dma_start3A_3366 = arith.constant 64 : i32
    %dma_start3A_3367 = arith.constant 0 : i32
    %dma_start3A_3368 = tpu.memref_slice %arg15[%dma_start3A_3366, %dma_start3A_3367] : memref<160x128xf32, #tpu.memory_space<vmem>> -> memref<32x128xf32, #tpu.memory_space<vmem>>
    tpu.enqueue_dma source(%dma_start3A_3368 : memref<32x128xf32, #tpu.memory_space<vmem>>) target(%dma_start3A_3365 : memref<32x128xf32, #tpu.memory_space<hbm>>) target_semaphore(%arg19 : memref<!tpu.dma_semaphore, #tpu.memory_space<semaphore_mem>>)
    %dma_start3A_3369 = arith.constant 44 : i32
    %dma_start3A_3370 = arith.constant 96 : i32
    %dma_start3A_3371 = arith.constant 0 : i32
    %dma_start3A_3372 = tpu.memref_slice %arg15[%dma_start3A_3370, %dma_start3A_3371] : memref<160x128xf32, #tpu.memory_space<vmem>> -> memref<32x128xf32, #tpu.memory_space<vmem>>
    %dma_start3A_3373 = arith.constant 0 : i32
    %dma_start3A_3374 = tpu.memref_slice %arg5[%dma_start3A_3369, %mul3A_2, %dma_start3A_3373] : memref<51x1024x128xf32, #tpu.memory_space<hbm>> -> memref<1x32x128xf32, #tpu.memory_space<hbm>>
    %dma_start3A_3375 = tpu.memref_squeeze %dma_start3A_3374 : memref<1x32x128xf32, #tpu.memory_space<hbm>> -> memref<32x128xf32, #tpu.memory_space<hbm>>
    %dma_start3A_3376 = arith.constant 0 : i32
    %dma_start3A_3377 = tpu.memref_slice %arg5[%dma_start3A_3369, %mul3A_2, %dma_start3A_3376] : memref<51x1024x128xf32, #tpu.memory_space<hbm>> -> memref<1x32x128xf32, #tpu.memory_space<hbm>>
    %dma_start3A_3378 = tpu.memref_squeeze %dma_start3A_3377 : memref<1x32x128xf32, #tpu.memory_space<hbm>> -> memref<32x128xf32, #tpu.memory_space<hbm>>
    %dma_start3A_3379 = arith.constant 96 : i32
    %dma_start3A_3380 = arith.constant 0 : i32
    %dma_start3A_3381 = tpu.memref_slice %arg15[%dma_start3A_3379, %dma_start3A_3380] : memref<160x128xf32, #tpu.memory_space<vmem>> -> memref<32x128xf32, #tpu.memory_space<vmem>>
    tpu.enqueue_dma source(%dma_start3A_3381 : memref<32x128xf32, #tpu.memory_space<vmem>>) target(%dma_start3A_3378 : memref<32x128xf32, #tpu.memory_space<hbm>>) target_semaphore(%arg19 : memref<!tpu.dma_semaphore, #tpu.memory_space<semaphore_mem>>)
    %dma_start3A_3382 = arith.constant 45 : i32
    %dma_start3A_3383 = arith.constant 128 : i32
    %dma_start3A_3384 = arith.constant 0 : i32
    %dma_start3A_3385 = tpu.memref_slice %arg15[%dma_start3A_3383, %dma_start3A_3384] : memref<160x128xf32, #tpu.memory_space<vmem>> -> memref<32x128xf32, #tpu.memory_space<vmem>>
    %dma_start3A_3386 = arith.constant 0 : i32
    %dma_start3A_3387 = tpu.memref_slice %arg5[%dma_start3A_3382, %mul3A_2, %dma_start3A_3386] : memref<51x1024x128xf32, #tpu.memory_space<hbm>> -> memref<1x32x128xf32, #tpu.memory_space<hbm>>
    %dma_start3A_3388 = tpu.memref_squeeze %dma_start3A_3387 : memref<1x32x128xf32, #tpu.memory_space<hbm>> -> memref<32x128xf32, #tpu.memory_space<hbm>>
    %dma_start3A_3389 = arith.constant 0 : i32
    %dma_start3A_3390 = tpu.memref_slice %arg5[%dma_start3A_3382, %mul3A_2, %dma_start3A_3389] : memref<51x1024x128xf32, #tpu.memory_space<hbm>> -> memref<1x32x128xf32, #tpu.memory_space<hbm>>
    %dma_start3A_3391 = tpu.memref_squeeze %dma_start3A_3390 : memref<1x32x128xf32, #tpu.memory_space<hbm>> -> memref<32x128xf32, #tpu.memory_space<hbm>>
    %dma_start3A_3392 = arith.constant 128 : i32
    %dma_start3A_3393 = arith.constant 0 : i32
    %dma_start3A_3394 = tpu.memref_slice %arg15[%dma_start3A_3392, %dma_start3A_3393] : memref<160x128xf32, #tpu.memory_space<vmem>> -> memref<32x128xf32, #tpu.memory_space<vmem>>
    tpu.enqueue_dma source(%dma_start3A_3394 : memref<32x128xf32, #tpu.memory_space<vmem>>) target(%dma_start3A_3391 : memref<32x128xf32, #tpu.memory_space<hbm>>) target_semaphore(%arg19 : memref<!tpu.dma_semaphore, #tpu.memory_space<semaphore_mem>>)
    %dma_wait3A_3395 = arith.constant 0 : i32
    %dma_wait3A_3396 = arith.constant 0 : i32
    %dma_wait3A_3397 = tpu.memref_slice %arg2[%dma_wait3A_3395, %dma_wait3A_3396] : memref<1024000x128xf32, #tpu.memory_space<hbm>> -> memref<1024000x128xf32, #tpu.memory_space<hbm>>
    tpu.wait_indirect_dma semaphore(%arg18 : memref<!tpu.dma_semaphore, #tpu.memory_space<semaphore_mem>>) src(%dma_wait3A_3397 : memref<1024000x128xf32, #tpu.memory_space<hbm>>) dst(%arg16 : memref<160x128xf32, #tpu.memory_space<vmem>>)
    %dma_start3A_3398 = arith.constant 46 : i32
    %dma_start3A_3399 = arith.constant 0 : i32
    %dma_start3A_3400 = arith.constant 0 : i32
    %dma_start3A_3401 = tpu.memref_slice %arg16[%dma_start3A_3399, %dma_start3A_3400] : memref<160x128xf32, #tpu.memory_space<vmem>> -> memref<32x128xf32, #tpu.memory_space<vmem>>
    %dma_start3A_3402 = arith.constant 0 : i32
    %dma_start3A_3403 = tpu.memref_slice %arg5[%dma_start3A_3398, %mul3A_2, %dma_start3A_3402] : memref<51x1024x128xf32, #tpu.memory_space<hbm>> -> memref<1x32x128xf32, #tpu.memory_space<hbm>>
    %dma_start3A_3404 = tpu.memref_squeeze %dma_start3A_3403 : memref<1x32x128xf32, #tpu.memory_space<hbm>> -> memref<32x128xf32, #tpu.memory_space<hbm>>
    %dma_start3A_3405 = arith.constant 0 : i32
    %dma_start3A_3406 = tpu.memref_slice %arg5[%dma_start3A_3398, %mul3A_2, %dma_start3A_3405] : memref<51x1024x128xf32, #tpu.memory_space<hbm>> -> memref<1x32x128xf32, #tpu.memory_space<hbm>>
    %dma_start3A_3407 = tpu.memref_squeeze %dma_start3A_3406 : memref<1x32x128xf32, #tpu.memory_space<hbm>> -> memref<32x128xf32, #tpu.memory_space<hbm>>
    %dma_start3A_3408 = arith.constant 0 : i32
    %dma_start3A_3409 = arith.constant 0 : i32
    %dma_start3A_3410 = tpu.memref_slice %arg16[%dma_start3A_3408, %dma_start3A_3409] : memref<160x128xf32, #tpu.memory_space<vmem>> -> memref<32x128xf32, #tpu.memory_space<vmem>>
    tpu.enqueue_dma source(%dma_start3A_3410 : memref<32x128xf32, #tpu.memory_space<vmem>>) target(%dma_start3A_3407 : memref<32x128xf32, #tpu.memory_space<hbm>>) target_semaphore(%arg19 : memref<!tpu.dma_semaphore, #tpu.memory_space<semaphore_mem>>)
    %dma_start3A_3411 = arith.constant 47 : i32
    %dma_start3A_3412 = arith.constant 32 : i32
    %dma_start3A_3413 = arith.constant 0 : i32
    %dma_start3A_3414 = tpu.memref_slice %arg16[%dma_start3A_3412, %dma_start3A_3413] : memref<160x128xf32, #tpu.memory_space<vmem>> -> memref<32x128xf32, #tpu.memory_space<vmem>>
    %dma_start3A_3415 = arith.constant 0 : i32
    %dma_start3A_3416 = tpu.memref_slice %arg5[%dma_start3A_3411, %mul3A_2, %dma_start3A_3415] : memref<51x1024x128xf32, #tpu.memory_space<hbm>> -> memref<1x32x128xf32, #tpu.memory_space<hbm>>
    %dma_start3A_3417 = tpu.memref_squeeze %dma_start3A_3416 : memref<1x32x128xf32, #tpu.memory_space<hbm>> -> memref<32x128xf32, #tpu.memory_space<hbm>>
    %dma_start3A_3418 = arith.constant 0 : i32
    %dma_start3A_3419 = tpu.memref_slice %arg5[%dma_start3A_3411, %mul3A_2, %dma_start3A_3418] : memref<51x1024x128xf32, #tpu.memory_space<hbm>> -> memref<1x32x128xf32, #tpu.memory_space<hbm>>
    %dma_start3A_3420 = tpu.memref_squeeze %dma_start3A_3419 : memref<1x32x128xf32, #tpu.memory_space<hbm>> -> memref<32x128xf32, #tpu.memory_space<hbm>>
    %dma_start3A_3421 = arith.constant 32 : i32
    %dma_start3A_3422 = arith.constant 0 : i32
    %dma_start3A_3423 = tpu.memref_slice %arg16[%dma_start3A_3421, %dma_start3A_3422] : memref<160x128xf32, #tpu.memory_space<vmem>> -> memref<32x128xf32, #tpu.memory_space<vmem>>
    tpu.enqueue_dma source(%dma_start3A_3423 : memref<32x128xf32, #tpu.memory_space<vmem>>) target(%dma_start3A_3420 : memref<32x128xf32, #tpu.memory_space<hbm>>) target_semaphore(%arg19 : memref<!tpu.dma_semaphore, #tpu.memory_space<semaphore_mem>>)
    %dma_start3A_3424 = arith.constant 48 : i32
    %dma_start3A_3425 = arith.constant 64 : i32
    %dma_start3A_3426 = arith.constant 0 : i32
    %dma_start3A_3427 = tpu.memref_slice %arg16[%dma_start3A_3425, %dma_start3A_3426] : memref<160x128xf32, #tpu.memory_space<vmem>> -> memref<32x128xf32, #tpu.memory_space<vmem>>
    %dma_start3A_3428 = arith.constant 0 : i32
    %dma_start3A_3429 = tpu.memref_slice %arg5[%dma_start3A_3424, %mul3A_2, %dma_start3A_3428] : memref<51x1024x128xf32, #tpu.memory_space<hbm>> -> memref<1x32x128xf32, #tpu.memory_space<hbm>>
    %dma_start3A_3430 = tpu.memref_squeeze %dma_start3A_3429 : memref<1x32x128xf32, #tpu.memory_space<hbm>> -> memref<32x128xf32, #tpu.memory_space<hbm>>
    %dma_start3A_3431 = arith.constant 0 : i32
    %dma_start3A_3432 = tpu.memref_slice %arg5[%dma_start3A_3424, %mul3A_2, %dma_start3A_3431] : memref<51x1024x128xf32, #tpu.memory_space<hbm>> -> memref<1x32x128xf32, #tpu.memory_space<hbm>>
    %dma_start3A_3433 = tpu.memref_squeeze %dma_start3A_3432 : memref<1x32x128xf32, #tpu.memory_space<hbm>> -> memref<32x128xf32, #tpu.memory_space<hbm>>
    %dma_start3A_3434 = arith.constant 64 : i32
    %dma_start3A_3435 = arith.constant 0 : i32
    %dma_start3A_3436 = tpu.memref_slice %arg16[%dma_start3A_3434, %dma_start3A_3435] : memref<160x128xf32, #tpu.memory_space<vmem>> -> memref<32x128xf32, #tpu.memory_space<vmem>>
    tpu.enqueue_dma source(%dma_start3A_3436 : memref<32x128xf32, #tpu.memory_space<vmem>>) target(%dma_start3A_3433 : memref<32x128xf32, #tpu.memory_space<hbm>>) target_semaphore(%arg19 : memref<!tpu.dma_semaphore, #tpu.memory_space<semaphore_mem>>)
    %dma_start3A_3437 = arith.constant 49 : i32
    %dma_start3A_3438 = arith.constant 96 : i32
    %dma_start3A_3439 = arith.constant 0 : i32
    %dma_start3A_3440 = tpu.memref_slice %arg16[%dma_start3A_3438, %dma_start3A_3439] : memref<160x128xf32, #tpu.memory_space<vmem>> -> memref<32x128xf32, #tpu.memory_space<vmem>>
    %dma_start3A_3441 = arith.constant 0 : i32
    %dma_start3A_3442 = tpu.memref_slice %arg5[%dma_start3A_3437, %mul3A_2, %dma_start3A_3441] : memref<51x1024x128xf32, #tpu.memory_space<hbm>> -> memref<1x32x128xf32, #tpu.memory_space<hbm>>
    %dma_start3A_3443 = tpu.memref_squeeze %dma_start3A_3442 : memref<1x32x128xf32, #tpu.memory_space<hbm>> -> memref<32x128xf32, #tpu.memory_space<hbm>>
    %dma_start3A_3444 = arith.constant 0 : i32
    %dma_start3A_3445 = tpu.memref_slice %arg5[%dma_start3A_3437, %mul3A_2, %dma_start3A_3444] : memref<51x1024x128xf32, #tpu.memory_space<hbm>> -> memref<1x32x128xf32, #tpu.memory_space<hbm>>
    %dma_start3A_3446 = tpu.memref_squeeze %dma_start3A_3445 : memref<1x32x128xf32, #tpu.memory_space<hbm>> -> memref<32x128xf32, #tpu.memory_space<hbm>>
    %dma_start3A_3447 = arith.constant 96 : i32
    %dma_start3A_3448 = arith.constant 0 : i32
    %dma_start3A_3449 = tpu.memref_slice %arg16[%dma_start3A_3447, %dma_start3A_3448] : memref<160x128xf32, #tpu.memory_space<vmem>> -> memref<32x128xf32, #tpu.memory_space<vmem>>
    tpu.enqueue_dma source(%dma_start3A_3449 : memref<32x128xf32, #tpu.memory_space<vmem>>) target(%dma_start3A_3446 : memref<32x128xf32, #tpu.memory_space<hbm>>) target_semaphore(%arg19 : memref<!tpu.dma_semaphore, #tpu.memory_space<semaphore_mem>>)
    %dma_start3A_3450 = arith.constant 50 : i32
    %dma_start3A_3451 = arith.constant 128 : i32
    %dma_start3A_3452 = arith.constant 0 : i32
    %dma_start3A_3453 = tpu.memref_slice %arg16[%dma_start3A_3451, %dma_start3A_3452] : memref<160x128xf32, #tpu.memory_space<vmem>> -> memref<32x128xf32, #tpu.memory_space<vmem>>
    %dma_start3A_3454 = arith.constant 0 : i32
    %dma_start3A_3455 = tpu.memref_slice %arg5[%dma_start3A_3450, %mul3A_2, %dma_start3A_3454] : memref<51x1024x128xf32, #tpu.memory_space<hbm>> -> memref<1x32x128xf32, #tpu.memory_space<hbm>>
    %dma_start3A_3456 = tpu.memref_squeeze %dma_start3A_3455 : memref<1x32x128xf32, #tpu.memory_space<hbm>> -> memref<32x128xf32, #tpu.memory_space<hbm>>
    %dma_start3A_3457 = arith.constant 0 : i32
    %dma_start3A_3458 = tpu.memref_slice %arg5[%dma_start3A_3450, %mul3A_2, %dma_start3A_3457] : memref<51x1024x128xf32, #tpu.memory_space<hbm>> -> memref<1x32x128xf32, #tpu.memory_space<hbm>>
    %dma_start3A_3459 = tpu.memref_squeeze %dma_start3A_3458 : memref<1x32x128xf32, #tpu.memory_space<hbm>> -> memref<32x128xf32, #tpu.memory_space<hbm>>
    %dma_start3A_3460 = arith.constant 128 : i32
    %dma_start3A_3461 = arith.constant 0 : i32
    %dma_start3A_3462 = tpu.memref_slice %arg16[%dma_start3A_3460, %dma_start3A_3461] : memref<160x128xf32, #tpu.memory_space<vmem>> -> memref<32x128xf32, #tpu.memory_space<vmem>>
    tpu.enqueue_dma source(%dma_start3A_3462 : memref<32x128xf32, #tpu.memory_space<vmem>>) target(%dma_start3A_3459 : memref<32x128xf32, #tpu.memory_space<hbm>>) target_semaphore(%arg19 : memref<!tpu.dma_semaphore, #tpu.memory_space<semaphore_mem>>)
    %dma_wait3A_3463 = arith.constant 26 : i32
    %dma_wait3A_3464 = arith.constant 0 : i32
    %dma_wait3A_3465 = arith.constant 0 : i32
    %dma_wait3A_3466 = tpu.memref_slice %arg12[%dma_wait3A_3464, %dma_wait3A_3465] : memref<160x128xf32, #tpu.memory_space<vmem>> -> memref<32x128xf32, #tpu.memory_space<vmem>>
    %dma_wait3A_3467 = arith.constant 0 : i32
    %dma_wait3A_3468 = tpu.memref_slice %arg5[%dma_wait3A_3463, %mul3A_2, %dma_wait3A_3467] : memref<51x1024x128xf32, #tpu.memory_space<hbm>> -> memref<1x32x128xf32, #tpu.memory_space<hbm>>
    %dma_wait3A_3469 = tpu.memref_squeeze %dma_wait3A_3468 : memref<1x32x128xf32, #tpu.memory_space<hbm>> -> memref<32x128xf32, #tpu.memory_space<hbm>>
    %dma_wait3A_3470 = arith.constant 0 : i32
    %dma_wait3A_3471 = tpu.memref_slice %arg5[%dma_wait3A_3463, %mul3A_2, %dma_wait3A_3470] : memref<51x1024x128xf32, #tpu.memory_space<hbm>> -> memref<1x32x128xf32, #tpu.memory_space<hbm>>
    %dma_wait3A_3472 = tpu.memref_squeeze %dma_wait3A_3471 : memref<1x32x128xf32, #tpu.memory_space<hbm>> -> memref<32x128xf32, #tpu.memory_space<hbm>>
    %dma_wait3A_3473 = arith.constant 0 : i32
    %dma_wait3A_3474 = arith.constant 0 : i32
    %dma_wait3A_3475 = tpu.memref_slice %arg12[%dma_wait3A_3473, %dma_wait3A_3474] : memref<160x128xf32, #tpu.memory_space<vmem>> -> memref<32x128xf32, #tpu.memory_space<vmem>>
    tpu.wait_dma2 semaphore(%arg19 : memref<!tpu.dma_semaphore, #tpu.memory_space<semaphore_mem>>) src(%dma_wait3A_3475 : memref<32x128xf32, #tpu.memory_space<vmem>>) dst(%dma_wait3A_3472 : memref<32x128xf32, #tpu.memory_space<hbm>>)
    %dma_wait3A_3476 = arith.constant 27 : i32
    %dma_wait3A_3477 = arith.constant 32 : i32
    %dma_wait3A_3478 = arith.constant 0 : i32
    %dma_wait3A_3479 = tpu.memref_slice %arg12[%dma_wait3A_3477, %dma_wait3A_3478] : memref<160x128xf32, #tpu.memory_space<vmem>> -> memref<32x128xf32, #tpu.memory_space<vmem>>
    %dma_wait3A_3480 = arith.constant 0 : i32
    %dma_wait3A_3481 = tpu.memref_slice %arg5[%dma_wait3A_3476, %mul3A_2, %dma_wait3A_3480] : memref<51x1024x128xf32, #tpu.memory_space<hbm>> -> memref<1x32x128xf32, #tpu.memory_space<hbm>>
    %dma_wait3A_3482 = tpu.memref_squeeze %dma_wait3A_3481 : memref<1x32x128xf32, #tpu.memory_space<hbm>> -> memref<32x128xf32, #tpu.memory_space<hbm>>
    %dma_wait3A_3483 = arith.constant 0 : i32
    %dma_wait3A_3484 = tpu.memref_slice %arg5[%dma_wait3A_3476, %mul3A_2, %dma_wait3A_3483] : memref<51x1024x128xf32, #tpu.memory_space<hbm>> -> memref<1x32x128xf32, #tpu.memory_space<hbm>>
    %dma_wait3A_3485 = tpu.memref_squeeze %dma_wait3A_3484 : memref<1x32x128xf32, #tpu.memory_space<hbm>> -> memref<32x128xf32, #tpu.memory_space<hbm>>
    %dma_wait3A_3486 = arith.constant 32 : i32
    %dma_wait3A_3487 = arith.constant 0 : i32
    %dma_wait3A_3488 = tpu.memref_slice %arg12[%dma_wait3A_3486, %dma_wait3A_3487] : memref<160x128xf32, #tpu.memory_space<vmem>> -> memref<32x128xf32, #tpu.memory_space<vmem>>
    tpu.wait_dma2 semaphore(%arg19 : memref<!tpu.dma_semaphore, #tpu.memory_space<semaphore_mem>>) src(%dma_wait3A_3488 : memref<32x128xf32, #tpu.memory_space<vmem>>) dst(%dma_wait3A_3485 : memref<32x128xf32, #tpu.memory_space<hbm>>)
    %dma_wait3A_3489 = arith.constant 28 : i32
    %dma_wait3A_3490 = arith.constant 64 : i32
    %dma_wait3A_3491 = arith.constant 0 : i32
    %dma_wait3A_3492 = tpu.memref_slice %arg12[%dma_wait3A_3490, %dma_wait3A_3491] : memref<160x128xf32, #tpu.memory_space<vmem>> -> memref<32x128xf32, #tpu.memory_space<vmem>>
    %dma_wait3A_3493 = arith.constant 0 : i32
    %dma_wait3A_3494 = tpu.memref_slice %arg5[%dma_wait3A_3489, %mul3A_2, %dma_wait3A_3493] : memref<51x1024x128xf32, #tpu.memory_space<hbm>> -> memref<1x32x128xf32, #tpu.memory_space<hbm>>
    %dma_wait3A_3495 = tpu.memref_squeeze %dma_wait3A_3494 : memref<1x32x128xf32, #tpu.memory_space<hbm>> -> memref<32x128xf32, #tpu.memory_space<hbm>>
    %dma_wait3A_3496 = arith.constant 0 : i32
    %dma_wait3A_3497 = tpu.memref_slice %arg5[%dma_wait3A_3489, %mul3A_2, %dma_wait3A_3496] : memref<51x1024x128xf32, #tpu.memory_space<hbm>> -> memref<1x32x128xf32, #tpu.memory_space<hbm>>
    %dma_wait3A_3498 = tpu.memref_squeeze %dma_wait3A_3497 : memref<1x32x128xf32, #tpu.memory_space<hbm>> -> memref<32x128xf32, #tpu.memory_space<hbm>>
    %dma_wait3A_3499 = arith.constant 64 : i32
    %dma_wait3A_3500 = arith.constant 0 : i32
    %dma_wait3A_3501 = tpu.memref_slice %arg12[%dma_wait3A_3499, %dma_wait3A_3500] : memref<160x128xf32, #tpu.memory_space<vmem>> -> memref<32x128xf32, #tpu.memory_space<vmem>>
    tpu.wait_dma2 semaphore(%arg19 : memref<!tpu.dma_semaphore, #tpu.memory_space<semaphore_mem>>) src(%dma_wait3A_3501 : memref<32x128xf32, #tpu.memory_space<vmem>>) dst(%dma_wait3A_3498 : memref<32x128xf32, #tpu.memory_space<hbm>>)
    %dma_wait3A_3502 = arith.constant 29 : i32
    %dma_wait3A_3503 = arith.constant 96 : i32
    %dma_wait3A_3504 = arith.constant 0 : i32
    %dma_wait3A_3505 = tpu.memref_slice %arg12[%dma_wait3A_3503, %dma_wait3A_3504] : memref<160x128xf32, #tpu.memory_space<vmem>> -> memref<32x128xf32, #tpu.memory_space<vmem>>
    %dma_wait3A_3506 = arith.constant 0 : i32
    %dma_wait3A_3507 = tpu.memref_slice %arg5[%dma_wait3A_3502, %mul3A_2, %dma_wait3A_3506] : memref<51x1024x128xf32, #tpu.memory_space<hbm>> -> memref<1x32x128xf32, #tpu.memory_space<hbm>>
    %dma_wait3A_3508 = tpu.memref_squeeze %dma_wait3A_3507 : memref<1x32x128xf32, #tpu.memory_space<hbm>> -> memref<32x128xf32, #tpu.memory_space<hbm>>
    %dma_wait3A_3509 = arith.constant 0 : i32
    %dma_wait3A_3510 = tpu.memref_slice %arg5[%dma_wait3A_3502, %mul3A_2, %dma_wait3A_3509] : memref<51x1024x128xf32, #tpu.memory_space<hbm>> -> memref<1x32x128xf32, #tpu.memory_space<hbm>>
    %dma_wait3A_3511 = tpu.memref_squeeze %dma_wait3A_3510 : memref<1x32x128xf32, #tpu.memory_space<hbm>> -> memref<32x128xf32, #tpu.memory_space<hbm>>
    %dma_wait3A_3512 = arith.constant 96 : i32
    %dma_wait3A_3513 = arith.constant 0 : i32
    %dma_wait3A_3514 = tpu.memref_slice %arg12[%dma_wait3A_3512, %dma_wait3A_3513] : memref<160x128xf32, #tpu.memory_space<vmem>> -> memref<32x128xf32, #tpu.memory_space<vmem>>
    tpu.wait_dma2 semaphore(%arg19 : memref<!tpu.dma_semaphore, #tpu.memory_space<semaphore_mem>>) src(%dma_wait3A_3514 : memref<32x128xf32, #tpu.memory_space<vmem>>) dst(%dma_wait3A_3511 : memref<32x128xf32, #tpu.memory_space<hbm>>)
    %dma_wait3A_3515 = arith.constant 30 : i32
    %dma_wait3A_3516 = arith.constant 128 : i32
    %dma_wait3A_3517 = arith.constant 0 : i32
    %dma_wait3A_3518 = tpu.memref_slice %arg12[%dma_wait3A_3516, %dma_wait3A_3517] : memref<160x128xf32, #tpu.memory_space<vmem>> -> memref<32x128xf32, #tpu.memory_space<vmem>>
    %dma_wait3A_3519 = arith.constant 0 : i32
    %dma_wait3A_3520 = tpu.memref_slice %arg5[%dma_wait3A_3515, %mul3A_2, %dma_wait3A_3519] : memref<51x1024x128xf32, #tpu.memory_space<hbm>> -> memref<1x32x128xf32, #tpu.memory_space<hbm>>
    %dma_wait3A_3521 = tpu.memref_squeeze %dma_wait3A_3520 : memref<1x32x128xf32, #tpu.memory_space<hbm>> -> memref<32x128xf32, #tpu.memory_space<hbm>>
    %dma_wait3A_3522 = arith.constant 0 : i32
    %dma_wait3A_3523 = tpu.memref_slice %arg5[%dma_wait3A_3515, %mul3A_2, %dma_wait3A_3522] : memref<51x1024x128xf32, #tpu.memory_space<hbm>> -> memref<1x32x128xf32, #tpu.memory_space<hbm>>
    %dma_wait3A_3524 = tpu.memref_squeeze %dma_wait3A_3523 : memref<1x32x128xf32, #tpu.memory_space<hbm>> -> memref<32x128xf32, #tpu.memory_space<hbm>>
    %dma_wait3A_3525 = arith.constant 128 : i32
    %dma_wait3A_3526 = arith.constant 0 : i32
    %dma_wait3A_3527 = tpu.memref_slice %arg12[%dma_wait3A_3525, %dma_wait3A_3526] : memref<160x128xf32, #tpu.memory_space<vmem>> -> memref<32x128xf32, #tpu.memory_space<vmem>>
    tpu.wait_dma2 semaphore(%arg19 : memref<!tpu.dma_semaphore, #tpu.memory_space<semaphore_mem>>) src(%dma_wait3A_3527 : memref<32x128xf32, #tpu.memory_space<vmem>>) dst(%dma_wait3A_3524 : memref<32x128xf32, #tpu.memory_space<hbm>>)
    %dma_wait3A_3528 = arith.constant 31 : i32
    %dma_wait3A_3529 = arith.constant 0 : i32
    %dma_wait3A_3530 = arith.constant 0 : i32
    %dma_wait3A_3531 = tpu.memref_slice %arg13[%dma_wait3A_3529, %dma_wait3A_3530] : memref<160x128xf32, #tpu.memory_space<vmem>> -> memref<32x128xf32, #tpu.memory_space<vmem>>
    %dma_wait3A_3532 = arith.constant 0 : i32
    %dma_wait3A_3533 = tpu.memref_slice %arg5[%dma_wait3A_3528, %mul3A_2, %dma_wait3A_3532] : memref<51x1024x128xf32, #tpu.memory_space<hbm>> -> memref<1x32x128xf32, #tpu.memory_space<hbm>>
    %dma_wait3A_3534 = tpu.memref_squeeze %dma_wait3A_3533 : memref<1x32x128xf32, #tpu.memory_space<hbm>> -> memref<32x128xf32, #tpu.memory_space<hbm>>
    %dma_wait3A_3535 = arith.constant 0 : i32
    %dma_wait3A_3536 = tpu.memref_slice %arg5[%dma_wait3A_3528, %mul3A_2, %dma_wait3A_3535] : memref<51x1024x128xf32, #tpu.memory_space<hbm>> -> memref<1x32x128xf32, #tpu.memory_space<hbm>>
    %dma_wait3A_3537 = tpu.memref_squeeze %dma_wait3A_3536 : memref<1x32x128xf32, #tpu.memory_space<hbm>> -> memref<32x128xf32, #tpu.memory_space<hbm>>
    %dma_wait3A_3538 = arith.constant 0 : i32
    %dma_wait3A_3539 = arith.constant 0 : i32
    %dma_wait3A_3540 = tpu.memref_slice %arg13[%dma_wait3A_3538, %dma_wait3A_3539] : memref<160x128xf32, #tpu.memory_space<vmem>> -> memref<32x128xf32, #tpu.memory_space<vmem>>
    tpu.wait_dma2 semaphore(%arg19 : memref<!tpu.dma_semaphore, #tpu.memory_space<semaphore_mem>>) src(%dma_wait3A_3540 : memref<32x128xf32, #tpu.memory_space<vmem>>) dst(%dma_wait3A_3537 : memref<32x128xf32, #tpu.memory_space<hbm>>)
    %dma_wait3A_3541 = arith.constant 32 : i32
    %dma_wait3A_3542 = arith.constant 32 : i32
    %dma_wait3A_3543 = arith.constant 0 : i32
    %dma_wait3A_3544 = tpu.memref_slice %arg13[%dma_wait3A_3542, %dma_wait3A_3543] : memref<160x128xf32, #tpu.memory_space<vmem>> -> memref<32x128xf32, #tpu.memory_space<vmem>>
    %dma_wait3A_3545 = arith.constant 0 : i32
    %dma_wait3A_3546 = tpu.memref_slice %arg5[%dma_wait3A_3541, %mul3A_2, %dma_wait3A_3545] : memref<51x1024x128xf32, #tpu.memory_space<hbm>> -> memref<1x32x128xf32, #tpu.memory_space<hbm>>
    %dma_wait3A_3547 = tpu.memref_squeeze %dma_wait3A_3546 : memref<1x32x128xf32, #tpu.memory_space<hbm>> -> memref<32x128xf32, #tpu.memory_space<hbm>>
    %dma_wait3A_3548 = arith.constant 0 : i32
    %dma_wait3A_3549 = tpu.memref_slice %arg5[%dma_wait3A_3541, %mul3A_2, %dma_wait3A_3548] : memref<51x1024x128xf32, #tpu.memory_space<hbm>> -> memref<1x32x128xf32, #tpu.memory_space<hbm>>
    %dma_wait3A_3550 = tpu.memref_squeeze %dma_wait3A_3549 : memref<1x32x128xf32, #tpu.memory_space<hbm>> -> memref<32x128xf32, #tpu.memory_space<hbm>>
    %dma_wait3A_3551 = arith.constant 32 : i32
    %dma_wait3A_3552 = arith.constant 0 : i32
    %dma_wait3A_3553 = tpu.memref_slice %arg13[%dma_wait3A_3551, %dma_wait3A_3552] : memref<160x128xf32, #tpu.memory_space<vmem>> -> memref<32x128xf32, #tpu.memory_space<vmem>>
    tpu.wait_dma2 semaphore(%arg19 : memref<!tpu.dma_semaphore, #tpu.memory_space<semaphore_mem>>) src(%dma_wait3A_3553 : memref<32x128xf32, #tpu.memory_space<vmem>>) dst(%dma_wait3A_3550 : memref<32x128xf32, #tpu.memory_space<hbm>>)
    %dma_wait3A_3554 = arith.constant 33 : i32
    %dma_wait3A_3555 = arith.constant 64 : i32
    %dma_wait3A_3556 = arith.constant 0 : i32
    %dma_wait3A_3557 = tpu.memref_slice %arg13[%dma_wait3A_3555, %dma_wait3A_3556] : memref<160x128xf32, #tpu.memory_space<vmem>> -> memref<32x128xf32, #tpu.memory_space<vmem>>
    %dma_wait3A_3558 = arith.constant 0 : i32
    %dma_wait3A_3559 = tpu.memref_slice %arg5[%dma_wait3A_3554, %mul3A_2, %dma_wait3A_3558] : memref<51x1024x128xf32, #tpu.memory_space<hbm>> -> memref<1x32x128xf32, #tpu.memory_space<hbm>>
    %dma_wait3A_3560 = tpu.memref_squeeze %dma_wait3A_3559 : memref<1x32x128xf32, #tpu.memory_space<hbm>> -> memref<32x128xf32, #tpu.memory_space<hbm>>
    %dma_wait3A_3561 = arith.constant 0 : i32
    %dma_wait3A_3562 = tpu.memref_slice %arg5[%dma_wait3A_3554, %mul3A_2, %dma_wait3A_3561] : memref<51x1024x128xf32, #tpu.memory_space<hbm>> -> memref<1x32x128xf32, #tpu.memory_space<hbm>>
    %dma_wait3A_3563 = tpu.memref_squeeze %dma_wait3A_3562 : memref<1x32x128xf32, #tpu.memory_space<hbm>> -> memref<32x128xf32, #tpu.memory_space<hbm>>
    %dma_wait3A_3564 = arith.constant 64 : i32
    %dma_wait3A_3565 = arith.constant 0 : i32
    %dma_wait3A_3566 = tpu.memref_slice %arg13[%dma_wait3A_3564, %dma_wait3A_3565] : memref<160x128xf32, #tpu.memory_space<vmem>> -> memref<32x128xf32, #tpu.memory_space<vmem>>
    tpu.wait_dma2 semaphore(%arg19 : memref<!tpu.dma_semaphore, #tpu.memory_space<semaphore_mem>>) src(%dma_wait3A_3566 : memref<32x128xf32, #tpu.memory_space<vmem>>) dst(%dma_wait3A_3563 : memref<32x128xf32, #tpu.memory_space<hbm>>)
    %dma_wait3A_3567 = arith.constant 34 : i32
    %dma_wait3A_3568 = arith.constant 96 : i32
    %dma_wait3A_3569 = arith.constant 0 : i32
    %dma_wait3A_3570 = tpu.memref_slice %arg13[%dma_wait3A_3568, %dma_wait3A_3569] : memref<160x128xf32, #tpu.memory_space<vmem>> -> memref<32x128xf32, #tpu.memory_space<vmem>>
    %dma_wait3A_3571 = arith.constant 0 : i32
    %dma_wait3A_3572 = tpu.memref_slice %arg5[%dma_wait3A_3567, %mul3A_2, %dma_wait3A_3571] : memref<51x1024x128xf32, #tpu.memory_space<hbm>> -> memref<1x32x128xf32, #tpu.memory_space<hbm>>
    %dma_wait3A_3573 = tpu.memref_squeeze %dma_wait3A_3572 : memref<1x32x128xf32, #tpu.memory_space<hbm>> -> memref<32x128xf32, #tpu.memory_space<hbm>>
    %dma_wait3A_3574 = arith.constant 0 : i32
    %dma_wait3A_3575 = tpu.memref_slice %arg5[%dma_wait3A_3567, %mul3A_2, %dma_wait3A_3574] : memref<51x1024x128xf32, #tpu.memory_space<hbm>> -> memref<1x32x128xf32, #tpu.memory_space<hbm>>
    %dma_wait3A_3576 = tpu.memref_squeeze %dma_wait3A_3575 : memref<1x32x128xf32, #tpu.memory_space<hbm>> -> memref<32x128xf32, #tpu.memory_space<hbm>>
    %dma_wait3A_3577 = arith.constant 96 : i32
    %dma_wait3A_3578 = arith.constant 0 : i32
    %dma_wait3A_3579 = tpu.memref_slice %arg13[%dma_wait3A_3577, %dma_wait3A_3578] : memref<160x128xf32, #tpu.memory_space<vmem>> -> memref<32x128xf32, #tpu.memory_space<vmem>>
    tpu.wait_dma2 semaphore(%arg19 : memref<!tpu.dma_semaphore, #tpu.memory_space<semaphore_mem>>) src(%dma_wait3A_3579 : memref<32x128xf32, #tpu.memory_space<vmem>>) dst(%dma_wait3A_3576 : memref<32x128xf32, #tpu.memory_space<hbm>>)
    %dma_wait3A_3580 = arith.constant 35 : i32
    %dma_wait3A_3581 = arith.constant 128 : i32
    %dma_wait3A_3582 = arith.constant 0 : i32
    %dma_wait3A_3583 = tpu.memref_slice %arg13[%dma_wait3A_3581, %dma_wait3A_3582] : memref<160x128xf32, #tpu.memory_space<vmem>> -> memref<32x128xf32, #tpu.memory_space<vmem>>
    %dma_wait3A_3584 = arith.constant 0 : i32
    %dma_wait3A_3585 = tpu.memref_slice %arg5[%dma_wait3A_3580, %mul3A_2, %dma_wait3A_3584] : memref<51x1024x128xf32, #tpu.memory_space<hbm>> -> memref<1x32x128xf32, #tpu.memory_space<hbm>>
    %dma_wait3A_3586 = tpu.memref_squeeze %dma_wait3A_3585 : memref<1x32x128xf32, #tpu.memory_space<hbm>> -> memref<32x128xf32, #tpu.memory_space<hbm>>
    %dma_wait3A_3587 = arith.constant 0 : i32
    %dma_wait3A_3588 = tpu.memref_slice %arg5[%dma_wait3A_3580, %mul3A_2, %dma_wait3A_3587] : memref<51x1024x128xf32, #tpu.memory_space<hbm>> -> memref<1x32x128xf32, #tpu.memory_space<hbm>>
    %dma_wait3A_3589 = tpu.memref_squeeze %dma_wait3A_3588 : memref<1x32x128xf32, #tpu.memory_space<hbm>> -> memref<32x128xf32, #tpu.memory_space<hbm>>
    %dma_wait3A_3590 = arith.constant 128 : i32
    %dma_wait3A_3591 = arith.constant 0 : i32
    %dma_wait3A_3592 = tpu.memref_slice %arg13[%dma_wait3A_3590, %dma_wait3A_3591] : memref<160x128xf32, #tpu.memory_space<vmem>> -> memref<32x128xf32, #tpu.memory_space<vmem>>
    tpu.wait_dma2 semaphore(%arg19 : memref<!tpu.dma_semaphore, #tpu.memory_space<semaphore_mem>>) src(%dma_wait3A_3592 : memref<32x128xf32, #tpu.memory_space<vmem>>) dst(%dma_wait3A_3589 : memref<32x128xf32, #tpu.memory_space<hbm>>)
    %dma_wait3A_3593 = arith.constant 36 : i32
    %dma_wait3A_3594 = arith.constant 0 : i32
    %dma_wait3A_3595 = arith.constant 0 : i32
    %dma_wait3A_3596 = tpu.memref_slice %arg14[%dma_wait3A_3594, %dma_wait3A_3595] : memref<160x128xf32, #tpu.memory_space<vmem>> -> memref<32x128xf32, #tpu.memory_space<vmem>>
    %dma_wait3A_3597 = arith.constant 0 : i32
    %dma_wait3A_3598 = tpu.memref_slice %arg5[%dma_wait3A_3593, %mul3A_2, %dma_wait3A_3597] : memref<51x1024x128xf32, #tpu.memory_space<hbm>> -> memref<1x32x128xf32, #tpu.memory_space<hbm>>
    %dma_wait3A_3599 = tpu.memref_squeeze %dma_wait3A_3598 : memref<1x32x128xf32, #tpu.memory_space<hbm>> -> memref<32x128xf32, #tpu.memory_space<hbm>>
    %dma_wait3A_3600 = arith.constant 0 : i32
    %dma_wait3A_3601 = tpu.memref_slice %arg5[%dma_wait3A_3593, %mul3A_2, %dma_wait3A_3600] : memref<51x1024x128xf32, #tpu.memory_space<hbm>> -> memref<1x32x128xf32, #tpu.memory_space<hbm>>
    %dma_wait3A_3602 = tpu.memref_squeeze %dma_wait3A_3601 : memref<1x32x128xf32, #tpu.memory_space<hbm>> -> memref<32x128xf32, #tpu.memory_space<hbm>>
    %dma_wait3A_3603 = arith.constant 0 : i32
    %dma_wait3A_3604 = arith.constant 0 : i32
    %dma_wait3A_3605 = tpu.memref_slice %arg14[%dma_wait3A_3603, %dma_wait3A_3604] : memref<160x128xf32, #tpu.memory_space<vmem>> -> memref<32x128xf32, #tpu.memory_space<vmem>>
    tpu.wait_dma2 semaphore(%arg19 : memref<!tpu.dma_semaphore, #tpu.memory_space<semaphore_mem>>) src(%dma_wait3A_3605 : memref<32x128xf32, #tpu.memory_space<vmem>>) dst(%dma_wait3A_3602 : memref<32x128xf32, #tpu.memory_space<hbm>>)
    %dma_wait3A_3606 = arith.constant 37 : i32
    %dma_wait3A_3607 = arith.constant 32 : i32
    %dma_wait3A_3608 = arith.constant 0 : i32
    %dma_wait3A_3609 = tpu.memref_slice %arg14[%dma_wait3A_3607, %dma_wait3A_3608] : memref<160x128xf32, #tpu.memory_space<vmem>> -> memref<32x128xf32, #tpu.memory_space<vmem>>
    %dma_wait3A_3610 = arith.constant 0 : i32
    %dma_wait3A_3611 = tpu.memref_slice %arg5[%dma_wait3A_3606, %mul3A_2, %dma_wait3A_3610] : memref<51x1024x128xf32, #tpu.memory_space<hbm>> -> memref<1x32x128xf32, #tpu.memory_space<hbm>>
    %dma_wait3A_3612 = tpu.memref_squeeze %dma_wait3A_3611 : memref<1x32x128xf32, #tpu.memory_space<hbm>> -> memref<32x128xf32, #tpu.memory_space<hbm>>
    %dma_wait3A_3613 = arith.constant 0 : i32
    %dma_wait3A_3614 = tpu.memref_slice %arg5[%dma_wait3A_3606, %mul3A_2, %dma_wait3A_3613] : memref<51x1024x128xf32, #tpu.memory_space<hbm>> -> memref<1x32x128xf32, #tpu.memory_space<hbm>>
    %dma_wait3A_3615 = tpu.memref_squeeze %dma_wait3A_3614 : memref<1x32x128xf32, #tpu.memory_space<hbm>> -> memref<32x128xf32, #tpu.memory_space<hbm>>
    %dma_wait3A_3616 = arith.constant 32 : i32
    %dma_wait3A_3617 = arith.constant 0 : i32
    %dma_wait3A_3618 = tpu.memref_slice %arg14[%dma_wait3A_3616, %dma_wait3A_3617] : memref<160x128xf32, #tpu.memory_space<vmem>> -> memref<32x128xf32, #tpu.memory_space<vmem>>
    tpu.wait_dma2 semaphore(%arg19 : memref<!tpu.dma_semaphore, #tpu.memory_space<semaphore_mem>>) src(%dma_wait3A_3618 : memref<32x128xf32, #tpu.memory_space<vmem>>) dst(%dma_wait3A_3615 : memref<32x128xf32, #tpu.memory_space<hbm>>)
    %dma_wait3A_3619 = arith.constant 38 : i32
    %dma_wait3A_3620 = arith.constant 64 : i32
    %dma_wait3A_3621 = arith.constant 0 : i32
    %dma_wait3A_3622 = tpu.memref_slice %arg14[%dma_wait3A_3620, %dma_wait3A_3621] : memref<160x128xf32, #tpu.memory_space<vmem>> -> memref<32x128xf32, #tpu.memory_space<vmem>>
    %dma_wait3A_3623 = arith.constant 0 : i32
    %dma_wait3A_3624 = tpu.memref_slice %arg5[%dma_wait3A_3619, %mul3A_2, %dma_wait3A_3623] : memref<51x1024x128xf32, #tpu.memory_space<hbm>> -> memref<1x32x128xf32, #tpu.memory_space<hbm>>
    %dma_wait3A_3625 = tpu.memref_squeeze %dma_wait3A_3624 : memref<1x32x128xf32, #tpu.memory_space<hbm>> -> memref<32x128xf32, #tpu.memory_space<hbm>>
    %dma_wait3A_3626 = arith.constant 0 : i32
    %dma_wait3A_3627 = tpu.memref_slice %arg5[%dma_wait3A_3619, %mul3A_2, %dma_wait3A_3626] : memref<51x1024x128xf32, #tpu.memory_space<hbm>> -> memref<1x32x128xf32, #tpu.memory_space<hbm>>
    %dma_wait3A_3628 = tpu.memref_squeeze %dma_wait3A_3627 : memref<1x32x128xf32, #tpu.memory_space<hbm>> -> memref<32x128xf32, #tpu.memory_space<hbm>>
    %dma_wait3A_3629 = arith.constant 64 : i32
    %dma_wait3A_3630 = arith.constant 0 : i32
    %dma_wait3A_3631 = tpu.memref_slice %arg14[%dma_wait3A_3629, %dma_wait3A_3630] : memref<160x128xf32, #tpu.memory_space<vmem>> -> memref<32x128xf32, #tpu.memory_space<vmem>>
    tpu.wait_dma2 semaphore(%arg19 : memref<!tpu.dma_semaphore, #tpu.memory_space<semaphore_mem>>) src(%dma_wait3A_3631 : memref<32x128xf32, #tpu.memory_space<vmem>>) dst(%dma_wait3A_3628 : memref<32x128xf32, #tpu.memory_space<hbm>>)
    %dma_wait3A_3632 = arith.constant 39 : i32
    %dma_wait3A_3633 = arith.constant 96 : i32
    %dma_wait3A_3634 = arith.constant 0 : i32
    %dma_wait3A_3635 = tpu.memref_slice %arg14[%dma_wait3A_3633, %dma_wait3A_3634] : memref<160x128xf32, #tpu.memory_space<vmem>> -> memref<32x128xf32, #tpu.memory_space<vmem>>
    %dma_wait3A_3636 = arith.constant 0 : i32
    %dma_wait3A_3637 = tpu.memref_slice %arg5[%dma_wait3A_3632, %mul3A_2, %dma_wait3A_3636] : memref<51x1024x128xf32, #tpu.memory_space<hbm>> -> memref<1x32x128xf32, #tpu.memory_space<hbm>>
    %dma_wait3A_3638 = tpu.memref_squeeze %dma_wait3A_3637 : memref<1x32x128xf32, #tpu.memory_space<hbm>> -> memref<32x128xf32, #tpu.memory_space<hbm>>
    %dma_wait3A_3639 = arith.constant 0 : i32
    %dma_wait3A_3640 = tpu.memref_slice %arg5[%dma_wait3A_3632, %mul3A_2, %dma_wait3A_3639] : memref<51x1024x128xf32, #tpu.memory_space<hbm>> -> memref<1x32x128xf32, #tpu.memory_space<hbm>>
    %dma_wait3A_3641 = tpu.memref_squeeze %dma_wait3A_3640 : memref<1x32x128xf32, #tpu.memory_space<hbm>> -> memref<32x128xf32, #tpu.memory_space<hbm>>
    %dma_wait3A_3642 = arith.constant 96 : i32
    %dma_wait3A_3643 = arith.constant 0 : i32
    %dma_wait3A_3644 = tpu.memref_slice %arg14[%dma_wait3A_3642, %dma_wait3A_3643] : memref<160x128xf32, #tpu.memory_space<vmem>> -> memref<32x128xf32, #tpu.memory_space<vmem>>
    tpu.wait_dma2 semaphore(%arg19 : memref<!tpu.dma_semaphore, #tpu.memory_space<semaphore_mem>>) src(%dma_wait3A_3644 : memref<32x128xf32, #tpu.memory_space<vmem>>) dst(%dma_wait3A_3641 : memref<32x128xf32, #tpu.memory_space<hbm>>)
    %dma_wait3A_3645 = arith.constant 40 : i32
    %dma_wait3A_3646 = arith.constant 128 : i32
    %dma_wait3A_3647 = arith.constant 0 : i32
    %dma_wait3A_3648 = tpu.memref_slice %arg14[%dma_wait3A_3646, %dma_wait3A_3647] : memref<160x128xf32, #tpu.memory_space<vmem>> -> memref<32x128xf32, #tpu.memory_space<vmem>>
    %dma_wait3A_3649 = arith.constant 0 : i32
    %dma_wait3A_3650 = tpu.memref_slice %arg5[%dma_wait3A_3645, %mul3A_2, %dma_wait3A_3649] : memref<51x1024x128xf32, #tpu.memory_space<hbm>> -> memref<1x32x128xf32, #tpu.memory_space<hbm>>
    %dma_wait3A_3651 = tpu.memref_squeeze %dma_wait3A_3650 : memref<1x32x128xf32, #tpu.memory_space<hbm>> -> memref<32x128xf32, #tpu.memory_space<hbm>>
    %dma_wait3A_3652 = arith.constant 0 : i32
    %dma_wait3A_3653 = tpu.memref_slice %arg5[%dma_wait3A_3645, %mul3A_2, %dma_wait3A_3652] : memref<51x1024x128xf32, #tpu.memory_space<hbm>> -> memref<1x32x128xf32, #tpu.memory_space<hbm>>
    %dma_wait3A_3654 = tpu.memref_squeeze %dma_wait3A_3653 : memref<1x32x128xf32, #tpu.memory_space<hbm>> -> memref<32x128xf32, #tpu.memory_space<hbm>>
    %dma_wait3A_3655 = arith.constant 128 : i32
    %dma_wait3A_3656 = arith.constant 0 : i32
    %dma_wait3A_3657 = tpu.memref_slice %arg14[%dma_wait3A_3655, %dma_wait3A_3656] : memref<160x128xf32, #tpu.memory_space<vmem>> -> memref<32x128xf32, #tpu.memory_space<vmem>>
    tpu.wait_dma2 semaphore(%arg19 : memref<!tpu.dma_semaphore, #tpu.memory_space<semaphore_mem>>) src(%dma_wait3A_3657 : memref<32x128xf32, #tpu.memory_space<vmem>>) dst(%dma_wait3A_3654 : memref<32x128xf32, #tpu.memory_space<hbm>>)
    %dma_wait3A_3658 = arith.constant 41 : i32
    %dma_wait3A_3659 = arith.constant 0 : i32
    %dma_wait3A_3660 = arith.constant 0 : i32
    %dma_wait3A_3661 = tpu.memref_slice %arg15[%dma_wait3A_3659, %dma_wait3A_3660] : memref<160x128xf32, #tpu.memory_space<vmem>> -> memref<32x128xf32, #tpu.memory_space<vmem>>
    %dma_wait3A_3662 = arith.constant 0 : i32
    %dma_wait3A_3663 = tpu.memref_slice %arg5[%dma_wait3A_3658, %mul3A_2, %dma_wait3A_3662] : memref<51x1024x128xf32, #tpu.memory_space<hbm>> -> memref<1x32x128xf32, #tpu.memory_space<hbm>>
    %dma_wait3A_3664 = tpu.memref_squeeze %dma_wait3A_3663 : memref<1x32x128xf32, #tpu.memory_space<hbm>> -> memref<32x128xf32, #tpu.memory_space<hbm>>
    %dma_wait3A_3665 = arith.constant 0 : i32
    %dma_wait3A_3666 = tpu.memref_slice %arg5[%dma_wait3A_3658, %mul3A_2, %dma_wait3A_3665] : memref<51x1024x128xf32, #tpu.memory_space<hbm>> -> memref<1x32x128xf32, #tpu.memory_space<hbm>>
    %dma_wait3A_3667 = tpu.memref_squeeze %dma_wait3A_3666 : memref<1x32x128xf32, #tpu.memory_space<hbm>> -> memref<32x128xf32, #tpu.memory_space<hbm>>
    %dma_wait3A_3668 = arith.constant 0 : i32
    %dma_wait3A_3669 = arith.constant 0 : i32
    %dma_wait3A_3670 = tpu.memref_slice %arg15[%dma_wait3A_3668, %dma_wait3A_3669] : memref<160x128xf32, #tpu.memory_space<vmem>> -> memref<32x128xf32, #tpu.memory_space<vmem>>
    tpu.wait_dma2 semaphore(%arg19 : memref<!tpu.dma_semaphore, #tpu.memory_space<semaphore_mem>>) src(%dma_wait3A_3670 : memref<32x128xf32, #tpu.memory_space<vmem>>) dst(%dma_wait3A_3667 : memref<32x128xf32, #tpu.memory_space<hbm>>)
    %dma_wait3A_3671 = arith.constant 42 : i32
    %dma_wait3A_3672 = arith.constant 32 : i32
    %dma_wait3A_3673 = arith.constant 0 : i32
    %dma_wait3A_3674 = tpu.memref_slice %arg15[%dma_wait3A_3672, %dma_wait3A_3673] : memref<160x128xf32, #tpu.memory_space<vmem>> -> memref<32x128xf32, #tpu.memory_space<vmem>>
    %dma_wait3A_3675 = arith.constant 0 : i32
    %dma_wait3A_3676 = tpu.memref_slice %arg5[%dma_wait3A_3671, %mul3A_2, %dma_wait3A_3675] : memref<51x1024x128xf32, #tpu.memory_space<hbm>> -> memref<1x32x128xf32, #tpu.memory_space<hbm>>
    %dma_wait3A_3677 = tpu.memref_squeeze %dma_wait3A_3676 : memref<1x32x128xf32, #tpu.memory_space<hbm>> -> memref<32x128xf32, #tpu.memory_space<hbm>>
    %dma_wait3A_3678 = arith.constant 0 : i32
    %dma_wait3A_3679 = tpu.memref_slice %arg5[%dma_wait3A_3671, %mul3A_2, %dma_wait3A_3678] : memref<51x1024x128xf32, #tpu.memory_space<hbm>> -> memref<1x32x128xf32, #tpu.memory_space<hbm>>
    %dma_wait3A_3680 = tpu.memref_squeeze %dma_wait3A_3679 : memref<1x32x128xf32, #tpu.memory_space<hbm>> -> memref<32x128xf32, #tpu.memory_space<hbm>>
    %dma_wait3A_3681 = arith.constant 32 : i32
    %dma_wait3A_3682 = arith.constant 0 : i32
    %dma_wait3A_3683 = tpu.memref_slice %arg15[%dma_wait3A_3681, %dma_wait3A_3682] : memref<160x128xf32, #tpu.memory_space<vmem>> -> memref<32x128xf32, #tpu.memory_space<vmem>>
    tpu.wait_dma2 semaphore(%arg19 : memref<!tpu.dma_semaphore, #tpu.memory_space<semaphore_mem>>) src(%dma_wait3A_3683 : memref<32x128xf32, #tpu.memory_space<vmem>>) dst(%dma_wait3A_3680 : memref<32x128xf32, #tpu.memory_space<hbm>>)
    %dma_wait3A_3684 = arith.constant 43 : i32
    %dma_wait3A_3685 = arith.constant 64 : i32
    %dma_wait3A_3686 = arith.constant 0 : i32
    %dma_wait3A_3687 = tpu.memref_slice %arg15[%dma_wait3A_3685, %dma_wait3A_3686] : memref<160x128xf32, #tpu.memory_space<vmem>> -> memref<32x128xf32, #tpu.memory_space<vmem>>
    %dma_wait3A_3688 = arith.constant 0 : i32
    %dma_wait3A_3689 = tpu.memref_slice %arg5[%dma_wait3A_3684, %mul3A_2, %dma_wait3A_3688] : memref<51x1024x128xf32, #tpu.memory_space<hbm>> -> memref<1x32x128xf32, #tpu.memory_space<hbm>>
    %dma_wait3A_3690 = tpu.memref_squeeze %dma_wait3A_3689 : memref<1x32x128xf32, #tpu.memory_space<hbm>> -> memref<32x128xf32, #tpu.memory_space<hbm>>
    %dma_wait3A_3691 = arith.constant 0 : i32
    %dma_wait3A_3692 = tpu.memref_slice %arg5[%dma_wait3A_3684, %mul3A_2, %dma_wait3A_3691] : memref<51x1024x128xf32, #tpu.memory_space<hbm>> -> memref<1x32x128xf32, #tpu.memory_space<hbm>>
    %dma_wait3A_3693 = tpu.memref_squeeze %dma_wait3A_3692 : memref<1x32x128xf32, #tpu.memory_space<hbm>> -> memref<32x128xf32, #tpu.memory_space<hbm>>
    %dma_wait3A_3694 = arith.constant 64 : i32
    %dma_wait3A_3695 = arith.constant 0 : i32
    %dma_wait3A_3696 = tpu.memref_slice %arg15[%dma_wait3A_3694, %dma_wait3A_3695] : memref<160x128xf32, #tpu.memory_space<vmem>> -> memref<32x128xf32, #tpu.memory_space<vmem>>
    tpu.wait_dma2 semaphore(%arg19 : memref<!tpu.dma_semaphore, #tpu.memory_space<semaphore_mem>>) src(%dma_wait3A_3696 : memref<32x128xf32, #tpu.memory_space<vmem>>) dst(%dma_wait3A_3693 : memref<32x128xf32, #tpu.memory_space<hbm>>)
    %dma_wait3A_3697 = arith.constant 44 : i32
    %dma_wait3A_3698 = arith.constant 96 : i32
    %dma_wait3A_3699 = arith.constant 0 : i32
    %dma_wait3A_3700 = tpu.memref_slice %arg15[%dma_wait3A_3698, %dma_wait3A_3699] : memref<160x128xf32, #tpu.memory_space<vmem>> -> memref<32x128xf32, #tpu.memory_space<vmem>>
    %dma_wait3A_3701 = arith.constant 0 : i32
    %dma_wait3A_3702 = tpu.memref_slice %arg5[%dma_wait3A_3697, %mul3A_2, %dma_wait3A_3701] : memref<51x1024x128xf32, #tpu.memory_space<hbm>> -> memref<1x32x128xf32, #tpu.memory_space<hbm>>
    %dma_wait3A_3703 = tpu.memref_squeeze %dma_wait3A_3702 : memref<1x32x128xf32, #tpu.memory_space<hbm>> -> memref<32x128xf32, #tpu.memory_space<hbm>>
    %dma_wait3A_3704 = arith.constant 0 : i32
    %dma_wait3A_3705 = tpu.memref_slice %arg5[%dma_wait3A_3697, %mul3A_2, %dma_wait3A_3704] : memref<51x1024x128xf32, #tpu.memory_space<hbm>> -> memref<1x32x128xf32, #tpu.memory_space<hbm>>
    %dma_wait3A_3706 = tpu.memref_squeeze %dma_wait3A_3705 : memref<1x32x128xf32, #tpu.memory_space<hbm>> -> memref<32x128xf32, #tpu.memory_space<hbm>>
    %dma_wait3A_3707 = arith.constant 96 : i32
    %dma_wait3A_3708 = arith.constant 0 : i32
    %dma_wait3A_3709 = tpu.memref_slice %arg15[%dma_wait3A_3707, %dma_wait3A_3708] : memref<160x128xf32, #tpu.memory_space<vmem>> -> memref<32x128xf32, #tpu.memory_space<vmem>>
    tpu.wait_dma2 semaphore(%arg19 : memref<!tpu.dma_semaphore, #tpu.memory_space<semaphore_mem>>) src(%dma_wait3A_3709 : memref<32x128xf32, #tpu.memory_space<vmem>>) dst(%dma_wait3A_3706 : memref<32x128xf32, #tpu.memory_space<hbm>>)
    %dma_wait3A_3710 = arith.constant 45 : i32
    %dma_wait3A_3711 = arith.constant 128 : i32
    %dma_wait3A_3712 = arith.constant 0 : i32
    %dma_wait3A_3713 = tpu.memref_slice %arg15[%dma_wait3A_3711, %dma_wait3A_3712] : memref<160x128xf32, #tpu.memory_space<vmem>> -> memref<32x128xf32, #tpu.memory_space<vmem>>
    %dma_wait3A_3714 = arith.constant 0 : i32
    %dma_wait3A_3715 = tpu.memref_slice %arg5[%dma_wait3A_3710, %mul3A_2, %dma_wait3A_3714] : memref<51x1024x128xf32, #tpu.memory_space<hbm>> -> memref<1x32x128xf32, #tpu.memory_space<hbm>>
    %dma_wait3A_3716 = tpu.memref_squeeze %dma_wait3A_3715 : memref<1x32x128xf32, #tpu.memory_space<hbm>> -> memref<32x128xf32, #tpu.memory_space<hbm>>
    %dma_wait3A_3717 = arith.constant 0 : i32
    %dma_wait3A_3718 = tpu.memref_slice %arg5[%dma_wait3A_3710, %mul3A_2, %dma_wait3A_3717] : memref<51x1024x128xf32, #tpu.memory_space<hbm>> -> memref<1x32x128xf32, #tpu.memory_space<hbm>>
    %dma_wait3A_3719 = tpu.memref_squeeze %dma_wait3A_3718 : memref<1x32x128xf32, #tpu.memory_space<hbm>> -> memref<32x128xf32, #tpu.memory_space<hbm>>
    %dma_wait3A_3720 = arith.constant 128 : i32
    %dma_wait3A_3721 = arith.constant 0 : i32
    %dma_wait3A_3722 = tpu.memref_slice %arg15[%dma_wait3A_3720, %dma_wait3A_3721] : memref<160x128xf32, #tpu.memory_space<vmem>> -> memref<32x128xf32, #tpu.memory_space<vmem>>
    tpu.wait_dma2 semaphore(%arg19 : memref<!tpu.dma_semaphore, #tpu.memory_space<semaphore_mem>>) src(%dma_wait3A_3722 : memref<32x128xf32, #tpu.memory_space<vmem>>) dst(%dma_wait3A_3719 : memref<32x128xf32, #tpu.memory_space<hbm>>)
    %dma_wait3A_3723 = arith.constant 46 : i32
    %dma_wait3A_3724 = arith.constant 0 : i32
    %dma_wait3A_3725 = arith.constant 0 : i32
    %dma_wait3A_3726 = tpu.memref_slice %arg16[%dma_wait3A_3724, %dma_wait3A_3725] : memref<160x128xf32, #tpu.memory_space<vmem>> -> memref<32x128xf32, #tpu.memory_space<vmem>>
    %dma_wait3A_3727 = arith.constant 0 : i32
    %dma_wait3A_3728 = tpu.memref_slice %arg5[%dma_wait3A_3723, %mul3A_2, %dma_wait3A_3727] : memref<51x1024x128xf32, #tpu.memory_space<hbm>> -> memref<1x32x128xf32, #tpu.memory_space<hbm>>
    %dma_wait3A_3729 = tpu.memref_squeeze %dma_wait3A_3728 : memref<1x32x128xf32, #tpu.memory_space<hbm>> -> memref<32x128xf32, #tpu.memory_space<hbm>>
    %dma_wait3A_3730 = arith.constant 0 : i32
    %dma_wait3A_3731 = tpu.memref_slice %arg5[%dma_wait3A_3723, %mul3A_2, %dma_wait3A_3730] : memref<51x1024x128xf32, #tpu.memory_space<hbm>> -> memref<1x32x128xf32, #tpu.memory_space<hbm>>
    %dma_wait3A_3732 = tpu.memref_squeeze %dma_wait3A_3731 : memref<1x32x128xf32, #tpu.memory_space<hbm>> -> memref<32x128xf32, #tpu.memory_space<hbm>>
    %dma_wait3A_3733 = arith.constant 0 : i32
    %dma_wait3A_3734 = arith.constant 0 : i32
    %dma_wait3A_3735 = tpu.memref_slice %arg16[%dma_wait3A_3733, %dma_wait3A_3734] : memref<160x128xf32, #tpu.memory_space<vmem>> -> memref<32x128xf32, #tpu.memory_space<vmem>>
    tpu.wait_dma2 semaphore(%arg19 : memref<!tpu.dma_semaphore, #tpu.memory_space<semaphore_mem>>) src(%dma_wait3A_3735 : memref<32x128xf32, #tpu.memory_space<vmem>>) dst(%dma_wait3A_3732 : memref<32x128xf32, #tpu.memory_space<hbm>>)
    %dma_wait3A_3736 = arith.constant 47 : i32
    %dma_wait3A_3737 = arith.constant 32 : i32
    %dma_wait3A_3738 = arith.constant 0 : i32
    %dma_wait3A_3739 = tpu.memref_slice %arg16[%dma_wait3A_3737, %dma_wait3A_3738] : memref<160x128xf32, #tpu.memory_space<vmem>> -> memref<32x128xf32, #tpu.memory_space<vmem>>
    %dma_wait3A_3740 = arith.constant 0 : i32
    %dma_wait3A_3741 = tpu.memref_slice %arg5[%dma_wait3A_3736, %mul3A_2, %dma_wait3A_3740] : memref<51x1024x128xf32, #tpu.memory_space<hbm>> -> memref<1x32x128xf32, #tpu.memory_space<hbm>>
    %dma_wait3A_3742 = tpu.memref_squeeze %dma_wait3A_3741 : memref<1x32x128xf32, #tpu.memory_space<hbm>> -> memref<32x128xf32, #tpu.memory_space<hbm>>
    %dma_wait3A_3743 = arith.constant 0 : i32
    %dma_wait3A_3744 = tpu.memref_slice %arg5[%dma_wait3A_3736, %mul3A_2, %dma_wait3A_3743] : memref<51x1024x128xf32, #tpu.memory_space<hbm>> -> memref<1x32x128xf32, #tpu.memory_space<hbm>>
    %dma_wait3A_3745 = tpu.memref_squeeze %dma_wait3A_3744 : memref<1x32x128xf32, #tpu.memory_space<hbm>> -> memref<32x128xf32, #tpu.memory_space<hbm>>
    %dma_wait3A_3746 = arith.constant 32 : i32
    %dma_wait3A_3747 = arith.constant 0 : i32
    %dma_wait3A_3748 = tpu.memref_slice %arg16[%dma_wait3A_3746, %dma_wait3A_3747] : memref<160x128xf32, #tpu.memory_space<vmem>> -> memref<32x128xf32, #tpu.memory_space<vmem>>
    tpu.wait_dma2 semaphore(%arg19 : memref<!tpu.dma_semaphore, #tpu.memory_space<semaphore_mem>>) src(%dma_wait3A_3748 : memref<32x128xf32, #tpu.memory_space<vmem>>) dst(%dma_wait3A_3745 : memref<32x128xf32, #tpu.memory_space<hbm>>)
    %dma_wait3A_3749 = arith.constant 48 : i32
    %dma_wait3A_3750 = arith.constant 64 : i32
    %dma_wait3A_3751 = arith.constant 0 : i32
    %dma_wait3A_3752 = tpu.memref_slice %arg16[%dma_wait3A_3750, %dma_wait3A_3751] : memref<160x128xf32, #tpu.memory_space<vmem>> -> memref<32x128xf32, #tpu.memory_space<vmem>>
    %dma_wait3A_3753 = arith.constant 0 : i32
    %dma_wait3A_3754 = tpu.memref_slice %arg5[%dma_wait3A_3749, %mul3A_2, %dma_wait3A_3753] : memref<51x1024x128xf32, #tpu.memory_space<hbm>> -> memref<1x32x128xf32, #tpu.memory_space<hbm>>
    %dma_wait3A_3755 = tpu.memref_squeeze %dma_wait3A_3754 : memref<1x32x128xf32, #tpu.memory_space<hbm>> -> memref<32x128xf32, #tpu.memory_space<hbm>>
    %dma_wait3A_3756 = arith.constant 0 : i32
    %dma_wait3A_3757 = tpu.memref_slice %arg5[%dma_wait3A_3749, %mul3A_2, %dma_wait3A_3756] : memref<51x1024x128xf32, #tpu.memory_space<hbm>> -> memref<1x32x128xf32, #tpu.memory_space<hbm>>
    %dma_wait3A_3758 = tpu.memref_squeeze %dma_wait3A_3757 : memref<1x32x128xf32, #tpu.memory_space<hbm>> -> memref<32x128xf32, #tpu.memory_space<hbm>>
    %dma_wait3A_3759 = arith.constant 64 : i32
    %dma_wait3A_3760 = arith.constant 0 : i32
    %dma_wait3A_3761 = tpu.memref_slice %arg16[%dma_wait3A_3759, %dma_wait3A_3760] : memref<160x128xf32, #tpu.memory_space<vmem>> -> memref<32x128xf32, #tpu.memory_space<vmem>>
    tpu.wait_dma2 semaphore(%arg19 : memref<!tpu.dma_semaphore, #tpu.memory_space<semaphore_mem>>) src(%dma_wait3A_3761 : memref<32x128xf32, #tpu.memory_space<vmem>>) dst(%dma_wait3A_3758 : memref<32x128xf32, #tpu.memory_space<hbm>>)
    %dma_wait3A_3762 = arith.constant 49 : i32
    %dma_wait3A_3763 = arith.constant 96 : i32
    %dma_wait3A_3764 = arith.constant 0 : i32
    %dma_wait3A_3765 = tpu.memref_slice %arg16[%dma_wait3A_3763, %dma_wait3A_3764] : memref<160x128xf32, #tpu.memory_space<vmem>> -> memref<32x128xf32, #tpu.memory_space<vmem>>
    %dma_wait3A_3766 = arith.constant 0 : i32
    %dma_wait3A_3767 = tpu.memref_slice %arg5[%dma_wait3A_3762, %mul3A_2, %dma_wait3A_3766] : memref<51x1024x128xf32, #tpu.memory_space<hbm>> -> memref<1x32x128xf32, #tpu.memory_space<hbm>>
    %dma_wait3A_3768 = tpu.memref_squeeze %dma_wait3A_3767 : memref<1x32x128xf32, #tpu.memory_space<hbm>> -> memref<32x128xf32, #tpu.memory_space<hbm>>
    %dma_wait3A_3769 = arith.constant 0 : i32
    %dma_wait3A_3770 = tpu.memref_slice %arg5[%dma_wait3A_3762, %mul3A_2, %dma_wait3A_3769] : memref<51x1024x128xf32, #tpu.memory_space<hbm>> -> memref<1x32x128xf32, #tpu.memory_space<hbm>>
    %dma_wait3A_3771 = tpu.memref_squeeze %dma_wait3A_3770 : memref<1x32x128xf32, #tpu.memory_space<hbm>> -> memref<32x128xf32, #tpu.memory_space<hbm>>
    %dma_wait3A_3772 = arith.constant 96 : i32
    %dma_wait3A_3773 = arith.constant 0 : i32
    %dma_wait3A_3774 = tpu.memref_slice %arg16[%dma_wait3A_3772, %dma_wait3A_3773] : memref<160x128xf32, #tpu.memory_space<vmem>> -> memref<32x128xf32, #tpu.memory_space<vmem>>
    tpu.wait_dma2 semaphore(%arg19 : memref<!tpu.dma_semaphore, #tpu.memory_space<semaphore_mem>>) src(%dma_wait3A_3774 : memref<32x128xf32, #tpu.memory_space<vmem>>) dst(%dma_wait3A_3771 : memref<32x128xf32, #tpu.memory_space<hbm>>)
    %dma_wait3A_3775 = arith.constant 50 : i32
    %dma_wait3A_3776 = arith.constant 128 : i32
    %dma_wait3A_3777 = arith.constant 0 : i32
    %dma_wait3A_3778 = tpu.memref_slice %arg16[%dma_wait3A_3776, %dma_wait3A_3777] : memref<160x128xf32, #tpu.memory_space<vmem>> -> memref<32x128xf32, #tpu.memory_space<vmem>>
    %dma_wait3A_3779 = arith.constant 0 : i32
    %dma_wait3A_3780 = tpu.memref_slice %arg5[%dma_wait3A_3775, %mul3A_2, %dma_wait3A_3779] : memref<51x1024x128xf32, #tpu.memory_space<hbm>> -> memref<1x32x128xf32, #tpu.memory_space<hbm>>
    %dma_wait3A_3781 = tpu.memref_squeeze %dma_wait3A_3780 : memref<1x32x128xf32, #tpu.memory_space<hbm>> -> memref<32x128xf32, #tpu.memory_space<hbm>>
    %dma_wait3A_3782 = arith.constant 0 : i32
    %dma_wait3A_3783 = tpu.memref_slice %arg5[%dma_wait3A_3775, %mul3A_2, %dma_wait3A_3782] : memref<51x1024x128xf32, #tpu.memory_space<hbm>> -> memref<1x32x128xf32, #tpu.memory_space<hbm>>
    %dma_wait3A_3784 = tpu.memref_squeeze %dma_wait3A_3783 : memref<1x32x128xf32, #tpu.memory_space<hbm>> -> memref<32x128xf32, #tpu.memory_space<hbm>>
    %dma_wait3A_3785 = arith.constant 128 : i32
    %dma_wait3A_3786 = arith.constant 0 : i32
    %dma_wait3A_3787 = tpu.memref_slice %arg16[%dma_wait3A_3785, %dma_wait3A_3786] : memref<160x128xf32, #tpu.memory_space<vmem>> -> memref<32x128xf32, #tpu.memory_space<vmem>>
    tpu.wait_dma2 semaphore(%arg19 : memref<!tpu.dma_semaphore, #tpu.memory_space<semaphore_mem>>) src(%dma_wait3A_3787 : memref<32x128xf32, #tpu.memory_space<vmem>>) dst(%dma_wait3A_3784 : memref<32x128xf32, #tpu.memory_space<hbm>>)
    return
  }
}

</mosaic_0001>

<sc_bundles>
// kernel: kernel.3.cloned.1.call-start
scs
__scs_entry_jumppad:
0x0: {  	(pc) =	sbr.rel $0x88, $3  }
0x1: {  	(tag) =	ssettag $0x0;
	lr =	simm.s32 $0x1  }
0x2: {  	[smem:$0x3F9E] =	sst lr;
	_ =	strace $0xD0000000  }
0x3: {  	_ = 	snop  }
0x4: {  	_ = 	snop  }
0x5: {  	_ = 	snop  }
0x6: {  	_ = 	snop  }
0x7: {  	_ = 	snop  }
__scs_overlays_trampoline_lowered:
0x8: {  	[smem:$0x3FAD] =	sst s0  }
0x9: {  	[smem:$0x3FAE] =	sst s1  }
0xa: {  	[smem:$0x3FAF] =	sst s2  }
0xb: {  	[smem:$0x3FB0] =	sst s3  }
0xc: {  	[smem:$0x3FB1] =	sst s4  }
0xd: {  	[smem:$0x3FB2] =	sst s5  }
0xe: {  	[smem:$0x3FB3] =	sst s6  }
0xf: {  	[smem:$0x3FB4] =	sst s7  }
0x10: {  	[smem:$0x3FB5] =	sst s8  }
0x11: {  	[smem:$0x3FB6] =	sst s9;
	s0 =	simm.s32 @!p0 $0x0  }
0x12: {  	s1 =	sld [smem:$0x3F9C];
	s0 =	simm.s32 @p0 $0x1  }
0x13: {  	[smem:$0x3FB7] =	sst s0;
	s0 =	simm.s32 @!p1 $0x0  }
0x14: {  	s2 =	sld [smem:$0x3F9B];
	s0 =	simm.s32 @p1 $0x1  }
0x15: {  	[smem:$0x3FB8] =	sst s0;
	s0 =	simm.s32 @!p2 $0x0  }
0x16: {  	s3 =	sld [smem:$0x3FDB];
	s0 =	simm.s32 @p2 $0x1  }
0x17: {  	s4 =	simm.s32 $0x1BF5;
	[smem:$0x3FBA] =	sst s0  }
0x18: {  	s0 =	sld [smem:$0x3F9D];
	_ =	swait.ge [sflag:s4], $0x0  }
0x19: {  	s7 =	sld [smem:$0x3F9E]  }
0x1a: {  	s8 =	sadd.s32 $0xFFFFE003, lr  }
0x1b: {  	s9 =	sadd.s32 $0xFFFFFEF7, lr;
	s5 =	simm.s32 $0xFFFFFFFF;
	p2 =	slt.u32 s8, $0xFFFFF086  }
0x1c: {  	p1 =	slt.u32 s9, $0xF7A;
	s5 =	simm.s32 @!p2 $0x0  }
0x1d: {  	s5 =	simm.s32 @p1 $0x1;
	p0 =	seq.s32 s7, s2  }
0x1e: {  	s7 =	smul.u32 @!p0 $0xF7A, s2;
	p2 =	seq.s32 @!p0 s5, $0x0  }
0x1f: {  	s9 =	smul.u32 $0xF7A, s1;
	s8 =	simm.s32 @!p0 $0x1BF5;
	p2 =	por !p2, p0  }
0x20: {  	[sflag:s8] =	ssyncset.s32 @!p0 $0xFFFFF086;
	s6 =	sadd.s32 @!p0 s3, s7;
	s7 =	simm.s32 @!p0 $0x108  }
0x21: {  	s3 =	sadd.s32 s3, s9;
	s6 =	sadd.s32 @!p0 $0x88, s6;
	s7 =	simm.s32 @p2 $0x1082  }
0x22: {  	[simem:s7], [sflag:s8] =	dma.local @!p0 [hbm:s6], $0xF7A  }
0x23: {  	s9 =	sor.u32 $0xD0000000, s2;
	s6 =	simm.s32 $0x108;
	_ =	swait.ge @!p0 [sflag:s8], $0x0  }
0x24: {  	s3 =	sadd.s32 $0x88, s3;
	s6 =	simm.s32 @!p1 $0x1082;
	[sflag:s4] =	ssyncset.s32 $0xFFFFF086  }
0x25: {  	[simem:s6], [sflag:s4] =	dma.local [hbm:s3], $0xF7A  }
0x26: {  	[smem:$0x3F9E] =	sst s1;
	(tag) =	ssettag s2;
	_ =	strace s9  }
0x27: {  	s1 =	sld [smem:$0x3FAE]  }
0x28: {  	s2 =	sld [smem:$0x3FAF]  }
0x29: {  	s4 =	sld [smem:$0x3FB1]  }
0x2a: {  	p0 =	seq.s32 s5, $0x0;
	s5 =	sld [smem:$0x3FB2]  }
0x2b: {  	s6 =	sld [smem:$0x3FB3]  }
0x2c: {  	s7 =	sld [smem:$0x3FB4]  }
0x2d: {  	s3 =	simm.s32 $0x108;
	s8 =	sld [smem:$0x3FB5]  }
0x2e: {  	s3 =	simm.s32 @!p0 $0x1082;
	s9 =	sld [smem:$0x3FB6]  }
0x2f: {  	lr =	sadd.s32 s0, s3;
	s0 =	sld [smem:$0x3FAD]  }
0x30: {  	s3 =	sld [smem:$0x3FB0]  }
0x31: {  	[smem:$0x3FB9] =	sst s10  }
0x32: {  	s10 =	sld [smem:$0x3FB7];
	_ =	sdelay $0x3  }
0x33: {  	p0 =	seq.s32 s10, $0x1;
	s10 =	sld [smem:$0x3FB9];
	_ =	sdelay $0x3  }
0x34: {  	[smem:$0x3FB9] =	sst s10  }
0x35: {  	s10 =	sld [smem:$0x3FB8];
	_ =	sdelay $0x3  }
0x36: {  	p1 =	seq.s32 s10, $0x1;
	s10 =	sld [smem:$0x3FB9];
	_ =	sdelay $0x3  }
0x37: {  	[smem:$0x3FB9] =	sst s10  }
0x38: {  	s10 =	sld [smem:$0x3FBA]  }
0x39: {  	_ = 	snop;
	(pc) =	sbr.ind lr, $3  }
0x3a: {  	_ = 	snop  }
0x3b: {  	_ = 	snop  }
0x3c: {  	p2 =	seq.s32 s10, $0x1;
	s10 =	sld [smem:$0x3FB9]  }
0x3d: {  	_ =	shalt  }
0x3e: {  	_ =	shalt  }
0x3f: {  	_ =	shalt  }
0x40: {  	_ =	shalt  }
0x41: {  	_ =	shalt  }
0x42: {  	_ =	shalt  }
0x43: {  	_ =	shalt  }
0x44: {  	_ =	shalt  }
0x45: {  	_ =	shalt  }
0x46: {  	_ =	shalt  }
0x47: {  	_ =	shalt  }
0x48: {  	_ =	shalt  }
0x49: {  	_ =	shalt  }
0x4a: {  	_ =	shalt  }
0x4b: {  	_ =	shalt  }
0x4c: {  	_ =	shalt  }
0x4d: {  	_ =	shalt  }
0x4e: {  	_ =	shalt  }
0x4f: {  	_ =	shalt  }
0x50: {  	_ =	shalt  }
0x51: {  	_ =	shalt  }
0x52: {  	_ =	shalt  }
0x53: {  	_ =	shalt  }
0x54: {  	_ =	shalt  }
0x55: {  	_ =	shalt  }
0x56: {  	_ =	shalt  }
0x57: {  	_ =	shalt  }
0x58: {  	_ =	shalt  }
0x59: {  	_ =	shalt  }
0x5a: {  	_ =	shalt  }
0x5b: {  	_ =	shalt  }
0x5c: {  	_ =	shalt  }
0x5d: {  	_ =	shalt  }
0x5e: {  	_ =	shalt  }
0x5f: {  	_ =	shalt  }
0x60: {  	_ =	shalt  }
0x61: {  	_ =	shalt  }
0x62: {  	_ =	shalt  }
0x63: {  	_ =	shalt  }
0x64: {  	_ =	shalt  }
0x65: {  	_ =	shalt  }
0x66: {  	_ =	shalt  }
0x67: {  	_ =	shalt  }
0x68: {  	_ =	shalt  }
0x69: {  	_ =	shalt  }
0x6a: {  	_ =	shalt  }
0x6b: {  	_ =	shalt  }
0x6c: {  	_ =	shalt  }
0x6d: {  	_ =	shalt  }
0x6e: {  	_ =	shalt  }
0x6f: {  	_ =	shalt  }
0x70: {  	_ =	shalt  }
0x71: {  	_ =	shalt  }
0x72: {  	_ =	shalt  }
0x73: {  	_ =	shalt  }
0x74: {  	_ =	shalt  }
0x75: {  	_ =	shalt  }
0x76: {  	_ =	shalt  }
0x77: {  	_ =	shalt  }
0x78: {  	_ =	shalt  }
0x79: {  	_ =	shalt  }
0x7a: {  	_ =	shalt  }
0x7b: {  	_ =	shalt  }
0x7c: {  	_ =	shalt  }
0x7d: {  	_ =	shalt  }
0x7e: {  	_ =	shalt  }
0x7f: {  	_ =	shalt  }
0x80: {  	_ =	shalt  }
0x81: {  	_ =	shalt  }
0x82: {  	_ =	shalt  }
0x83: {  	_ =	shalt  }
0x84: {  	_ =	shalt  }
0x85: {  	_ =	shalt  }
0x86: {  	_ =	shalt  }
0x87: {  	_ =	shalt  }
.Lfunc_end0:
.L_simem_size_0:
called_computation_lowered:
.L_overlay_start_0:
0x88: {  	s2 =	sld [smem:$0x3FD9]  }
0x89: {  	s3 =	sld [smem:$0x3FFE];
	_ =	sdelay $0x1  }
0x8a: {  	s1 =	srdreg.scid  }
0x8b: {  	s0 =	sand.u32 $0x1, s1  }
0x8c: {  	s18 =	sshll.u32 s0, $0xA;
	s2 =	sadd.s32 s3, s2  }
0x8d: {  	s2 =	sadd.s32 s2, s18  }
0x8e: {  	[smem:$0x3FC5] =	sst s2  }
0x8f: {  	_ = 	snop  }
0x90: {  	s2 =	sld [smem:$0x3FC9]  }
0x91: {  	s19 =	sld [smem:$0x3FC8]  }
0x92: {  	s4 =	sld [smem:$0x3FC7]  }
0x93: {  	s5 =	sld [smem:$0x3FD0];
	(tm) =	ssettm $0x1  }
0x94: {  	s6 =	sld [smem:$0x3FFB];
	_ =	sdelay $0x3  }
0x95: {  	_ =	strace s6  }
0x96: {  	s6 =	sld [smem:$0x3FFC];
	_ =	sdelay $0x3  }
0x97: {  	_ =	strace s6  }
0x98: {  	s6 =	sld [smem:$0x3FFD];
	_ =	sdelay $0x3  }
0x99: {  	_ =	strace s6  }
0x9a: {  	_ =	strace $0x8FFFFFFF  }
0x9b: {  	s20 =	sld [smem:$0x3FDB];
	_ =	sdelay $0x1  }
0x9c: {  	s7 =	simm.s32 $_scs_section_size  }
0x9d: {  	s8 =	simm.s32 $_size__tile_overlayer_lowered;
	s9 =	simm.s32 $_tile_overlayer_lowered  }
0x9e: {  	s23 =	simm.s32 $0x1BFF;
	s22 =	sshll.u32 s9, $0x1;
	s6 =	sadd.s32 s7, s20  }
0x9f: {  	s10 =	simm.s32 $0x0;
	s21 =	sshll.u32 s8, $0x1;
	s8 =	sadd.s32 s22, s6  }
0xa0: {  	[timem:s10], [sflag:s23] =	dma.local [hbm:s8], s21  }
0xa1: {  	_ =	swait.ge [sflag:s23], s21  }
0xa2: {  	s7 =	ssub.s32 $0x0, s21;
	[sflag:s23] =	ssyncset.done $0x0  }
0xa3: {  	[sflag:s23] =	ssyncadd.s32 s7;
	_ =	sdelay $0x1  }
0xa4: {  	s24 =	simm.s32 $0x1B8B  }
0xa5: {  	_ =	swait.ge [sflag:s24], $0x1  }
0xa6: {  	[sflag:s24] =	ssyncset.done $0x0  }
0xa7: {  	s25 =	simm.s32 $0x1B8E;
	[sflag:s24] =	ssyncadd.s32 $0xFFFFFFFF  }
0xa8: {  	s26 =	simm.s32 $execute0_lowered;
	[smem:$0x3FD2] =	sst s25  }
0xa9: {  	s7 =	sshll.u32 s26, $0x1;
	_ =	strace $0x80000046;
	[dreg:$0x1] =	wrdreg $0xFFFFFFFF  }
0xaa: {  	s28 =	simm.s32 $_size_execute0_lowered;
	s6 =	sadd.s32 s6, s7;
	[dreg:$0x0] =	wrdreg $0x0  }
0xab: {  	s7 =	sshll.u32 s28, $0x1;
	[dreg:$0x2] =	wrdreg s6  }
0xac: {  	[dreg:$0x3] =	wrdreg s7  }
0xad: {  	[dreg:$0x4] =	wrdreg $0xC0  }
0xae: {  	_ =	task [dreg:s10], $0x5FFFF  }
0xaf: {  	[dreg:$0x1] =	wrdreg $0xFFFFFFFF  }
0xb0: {  	[dreg:$0x0] =	wrdreg $0x60  }
0xb1: {  	[dreg:$0x2] =	wrdreg s2  }
0xb2: {  	[dreg:$0x3] =	wrdreg s19  }
0xb3: {  	[dreg:$0x4] =	wrdreg s4  }
0xb4: {  	[dreg:$0x5] =	wrdreg s5  }
0xb5: {  	[dreg:$0x6] =	wrdreg $0x9  }
0xb6: {  	_ =	task.clear_ibuf [dreg:s10], $0x7FFFF;
	_ =	strace $0x90000046  }
0xb7: {  	s29 =	simm.s32 $0x9;
	_ =	strace $0x80000048  }
0xb8: {  	_ =	swait.ge [sflag:s29], $0x1  }
0xb9: {  	[sflag:s29] =	ssyncadd.s32 $0xFFFFFFFF  }
0xba: {  	_ =	strace $0x90000048  }
0xbb: {  	_ =	sfence  }
0xbc: {  	s30 =	sld [smem:$0x0];
	_ =	sdelay $0x2  }
0xbd: {  	s31 =	sshll.u32 s1, $0xD;
	s1 =	sshrl.u32 s1, $0x2  }
0xbe: {  	s3 =	sand.u32 $0x4000, s31;
	s1 =	sadd.s32 s1, s30  }
0xbf: {  	s0 =	sor.u32 s3, s0;
	s1 =	sshll.u32 s1, $0x11  }
0xc0: {  	s0 =	sor.u32 s1, s0  }
0xc1: {  	s0 =	sadd.s32 $0x8F2B, s0  }
0xc2: {  	[sflag:s0] =	ssyncadd.remote.s32 $0x1  }
0xc3: {  	_ =	sfence.sel $0xFFFF  }
0xc4: {  	[dreg:$0x0] =	wrdreg $0xFFFFFFFF;
	(pc) =	sbr.abs _section_cstart, $3  }
0xc5: {  	[dreg:$0x1] =	wrdreg $0xFFFFFFFF  }
0xc6: {  	_ =	task.clear_ibuf [dreg:s10], $0x2FFFF;
	_ =	strace $0x9FFFFFFF  }
0xc7: {  	(tm) =	ssettm $0x7FFFFFFF  }
tec
execute0_lowered:
.L_overlay_start_1:
0x0: {  	(tag) =	ssettag $0x1  }
0x1: {  	s0 =	srdreg.scid  }
0x2: {  	s1 =	stileid.u32;
	s3 =	sand.u32 $0x1, s0  }
0x3: {  	s2 =	sshll.u32 s1, $0x6;
	s0 =	sshll.u32 s3, $0x5  }
0x4: {  	s0 =	sor.u32 s0, s2  }
0x5: {  	v0 =	vmov s0  }
0x6: {  	v1 =	vlaneseq.u32;
	v0 =	vmul.u32 $0x3E8, v0  }
0x7: {  	v33 =	vmul.u32 $0x3E8, v1  }
0x8: {  	v35 =	vbroadcast v0, $0x0  }
0x9: {  	v0 =	vadd.s32 $0x3E80, v33  }
0xa: {  	v0 =	vadd.s32 v0, v35  }
0xb: {  	[tilespmem:$0x1FD40] =	vst v0;
	v0 =	vadd.s32 $0x14, v33  }
0xc: {  	v1 =	vadd.s32 $0x3E94, v33;
	v0 =	vadd.s32 v0, v35  }
0xd: {  	[tilespmem:$0x1FD50] =	vst v0;
	v0 =	vadd.s32 v1, v35  }
0xe: {  	[tilespmem:$0x1FD60] =	vst v0;
	v0 =	vadd.s32 $0x28, v33  }
0xf: {  	v0 =	vadd.s32 v0, v35  }
0x10: {  	[tilespmem:$0x1FD70] =	vst v0;
	v0 =	vadd.s32 $0x3EA8, v33  }
0x11: {  	v1 =	vadd.s32 $0x3C, v33;
	v0 =	vadd.s32 v0, v35  }
0x12: {  	[tilespmem:$0x1FD80] =	vst v0;
	v0 =	vadd.s32 v1, v35  }
0x13: {  	[tilespmem:$0x1FD90] =	vst v0;
	v0 =	vadd.s32 $0x3EBC, v33  }
0x14: {  	v0 =	vadd.s32 v0, v35  }
0x15: {  	[tilespmem:$0x1FDA0] =	vst v0;
	v0 =	vadd.s32 $0x50, v33  }
0x16: {  	v1 =	vadd.s32 $0x3ED0, v33;
	v0 =	vadd.s32 v0, v35  }
0x17: {  	[tilespmem:$0x1FDB0] =	vst v0;
	v0 =	vadd.s32 v1, v35  }
0x18: {  	[tilespmem:$0x1FDC0] =	vst v0;
	v0 =	vadd.s32 $0x64, v33  }
0x19: {  	v0 =	vadd.s32 v0, v35  }
0x1a: {  	[tilespmem:$0x1FDD0] =	vst v0;
	v0 =	vadd.s32 $0x3EE4, v33  }
0x1b: {  	v1 =	vadd.s32 $0x78, v33;
	v0 =	vadd.s32 v0, v35  }
0x1c: {  	[tilespmem:$0x1FDE0] =	vst v0;
	v0 =	vadd.s32 v1, v35  }
0x1d: {  	[tilespmem:$0x1FDF0] =	vst v0;
	v0 =	vadd.s32 $0x3EF8, v33  }
0x1e: {  	v0 =	vadd.s32 v0, v35  }
0x1f: {  	[tilespmem:$0x1FE00] =	vst v0;
	v0 =	vadd.s32 $0x8C, v33  }
0x20: {  	v1 =	vadd.s32 $0x3F0C, v33;
	v0 =	vadd.s32 v0, v35  }
0x21: {  	[tilespmem:$0x1FE10] =	vst v0;
	v0 =	vadd.s32 v1, v35  }
0x22: {  	[tilespmem:$0x1FE20] =	vst v0;
	v0 =	vadd.s32 $0xA0, v33  }
0x23: {  	v0 =	vadd.s32 v0, v35  }
0x24: {  	[tilespmem:$0x1FE30] =	vst v0;
	v0 =	vadd.s32 $0x3F20, v33  }
0x25: {  	v1 =	vadd.s32 $0xB4, v33;
	v0 =	vadd.s32 v0, v35  }
0x26: {  	[tilespmem:$0x1FE40] =	vst v0;
	v0 =	vadd.s32 v1, v35  }
0x27: {  	[tilespmem:$0x1FE50] =	vst v0;
	v0 =	vadd.s32 $0x3F34, v33  }
0x28: {  	v0 =	vadd.s32 v0, v35  }
0x29: {  	[tilespmem:$0x1FE60] =	vst v0;
	v0 =	vadd.s32 $0xC8, v33  }
0x2a: {  	v1 =	vadd.s32 $0x3F48, v33;
	v0 =	vadd.s32 v0, v35  }
0x2b: {  	[tilespmem:$0x1FE70] =	vst v0;
	v0 =	vadd.s32 v1, v35  }
0x2c: {  	[tilespmem:$0x1FE80] =	vst v0;
	v0 =	vadd.s32 $0xDC, v33  }
0x2d: {  	v0 =	vadd.s32 v0, v35  }
0x2e: {  	[tilespmem:$0x1FE90] =	vst v0;
	v0 =	vadd.s32 $0x3F5C, v33  }
0x2f: {  	v1 =	vadd.s32 $0xF0, v33;
	v0 =	vadd.s32 v0, v35  }
0x30: {  	[tilespmem:$0x1FEA0] =	vst v0;
	v0 =	vadd.s32 v1, v35  }
0x31: {  	[tilespmem:$0x1FEB0] =	vst v0;
	v0 =	vadd.s32 $0x3F70, v33  }
0x32: {  	v0 =	vadd.s32 v0, v35  }
0x33: {  	[tilespmem:$0x1FEC0] =	vst v0;
	v0 =	vadd.s32 $0x104, v33  }
0x34: {  	v1 =	vadd.s32 $0x3F84, v33;
	v0 =	vadd.s32 v0, v35  }
0x35: {  	[tilespmem:$0x1FED0] =	vst v0;
	v0 =	vadd.s32 v1, v35  }
0x36: {  	[tilespmem:$0x1FEE0] =	vst v0;
	v0 =	vadd.s32 $0x118, v33  }
0x37: {  	v0 =	vadd.s32 v0, v35  }
0x38: {  	[tilespmem:$0x1FEF0] =	vst v0;
	v0 =	vadd.s32 $0x3F98, v33  }
0x39: {  	v1 =	vadd.s32 $0x12C, v33;
	v0 =	vadd.s32 v0, v35  }
0x3a: {  	[tilespmem:$0x1FF00] =	vst v0;
	v0 =	vadd.s32 v1, v35  }
0x3b: {  	[tilespmem:$0x1FF10] =	vst v0;
	v0 =	vadd.s32 $0x3FAC, v33  }
0x3c: {  	v0 =	vadd.s32 v0, v35  }
0x3d: {  	[tilespmem:$0x1FF20] =	vst v0;
	v0 =	vadd.s32 $0x140, v33  }
0x3e: {  	v1 =	vadd.s32 $0x3FC0, v33;
	v0 =	vadd.s32 v0, v35  }
0x3f: {  	[tilespmem:$0x1FF30] =	vst v0;
	v0 =	vadd.s32 v1, v35  }
0x40: {  	[tilespmem:$0x1FF40] =	vst v0;
	v0 =	vadd.s32 $0x154, v33  }
0x41: {  	v0 =	vadd.s32 v0, v35  }
0x42: {  	[tilespmem:$0x1FF50] =	vst v0;
	v0 =	vadd.s32 $0x3FD4, v33  }
0x43: {  	v1 =	vadd.s32 $0x168, v33;
	v0 =	vadd.s32 v0, v35  }
0x44: {  	[tilespmem:$0x1FF60] =	vst v0;
	v0 =	vadd.s32 v1, v35  }
0x45: {  	[tilespmem:$0x1FF70] =	vst v0;
	v0 =	vadd.s32 $0x3FE8, v33  }
0x46: {  	v0 =	vadd.s32 v0, v35  }
0x47: {  	[tilespmem:$0x1FF80] =	vst v0;
	v0 =	vadd.s32 $0x17C, v33  }
0x48: {  	v1 =	vadd.s32 $0x3FFC, v33;
	v0 =	vadd.s32 v0, v35  }
0x49: {  	[tilespmem:$0x1FF90] =	vst v0;
	v0 =	vadd.s32 v1, v35  }
0x4a: {  	[tilespmem:$0x1FFA0] =	vst v0;
	v0 =	vadd.s32 $0x190, v33  }
0x4b: {  	v0 =	vadd.s32 v0, v35  }
0x4c: {  	[tilespmem:$0x1FFB0] =	vst v0;
	v0 =	vadd.s32 $0x4010, v33  }
0x4d: {  	v1 =	vadd.s32 $0x1A4, v33;
	v0 =	vadd.s32 v0, v35  }
0x4e: {  	[tilespmem:$0x1FFC0] =	vst v0;
	v0 =	vadd.s32 v1, v35  }
0x4f: {  	[tilespmem:$0x1FFD0] =	vst v0;
	v0 =	vadd.s32 $0x4024, v33  }
0x50: {  	s16 =	rddreg [dreg:$0x0];
	v0 =	vadd.s32 v0, v35  }
0x51: {  	s5 =	rddreg [dreg:$0x1];
	s2 =	sand.u32 $0x380, s2;
	[tilespmem:$0x1FFE0] =	vst v0;
	v0 =	vadd.s32 $0x1B8, v33  }
0x52: {  	s8 =	rddreg [dreg:$0x3];
	s4 =	simm.s32 $0x0;
	s5 =	sadd.s32 s5, s2;
	v0 =	vadd.s32 v0, v35  }
0x53: {  	[smem:$0x7FF] =	sst s4;
	s17 =	sshll.u32 s0, $0x4;
	s18 =	sadd.s32 $0x1800, s5;
	[tilespmem:$0x1FFF0] =	vst v0  }
0x54: {  	s2 =	sadd.s32 s8, s17;
	_ =	strace $0x80000047;
	[dreg:$0x5] =	wrdreg s5  }
0x55: {  	s19 =	sadd.s32 $0x4000, s2;
	[smem:$0x7E3] =	sst s18  }
0x56: {  	s20 =	sadd.s32 $0x8000, s2;
	[dreg:$0x6] =	wrdreg s19  }
0x57: {  	s21 =	sadd.s32 $0xC000, s2;
	[dreg:$0x7] =	wrdreg s20  }
0x58: {  	s22 =	sadd.s32 $0x10000, s2;
	[dreg:$0x8] =	wrdreg s21  }
0x59: {  	s23 =	sadd.s32 $0x14000, s2;
	[dreg:$0x9] =	wrdreg s22  }
0x5a: {  	s24 =	sadd.s32 $0x18000, s2;
	[dreg:$0xa] =	wrdreg s23  }
0x5b: {  	s25 =	sadd.s32 $0x1C000, s2;
	[dreg:$0xb] =	wrdreg s24  }
0x5c: {  	s26 =	sadd.s32 $0x20000, s2;
	[dreg:$0xc] =	wrdreg s25  }
0x5d: {  	s1 =	sadd.s32 $0x24000, s2;
	[dreg:$0xd] =	wrdreg s26  }
0x5e: {  	s7 =	sadd.s32 $0x2C000, s2;
	[dreg:$0xe] =	wrdreg s1  }
0x5f: {  	s8 =	sadd.s32 $0x30000, s2;
	[dreg:$0x10] =	wrdreg s7  }
0x60: {  	s9 =	sadd.s32 $0x34000, s2;
	[dreg:$0x11] =	wrdreg s8  }
0x61: {  	s3 =	ssub.s32 $0x2, s3;
	s10 =	sadd.s32 $0x38000, s2;
	[dreg:$0x12] =	wrdreg s9  }
0x62: {  	s6 =	sshrl.u32 s3, $0x1;
	s11 =	sadd.s32 $0x3C000, s2;
	[dreg:$0x13] =	wrdreg s10  }
0x63: {  	s3 =	ssub.s32 s3, s6;
	s12 =	sadd.s32 $0x40000, s2;
	[dreg:$0x14] =	wrdreg s11  }
0x64: {  	s13 =	smax.u32 s3, $0x1;
	[dreg:$0x15] =	wrdreg s12  }
0x65: {  	s14 =	sadd.s32 $0x44000, s2;
	[dreg:$0x16] =	wrdreg s13  }
0x66: {  	s15 =	sadd.s32 $0x48000, s2;
	[dreg:$0x17] =	wrdreg s14  }
0x67: {  	s17 =	sadd.s32 $0x4C000, s2;
	[dreg:$0x18] =	wrdreg s15  }
0x68: {  	v2 =	vadd.s32 $0x4114, v33;
	v3 =	vadd.s32 $0x2A8, v33;
	v4 =	vadd.s32 $0x4128, v33;
	s3 =	sadd.s32 $0x78000, s2;
	[dreg:$0x19] =	wrdreg s17  }
0x69: {  	v5 =	vadd.s32 $0x2BC, v33;
	v6 =	vadd.s32 $0x413C, v33;
	v7 =	vadd.s32 $0x2D0, v33;
	[smem:$0x7E8] =	sst s3  }
0x6a: {  	v8 =	vadd.s32 $0x4150, v33;
	v9 =	vadd.s32 $0x2E4, v33;
	v10 =	vadd.s32 $0x4164, v33;
	s5 =	sadd.s32 $0x28000, s2;
	[smem:$0x7FC] =	sst s2  }
0x6b: {  	v11 =	vadd.s32 $0x2F8, v33;
	v12 =	vadd.s32 $0x4178, v33;
	v13 =	vadd.s32 $0x30C, v33;
	s18 =	sadd.s32 $0x50000, s2;
	[dreg:$0xf] =	wrdreg s5  }
0x6c: {  	v14 =	vadd.s32 $0x418C, v33;
	v15 =	vadd.s32 $0x320, v33;
	v16 =	vadd.s32 $0x41A0, v33;
	s19 =	sadd.s32 $0x54000, s2;
	[dreg:$0x1a] =	wrdreg s18  }
0x6d: {  	v17 =	vadd.s32 $0x334, v33;
	v18 =	vadd.s32 $0x41B4, v33;
	v19 =	vadd.s32 $0x348, v33;
	s20 =	sadd.s32 $0x58000, s2;
	[dreg:$0x1b] =	wrdreg s19  }
0x6e: {  	v20 =	vadd.s32 $0x41C8, v33;
	v21 =	vadd.s32 $0x35C, v33;
	v22 =	vadd.s32 $0x41DC, v33;
	s21 =	sadd.s32 $0x5C000, s2;
	[dreg:$0x1c] =	wrdreg s20  }
0x6f: {  	v23 =	vadd.s32 $0x370, v33;
	v24 =	vadd.s32 $0x41F0, v33;
	v25 =	vadd.s32 $0x384, v33;
	s22 =	sadd.s32 $0x60000, s2;
	[dreg:$0x1d] =	wrdreg s21  }
0x70: {  	v26 =	vadd.s32 $0x4204, v33;
	v27 =	vadd.s32 $0x398, v33;
	v28 =	vadd.s32 $0x4218, v33;
	s23 =	sadd.s32 $0x64000, s2;
	[dreg:$0x1e] =	wrdreg s22  }
0x71: {  	v29 =	vadd.s32 $0x3AC, v33;
	v30 =	vadd.s32 $0x422C, v33;
	v31 =	vadd.s32 $0x3C0, v33;
	s24 =	sadd.s32 $0x68000, s2;
	[dreg:$0x1f] =	wrdreg s23  }
0x72: {  	v34 =	vadd.s32 $0x4240, v33;
	v36 =	vadd.s32 $0x3D4, v33;
	v37 =	vadd.s32 $0x4254, v33;
	s25 =	sadd.s32 $0x6C000, s2;
	[smem:$0x7E4] =	sst s24  }
0x73: {  	v2 =	vadd.s32 v2, v35;
	v3 =	vadd.s32 v3, v35;
	v4 =	vadd.s32 v4, v35;
	s26 =	sadd.s32 $0x70000, s2;
	[smem:$0x7E5] =	sst s25  }
0x74: {  	v5 =	vadd.s32 v5, v35;
	v6 =	vadd.s32 v6, v35;
	v7 =	vadd.s32 v7, v35;
	s1 =	sadd.s32 $0x74000, s2;
	[smem:$0x7E6] =	sst s26  }
0x75: {  	v8 =	vadd.s32 v8, v35;
	v9 =	vadd.s32 v9, v35;
	v10 =	vadd.s32 v10, v35;
	s7 =	sadd.s32 $0x80000, s2;
	[smem:$0x7E7] =	sst s1  }
0x76: {  	v11 =	vadd.s32 v11, v35;
	v12 =	vadd.s32 v12, v35;
	v13 =	vadd.s32 v13, v35;
	s8 =	sadd.s32 $0x84000, s2;
	[smem:$0x7EA] =	sst s7  }
0x77: {  	v14 =	vadd.s32 v14, v35;
	v15 =	vadd.s32 v15, v35;
	v16 =	vadd.s32 v16, v35;
	s9 =	sadd.s32 $0x88000, s2;
	[smem:$0x7EB] =	sst s8  }
0x78: {  	v17 =	vadd.s32 v17, v35;
	v18 =	vadd.s32 v18, v35;
	v19 =	vadd.s32 v19, v35;
	s10 =	sadd.s32 $0x8C000, s2;
	[smem:$0x7EC] =	sst s9  }
0x79: {  	v20 =	vadd.s32 v20, v35;
	v21 =	vadd.s32 v21, v35;
	v22 =	vadd.s32 v22, v35;
	s11 =	sadd.s32 $0x90000, s2;
	[smem:$0x7ED] =	sst s10  }
0x7a: {  	v23 =	vadd.s32 v23, v35;
	v24 =	vadd.s32 v24, v35;
	v25 =	vadd.s32 v25, v35;
	s12 =	sadd.s32 $0x94000, s2;
	[smem:$0x7EE] =	sst s11  }
0x7b: {  	v26 =	vadd.s32 v26, v35;
	v27 =	vadd.s32 v27, v35;
	v28 =	vadd.s32 v28, v35;
	s13 =	sadd.s32 $0x98000, s2;
	[smem:$0x7EF] =	sst s12  }
0x7c: {  	v29 =	vadd.s32 v29, v35;
	v30 =	vadd.s32 v30, v35;
	v1 =	vadd.s32 $0x4038, v33;
	s14 =	sadd.s32 $0x9C000, s2;
	[smem:$0x7F0] =	sst s13  }
0x7d: {  	s31 =	simm.s32 $0x0;
	v31 =	vadd.s32 v31, v35;
	v44 =	vadd.s32 v1, v35;
	v1 =	vadd.s32 $0x1E0, v33;
	s15 =	sadd.s32 $0xA0000, s2;
	[smem:$0x7F1] =	sst s14  }
0x7e: {  	s28 =	simm.s32 $0xA100;
	v32 =	vadd.s32 v33, v35;
	v47 =	vadd.s32 v1, v35;
	v0 =	vadd.s32 $0x1CC, v33;
	s17 =	sadd.s32 $0xA4000, s2;
	[smem:$0x7F2] =	sst s15  }
0x7f: {  	s29 =	simm.s32 $0xB100;
	v1 =	vadd.s32 $0x4074, v33;
	v45 =	vadd.s32 v0, v35;
	v0 =	vadd.s32 $0x404C, v33;
	s5 =	sadd.s32 $0x7C000, s2;
	[smem:$0x7F3] =	sst s17  }
0x80: {  	s30 =	simm.s32 $0xE100;
	v50 =	vadd.s32 v1, v35;
	v46 =	vadd.s32 v0, v35;
	v0 =	vadd.s32 $0x4060, v33;
	s18 =	sadd.s32 $0xA8000, s2;
	[smem:$0x7E9] =	sst s5  }
0x81: {  	s6 =	sand.u32 $0x60, s0;
	v1 =	vadd.s32 $0x21C, v33;
	s19 =	sadd.s32 $0xAC000, s2;
	v48 =	vadd.s32 v0, v35;
	v0 =	vadd.s32 $0x1F4, v33;
	[smem:$0x7F4] =	sst s18  }
0x82: {  	v53 =	vadd.s32 v1, v35;
	s20 =	sadd.s32 $0xB0000, s2;
	s21 =	sadd.s32 $0xB4000, s2;
	[smem:$0x7F5] =	sst s19;
	v49 =	vadd.s32 v0, v35;
	v0 =	vadd.s32 $0x208, v33  }
0x83: {  	v1 =	vadd.s32 $0x40B0, v33;
	s22 =	sadd.s32 $0xB8000, s2;
	s23 =	sadd.s32 $0xBC000, s2;
	[smem:$0x7F6] =	sst s20;
	v51 =	vadd.s32 v0, v35;
	v0 =	vadd.s32 $0x4088, v33  }
0x84: {  	v56 =	vadd.s32 v1, v35;
	s24 =	sadd.s32 $0xC0000, s2;
	s25 =	sadd.s32 $0xC4000, s2;
	[smem:$0x7F7] =	sst s21;
	v52 =	vadd.s32 v0, v35;
	v0 =	vadd.s32 $0x409C, v33  }
0x85: {  	v1 =	vadd.s32 $0x258, v33;
	s26 =	sadd.s32 $0xC8000, s2;
	s7 =	simm.s32 $0x2000;
	[smem:$0x7F8] =	sst s22;
	v54 =	vadd.s32 v0, v35;
	v0 =	vadd.s32 $0x230, v33  }
0x86: {  	v59 =	vadd.s32 v1, v35;
	s14 =	simm.s32 $0xA0;
	s15 =	simm.s32 $0x2100;
	[smem:$0x7F9] =	sst s23;
	v55 =	vadd.s32 v0, v35;
	v0 =	vadd.s32 $0x244, v33  }
0x87: {  	v1 =	vadd.s32 $0x40EC, v33;
	s9 =	simm.s32 $0x7100;
	s10 =	simm.s32 $0x11100;
	[smem:$0x7FA] =	sst s24;
	v57 =	vadd.s32 v0, v35;
	v0 =	vadd.s32 $0x40C4, v33  }
0x88: {  	v62 =	vadd.s32 v1, v35;
	s8 =	simm.s32 $0x16100;
	s17 =	simm.s32 $0x15100;
	[smem:$0x7FB] =	sst s25;
	v58 =	vadd.s32 v0, v35;
	v0 =	vadd.s32 $0x40D8, v33  }
0x89: {  	v1 =	vadd.s32 $0x294, v33;
	s13 =	simm.s32 $0x19100;
	s1 =	simm.s32 $0x1A100;
	[smem:$0x7FD] =	sst s26;
	v60 =	vadd.s32 v0, v35;
	v0 =	vadd.s32 $0x26C, v33  }
0x8a: {  	v1 =	vadd.s32 v1, v35;
	s19 =	simm.s32 $0xC100;
	s22 =	simm.s32 $0x2;
	s25 =	simm.s32 $0x1;
	v61 =	vadd.s32 v0, v35;
	v0 =	vadd.s32 $0x280, v33  }
0x8b: {  	s18 =	simm.s32 $0x6100;
	s20 =	simm.s32 $0x8100;
	s26 =	simm.s32 $0x9100;
	v63 =	vadd.s32 v0, v35;
	v0 =	vadd.s32 $0x4100, v33;
	v33 =	vadd.s32 v34, v35  }
0x8c: {  	s23 =	simm.s32 $0x10100;
	s24 =	simm.s32 $0x11100;
	s21 =	simm.s32 $0x18100;
	v34 =	vadd.s32 v36, v35;
	v0 =	vadd.s32 v0, v35;
	v35 =	vadd.s32 v37, v35  }
.LBB2_1:
0x8d: {  	s3 =	rddreg [dreg:$0x5]  }
0x8e: {  	s11 =	simm.s32 $0x400;
	s5 =	sld [smem:$0x7E3]  }
0x8f: {  	[tilespmem:s4], [sflag:$0x3] =	stream.strided.gather [hbm4b:s3+s11], $0x1800, s7, s11, $0x38;
	[tilespmem:$0x1C100] =	vst v63  }
0x90: {  	s3 =	simm.s32 $0x1800  }
0x91: {  	[tilespmem:s3], [sflag:$0x3] =	stream.strided.gather [hbm4b:s5+s11], $0x0, s7, s11, $0x38;
	[tilespmem:$0x1C100] =	vst v63  }
0x92: {  	_ = 	snop  }
0x93: {  	[tilespmem:s3], [sflag:$0x3] =	stream.linear.gather [hbm4b:s5+s4], $0x100, $0x38;
	[tilespmem:$0x1C100] =	vst v63  }
0x94: {  	s0 =	simm.s32 $0x1B100;
	s11 =	simm.s32 $0x3;
	s5 =	rddreg [dreg:$0x2]  }
0x95: {  	[tilespmem:s0], [sflag:$0x2] =	stream.linear.gather [hbm4b:s5+s4], $0x80, $0x38;
	[tilespmem:$0x1C100] =	vst v63  }
0x96: {  	_ =	swait.ge [sflag:s11], $0x1800  }
0x97: {  	[sflag:s11] =	ssyncset.done $0x0  }
0x98: {  	[sflag:s11] =	ssyncadd.s32 $0xFFFFE800  }
0x99: {  	_ =	swait.ge [sflag:s11], $0x100  }
0x9a: {  	[sflag:s11] =	ssyncset.done $0x0  }
0x9b: {  	[sflag:s11] =	ssyncadd.s32 $0xFFFFFF00  }
0x9c: {  	v36 =	vld [tilespmem:s6+$0x0];
	_ =	sdelay $0x4  }
0x9d: {  	v36 =	vadd.s32 v36, v32  }
0x9e: {  	v37 =	vld [tilespmem:$0x1FD40];
	[tilespmem:$0x1C00] =	vst v36  }
0x9f: {  	v36 =	vld [tilespmem:s6+$0x10];
	_ =	sdelay $0x4  }
0xa0: {  	v36 =	vadd.s32 v36, v37  }
0xa1: {  	v42 =	vld [tilespmem:$0x1FD50];
	[tilespmem:$0x1C10] =	vst v36  }
0xa2: {  	v36 =	vld [tilespmem:s6+$0x80];
	_ =	sdelay $0x4  }
0xa3: {  	v36 =	vadd.s32 v36, v42  }
0xa4: {  	v43 =	vld [tilespmem:$0x1FD60];
	[tilespmem:$0x1C20] =	vst v36  }
0xa5: {  	v36 =	vld [tilespmem:s6+$0x90];
	_ =	sdelay $0x4  }
0xa6: {  	v36 =	vadd.s32 v36, v43  }
0xa7: {  	v40 =	vld [tilespmem:$0x1FD70];
	[tilespmem:$0x1C30] =	vst v36  }
0xa8: {  	v36 =	vld [tilespmem:s6+$0x100];
	_ =	sdelay $0x4  }
0xa9: {  	v36 =	vadd.s32 v36, v40  }
0xaa: {  	v41 =	vld [tilespmem:$0x1FD80];
	[tilespmem:$0x1C40] =	vst v36  }
0xab: {  	v36 =	vld [tilespmem:s6+$0x110];
	_ =	sdelay $0x4  }
0xac: {  	v36 =	vadd.s32 v36, v41  }
0xad: {  	v42 =	vld [tilespmem:$0x1FD90];
	[tilespmem:$0x1C50] =	vst v36  }
0xae: {  	v36 =	vld [tilespmem:s6+$0x180];
	_ =	sdelay $0x4  }
0xaf: {  	v36 =	vadd.s32 v36, v42  }
0xb0: {  	v43 =	vld [tilespmem:$0x1FDA0];
	[tilespmem:$0x1C60] =	vst v36  }
0xb1: {  	v36 =	vld [tilespmem:s6+$0x190];
	_ =	sdelay $0x4  }
0xb2: {  	v36 =	vadd.s32 v36, v43  }
0xb3: {  	v40 =	vld [tilespmem:$0x1FDB0];
	[tilespmem:$0x1C70] =	vst v36  }
0xb4: {  	v36 =	vld [tilespmem:s6+$0x200];
	_ =	sdelay $0x4  }
0xb5: {  	v36 =	vadd.s32 v36, v40  }
0xb6: {  	v41 =	vld [tilespmem:$0x1FDC0];
	[tilespmem:$0x1C80] =	vst v36  }
0xb7: {  	v36 =	vld [tilespmem:s6+$0x210];
	_ =	sdelay $0x4  }
0xb8: {  	v36 =	vadd.s32 v36, v41  }
0xb9: {  	s12 =	simm.s32 $0x1C00;
	[tilespmem:$0x1C90] =	vst v36  }
0xba: {  	v42 =	vld [tilespmem:$0x1FDD0];
	[tilespmem:s15], [sflag:$0x1] =	stream.indirect.gather [hbm4b:s16+s14], $0x80, s12, s14, $0xb8  }
0xbb: {  	v36 =	vld [tilespmem:s6+$0x280];
	_ =	sdelay $0x4  }
0xbc: {  	v36 =	vadd.s32 v36, v42  }
0xbd: {  	v43 =	vld [tilespmem:$0x1FDE0];
	[tilespmem:$0x1D00] =	vst v36  }
0xbe: {  	v36 =	vld [tilespmem:s6+$0x290];
	_ =	sdelay $0x4  }
0xbf: {  	v36 =	vadd.s32 v36, v43  }
0xc0: {  	v40 =	vld [tilespmem:$0x1FDF0];
	[tilespmem:$0x1D10] =	vst v36  }
0xc1: {  	v36 =	vld [tilespmem:s6+$0x300];
	_ =	sdelay $0x4  }
0xc2: {  	v36 =	vadd.s32 v36, v40  }
0xc3: {  	v41 =	vld [tilespmem:$0x1FE00];
	[tilespmem:$0x1D20] =	vst v36  }
0xc4: {  	v36 =	vld [tilespmem:s6+$0x310];
	_ =	sdelay $0x4  }
0xc5: {  	v36 =	vadd.s32 v36, v41  }
0xc6: {  	v42 =	vld [tilespmem:$0x1FE10];
	[tilespmem:$0x1D30] =	vst v36  }
0xc7: {  	v36 =	vld [tilespmem:s6+$0x380];
	_ =	sdelay $0x4  }
0xc8: {  	v36 =	vadd.s32 v36, v42  }
0xc9: {  	v43 =	vld [tilespmem:$0x1FE20];
	[tilespmem:$0x1D40] =	vst v36  }
0xca: {  	v36 =	vld [tilespmem:s6+$0x390];
	_ =	sdelay $0x4  }
0xcb: {  	v36 =	vadd.s32 v36, v43  }
0xcc: {  	v40 =	vld [tilespmem:$0x1FE30];
	[tilespmem:$0x1D50] =	vst v36  }
0xcd: {  	v36 =	vld [tilespmem:s6+$0x400];
	_ =	sdelay $0x4  }
0xce: {  	v36 =	vadd.s32 v36, v40  }
0xcf: {  	v41 =	vld [tilespmem:$0x1FE40];
	[tilespmem:$0x1D60] =	vst v36  }
0xd0: {  	v36 =	vld [tilespmem:s6+$0x410];
	_ =	sdelay $0x4  }
0xd1: {  	v36 =	vadd.s32 v36, v41  }
0xd2: {  	v42 =	vld [tilespmem:$0x1FE50];
	[tilespmem:$0x1D70] =	vst v36  }
0xd3: {  	v36 =	vld [tilespmem:s6+$0x480];
	_ =	sdelay $0x4  }
0xd4: {  	v36 =	vadd.s32 v36, v42  }
0xd5: {  	v43 =	vld [tilespmem:$0x1FE60];
	[tilespmem:$0x1D80] =	vst v36  }
0xd6: {  	v36 =	vld [tilespmem:s6+$0x490];
	_ =	sdelay $0x4  }
0xd7: {  	v36 =	vadd.s32 v36, v43  }
0xd8: {  	s12 =	simm.s32 $0x1D00;
	[tilespmem:$0x1D90] =	vst v36  }
0xd9: {  	v40 =	vld [tilespmem:$0x1FE70];
	[tilespmem:s9], [sflag:$0x1] =	stream.indirect.gather [hbm4b:s16+s14], $0x80, s12, s14, $0xb8  }
0xda: {  	v36 =	vld [tilespmem:s6+$0x500];
	_ =	sdelay $0x4  }
0xdb: {  	v36 =	vadd.s32 v36, v40  }
0xdc: {  	v41 =	vld [tilespmem:$0x1FE80];
	[tilespmem:$0x1E00] =	vst v36  }
0xdd: {  	v36 =	vld [tilespmem:s6+$0x510];
	_ =	sdelay $0x4  }
0xde: {  	v36 =	vadd.s32 v36, v41  }
0xdf: {  	v42 =	vld [tilespmem:$0x1FE90];
	[tilespmem:$0x1E10] =	vst v36  }
0xe0: {  	v36 =	vld [tilespmem:s6+$0x580];
	_ =	sdelay $0x4  }
0xe1: {  	v36 =	vadd.s32 v36, v42  }
0xe2: {  	v43 =	vld [tilespmem:$0x1FEA0];
	[tilespmem:$0x1E20] =	vst v36  }
0xe3: {  	v36 =	vld [tilespmem:s6+$0x590];
	_ =	sdelay $0x4  }
0xe4: {  	v36 =	vadd.s32 v36, v43  }
0xe5: {  	v40 =	vld [tilespmem:$0x1FEB0];
	[tilespmem:$0x1E30] =	vst v36  }
0xe6: {  	v36 =	vld [tilespmem:s6+$0x600];
	_ =	sdelay $0x4  }
0xe7: {  	v36 =	vadd.s32 v36, v40  }
0xe8: {  	v41 =	vld [tilespmem:$0x1FEC0];
	[tilespmem:$0x1E40] =	vst v36  }
0xe9: {  	v36 =	vld [tilespmem:s6+$0x610];
	_ =	sdelay $0x4  }
0xea: {  	v36 =	vadd.s32 v36, v41  }
0xeb: {  	v42 =	vld [tilespmem:$0x1FED0];
	[tilespmem:$0x1E50] =	vst v36  }
0xec: {  	v36 =	vld [tilespmem:s6+$0x680];
	_ =	sdelay $0x4  }
0xed: {  	v36 =	vadd.s32 v36, v42  }
0xee: {  	v43 =	vld [tilespmem:$0x1FEE0];
	[tilespmem:$0x1E60] =	vst v36  }
0xef: {  	v36 =	vld [tilespmem:s6+$0x690];
	_ =	sdelay $0x4  }
0xf0: {  	v36 =	vadd.s32 v36, v43  }
0xf1: {  	v40 =	vld [tilespmem:$0x1FEF0];
	[tilespmem:$0x1E70] =	vst v36  }
0xf2: {  	v36 =	vld [tilespmem:s6+$0x700];
	_ =	sdelay $0x4  }
0xf3: {  	v36 =	vadd.s32 v36, v40  }
0xf4: {  	v41 =	vld [tilespmem:$0x1FF00];
	[tilespmem:$0x1E80] =	vst v36  }
0xf5: {  	v36 =	vld [tilespmem:s6+$0x710];
	_ =	sdelay $0x4  }
0xf6: {  	v36 =	vadd.s32 v36, v41  }
0xf7: {  	s2 =	simm.s32 $0x1E00;
	[tilespmem:$0x1E90] =	vst v36  }
0xf8: {  	v42 =	vld [tilespmem:$0x1FF10];
	[tilespmem:s19], [sflag:$0x1] =	stream.indirect.gather [hbm4b:s16+s14], $0x80, s2, s14, $0xb8  }
0xf9: {  	v36 =	vld [tilespmem:s6+$0x780];
	_ =	sdelay $0x4  }
0xfa: {  	v36 =	vadd.s32 v36, v42  }
0xfb: {  	v43 =	vld [tilespmem:$0x1FF20];
	[tilespmem:$0x1F00] =	vst v36  }
0xfc: {  	v36 =	vld [tilespmem:s6+$0x790];
	_ =	sdelay $0x4  }
0xfd: {  	v36 =	vadd.s32 v36, v43  }
0xfe: {  	v40 =	vld [tilespmem:$0x1FF30];
	[tilespmem:$0x1F10] =	vst v36  }
0xff: {  	v36 =	vld [tilespmem:s6+$0x800];
	_ =	sdelay $0x4  }
0x100: {  	v36 =	vadd.s32 v36, v40  }
0x101: {  	v41 =	vld [tilespmem:$0x1FF40];
	[tilespmem:$0x1F20] =	vst v36  }
0x102: {  	v36 =	vld [tilespmem:s6+$0x810];
	_ =	sdelay $0x4  }
0x103: {  	v36 =	vadd.s32 v36, v41  }
0x104: {  	v42 =	vld [tilespmem:$0x1FF50];
	[tilespmem:$0x1F30] =	vst v36  }
0x105: {  	v36 =	vld [tilespmem:s6+$0x880];
	_ =	sdelay $0x4  }
0x106: {  	v36 =	vadd.s32 v36, v42  }
0x107: {  	v43 =	vld [tilespmem:$0x1FF60];
	[tilespmem:$0x1F40] =	vst v36  }
0x108: {  	v36 =	vld [tilespmem:s6+$0x890];
	_ =	sdelay $0x4  }
0x109: {  	v36 =	vadd.s32 v36, v43  }
0x10a: {  	v40 =	vld [tilespmem:$0x1FF70];
	[tilespmem:$0x1F50] =	vst v36  }
0x10b: {  	v36 =	vld [tilespmem:s6+$0x900];
	_ =	sdelay $0x4  }
0x10c: {  	v36 =	vadd.s32 v36, v40  }
0x10d: {  	v41 =	vld [tilespmem:$0x1FF80];
	[tilespmem:$0x1F60] =	vst v36  }
0x10e: {  	v36 =	vld [tilespmem:s6+$0x910];
	_ =	sdelay $0x4  }
0x10f: {  	v36 =	vadd.s32 v36, v41  }
0x110: {  	v42 =	vld [tilespmem:$0x1FF90];
	[tilespmem:$0x1F70] =	vst v36  }
0x111: {  	v36 =	vld [tilespmem:s6+$0x980];
	_ =	sdelay $0x4  }
0x112: {  	v36 =	vadd.s32 v36, v42  }
0x113: {  	v43 =	vld [tilespmem:$0x1FFA0];
	[tilespmem:$0x1F80] =	vst v36  }
0x114: {  	v36 =	vld [tilespmem:s6+$0x990];
	_ =	sdelay $0x4  }
0x115: {  	v36 =	vadd.s32 v36, v43  }
0x116: {  	s2 =	simm.s32 $0x1F00;
	[tilespmem:$0x1F90] =	vst v36  }
0x117: {  	[tilespmem:s10], [sflag:$0x1] =	stream.indirect.gather [hbm4b:s16+s14], $0x80, s2, s14, $0xb8;
	[tilespmem:$0x1C100] =	vst v63  }
0x118: {  	_ =	swait.ge [sflag:s22], $0x80  }
0x119: {  	[sflag:s22] =	ssyncset.done $0x0  }
0x11a: {  	[sflag:s22] =	ssyncadd.s32 $0xFFFFFF80  }
0x11b: {  	v36 =	vld [tilespmem:$0x1B100]  }
0x11c: {  	v37 =	vld [tilespmem:$0x1B110]  }
0x11d: {  	v38 =	vld [tilespmem:$0x1B120]  }
0x11e: {  	v43 =	vld [tilespmem:$0x1B170]  }
0x11f: {  	v39 =	vld [tilespmem:$0x1B130]  }
0x120: {  	v40 =	vld [tilespmem:$0x1B140]  }
0x121: {  	v41 =	vld [tilespmem:$0x1B150]  }
0x122: {  	s3 =	simm.s32 $0x200;
	s11 =	simm.s32 $0x0;
	v42 =	vld [tilespmem:$0x1B160]  }
.LBB2_2:
0x123: {  	p0 =	sne.s32 s3, $0x3C00;
	[tilespmem:s11+$0x1B1F0] =	vst v43  }
0x124: {  	[tilespmem:s11+$0x1B180] =	vst v36  }
0x125: {  	[tilespmem:s11+$0x1B190] =	vst v37  }
.Ltmp0:
0x126: {  	[tilespmem:s11+$0x1B1A0] =	vst v38;
	(pc) =	sbr.rel @p0 .LBB2_2-.Ltmp0, $4  }
0x127: {  	[tilespmem:s11+$0x1B1B0] =	vst v39  }
0x128: {  	[tilespmem:s11+$0x1B1C0] =	vst v40  }
0x129: {  	[tilespmem:s11+$0x1B1D0] =	vst v41  }
0x12a: {  	[tilespmem:s11+$0x1B1E0] =	vst v42;
	s11 =	sshra.s32 s3, $0x2;
	s3 =	sadd.s32 $0x200, s3  }
0x12b: {  	[tilespmem:s11+$0x1B1F0] =	vst v43  }
0x12c: {  	[tilespmem:s11+$0x1B180] =	vst v36  }
0x12d: {  	[tilespmem:s11+$0x1B190] =	vst v37  }
0x12e: {  	[tilespmem:s11+$0x1B1A0] =	vst v38  }
0x12f: {  	[tilespmem:s11+$0x1B1B0] =	vst v39  }
0x130: {  	[tilespmem:s11+$0x1B1C0] =	vst v40;
	s3 =	sld [smem:$0x7FC]  }
0x131: {  	[tilespmem:s11+$0x1B1D0] =	vst v41  }
0x132: {  	[tilespmem:s11+$0x1B1E0] =	vst v42;
	s0 =	simm.s32 $0x1B100;
	s11 =	simm.s32 $0x4  }
0x133: {  	[hbm4b:s3+s4] =	stream.linear.scatter [tilespmem:s0], [sflag:$0x4], $0x1000, $0x38;
	[tilespmem:$0x1C100] =	vst v63  }
0x134: {  	_ =	swait.ge [sflag:s11], $0x1000  }
0x135: {  	[sflag:s11] =	ssyncset.done $0x0  }
0x136: {  	v42 =	vld [tilespmem:$0x1FFB0];
	[sflag:s11] =	ssyncadd.s32 $0xFFFFF000  }
0x137: {  	v41 =	vld [tilespmem:s6+$0xA00];
	_ =	sdelay $0x4  }
0x138: {  	v36 =	vadd.s32 v41, v42  }
0x139: {  	v43 =	vld [tilespmem:$0x1FFC0];
	[tilespmem:$0x2000] =	vst v36  }
0x13a: {  	v36 =	vld [tilespmem:s6+$0xA10];
	_ =	sdelay $0x4  }
0x13b: {  	v36 =	vadd.s32 v36, v43  }
0x13c: {  	v40 =	vld [tilespmem:$0x1FFD0];
	[tilespmem:$0x2010] =	vst v36  }
0x13d: {  	v36 =	vld [tilespmem:s6+$0xA80];
	_ =	sdelay $0x4  }
0x13e: {  	v36 =	vadd.s32 v36, v40  }
0x13f: {  	v41 =	vld [tilespmem:$0x1FFE0];
	[tilespmem:$0x2020] =	vst v36  }
0x140: {  	v36 =	vld [tilespmem:s6+$0xA90];
	_ =	sdelay $0x4  }
0x141: {  	v36 =	vadd.s32 v36, v41  }
0x142: {  	v42 =	vld [tilespmem:$0x1FFF0];
	[tilespmem:$0x2030] =	vst v36  }
0x143: {  	v36 =	vld [tilespmem:s6+$0xB00];
	_ =	sdelay $0x4  }
0x144: {  	v36 =	vadd.s32 v36, v42  }
0x145: {  	[tilespmem:$0x2040] =	vst v36  }
0x146: {  	v36 =	vld [tilespmem:s6+$0xB10];
	_ =	sdelay $0x4  }
0x147: {  	v36 =	vadd.s32 v36, v44  }
0x148: {  	[tilespmem:$0x2050] =	vst v36  }
0x149: {  	v36 =	vld [tilespmem:s6+$0xB80];
	_ =	sdelay $0x4  }
0x14a: {  	v36 =	vadd.s32 v36, v45  }
0x14b: {  	[tilespmem:$0x2060] =	vst v36  }
0x14c: {  	v36 =	vld [tilespmem:s6+$0xB90];
	_ =	sdelay $0x4  }
0x14d: {  	v36 =	vadd.s32 v36, v46  }
0x14e: {  	[tilespmem:$0x2070] =	vst v36  }
0x14f: {  	v36 =	vld [tilespmem:s6+$0xC00];
	_ =	sdelay $0x4  }
0x150: {  	v36 =	vadd.s32 v36, v47  }
0x151: {  	[tilespmem:$0x2080] =	vst v36  }
0x152: {  	v36 =	vld [tilespmem:s6+$0xC10];
	_ =	sdelay $0x4  }
0x153: {  	v36 =	vadd.s32 v36, v48  }
0x154: {  	[tilespmem:$0x2090] =	vst v36  }
0x155: {  	[tilespmem:s8], [sflag:$0x1] =	stream.indirect.gather [hbm4b:s16+s14], $0x80, s7, s14, $0xb8;
	[tilespmem:$0x1C100] =	vst v63  }
0x156: {  	_ =	swait.ge [sflag:s25], $0x5000  }
0x157: {  	[sflag:s25] =	ssyncset.done $0x0  }
0x158: {  	s0 =	rddreg [dreg:$0x6];
	[sflag:s25] =	ssyncadd.s32 $0xFFFFB000  }
0x159: {  	[hbm4b:s0+s4] =	stream.linear.scatter [tilespmem:s15], [sflag:$0x2], $0x1000, $0x38;
	[tilespmem:$0x1C100] =	vst v63  }
0x15a: {  	s11 =	simm.s32 $0x3100;
	s5 =	rddreg [dreg:$0x7]  }
0x15b: {  	[hbm4b:s5+s4] =	stream.linear.scatter [tilespmem:s11], [sflag:$0x2], $0x1000, $0x38;
	[tilespmem:$0x1C100] =	vst v63  }
0x15c: {  	s7 =	rddreg [dreg:$0x8];
	s5 =	simm.s32 $0x4100  }
0x15d: {  	[hbm4b:s7+s4] =	stream.linear.scatter [tilespmem:s5], [sflag:$0x2], $0x1000, $0x38;
	[tilespmem:$0x1C100] =	vst v63  }
0x15e: {  	s0 =	rddreg [dreg:$0x9];
	s7 =	simm.s32 $0x5100  }
0x15f: {  	[hbm4b:s0+s4] =	stream.linear.scatter [tilespmem:s7], [sflag:$0x2], $0x1000, $0x38;
	[tilespmem:$0x1C100] =	vst v63  }
0x160: {  	s0 =	rddreg [dreg:$0xa]  }
0x161: {  	[hbm4b:s0+s4] =	stream.linear.scatter [tilespmem:s18], [sflag:$0x2], $0x1000, $0x38;
	[tilespmem:$0x1C100] =	vst v63  }
0x162: {  	_ =	swait.ge [sflag:s22], $0x1000  }
0x163: {  	[sflag:s22] =	ssyncset.done $0x0  }
0x164: {  	[sflag:s22] =	ssyncadd.s32 $0xFFFFF000  }
0x165: {  	_ =	swait.ge [sflag:s22], $0x1000  }
0x166: {  	[sflag:s22] =	ssyncset.done $0x0  }
0x167: {  	[sflag:s22] =	ssyncadd.s32 $0xFFFFF000  }
0x168: {  	_ =	swait.ge [sflag:s22], $0x1000  }
0x169: {  	[sflag:s22] =	ssyncset.done $0x0  }
0x16a: {  	[sflag:s22] =	ssyncadd.s32 $0xFFFFF000  }
0x16b: {  	_ =	swait.ge [sflag:s22], $0x1000  }
0x16c: {  	[sflag:s22] =	ssyncset.done $0x0  }
0x16d: {  	[sflag:s22] =	ssyncadd.s32 $0xFFFFF000  }
0x16e: {  	_ =	swait.ge [sflag:s22], $0x1000  }
0x16f: {  	[sflag:s22] =	ssyncset.done $0x0  }
0x170: {  	[sflag:s22] =	ssyncadd.s32 $0xFFFFF000  }
0x171: {  	v43 =	vld [tilespmem:s6+$0xC80];
	_ =	sdelay $0x4  }
0x172: {  	v36 =	vadd.s32 v43, v49  }
0x173: {  	[tilespmem:$0x1C00] =	vst v36  }
0x174: {  	v36 =	vld [tilespmem:s6+$0xC90];
	_ =	sdelay $0x4  }
0x175: {  	v36 =	vadd.s32 v36, v50  }
0x176: {  	[tilespmem:$0x1C10] =	vst v36  }
0x177: {  	v36 =	vld [tilespmem:s6+$0xD00];
	_ =	sdelay $0x4  }
0x178: {  	v36 =	vadd.s32 v36, v51  }
0x179: {  	[tilespmem:$0x1C20] =	vst v36  }
0x17a: {  	v36 =	vld [tilespmem:s6+$0xD10];
	_ =	sdelay $0x4  }
0x17b: {  	v36 =	vadd.s32 v36, v52  }
0x17c: {  	[tilespmem:$0x1C30] =	vst v36  }
0x17d: {  	v36 =	vld [tilespmem:s6+$0xD80];
	_ =	sdelay $0x4  }
0x17e: {  	v36 =	vadd.s32 v36, v53  }
0x17f: {  	[tilespmem:$0x1C40] =	vst v36  }
0x180: {  	v36 =	vld [tilespmem:s6+$0xD90];
	_ =	sdelay $0x4  }
0x181: {  	v36 =	vadd.s32 v36, v54  }
0x182: {  	[tilespmem:$0x1C50] =	vst v36  }
0x183: {  	v36 =	vld [tilespmem:s6+$0xE00];
	_ =	sdelay $0x4  }
0x184: {  	v36 =	vadd.s32 v36, v55  }
0x185: {  	[tilespmem:$0x1C60] =	vst v36  }
0x186: {  	v36 =	vld [tilespmem:s6+$0xE10];
	_ =	sdelay $0x4  }
0x187: {  	v36 =	vadd.s32 v36, v56  }
0x188: {  	[tilespmem:$0x1C70] =	vst v36  }
0x189: {  	v36 =	vld [tilespmem:s6+$0xE80];
	_ =	sdelay $0x4  }
0x18a: {  	v36 =	vadd.s32 v36, v57  }
0x18b: {  	[tilespmem:$0x1C80] =	vst v36  }
0x18c: {  	v36 =	vld [tilespmem:s6+$0xE90];
	_ =	sdelay $0x4  }
0x18d: {  	v36 =	vadd.s32 v36, v58  }
0x18e: {  	s3 =	simm.s32 $0x1C00;
	[tilespmem:$0x1C90] =	vst v36  }
0x18f: {  	[tilespmem:s15], [sflag:$0x1] =	stream.indirect.gather [hbm4b:s16+s14], $0x80, s3, s14, $0xb8;
	[tilespmem:$0x1C100] =	vst v63  }
0x190: {  	_ =	swait.ge [sflag:s25], $0x5000  }
0x191: {  	[sflag:s25] =	ssyncset.done $0x0  }
0x192: {  	s7 =	rddreg [dreg:$0xb];
	[sflag:s25] =	ssyncadd.s32 $0xFFFFB000  }
0x193: {  	[hbm4b:s7+s4] =	stream.linear.scatter [tilespmem:s9], [sflag:$0x2], $0x1000, $0x38;
	[tilespmem:$0x1C100] =	vst v63  }
0x194: {  	s15 =	rddreg [dreg:$0xc]  }
0x195: {  	[hbm4b:s15+s4] =	stream.linear.scatter [tilespmem:s20], [sflag:$0x2], $0x1000, $0x38;
	[tilespmem:$0x1C100] =	vst v63  }
0x196: {  	s0 =	rddreg [dreg:$0xd]  }
0x197: {  	[hbm4b:s0+s4] =	stream.linear.scatter [tilespmem:s26], [sflag:$0x2], $0x1000, $0x38;
	[tilespmem:$0x1C100] =	vst v63  }
0x198: {  	s7 =	rddreg [dreg:$0xe]  }
0x199: {  	[hbm4b:s7+s4] =	stream.linear.scatter [tilespmem:s28], [sflag:$0x2], $0x1000, $0x38;
	[tilespmem:$0x1C100] =	vst v63  }
0x19a: {  	s15 =	rddreg [dreg:$0xf]  }
0x19b: {  	[hbm4b:s15+s4] =	stream.linear.scatter [tilespmem:s29], [sflag:$0x2], $0x1000, $0x38;
	[tilespmem:$0x1C100] =	vst v63  }
0x19c: {  	_ =	swait.ge [sflag:s22], $0x1000  }
0x19d: {  	[sflag:s22] =	ssyncset.done $0x0  }
0x19e: {  	[sflag:s22] =	ssyncadd.s32 $0xFFFFF000  }
0x19f: {  	_ =	swait.ge [sflag:s22], $0x1000  }
0x1a0: {  	[sflag:s22] =	ssyncset.done $0x0  }
0x1a1: {  	[sflag:s22] =	ssyncadd.s32 $0xFFFFF000  }
0x1a2: {  	_ =	swait.ge [sflag:s22], $0x1000  }
0x1a3: {  	[sflag:s22] =	ssyncset.done $0x0  }
0x1a4: {  	[sflag:s22] =	ssyncadd.s32 $0xFFFFF000  }
0x1a5: {  	_ =	swait.ge [sflag:s22], $0x1000  }
0x1a6: {  	[sflag:s22] =	ssyncset.done $0x0  }
0x1a7: {  	[sflag:s22] =	ssyncadd.s32 $0xFFFFF000  }
0x1a8: {  	_ =	swait.ge [sflag:s22], $0x1000  }
0x1a9: {  	[sflag:s22] =	ssyncset.done $0x0  }
0x1aa: {  	[sflag:s22] =	ssyncadd.s32 $0xFFFFF000  }
0x1ab: {  	v40 =	vld [tilespmem:s6+$0xF00];
	_ =	sdelay $0x4  }
0x1ac: {  	v36 =	vadd.s32 v40, v59  }
0x1ad: {  	[tilespmem:$0x1D00] =	vst v36  }
0x1ae: {  	v36 =	vld [tilespmem:s6+$0xF10];
	_ =	sdelay $0x4  }
0x1af: {  	v36 =	vadd.s32 v36, v60  }
0x1b0: {  	[tilespmem:$0x1D10] =	vst v36  }
0x1b1: {  	v36 =	vld [tilespmem:s6+$0xF80];
	_ =	sdelay $0x4  }
0x1b2: {  	v36 =	vadd.s32 v36, v61  }
0x1b3: {  	[tilespmem:$0x1D20] =	vst v36  }
0x1b4: {  	v36 =	vld [tilespmem:s6+$0xF90];
	_ =	sdelay $0x4  }
0x1b5: {  	v36 =	vadd.s32 v36, v62  }
0x1b6: {  	[tilespmem:$0x1D30] =	vst v36  }
0x1b7: {  	v36 =	vld [tilespmem:s6+$0x1000];
	_ =	sdelay $0x4  }
0x1b8: {  	v36 =	vadd.s32 v36, v63  }
0x1b9: {  	[tilespmem:$0x1D40] =	vst v36  }
0x1ba: {  	v36 =	vld [tilespmem:s6+$0x1010];
	_ =	sdelay $0x4  }
0x1bb: {  	v36 =	vadd.s32 v36, v0  }
0x1bc: {  	[tilespmem:$0x1D50] =	vst v36  }
0x1bd: {  	v36 =	vld [tilespmem:s6+$0x1080];
	_ =	sdelay $0x4  }
0x1be: {  	v36 =	vadd.s32 v36, v1  }
0x1bf: {  	[tilespmem:$0x1D60] =	vst v36  }
0x1c0: {  	v36 =	vld [tilespmem:s6+$0x1090];
	_ =	sdelay $0x4  }
0x1c1: {  	v36 =	vadd.s32 v36, v2  }
0x1c2: {  	[tilespmem:$0x1D70] =	vst v36  }
0x1c3: {  	v36 =	vld [tilespmem:s6+$0x1100];
	_ =	sdelay $0x4  }
0x1c4: {  	v36 =	vadd.s32 v36, v3  }
0x1c5: {  	[tilespmem:$0x1D80] =	vst v36  }
0x1c6: {  	v36 =	vld [tilespmem:s6+$0x1110];
	_ =	sdelay $0x4  }
0x1c7: {  	v36 =	vadd.s32 v36, v4  }
0x1c8: {  	[tilespmem:$0x1D90] =	vst v36  }
0x1c9: {  	[tilespmem:s9], [sflag:$0x1] =	stream.indirect.gather [hbm4b:s16+s14], $0x80, s12, s14, $0xb8;
	[tilespmem:$0x1C100] =	vst v63  }
0x1ca: {  	_ =	swait.ge [sflag:s25], $0x5000  }
0x1cb: {  	[sflag:s25] =	ssyncset.done $0x0  }
0x1cc: {  	s0 =	rddreg [dreg:$0x10];
	[sflag:s25] =	ssyncadd.s32 $0xFFFFB000  }
0x1cd: {  	[hbm4b:s0+s4] =	stream.linear.scatter [tilespmem:s19], [sflag:$0x2], $0x1000, $0x38;
	[tilespmem:$0x1C100] =	vst v63  }
0x1ce: {  	s12 =	simm.s32 $0xD100;
	s7 =	rddreg [dreg:$0x11]  }
0x1cf: {  	[hbm4b:s7+s4] =	stream.linear.scatter [tilespmem:s12], [sflag:$0x2], $0x1000, $0x38;
	[tilespmem:$0x1C100] =	vst v63  }
0x1d0: {  	s9 =	rddreg [dreg:$0x12]  }
0x1d1: {  	[hbm4b:s9+s4] =	stream.linear.scatter [tilespmem:s30], [sflag:$0x2], $0x1000, $0x38;
	[tilespmem:$0x1C100] =	vst v63  }
0x1d2: {  	s15 =	rddreg [dreg:$0x13];
	s9 =	simm.s32 $0xF100  }
0x1d3: {  	[hbm4b:s15+s4] =	stream.linear.scatter [tilespmem:s9], [sflag:$0x2], $0x1000, $0x38;
	[tilespmem:$0x1C100] =	vst v63  }
0x1d4: {  	s0 =	rddreg [dreg:$0x14]  }
0x1d5: {  	[hbm4b:s0+s4] =	stream.linear.scatter [tilespmem:s23], [sflag:$0x2], $0x1000, $0x38;
	[tilespmem:$0x1C100] =	vst v63  }
0x1d6: {  	_ =	swait.ge [sflag:s22], $0x1000  }
0x1d7: {  	[sflag:s22] =	ssyncset.done $0x0  }
0x1d8: {  	[sflag:s22] =	ssyncadd.s32 $0xFFFFF000  }
0x1d9: {  	_ =	swait.ge [sflag:s22], $0x1000  }
0x1da: {  	[sflag:s22] =	ssyncset.done $0x0  }
0x1db: {  	[sflag:s22] =	ssyncadd.s32 $0xFFFFF000  }
0x1dc: {  	_ =	swait.ge [sflag:s22], $0x1000  }
0x1dd: {  	[sflag:s22] =	ssyncset.done $0x0  }
0x1de: {  	[sflag:s22] =	ssyncadd.s32 $0xFFFFF000  }
0x1df: {  	_ =	swait.ge [sflag:s22], $0x1000  }
0x1e0: {  	[sflag:s22] =	ssyncset.done $0x0  }
0x1e1: {  	[sflag:s22] =	ssyncadd.s32 $0xFFFFF000  }
0x1e2: {  	_ =	swait.ge [sflag:s22], $0x1000  }
0x1e3: {  	[sflag:s22] =	ssyncset.done $0x0  }
0x1e4: {  	[sflag:s22] =	ssyncadd.s32 $0xFFFFF000  }
0x1e5: {  	v41 =	vld [tilespmem:s6+$0x1180];
	_ =	sdelay $0x4  }
0x1e6: {  	v36 =	vadd.s32 v41, v5  }
0x1e7: {  	[tilespmem:$0x1E00] =	vst v36  }
0x1e8: {  	v36 =	vld [tilespmem:s6+$0x1190];
	_ =	sdelay $0x4  }
0x1e9: {  	v36 =	vadd.s32 v36, v6  }
0x1ea: {  	[tilespmem:$0x1E10] =	vst v36  }
0x1eb: {  	v36 =	vld [tilespmem:s6+$0x1200];
	_ =	sdelay $0x4  }
0x1ec: {  	v36 =	vadd.s32 v36, v7  }
0x1ed: {  	[tilespmem:$0x1E20] =	vst v36  }
0x1ee: {  	v36 =	vld [tilespmem:s6+$0x1210];
	_ =	sdelay $0x4  }
0x1ef: {  	v36 =	vadd.s32 v36, v8  }
0x1f0: {  	[tilespmem:$0x1E30] =	vst v36  }
0x1f1: {  	v36 =	vld [tilespmem:s6+$0x1280];
	_ =	sdelay $0x4  }
0x1f2: {  	v36 =	vadd.s32 v36, v9  }
0x1f3: {  	[tilespmem:$0x1E40] =	vst v36  }
0x1f4: {  	v36 =	vld [tilespmem:s6+$0x1290];
	_ =	sdelay $0x4  }
0x1f5: {  	v36 =	vadd.s32 v36, v10  }
0x1f6: {  	[tilespmem:$0x1E50] =	vst v36  }
0x1f7: {  	v36 =	vld [tilespmem:s6+$0x1300];
	_ =	sdelay $0x4  }
0x1f8: {  	v36 =	vadd.s32 v36, v11  }
0x1f9: {  	[tilespmem:$0x1E60] =	vst v36  }
0x1fa: {  	v36 =	vld [tilespmem:s6+$0x1310];
	_ =	sdelay $0x4  }
0x1fb: {  	v36 =	vadd.s32 v36, v12  }
0x1fc: {  	[tilespmem:$0x1E70] =	vst v36  }
0x1fd: {  	v36 =	vld [tilespmem:s6+$0x1380];
	_ =	sdelay $0x4  }
0x1fe: {  	v36 =	vadd.s32 v36, v13  }
0x1ff: {  	[tilespmem:$0x1E80] =	vst v36  }
0x200: {  	v36 =	vld [tilespmem:s6+$0x1390];
	_ =	sdelay $0x4  }
0x201: {  	v36 =	vadd.s32 v36, v14  }
0x202: {  	s7 =	simm.s32 $0xC100;
	s15 =	simm.s32 $0x1E00;
	[tilespmem:$0x1E90] =	vst v36  }
0x203: {  	[tilespmem:s7], [sflag:$0x1] =	stream.indirect.gather [hbm4b:s16+s14], $0x80, s15, s14, $0xb8;
	[tilespmem:$0x1C100] =	vst v63  }
0x204: {  	_ =	swait.ge [sflag:s25], $0x5000  }
0x205: {  	[sflag:s25] =	ssyncset.done $0x0  }
0x206: {  	s0 =	rddreg [dreg:$0x15];
	[sflag:s25] =	ssyncadd.s32 $0xFFFFB000  }
0x207: {  	[hbm4b:s0+s4] =	stream.linear.scatter [tilespmem:s10], [sflag:$0x2], $0x1000, $0x38;
	[tilespmem:$0x1C100] =	vst v63  }
0x208: {  	s7 =	rddreg [dreg:$0x17];
	s0 =	simm.s32 $0x12100  }
0x209: {  	[hbm4b:s7+s4] =	stream.linear.scatter [tilespmem:s0], [sflag:$0x2], $0x1000, $0x38;
	[tilespmem:$0x1C100] =	vst v63  }
0x20a: {  	s10 =	rddreg [dreg:$0x18];
	s7 =	simm.s32 $0x13100  }
0x20b: {  	[hbm4b:s10+s4] =	stream.linear.scatter [tilespmem:s7], [sflag:$0x2], $0x1000, $0x38;
	[tilespmem:$0x1C100] =	vst v63  }
0x20c: {  	s3 =	rddreg [dreg:$0x19];
	s10 =	simm.s32 $0x14100  }
0x20d: {  	[hbm4b:s3+s4] =	stream.linear.scatter [tilespmem:s10], [sflag:$0x2], $0x1000, $0x38;
	[tilespmem:$0x1C100] =	vst v63  }
0x20e: {  	s3 =	rddreg [dreg:$0x1a]  }
0x20f: {  	[hbm4b:s3+s4] =	stream.linear.scatter [tilespmem:s17], [sflag:$0x2], $0x1000, $0x38;
	[tilespmem:$0x1C100] =	vst v63  }
0x210: {  	_ =	swait.ge [sflag:s22], $0x1000  }
0x211: {  	[sflag:s22] =	ssyncset.done $0x0  }
0x212: {  	[sflag:s22] =	ssyncadd.s32 $0xFFFFF000  }
0x213: {  	_ =	swait.ge [sflag:s22], $0x1000  }
0x214: {  	[sflag:s22] =	ssyncset.done $0x0  }
0x215: {  	[sflag:s22] =	ssyncadd.s32 $0xFFFFF000  }
0x216: {  	_ =	swait.ge [sflag:s22], $0x1000  }
0x217: {  	[sflag:s22] =	ssyncset.done $0x0  }
0x218: {  	[sflag:s22] =	ssyncadd.s32 $0xFFFFF000  }
0x219: {  	_ =	swait.ge [sflag:s22], $0x1000  }
0x21a: {  	[sflag:s22] =	ssyncset.done $0x0  }
0x21b: {  	[sflag:s22] =	ssyncadd.s32 $0xFFFFF000  }
0x21c: {  	_ =	swait.ge [sflag:s22], $0x1000  }
0x21d: {  	[sflag:s22] =	ssyncset.done $0x0  }
0x21e: {  	[sflag:s22] =	ssyncadd.s32 $0xFFFFF000  }
0x21f: {  	v42 =	vld [tilespmem:s6+$0x1400];
	_ =	sdelay $0x4  }
0x220: {  	v36 =	vadd.s32 v42, v15  }
0x221: {  	[tilespmem:$0x1F00] =	vst v36  }
0x222: {  	v36 =	vld [tilespmem:s6+$0x1410];
	_ =	sdelay $0x4  }
0x223: {  	v36 =	vadd.s32 v36, v16  }
0x224: {  	[tilespmem:$0x1F10] =	vst v36  }
0x225: {  	v36 =	vld [tilespmem:s6+$0x1480];
	_ =	sdelay $0x4  }
0x226: {  	v36 =	vadd.s32 v36, v17  }
0x227: {  	[tilespmem:$0x1F20] =	vst v36  }
0x228: {  	v36 =	vld [tilespmem:s6+$0x1490];
	_ =	sdelay $0x4  }
0x229: {  	v36 =	vadd.s32 v36, v18  }
0x22a: {  	[tilespmem:$0x1F30] =	vst v36  }
0x22b: {  	v36 =	vld [tilespmem:s6+$0x1500];
	_ =	sdelay $0x4  }
0x22c: {  	v36 =	vadd.s32 v36, v19  }
0x22d: {  	[tilespmem:$0x1F40] =	vst v36  }
0x22e: {  	v36 =	vld [tilespmem:s6+$0x1510];
	_ =	sdelay $0x4  }
0x22f: {  	v36 =	vadd.s32 v36, v20  }
0x230: {  	[tilespmem:$0x1F50] =	vst v36  }
0x231: {  	v36 =	vld [tilespmem:s6+$0x1580];
	_ =	sdelay $0x4  }
0x232: {  	v36 =	vadd.s32 v36, v21  }
0x233: {  	[tilespmem:$0x1F60] =	vst v36  }
0x234: {  	v36 =	vld [tilespmem:s6+$0x1590];
	_ =	sdelay $0x4  }
0x235: {  	v36 =	vadd.s32 v36, v22  }
0x236: {  	[tilespmem:$0x1F70] =	vst v36  }
0x237: {  	v36 =	vld [tilespmem:s6+$0x1600];
	_ =	sdelay $0x4  }
0x238: {  	v36 =	vadd.s32 v36, v23  }
0x239: {  	[tilespmem:$0x1F80] =	vst v36  }
0x23a: {  	v36 =	vld [tilespmem:s6+$0x1610];
	_ =	sdelay $0x4  }
0x23b: {  	v36 =	vadd.s32 v36, v24  }
0x23c: {  	[tilespmem:$0x1F90] =	vst v36  }
0x23d: {  	[tilespmem:s24], [sflag:$0x1] =	stream.indirect.gather [hbm4b:s16+s14], $0x80, s2, s14, $0xb8;
	[tilespmem:$0x1C100] =	vst v63  }
0x23e: {  	_ =	swait.ge [sflag:s25], $0x5000  }
0x23f: {  	[sflag:s25] =	ssyncset.done $0x0  }
0x240: {  	s2 =	rddreg [dreg:$0x1b];
	[sflag:s25] =	ssyncadd.s32 $0xFFFFB000  }
0x241: {  	[hbm4b:s2+s4] =	stream.linear.scatter [tilespmem:s8], [sflag:$0x2], $0x1000, $0x38;
	[tilespmem:$0x1C100] =	vst v63  }
0x242: {  	s3 =	rddreg [dreg:$0x1c];
	s2 =	simm.s32 $0x17100  }
0x243: {  	[hbm4b:s3+s4] =	stream.linear.scatter [tilespmem:s2], [sflag:$0x2], $0x1000, $0x38;
	[tilespmem:$0x1C100] =	vst v63  }
0x244: {  	s3 =	rddreg [dreg:$0x1d]  }
0x245: {  	[hbm4b:s3+s4] =	stream.linear.scatter [tilespmem:s21], [sflag:$0x2], $0x1000, $0x38;
	[tilespmem:$0x1C100] =	vst v63  }
0x246: {  	s3 =	rddreg [dreg:$0x1e]  }
0x247: {  	[hbm4b:s3+s4] =	stream.linear.scatter [tilespmem:s13], [sflag:$0x2], $0x1000, $0x38;
	[tilespmem:$0x1C100] =	vst v63  }
0x248: {  	s3 =	rddreg [dreg:$0x1f]  }
0x249: {  	[hbm4b:s3+s4] =	stream.linear.scatter [tilespmem:s1], [sflag:$0x2], $0x1000, $0x38;
	[tilespmem:$0x1C100] =	vst v63  }
0x24a: {  	_ =	swait.ge [sflag:s22], $0x1000  }
0x24b: {  	[sflag:s22] =	ssyncset.done $0x0  }
0x24c: {  	[sflag:s22] =	ssyncadd.s32 $0xFFFFF000  }
0x24d: {  	_ =	swait.ge [sflag:s22], $0x1000  }
0x24e: {  	[sflag:s22] =	ssyncset.done $0x0  }
0x24f: {  	[sflag:s22] =	ssyncadd.s32 $0xFFFFF000  }
0x250: {  	_ =	swait.ge [sflag:s22], $0x1000  }
0x251: {  	[sflag:s22] =	ssyncset.done $0x0  }
0x252: {  	[sflag:s22] =	ssyncadd.s32 $0xFFFFF000  }
0x253: {  	_ =	swait.ge [sflag:s22], $0x1000  }
0x254: {  	[sflag:s22] =	ssyncset.done $0x0  }
0x255: {  	[sflag:s22] =	ssyncadd.s32 $0xFFFFF000  }
0x256: {  	_ =	swait.ge [sflag:s22], $0x1000  }
0x257: {  	[sflag:s22] =	ssyncset.done $0x0  }
0x258: {  	[sflag:s22] =	ssyncadd.s32 $0xFFFFF000  }
0x259: {  	v43 =	vld [tilespmem:s6+$0x1680];
	_ =	sdelay $0x4  }
0x25a: {  	v36 =	vadd.s32 v43, v25  }
0x25b: {  	[tilespmem:$0x2000] =	vst v36  }
0x25c: {  	v36 =	vld [tilespmem:s6+$0x1690];
	_ =	sdelay $0x4  }
0x25d: {  	v36 =	vadd.s32 v36, v26  }
0x25e: {  	[tilespmem:$0x2010] =	vst v36  }
0x25f: {  	v36 =	vld [tilespmem:s6+$0x1700];
	_ =	sdelay $0x4  }
0x260: {  	v36 =	vadd.s32 v36, v27  }
0x261: {  	[tilespmem:$0x2020] =	vst v36  }
0x262: {  	v36 =	vld [tilespmem:s6+$0x1710];
	_ =	sdelay $0x4  }
0x263: {  	v36 =	vadd.s32 v36, v28  }
0x264: {  	[tilespmem:$0x2030] =	vst v36  }
0x265: {  	v36 =	vld [tilespmem:s6+$0x1780];
	_ =	sdelay $0x4  }
0x266: {  	v36 =	vadd.s32 v36, v29  }
0x267: {  	[tilespmem:$0x2040] =	vst v36  }
0x268: {  	v36 =	vld [tilespmem:s6+$0x1790];
	_ =	sdelay $0x4  }
0x269: {  	v36 =	vadd.s32 v36, v30  }
0x26a: {  	[tilespmem:$0x2050] =	vst v36  }
0x26b: {  	v36 =	vld [tilespmem:s6+$0x1800];
	_ =	sdelay $0x4  }
0x26c: {  	v36 =	vadd.s32 v36, v31  }
0x26d: {  	[tilespmem:$0x2060] =	vst v36  }
0x26e: {  	v36 =	vld [tilespmem:s6+$0x1810];
	_ =	sdelay $0x4  }
0x26f: {  	v36 =	vadd.s32 v36, v33  }
0x270: {  	[tilespmem:$0x2070] =	vst v36  }
0x271: {  	v36 =	vld [tilespmem:s6+$0x1880];
	_ =	sdelay $0x4  }
0x272: {  	v36 =	vadd.s32 v36, v34  }
0x273: {  	[tilespmem:$0x2080] =	vst v36  }
0x274: {  	v36 =	vld [tilespmem:s6+$0x1890];
	_ =	sdelay $0x4  }
0x275: {  	v36 =	vadd.s32 v36, v35  }
0x276: {  	s15 =	simm.s32 $0x2000;
	[tilespmem:$0x2090] =	vst v36  }
0x277: {  	[tilespmem:s8], [sflag:$0x1] =	stream.indirect.gather [hbm4b:s16+s14], $0x80, s15, s14, $0xb8;
	[tilespmem:$0x1C100] =	vst v63  }
0x278: {  	_ =	swait.ge [sflag:s25], $0x5000  }
0x279: {  	s3 =	sld [smem:$0x7E4]  }
0x27a: {  	[sflag:s25] =	ssyncset.done $0x0  }
0x27b: {  	s15 =	simm.s32 $0x2100;
	[sflag:s25] =	ssyncadd.s32 $0xFFFFB000  }
0x27c: {  	[hbm4b:s3+s4] =	stream.linear.scatter [tilespmem:s15], [sflag:$0x2], $0x1000, $0x38;
	[tilespmem:$0x1C100] =	vst v63  }
0x27d: {  	s3 =	sld [smem:$0x7E5];
	_ =	sdelay $0x2  }
0x27e: {  	[hbm4b:s3+s4] =	stream.linear.scatter [tilespmem:s11], [sflag:$0x2], $0x1000, $0x38;
	[tilespmem:$0x1C100] =	vst v63  }
0x27f: {  	s11 =	sld [smem:$0x7E6];
	_ =	sdelay $0x2  }
0x280: {  	[hbm4b:s11+s4] =	stream.linear.scatter [tilespmem:s5], [sflag:$0x2], $0x1000, $0x38;
	[tilespmem:$0x1C100] =	vst v63  }
0x281: {  	s5 =	sld [smem:$0x7E7];
	_ =	sdelay $0x1  }
0x282: {  	s11 =	simm.s32 $0x5100  }
0x283: {  	[hbm4b:s5+s4] =	stream.linear.scatter [tilespmem:s11], [sflag:$0x2], $0x1000, $0x38;
	[tilespmem:$0x1C100] =	vst v63  }
0x284: {  	s11 =	sld [smem:$0x7E8];
	_ =	sdelay $0x2  }
0x285: {  	[hbm4b:s11+s4] =	stream.linear.scatter [tilespmem:s18], [sflag:$0x2], $0x1000, $0x38;
	[tilespmem:$0x1C100] =	vst v63  }
0x286: {  	_ =	swait.ge [sflag:s25], $0x5000  }
0x287: {  	s5 =	sld [smem:$0x7E9]  }
0x288: {  	[sflag:s25] =	ssyncset.done $0x0  }
0x289: {  	s19 =	simm.s32 $0x7100;
	s11 =	sld [smem:$0x7EA];
	[sflag:s25] =	ssyncadd.s32 $0xFFFFB000  }
0x28a: {  	[hbm4b:s5+s4] =	stream.linear.scatter [tilespmem:s19], [sflag:$0x2], $0x1000, $0x38;
	[tilespmem:$0x1C100] =	vst v63  }
0x28b: {  	s5 =	sld [smem:$0x7EB]  }
0x28c: {  	[hbm4b:s11+s4] =	stream.linear.scatter [tilespmem:s20], [sflag:$0x2], $0x1000, $0x38;
	[tilespmem:$0x1C100] =	vst v63  }
0x28d: {  	s11 =	sld [smem:$0x7EC]  }
0x28e: {  	[hbm4b:s5+s4] =	stream.linear.scatter [tilespmem:s26], [sflag:$0x2], $0x1000, $0x38;
	[tilespmem:$0x1C100] =	vst v63  }
0x28f: {  	s5 =	sld [smem:$0x7ED]  }
0x290: {  	[hbm4b:s11+s4] =	stream.linear.scatter [tilespmem:s28], [sflag:$0x2], $0x1000, $0x38;
	[tilespmem:$0x1C100] =	vst v63  }
0x291: {  	_ = 	snop  }
0x292: {  	[hbm4b:s5+s4] =	stream.linear.scatter [tilespmem:s29], [sflag:$0x2], $0x1000, $0x38;
	[tilespmem:$0x1C100] =	vst v63  }
0x293: {  	_ =	swait.ge [sflag:s25], $0x5000  }
0x294: {  	s11 =	sld [smem:$0x7EE]  }
0x295: {  	[sflag:s25] =	ssyncset.done $0x0  }
0x296: {  	s19 =	simm.s32 $0xC100;
	s5 =	sld [smem:$0x7EF];
	[sflag:s25] =	ssyncadd.s32 $0xFFFFB000  }
0x297: {  	[hbm4b:s11+s4] =	stream.linear.scatter [tilespmem:s19], [sflag:$0x2], $0x1000, $0x38;
	[tilespmem:$0x1C100] =	vst v63  }
0x298: {  	s11 =	sld [smem:$0x7F0]  }
0x299: {  	[hbm4b:s5+s4] =	stream.linear.scatter [tilespmem:s12], [sflag:$0x2], $0x1000, $0x38;
	[tilespmem:$0x1C100] =	vst v63  }
0x29a: {  	s12 =	sld [smem:$0x7F1]  }
0x29b: {  	[hbm4b:s11+s4] =	stream.linear.scatter [tilespmem:s30], [sflag:$0x2], $0x1000, $0x38;
	[tilespmem:$0x1C100] =	vst v63  }
0x29c: {  	s5 =	sld [smem:$0x7F2]  }
0x29d: {  	[hbm4b:s12+s4] =	stream.linear.scatter [tilespmem:s9], [sflag:$0x2], $0x1000, $0x38;
	[tilespmem:$0x1C100] =	vst v63  }
0x29e: {  	_ = 	snop  }
0x29f: {  	[hbm4b:s5+s4] =	stream.linear.scatter [tilespmem:s23], [sflag:$0x2], $0x1000, $0x38;
	[tilespmem:$0x1C100] =	vst v63  }
0x2a0: {  	_ =	swait.ge [sflag:s25], $0x5000  }
0x2a1: {  	s11 =	sld [smem:$0x7F3]  }
0x2a2: {  	[sflag:s25] =	ssyncset.done $0x0  }
0x2a3: {  	s12 =	sld [smem:$0x7F4];
	[sflag:s25] =	ssyncadd.s32 $0xFFFFB000  }
0x2a4: {  	[hbm4b:s11+s4] =	stream.linear.scatter [tilespmem:s24], [sflag:$0x2], $0x1000, $0x38;
	[tilespmem:$0x1C100] =	vst v63  }
0x2a5: {  	_ = 	snop  }
0x2a6: {  	[hbm4b:s12+s4] =	stream.linear.scatter [tilespmem:s0], [sflag:$0x2], $0x1000, $0x38;
	[tilespmem:$0x1C100] =	vst v63  }
0x2a7: {  	s0 =	sld [smem:$0x7F5];
	_ =	sdelay $0x1  }
0x2a8: {  	s5 =	sld [smem:$0x7F6]  }
0x2a9: {  	[hbm4b:s0+s4] =	stream.linear.scatter [tilespmem:s7], [sflag:$0x2], $0x1000, $0x38;
	[tilespmem:$0x1C100] =	vst v63  }
0x2aa: {  	s11 =	sld [smem:$0x7F7]  }
0x2ab: {  	[hbm4b:s5+s4] =	stream.linear.scatter [tilespmem:s10], [sflag:$0x2], $0x1000, $0x38;
	[tilespmem:$0x1C100] =	vst v63  }
0x2ac: {  	_ = 	snop  }
0x2ad: {  	[hbm4b:s11+s4] =	stream.linear.scatter [tilespmem:s17], [sflag:$0x2], $0x1000, $0x38;
	[tilespmem:$0x1C100] =	vst v63  }
0x2ae: {  	_ =	swait.ge [sflag:s25], $0x5000  }
0x2af: {  	s12 =	sld [smem:$0x7F8]  }
0x2b0: {  	[sflag:s25] =	ssyncset.done $0x0  }
0x2b1: {  	s0 =	sld [smem:$0x7F9];
	[sflag:s25] =	ssyncadd.s32 $0xFFFFB000  }
0x2b2: {  	[hbm4b:s12+s4] =	stream.linear.scatter [tilespmem:s8], [sflag:$0x2], $0x1000, $0x38;
	[tilespmem:$0x1C100] =	vst v63  }
0x2b3: {  	_ = 	snop  }
0x2b4: {  	[hbm4b:s0+s4] =	stream.linear.scatter [tilespmem:s2], [sflag:$0x2], $0x1000, $0x38;
	[tilespmem:$0x1C100] =	vst v63  }
0x2b5: {  	s2 =	sld [smem:$0x7FA];
	_ =	sdelay $0x1  }
0x2b6: {  	s5 =	sld [smem:$0x7FB]  }
0x2b7: {  	[hbm4b:s2+s4] =	stream.linear.scatter [tilespmem:s21], [sflag:$0x2], $0x1000, $0x38;
	[tilespmem:$0x1C100] =	vst v63  }
0x2b8: {  	s11 =	sld [smem:$0x7FD]  }
0x2b9: {  	[hbm4b:s5+s4] =	stream.linear.scatter [tilespmem:s13], [sflag:$0x2], $0x1000, $0x38;
	[tilespmem:$0x1C100] =	vst v63  }
0x2ba: {  	_ = 	snop  }
0x2bb: {  	[hbm4b:s11+s4] =	stream.linear.scatter [tilespmem:s1], [sflag:$0x2], $0x1000, $0x38;
	[tilespmem:$0x1C100] =	vst v63  }
0x2bc: {  	_ =	swait.ge [sflag:s22], $0x1000  }
0x2bd: {  	[sflag:s22] =	ssyncset.done $0x0  }
0x2be: {  	[sflag:s22] =	ssyncadd.s32 $0xFFFFF000  }
0x2bf: {  	_ =	swait.ge [sflag:s22], $0x1000  }
0x2c0: {  	[sflag:s22] =	ssyncset.done $0x0  }
0x2c1: {  	[sflag:s22] =	ssyncadd.s32 $0xFFFFF000  }
0x2c2: {  	_ =	swait.ge [sflag:s22], $0x1000  }
0x2c3: {  	[sflag:s22] =	ssyncset.done $0x0  }
0x2c4: {  	[sflag:s22] =	ssyncadd.s32 $0xFFFFF000  }
0x2c5: {  	_ =	swait.ge [sflag:s22], $0x1000  }
0x2c6: {  	[sflag:s22] =	ssyncset.done $0x0  }
0x2c7: {  	[sflag:s22] =	ssyncadd.s32 $0xFFFFF000  }
0x2c8: {  	_ =	swait.ge [sflag:s22], $0x1000  }
0x2c9: {  	[sflag:s22] =	ssyncset.done $0x0  }
0x2ca: {  	[sflag:s22] =	ssyncadd.s32 $0xFFFFF000  }
0x2cb: {  	_ =	swait.ge [sflag:s22], $0x1000  }
0x2cc: {  	[sflag:s22] =	ssyncset.done $0x0  }
0x2cd: {  	[sflag:s22] =	ssyncadd.s32 $0xFFFFF000  }
0x2ce: {  	_ =	swait.ge [sflag:s22], $0x1000  }
0x2cf: {  	[sflag:s22] =	ssyncset.done $0x0  }
0x2d0: {  	[sflag:s22] =	ssyncadd.s32 $0xFFFFF000  }
0x2d1: {  	_ =	swait.ge [sflag:s22], $0x1000  }
0x2d2: {  	[sflag:s22] =	ssyncset.done $0x0  }
0x2d3: {  	[sflag:s22] =	ssyncadd.s32 $0xFFFFF000  }
0x2d4: {  	_ =	swait.ge [sflag:s22], $0x1000  }
0x2d5: {  	[sflag:s22] =	ssyncset.done $0x0  }
0x2d6: {  	[sflag:s22] =	ssyncadd.s32 $0xFFFFF000  }
0x2d7: {  	_ =	swait.ge [sflag:s22], $0x1000  }
0x2d8: {  	[sflag:s22] =	ssyncset.done $0x0  }
0x2d9: {  	[sflag:s22] =	ssyncadd.s32 $0xFFFFF000  }
0x2da: {  	_ =	swait.ge [sflag:s22], $0x1000  }
0x2db: {  	[sflag:s22] =	ssyncset.done $0x0  }
0x2dc: {  	[sflag:s22] =	ssyncadd.s32 $0xFFFFF000  }
0x2dd: {  	_ =	swait.ge [sflag:s22], $0x1000  }
0x2de: {  	[sflag:s22] =	ssyncset.done $0x0  }
0x2df: {  	[sflag:s22] =	ssyncadd.s32 $0xFFFFF000  }
0x2e0: {  	_ =	swait.ge [sflag:s22], $0x1000  }
0x2e1: {  	[sflag:s22] =	ssyncset.done $0x0  }
0x2e2: {  	[sflag:s22] =	ssyncadd.s32 $0xFFFFF000  }
0x2e3: {  	_ =	swait.ge [sflag:s22], $0x1000  }
0x2e4: {  	[sflag:s22] =	ssyncset.done $0x0  }
0x2e5: {  	[sflag:s22] =	ssyncadd.s32 $0xFFFFF000  }
0x2e6: {  	_ =	swait.ge [sflag:s22], $0x1000  }
0x2e7: {  	[sflag:s22] =	ssyncset.done $0x0  }
0x2e8: {  	[sflag:s22] =	ssyncadd.s32 $0xFFFFF000  }
0x2e9: {  	_ =	swait.ge [sflag:s22], $0x1000  }
0x2ea: {  	[sflag:s22] =	ssyncset.done $0x0  }
0x2eb: {  	[sflag:s22] =	ssyncadd.s32 $0xFFFFF000  }
0x2ec: {  	_ =	swait.ge [sflag:s22], $0x1000  }
0x2ed: {  	[sflag:s22] =	ssyncset.done $0x0  }
0x2ee: {  	[sflag:s22] =	ssyncadd.s32 $0xFFFFF000  }
0x2ef: {  	_ =	swait.ge [sflag:s22], $0x1000  }
0x2f0: {  	[sflag:s22] =	ssyncset.done $0x0  }
0x2f1: {  	[sflag:s22] =	ssyncadd.s32 $0xFFFFF000  }
0x2f2: {  	_ =	swait.ge [sflag:s22], $0x1000  }
0x2f3: {  	[sflag:s22] =	ssyncset.done $0x0  }
0x2f4: {  	[sflag:s22] =	ssyncadd.s32 $0xFFFFF000  }
0x2f5: {  	_ =	swait.ge [sflag:s22], $0x1000  }
0x2f6: {  	[sflag:s22] =	ssyncset.done $0x0  }
0x2f7: {  	[sflag:s22] =	ssyncadd.s32 $0xFFFFF000  }
0x2f8: {  	_ =	swait.ge [sflag:s22], $0x1000  }
0x2f9: {  	[sflag:s22] =	ssyncset.done $0x0  }
0x2fa: {  	[sflag:s22] =	ssyncadd.s32 $0xFFFFF000  }
0x2fb: {  	_ =	swait.ge [sflag:s22], $0x1000  }
0x2fc: {  	[sflag:s22] =	ssyncset.done $0x0  }
0x2fd: {  	[sflag:s22] =	ssyncadd.s32 $0xFFFFF000  }
0x2fe: {  	_ =	swait.ge [sflag:s22], $0x1000  }
0x2ff: {  	[sflag:s22] =	ssyncset.done $0x0  }
0x300: {  	[sflag:s22] =	ssyncadd.s32 $0xFFFFF000  }
0x301: {  	_ =	swait.ge [sflag:s22], $0x1000  }
0x302: {  	[sflag:s22] =	ssyncset.done $0x0  }
0x303: {  	[sflag:s22] =	ssyncadd.s32 $0xFFFFF000  }
0x304: {  	_ =	swait.ge [sflag:s22], $0x1000  }
0x305: {  	s31 =	sadd.s32 $0x1, s31;
	s12 =	rddreg [dreg:$0x16]  }
0x306: {  	p0 =	sne.s32 s31, s12  }
.Ltmp1:
0x307: {  	_ = 	snop;
	(pc) =	sbr.rel @p0 .LBB2_1-.Ltmp1, $3  }
0x308: {  	_ =	sdelay $0x1  }
0x309: {  	s9 =	simm.s32 $0x7100;
	[sflag:s22] =	ssyncset.done $0x0  }
0x30a: {  	s7 =	simm.s32 $0x2000;
	s10 =	simm.s32 $0x11100;
	[sflag:s22] =	ssyncadd.s32 $0xFFFFF000  }
0x30b: {  	_ =	sfence.sel $0x180000  }
0x30c: {  	[bflag:$0x0] =	sbarrier.arrive $0xFFFF  }
0x30d: {  	_ =	strace $0x90000047  }
0x30e: {  	s0 =	stileid.u32;
	[bflag:$0x2] =	sbarrier.arrive $0xFFFF  }
0x30f: {  	p0 =	sne.s32 s0, $0x0;
	s0 =	rddreg [dreg:$0x4]  }
0x310: {  	s0 =	sadd.s32 @!p0 $0x100000, s0  }
0x311: {  	[sflag:s0] =	ssyncadd.tile.s32 @!p0 $0x1;
	_ =	shalt  }
.Lfunc_end2:
_tile_overlayer_lowered:
.L_overlay_start_2:
0x312: {  	(tag) =	ssettag $0x2  }
0x313: {  	s0 =	rddreg [dreg:$0x0];
	s2 =	stileid.u32  }
0x314: {  	s1 =	rddreg [dreg:$0x1];
	p0 =	sne.s32 s2, $0x0  }
0x315: {  	s3 =	rddreg [dreg:$0x2];
	[bflag:$0x3] =	sbarrier.arrive $0xFFFF;
	s2 =	simm.s32 @!p0 $0x1C04  }
0x316: {  	[timem:s3], [sflag:s2] =	dma.local @!p0 [hbm:s0], s1  }
0x317: {  	s0 =	simm.s32 @!p0 $0x4  }
0x318: {  	_ =	swait.ge @!p0 [sflag:s0], s1  }
0x319: {  	s1 =	ssub.s32 @!p0 $0x0, s1;
	[sflag:s0] =	ssyncset.done @!p0 $0x0  }
0x31a: {  	[sflag:s0] =	ssyncadd.s32 @!p0 s1  }
0x31b: {  	[bflag:$0x3] =	sbarrier.arrive $0xFFFF  }
0x31c: {  	_ =	shalt  }

</sc_bundles>
